<compile_context>
chip_gen: v7x
topology: tpu7x:2x2x1
jax: 0.10.2.dev20260603
libtpu: 0.0.44.dev20260713+nightly
codegen_flags: <defaults>
</compile_context>

<pallas_src>
import functools
import jax
import jax.numpy as jnp
from jax import lax
from jax.experimental import pallas as pl
from jax.experimental.pallas import tpu as pltpu
from jax.experimental.pallas import tpu_sc as plsc

N_FIELDS = 26
VOCAB = 100000
D = 32
H = 64
FD = N_FIELDS * D


def _make_sc_gather(batch):
    info = plsc.get_sparse_core_info()
    nc, ns = info.num_cores, info.num_subcores
    nw = nc * ns
    rows_per_w = FD // nw
    mesh = plsc.VectorSubcoreMesh(core_axis_name="c", subcore_axis_name="s")

    @functools.partial(
        pl.kernel,
        mesh=mesh,
        compiler_params=pltpu.CompilerParams(use_tc_tiling_on_sc=False),
        out_type=jax.ShapeDtypeStruct((FD, batch), jnp.float32),
        scratch_types=[
            pltpu.VMEM((2, batch), jnp.int32),
            pltpu.VMEM((2, batch), jnp.int32),
            pltpu.VMEM((2, batch), jnp.float32),
            pltpu.SemaphoreType.DMA,
            pltpu.SemaphoreType.DMA,
        ],
    )
    def gather_k(table_hbm, xt_hbm, out_hbm, xf_v, idx_v, row_v, sg, so):
        wid = lax.axis_index("s") * nc + lax.axis_index("c")
        p0 = wid * rows_per_w
        fstart = jnp.minimum(p0 // D, N_FIELDS - 2)
        pltpu.sync_copy(xt_hbm.at[pl.ds(fstart, 2)], xf_v)

        def build(i):
            p = p0 + i
            frel = p // D - fstart
            base = p * VOCAB

            def addv(j, carry):
                idx_v[i % 2, pl.ds(j * 16, 16)] = (
                    xf_v[frel, pl.ds(j * 16, 16)] + base)
                return carry

            lax.fori_loop(0, batch // 16, addv, 0, unroll=False)

        def gather(i):
            return pltpu.make_async_copy(
                table_hbm.at[idx_v.at[i % 2]], row_v.at[i % 2], sg)

        def writeout(i):
            return pltpu.make_async_copy(
                row_v.at[i % 2], out_hbm.at[p0 + i], so)

        build(0)
        for i in range(rows_per_w):
            if i >= 2:
                writeout(i - 2).wait()
            gather(i).start()
            if i + 1 < rows_per_w:
                build(i + 1)
            gather(i).wait()
            writeout(i).start()
        writeout(rows_per_w - 2).wait()
        writeout(rows_per_w - 1).wait()

    return gather_k


def _mlp_body(e_ref, w1t_ref, b1_ref, w2_ref, b2_ref, o_ref):
    ht = jnp.dot(w1t_ref[...], e_ref[...],
                 preferred_element_type=jnp.float32)
    ht = jnp.maximum(ht + b1_ref[...], 0.0)
    o_ref[...] = jnp.dot(w2_ref[...], ht,
                         preferred_element_type=jnp.float32) + b2_ref[...]


def kernel(x, tables, W1, b1, W2, b2):
    batch = x.shape[0]
    tlin = jnp.transpose(tables, (0, 2, 1)).reshape(N_FIELDS * D * VOCAB)
    xt = jnp.transpose(x.astype(jnp.int32), (1, 0))

    e3 = _make_sc_gather(batch)(tlin, xt)

    blk = 1024
    w1t = jnp.transpose(W1, (1, 0))
    outT = pl.pallas_call(
        _mlp_body,
        grid=(batch // blk,),
        in_specs=[
            pl.BlockSpec((FD, blk), lambda i: (0, i)),
            pl.BlockSpec((H, FD), lambda i: (0, 0)),
            pl.BlockSpec((H, 1), lambda i: (0, 0)),
            pl.BlockSpec((1, H), lambda i: (0, 0)),
            pl.BlockSpec((1, 1), lambda i: (0, 0)),
        ],
        out_specs=pl.BlockSpec((1, blk), lambda i: (0, i)),
        out_shape=jax.ShapeDtypeStruct((1, batch), jnp.float32),
    )(e3, w1t, b1.reshape(H, 1), W2.reshape(1, H), b2.reshape(1, 1))
    return outT.reshape(batch, 1)

# --- scband reference (transcript-rebuilt; emitter-appended) ---
"""Pipeline reference for scband-log-anomaly-model-51539607625 (READ-ONLY COPY).

The authoritative reference and input builder live on the scoring server;
editing this copy changes nothing except your own understanding.
"""

import jax, jax.numpy as jnp
import numpy as np

N_FIELDS = 26
VOCAB = 100000
D = 32
B = 4096
H = 64


def setup_inputs(seed: int = 0) -> dict:
    key = jax.random.key(seed)
    ks = jax.random.split(key, 6)
    x = jax.random.randint(ks[0], (B, N_FIELDS), 0, VOCAB)
    # 26 embedding tables of identical shape, stacked: [N_FIELDS, VOCAB, D]
    tables = jax.random.normal(ks[1], (N_FIELDS, VOCAB, D), dtype=jnp.float32) * 0.02
    W1 = jax.random.normal(ks[2], (N_FIELDS * D, H), dtype=jnp.float32) * 0.02
    b1 = jnp.zeros((H,), dtype=jnp.float32)
    W2 = jax.random.normal(ks[3], (H, 1), dtype=jnp.float32) * 0.02
    b2 = jnp.zeros((1,), dtype=jnp.float32)
    return {"x": x, "tables": tables, "W1": W1, "b1": b1, "W2": W2, "b2": b2}


def reference(x, tables, W1, b1, W2, b2):
    # Per-column embedding lookup: tables[i][x[:, i]] for each field i,
    # vectorized via advanced indexing. Result: [B, N_FIELDS, D]
    cols = jnp.arange(N_FIELDS)[None, :]  # [1, N_FIELDS]
    emb = tables[cols, x]                 # gather -> [B, N_FIELDS, D]
    # torch.cat(embedded, dim=1) == reshape to [B, N_FIELDS * D]
    h = emb.reshape(x.shape[0], N_FIELDS * D)
    h = jnp.maximum(h @ W1 + b1, 0.0)     # Linear + ReLU
    out = h @ W2 + b2                      # Linear -> [B, 1]
    return out

if __name__ == "__main__":
    import jax
    _d = setup_inputs()
    print(jax.jit(kernel)(*tuple(_d.values())))

</pallas_src>

<mosaic_0001>
#map = affine_map<(d0, d1) -> (0)>
#map1 = affine_map<(d0, d1) -> (0, 0)>
module attributes {stable_mosaic.version = 14 : i64} {
  func.func @gather_k(%arg0: i32, %arg1: i32, %arg2: memref<83200000xf32, #tpu.memory_space<hbm>>, %arg3: memref<26x4096xi32, #tpu.memory_space<hbm>>, %arg4: memref<832x4096xf32, #tpu.memory_space<hbm>>, %arg5: memref<2x4096xi32, #tpu.memory_space<vmem>>, %arg6: memref<2x4096xi32, #tpu.memory_space<vmem>>, %arg7: memref<2x4096xf32, #tpu.memory_space<vmem>>, %arg8: memref<!tpu.dma_semaphore, #tpu.memory_space<semaphore_mem>>, %arg9: memref<!tpu.dma_semaphore, #tpu.memory_space<semaphore_mem>>) attributes {dimension_semantics = [#tpu.dimension_semantics<core_parallel>, #tpu.dimension_semantics<subcore_parallel>], iteration_bounds = array<i64: 2, 16>, scalar_prefetch = 0 : i64, scratch_operands = 5 : i64, tpu.core_type = #tpu.core_type<sc_vector_subcore>, window_params = [{transform_indices = #map}, {transform_indices = #map1}, {transform_indices = #map1}]} {
    %mul3A = arith.constant 2 : i32
    %mul3A_0 = arith.muli %arg1, %mul3A : i32
    %add3A = arith.addi %mul3A_0, %arg0 : i32
    %mul3A_1 = arith.constant 26 : i32
    %mul3A_2 = arith.muli %add3A, %mul3A_1 : i32
    %jit3A = arith.constant 32 : i32
    %div3A = arith.divsi %mul3A_2, %jit3A : i32
    %sign3A = arith.constant 0 : i32
    %sign3A_3 = arith.cmpi sgt, %mul3A_2, %sign3A : i32
    %sign3A_4 = arith.extui %sign3A_3 : i1 to i32
    %sign3A_5 = arith.constant 0 : i32
    %sign3A_6 = arith.cmpi slt, %mul3A_2, %sign3A_5 : i32
    %sign3A_7 = arith.extui %sign3A_6 : i1 to i32
    %sign3A_8 = arith.subi %sign3A_4, %sign3A_7 : i32
    %sign3A_9 = arith.constant 0 : i32
    %sign3A_10 = arith.cmpi sgt, %jit3A, %sign3A_9 : i32
    %sign3A_11 = arith.extui %sign3A_10 : i1 to i32
    %sign3A_12 = arith.constant 0 : i32
    %sign3A_13 = arith.cmpi slt, %jit3A, %sign3A_12 : i32
    %sign3A_14 = arith.extui %sign3A_13 : i1 to i32
    %sign3A_15 = arith.subi %sign3A_11, %sign3A_14 : i32
    %ne3A = arith.cmpi ne, %sign3A_8, %sign3A_15 : i32
    %rem3A = arith.remsi %mul3A_2, %jit3A : i32
    %ne3A_16 = arith.constant 0 : i32
    %ne3A_17 = arith.cmpi ne, %rem3A, %ne3A_16 : i32
    %and3A = arith.andi %ne3A, %ne3A_17 : i1
    %sub3A = arith.constant 1 : i32
    %sub3A_18 = arith.subi %div3A, %sub3A : i32
    %select_n3A = arith.select %and3A, %sub3A_18, %div3A : i32
    %min3A = arith.constant 24 : i32
    %min3A_19 = arith.minsi %select_n3A, %min3A : i32
    "tpu.region"() ({
      %run_scoped3A = tpu.sem_alloc : memref<!tpu.dma_semaphore, #tpu.memory_space<semaphore_mem>>
      %dma_start3A_2227 = arith.constant 0 : i32
      %dma_start3A_2228 = tpu.memref_slice %arg3[%min3A_19, %dma_start3A_2227] : memref<26x4096xi32, #tpu.memory_space<hbm>> -> memref<2x4096xi32, #tpu.memory_space<hbm>>
      %dma_start3A_2229 = arith.constant 0 : i32
      %dma_start3A_2230 = tpu.memref_slice %arg3[%min3A_19, %dma_start3A_2229] : memref<26x4096xi32, #tpu.memory_space<hbm>> -> memref<2x4096xi32, #tpu.memory_space<hbm>>
      tpu.enqueue_dma source(%dma_start3A_2230 : memref<2x4096xi32, #tpu.memory_space<hbm>>) target(%arg5 : memref<2x4096xi32, #tpu.memory_space<vmem>>) target_semaphore(%run_scoped3A : memref<!tpu.dma_semaphore, #tpu.memory_space<semaphore_mem>>)
      %dma_wait3A_2231 = arith.constant 0 : i32
      %dma_wait3A_2232 = tpu.memref_slice %arg3[%min3A_19, %dma_wait3A_2231] : memref<26x4096xi32, #tpu.memory_space<hbm>> -> memref<2x4096xi32, #tpu.memory_space<hbm>>
      %dma_wait3A_2233 = arith.constant 0 : i32
      %dma_wait3A_2234 = tpu.memref_slice %arg3[%min3A_19, %dma_wait3A_2233] : memref<26x4096xi32, #tpu.memory_space<hbm>> -> memref<2x4096xi32, #tpu.memory_space<hbm>>
      tpu.wait_dma2 semaphore(%run_scoped3A : memref<!tpu.dma_semaphore, #tpu.memory_space<semaphore_mem>>) src(%dma_wait3A_2234 : memref<2x4096xi32, #tpu.memory_space<hbm>>) dst(%arg5 : memref<2x4096xi32, #tpu.memory_space<vmem>>)
      tpu.yield
    }) : () -> ()
    %add3A_20 = arith.constant 0 : i32
    %add3A_21 = arith.addi %mul3A_2, %add3A_20 : i32
    %jit3A_22 = arith.constant 32 : i32
    %div3A_23 = arith.divsi %add3A_21, %jit3A_22 : i32
    %sign3A_24 = arith.constant 0 : i32
    %sign3A_25 = arith.cmpi sgt, %add3A_21, %sign3A_24 : i32
    %sign3A_26 = arith.extui %sign3A_25 : i1 to i32
    %sign3A_27 = arith.constant 0 : i32
    %sign3A_28 = arith.cmpi slt, %add3A_21, %sign3A_27 : i32
    %sign3A_29 = arith.extui %sign3A_28 : i1 to i32
    %sign3A_30 = arith.subi %sign3A_26, %sign3A_29 : i32
    %sign3A_31 = arith.constant 0 : i32
    %sign3A_32 = arith.cmpi sgt, %jit3A_22, %sign3A_31 : i32
    %sign3A_33 = arith.extui %sign3A_32 : i1 to i32
    %sign3A_34 = arith.constant 0 : i32
    %sign3A_35 = arith.cmpi slt, %jit3A_22, %sign3A_34 : i32
    %sign3A_36 = arith.extui %sign3A_35 : i1 to i32
    %sign3A_37 = arith.subi %sign3A_33, %sign3A_36 : i32
    %ne3A_38 = arith.cmpi ne, %sign3A_30, %sign3A_37 : i32
    %rem3A_39 = arith.remsi %add3A_21, %jit3A_22 : i32
    %ne3A_40 = arith.constant 0 : i32
    %ne3A_41 = arith.cmpi ne, %rem3A_39, %ne3A_40 : i32
    %and3A_42 = arith.andi %ne3A_38, %ne3A_41 : i1
    %sub3A_43 = arith.constant 1 : i32
    %sub3A_44 = arith.subi %div3A_23, %sub3A_43 : i32
    %select_n3A_45 = arith.select %and3A_42, %sub3A_44, %div3A_23 : i32
    %sub3A_46 = arith.subi %select_n3A_45, %min3A_19 : i32
    %mul3A_47 = arith.constant 100000 : i32
    %mul3A_48 = arith.muli %add3A_21, %mul3A_47 : i32
    %scan3A = arith.constant 0 : i32
    %scan3A_49 = arith.constant 0 : i32
    %scan3A_50 = arith.constant 256 : i32
    %scan3A_51 = arith.addi %scan3A_49, %scan3A_50 : i32
    %scan3A_52 = arith.constant 1 : i32
    scf.for %scan3A_2227 = %scan3A_49 to %scan3A_51 step %scan3A_52  : i32 {
      %mul3A_2228 = arith.constant 16 : i32
      %mul3A_2229 = arith.muli %scan3A_2227, %mul3A_2228 : i32
      %get3A = arith.index_cast %sub3A_46 : i32 to index
      %get3A_2230 = arith.index_cast %mul3A_2229 : i32 to index
      %get3A_2231 = tpu.vector_load %arg5[%get3A, %get3A_2230] {strides = array<i32>} : memref<2x4096xi32, #tpu.memory_space<vmem>>, vector<1x16xi32>,
      %get3A_2232 = vector.shape_cast %get3A_2231 : vector<1x16xi32> to vector<16xi32>
      %add3A_2233 = vector.broadcast %mul3A_48 : i32 to vector<16xi32>
      %add3A_2234 = arith.addi %get3A_2232, %add3A_2233 : vector<16xi32>
      %mul3A_2235 = arith.constant 16 : i32
      %mul3A_2236 = arith.muli %scan3A_2227, %mul3A_2235 : i32
      %swap3A = arith.constant 0 : i32
      %swap3A_2237 = arith.index_cast %swap3A : i32 to index
      %swap3A_2238 = arith.index_cast %mul3A_2236 : i32 to index
      %swap3A_2239 = tpu.vector_load %arg6[%swap3A_2237, %swap3A_2238] {strides = array<i32>} : memref<2x4096xi32, #tpu.memory_space<vmem>>, vector<1x16xi32>,
      %swap3A_2240 = vector.shape_cast %swap3A_2239 : vector<1x16xi32> to vector<16xi32>
      %swap3A_2241 = vector.shape_cast %add3A_2234 : vector<16xi32> to vector<1x16xi32>
      tpu.vector_store %arg6[%swap3A_2237, %swap3A_2238], %swap3A_2241 {strides = array<i32>} : memref<2x4096xi32, #tpu.memory_space<vmem>>, vector<1x16xi32>,
    }
    %scan3A_53 = arith.constant 256 : i32
    %dma_start3A = arith.constant 0 : i32
    %dma_start3A_54 = arith.constant 0 : i32
    %dma_start3A_55 = arith.constant 0 : i32
    %dma_start3A_56 = tpu.memref_slice %arg7[%dma_start3A_54, %dma_start3A_55] : memref<2x4096xf32, #tpu.memory_space<vmem>> -> memref<1x4096xf32, #tpu.memory_space<vmem>>
    %dma_start3A_57 = tpu.memref_squeeze %dma_start3A_56 : memref<1x4096xf32, #tpu.memory_space<vmem>> -> memref<4096xf32, #tpu.memory_space<vmem>>
    %dma_start3A_58 = arith.constant 0 : i32
    %dma_start3A_59 = tpu.memref_slice %arg6[%dma_start3A, %dma_start3A_58] : memref<2x4096xi32, #tpu.memory_space<vmem>> -> memref<1x4096xi32, #tpu.memory_space<vmem>>
    %dma_start3A_60 = tpu.memref_squeeze %dma_start3A_59 : memref<1x4096xi32, #tpu.memory_space<vmem>> -> memref<4096xi32, #tpu.memory_space<vmem>>
    %dma_start3A_61 = arith.constant 0 : i32
    %dma_start3A_62 = tpu.memref_slice %arg2[%dma_start3A_61] : memref<83200000xf32, #tpu.memory_space<hbm>> -> memref<83200000xf32, #tpu.memory_space<hbm>>
    tpu.enqueue_indirect_dma source(%dma_start3A_62 : memref<83200000xf32, #tpu.memory_space<hbm>>) target(%dma_start3A_57 : memref<4096xf32, #tpu.memory_space<vmem>>) offsets(%dma_start3A_60 : memref<4096xi32, #tpu.memory_space<vmem>>) semaphore(%arg8 : memref<!tpu.dma_semaphore, #tpu.memory_space<semaphore_mem>>)
    %add3A_63 = arith.constant 1 : i32
    %add3A_64 = arith.addi %mul3A_2, %add3A_63 : i32
    %jit3A_65 = arith.constant 32 : i32
    %div3A_66 = arith.divsi %add3A_64, %jit3A_65 : i32
    %sign3A_67 = arith.constant 0 : i32
    %sign3A_68 = arith.cmpi sgt, %add3A_64, %sign3A_67 : i32
    %sign3A_69 = arith.extui %sign3A_68 : i1 to i32
    %sign3A_70 = arith.constant 0 : i32
    %sign3A_71 = arith.cmpi slt, %add3A_64, %sign3A_70 : i32
    %sign3A_72 = arith.extui %sign3A_71 : i1 to i32
    %sign3A_73 = arith.subi %sign3A_69, %sign3A_72 : i32
    %sign3A_74 = arith.constant 0 : i32
    %sign3A_75 = arith.cmpi sgt, %jit3A_65, %sign3A_74 : i32
    %sign3A_76 = arith.extui %sign3A_75 : i1 to i32
    %sign3A_77 = arith.constant 0 : i32
    %sign3A_78 = arith.cmpi slt, %jit3A_65, %sign3A_77 : i32
    %sign3A_79 = arith.extui %sign3A_78 : i1 to i32
    %sign3A_80 = arith.subi %sign3A_76, %sign3A_79 : i32
    %ne3A_81 = arith.cmpi ne, %sign3A_73, %sign3A_80 : i32
    %rem3A_82 = arith.remsi %add3A_64, %jit3A_65 : i32
    %ne3A_83 = arith.constant 0 : i32
    %ne3A_84 = arith.cmpi ne, %rem3A_82, %ne3A_83 : i32
    %and3A_85 = arith.andi %ne3A_81, %ne3A_84 : i1
    %sub3A_86 = arith.constant 1 : i32
    %sub3A_87 = arith.subi %div3A_66, %sub3A_86 : i32
    %select_n3A_88 = arith.select %and3A_85, %sub3A_87, %div3A_66 : i32
    %sub3A_89 = arith.subi %select_n3A_88, %min3A_19 : i32
    %mul3A_90 = arith.constant 100000 : i32
    %mul3A_91 = arith.muli %add3A_64, %mul3A_90 : i32
    %scan3A_92 = arith.constant 0 : i32
    %scan3A_93 = arith.constant 0 : i32
    %scan3A_94 = arith.constant 256 : i32
    %scan3A_95 = arith.addi %scan3A_93, %scan3A_94 : i32
    %scan3A_96 = arith.constant 1 : i32
    scf.for %scan3A_2227 = %scan3A_93 to %scan3A_95 step %scan3A_96  : i32 {
      %mul3A_2228 = arith.constant 16 : i32
      %mul3A_2229 = arith.muli %scan3A_2227, %mul3A_2228 : i32
      %get3A = arith.index_cast %sub3A_89 : i32 to index
      %get3A_2230 = arith.index_cast %mul3A_2229 : i32 to index
      %get3A_2231 = tpu.vector_load %arg5[%get3A, %get3A_2230] {strides = array<i32>} : memref<2x4096xi32, #tpu.memory_space<vmem>>, vector<1x16xi32>,
      %get3A_2232 = vector.shape_cast %get3A_2231 : vector<1x16xi32> to vector<16xi32>
      %add3A_2233 = vector.broadcast %mul3A_91 : i32 to vector<16xi32>
      %add3A_2234 = arith.addi %get3A_2232, %add3A_2233 : vector<16xi32>
      %mul3A_2235 = arith.constant 16 : i32
      %mul3A_2236 = arith.muli %scan3A_2227, %mul3A_2235 : i32
      %swap3A = arith.constant 1 : i32
      %swap3A_2237 = arith.index_cast %swap3A : i32 to index
      %swap3A_2238 = arith.index_cast %mul3A_2236 : i32 to index
      %swap3A_2239 = tpu.vector_load %arg6[%swap3A_2237, %swap3A_2238] {strides = array<i32>} : memref<2x4096xi32, #tpu.memory_space<vmem>>, vector<1x16xi32>,
      %swap3A_2240 = vector.shape_cast %swap3A_2239 : vector<1x16xi32> to vector<16xi32>
      %swap3A_2241 = vector.shape_cast %add3A_2234 : vector<16xi32> to vector<1x16xi32>
      tpu.vector_store %arg6[%swap3A_2237, %swap3A_2238], %swap3A_2241 {strides = array<i32>} : memref<2x4096xi32, #tpu.memory_space<vmem>>, vector<1x16xi32>,
    }
    %scan3A_97 = arith.constant 256 : i32
    %dma_wait3A = arith.constant 0 : i32
    %dma_wait3A_98 = arith.constant 0 : i32
    %dma_wait3A_99 = arith.constant 0 : i32
    %dma_wait3A_100 = tpu.memref_slice %arg7[%dma_wait3A_98, %dma_wait3A_99] : memref<2x4096xf32, #tpu.memory_space<vmem>> -> memref<1x4096xf32, #tpu.memory_space<vmem>>
    %dma_wait3A_101 = tpu.memref_squeeze %dma_wait3A_100 : memref<1x4096xf32, #tpu.memory_space<vmem>> -> memref<4096xf32, #tpu.memory_space<vmem>>
    %dma_wait3A_102 = arith.constant 0 : i32
    %dma_wait3A_103 = tpu.memref_slice %arg6[%dma_wait3A, %dma_wait3A_102] : memref<2x4096xi32, #tpu.memory_space<vmem>> -> memref<1x4096xi32, #tpu.memory_space<vmem>>
    %dma_wait3A_104 = tpu.memref_squeeze %dma_wait3A_103 : memref<1x4096xi32, #tpu.memory_space<vmem>> -> memref<4096xi32, #tpu.memory_space<vmem>>
    %dma_wait3A_105 = arith.constant 0 : i32
    %dma_wait3A_106 = tpu.memref_slice %arg2[%dma_wait3A_105] : memref<83200000xf32, #tpu.memory_space<hbm>> -> memref<83200000xf32, #tpu.memory_space<hbm>>
    tpu.wait_indirect_dma semaphore(%arg8 : memref<!tpu.dma_semaphore, #tpu.memory_space<semaphore_mem>>) src(%dma_wait3A_106 : memref<83200000xf32, #tpu.memory_space<hbm>>) dst(%dma_wait3A_101 : memref<4096xf32, #tpu.memory_space<vmem>>)
    %add3A_107 = arith.constant 0 : i32
    %add3A_108 = arith.addi %mul3A_2, %add3A_107 : i32
    %dma_start3A_109 = arith.constant 0 : i32
    %dma_start3A_110 = arith.constant 0 : i32
    %dma_start3A_111 = tpu.memref_slice %arg7[%dma_start3A_109, %dma_start3A_110] : memref<2x4096xf32, #tpu.memory_space<vmem>> -> memref<1x4096xf32, #tpu.memory_space<vmem>>
    %dma_start3A_112 = tpu.memref_squeeze %dma_start3A_111 : memref<1x4096xf32, #tpu.memory_space<vmem>> -> memref<4096xf32, #tpu.memory_space<vmem>>
    %dma_start3A_113 = arith.constant 0 : i32
    %dma_start3A_114 = tpu.memref_slice %arg4[%add3A_108, %dma_start3A_113] : memref<832x4096xf32, #tpu.memory_space<hbm>> -> memref<1x4096xf32, #tpu.memory_space<hbm>>
    %dma_start3A_115 = tpu.memref_squeeze %dma_start3A_114 : memref<1x4096xf32, #tpu.memory_space<hbm>> -> memref<4096xf32, #tpu.memory_space<hbm>>
    %dma_start3A_116 = arith.constant 0 : i32
    %dma_start3A_117 = tpu.memref_slice %arg4[%add3A_108, %dma_start3A_116] : memref<832x4096xf32, #tpu.memory_space<hbm>> -> memref<1x4096xf32, #tpu.memory_space<hbm>>
    %dma_start3A_118 = tpu.memref_squeeze %dma_start3A_117 : memref<1x4096xf32, #tpu.memory_space<hbm>> -> memref<4096xf32, #tpu.memory_space<hbm>>
    %dma_start3A_119 = arith.constant 0 : i32
    %dma_start3A_120 = tpu.memref_slice %arg7[%dma_start3A_109, %dma_start3A_119] : memref<2x4096xf32, #tpu.memory_space<vmem>> -> memref<1x4096xf32, #tpu.memory_space<vmem>>
    %dma_start3A_121 = tpu.memref_squeeze %dma_start3A_120 : memref<1x4096xf32, #tpu.memory_space<vmem>> -> memref<4096xf32, #tpu.memory_space<vmem>>
    tpu.enqueue_dma source(%dma_start3A_121 : memref<4096xf32, #tpu.memory_space<vmem>>) target(%dma_start3A_118 : memref<4096xf32, #tpu.memory_space<hbm>>) target_semaphore(%arg9 : memref<!tpu.dma_semaphore, #tpu.memory_space<semaphore_mem>>)
    %dma_start3A_122 = arith.constant 1 : i32
    %dma_start3A_123 = arith.constant 1 : i32
    %dma_start3A_124 = arith.constant 0 : i32
    %dma_start3A_125 = tpu.memref_slice %arg7[%dma_start3A_123, %dma_start3A_124] : memref<2x4096xf32, #tpu.memory_space<vmem>> -> memref<1x4096xf32, #tpu.memory_space<vmem>>
    %dma_start3A_126 = tpu.memref_squeeze %dma_start3A_125 : memref<1x4096xf32, #tpu.memory_space<vmem>> -> memref<4096xf32, #tpu.memory_space<vmem>>
    %dma_start3A_127 = arith.constant 0 : i32
    %dma_start3A_128 = tpu.memref_slice %arg6[%dma_start3A_122, %dma_start3A_127] : memref<2x4096xi32, #tpu.memory_space<vmem>> -> memref<1x4096xi32, #tpu.memory_space<vmem>>
    %dma_start3A_129 = tpu.memref_squeeze %dma_start3A_128 : memref<1x4096xi32, #tpu.memory_space<vmem>> -> memref<4096xi32, #tpu.memory_space<vmem>>
    %dma_start3A_130 = arith.constant 0 : i32
    %dma_start3A_131 = tpu.memref_slice %arg2[%dma_start3A_130] : memref<83200000xf32, #tpu.memory_space<hbm>> -> memref<83200000xf32, #tpu.memory_space<hbm>>
    tpu.enqueue_indirect_dma source(%dma_start3A_131 : memref<83200000xf32, #tpu.memory_space<hbm>>) target(%dma_start3A_126 : memref<4096xf32, #tpu.memory_space<vmem>>) offsets(%dma_start3A_129 : memref<4096xi32, #tpu.memory_space<vmem>>) semaphore(%arg8 : memref<!tpu.dma_semaphore, #tpu.memory_space<semaphore_mem>>)
    %add3A_132 = arith.constant 2 : i32
    %add3A_133 = arith.addi %mul3A_2, %add3A_132 : i32
    %jit3A_134 = arith.constant 32 : i32
    %div3A_135 = arith.divsi %add3A_133, %jit3A_134 : i32
    %sign3A_136 = arith.constant 0 : i32
    %sign3A_137 = arith.cmpi sgt, %add3A_133, %sign3A_136 : i32
    %sign3A_138 = arith.extui %sign3A_137 : i1 to i32
    %sign3A_139 = arith.constant 0 : i32
    %sign3A_140 = arith.cmpi slt, %add3A_133, %sign3A_139 : i32
    %sign3A_141 = arith.extui %sign3A_140 : i1 to i32
    %sign3A_142 = arith.subi %sign3A_138, %sign3A_141 : i32
    %sign3A_143 = arith.constant 0 : i32
    %sign3A_144 = arith.cmpi sgt, %jit3A_134, %sign3A_143 : i32
    %sign3A_145 = arith.extui %sign3A_144 : i1 to i32
    %sign3A_146 = arith.constant 0 : i32
    %sign3A_147 = arith.cmpi slt, %jit3A_134, %sign3A_146 : i32
    %sign3A_148 = arith.extui %sign3A_147 : i1 to i32
    %sign3A_149 = arith.subi %sign3A_145, %sign3A_148 : i32
    %ne3A_150 = arith.cmpi ne, %sign3A_142, %sign3A_149 : i32
    %rem3A_151 = arith.remsi %add3A_133, %jit3A_134 : i32
    %ne3A_152 = arith.constant 0 : i32
    %ne3A_153 = arith.cmpi ne, %rem3A_151, %ne3A_152 : i32
    %and3A_154 = arith.andi %ne3A_150, %ne3A_153 : i1
    %sub3A_155 = arith.constant 1 : i32
    %sub3A_156 = arith.subi %div3A_135, %sub3A_155 : i32
    %select_n3A_157 = arith.select %and3A_154, %sub3A_156, %div3A_135 : i32
    %sub3A_158 = arith.subi %select_n3A_157, %min3A_19 : i32
    %mul3A_159 = arith.constant 100000 : i32
    %mul3A_160 = arith.muli %add3A_133, %mul3A_159 : i32
    %scan3A_161 = arith.constant 0 : i32
    %scan3A_162 = arith.constant 0 : i32
    %scan3A_163 = arith.constant 256 : i32
    %scan3A_164 = arith.addi %scan3A_162, %scan3A_163 : i32
    %scan3A_165 = arith.constant 1 : i32
    scf.for %scan3A_2227 = %scan3A_162 to %scan3A_164 step %scan3A_165  : i32 {
      %mul3A_2228 = arith.constant 16 : i32
      %mul3A_2229 = arith.muli %scan3A_2227, %mul3A_2228 : i32
      %get3A = arith.index_cast %sub3A_158 : i32 to index
      %get3A_2230 = arith.index_cast %mul3A_2229 : i32 to index
      %get3A_2231 = tpu.vector_load %arg5[%get3A, %get3A_2230] {strides = array<i32>} : memref<2x4096xi32, #tpu.memory_space<vmem>>, vector<1x16xi32>,
      %get3A_2232 = vector.shape_cast %get3A_2231 : vector<1x16xi32> to vector<16xi32>
      %add3A_2233 = vector.broadcast %mul3A_160 : i32 to vector<16xi32>
      %add3A_2234 = arith.addi %get3A_2232, %add3A_2233 : vector<16xi32>
      %mul3A_2235 = arith.constant 16 : i32
      %mul3A_2236 = arith.muli %scan3A_2227, %mul3A_2235 : i32
      %swap3A = arith.constant 0 : i32
      %swap3A_2237 = arith.index_cast %swap3A : i32 to index
      %swap3A_2238 = arith.index_cast %mul3A_2236 : i32 to index
      %swap3A_2239 = tpu.vector_load %arg6[%swap3A_2237, %swap3A_2238] {strides = array<i32>} : memref<2x4096xi32, #tpu.memory_space<vmem>>, vector<1x16xi32>,
      %swap3A_2240 = vector.shape_cast %swap3A_2239 : vector<1x16xi32> to vector<16xi32>
      %swap3A_2241 = vector.shape_cast %add3A_2234 : vector<16xi32> to vector<1x16xi32>
      tpu.vector_store %arg6[%swap3A_2237, %swap3A_2238], %swap3A_2241 {strides = array<i32>} : memref<2x4096xi32, #tpu.memory_space<vmem>>, vector<1x16xi32>,
    }
    %scan3A_166 = arith.constant 256 : i32
    %dma_wait3A_167 = arith.constant 1 : i32
    %dma_wait3A_168 = arith.constant 1 : i32
    %dma_wait3A_169 = arith.constant 0 : i32
    %dma_wait3A_170 = tpu.memref_slice %arg7[%dma_wait3A_168, %dma_wait3A_169] : memref<2x4096xf32, #tpu.memory_space<vmem>> -> memref<1x4096xf32, #tpu.memory_space<vmem>>
    %dma_wait3A_171 = tpu.memref_squeeze %dma_wait3A_170 : memref<1x4096xf32, #tpu.memory_space<vmem>> -> memref<4096xf32, #tpu.memory_space<vmem>>
    %dma_wait3A_172 = arith.constant 0 : i32
    %dma_wait3A_173 = tpu.memref_slice %arg6[%dma_wait3A_167, %dma_wait3A_172] : memref<2x4096xi32, #tpu.memory_space<vmem>> -> memref<1x4096xi32, #tpu.memory_space<vmem>>
    %dma_wait3A_174 = tpu.memref_squeeze %dma_wait3A_173 : memref<1x4096xi32, #tpu.memory_space<vmem>> -> memref<4096xi32, #tpu.memory_space<vmem>>
    %dma_wait3A_175 = arith.constant 0 : i32
    %dma_wait3A_176 = tpu.memref_slice %arg2[%dma_wait3A_175] : memref<83200000xf32, #tpu.memory_space<hbm>> -> memref<83200000xf32, #tpu.memory_space<hbm>>
    tpu.wait_indirect_dma semaphore(%arg8 : memref<!tpu.dma_semaphore, #tpu.memory_space<semaphore_mem>>) src(%dma_wait3A_176 : memref<83200000xf32, #tpu.memory_space<hbm>>) dst(%dma_wait3A_171 : memref<4096xf32, #tpu.memory_space<vmem>>)
    %add3A_177 = arith.constant 1 : i32
    %add3A_178 = arith.addi %mul3A_2, %add3A_177 : i32
    %dma_start3A_179 = arith.constant 1 : i32
    %dma_start3A_180 = arith.constant 0 : i32
    %dma_start3A_181 = tpu.memref_slice %arg7[%dma_start3A_179, %dma_start3A_180] : memref<2x4096xf32, #tpu.memory_space<vmem>> -> memref<1x4096xf32, #tpu.memory_space<vmem>>
    %dma_start3A_182 = tpu.memref_squeeze %dma_start3A_181 : memref<1x4096xf32, #tpu.memory_space<vmem>> -> memref<4096xf32, #tpu.memory_space<vmem>>
    %dma_start3A_183 = arith.constant 0 : i32
    %dma_start3A_184 = tpu.memref_slice %arg4[%add3A_178, %dma_start3A_183] : memref<832x4096xf32, #tpu.memory_space<hbm>> -> memref<1x4096xf32, #tpu.memory_space<hbm>>
    %dma_start3A_185 = tpu.memref_squeeze %dma_start3A_184 : memref<1x4096xf32, #tpu.memory_space<hbm>> -> memref<4096xf32, #tpu.memory_space<hbm>>
    %dma_start3A_186 = arith.constant 0 : i32
    %dma_start3A_187 = tpu.memref_slice %arg4[%add3A_178, %dma_start3A_186] : memref<832x4096xf32, #tpu.memory_space<hbm>> -> memref<1x4096xf32, #tpu.memory_space<hbm>>
    %dma_start3A_188 = tpu.memref_squeeze %dma_start3A_187 : memref<1x4096xf32, #tpu.memory_space<hbm>> -> memref<4096xf32, #tpu.memory_space<hbm>>
    %dma_start3A_189 = arith.constant 0 : i32
    %dma_start3A_190 = tpu.memref_slice %arg7[%dma_start3A_179, %dma_start3A_189] : memref<2x4096xf32, #tpu.memory_space<vmem>> -> memref<1x4096xf32, #tpu.memory_space<vmem>>
    %dma_start3A_191 = tpu.memref_squeeze %dma_start3A_190 : memref<1x4096xf32, #tpu.memory_space<vmem>> -> memref<4096xf32, #tpu.memory_space<vmem>>
    tpu.enqueue_dma source(%dma_start3A_191 : memref<4096xf32, #tpu.memory_space<vmem>>) target(%dma_start3A_188 : memref<4096xf32, #tpu.memory_space<hbm>>) target_semaphore(%arg9 : memref<!tpu.dma_semaphore, #tpu.memory_space<semaphore_mem>>)
    %add3A_192 = arith.constant 0 : i32
    %add3A_193 = arith.addi %mul3A_2, %add3A_192 : i32
    %dma_wait3A_194 = arith.constant 0 : i32
    %dma_wait3A_195 = arith.constant 0 : i32
    %dma_wait3A_196 = tpu.memref_slice %arg7[%dma_wait3A_194, %dma_wait3A_195] : memref<2x4096xf32, #tpu.memory_space<vmem>> -> memref<1x4096xf32, #tpu.memory_space<vmem>>
    %dma_wait3A_197 = tpu.memref_squeeze %dma_wait3A_196 : memref<1x4096xf32, #tpu.memory_space<vmem>> -> memref<4096xf32, #tpu.memory_space<vmem>>
    %dma_wait3A_198 = arith.constant 0 : i32
    %dma_wait3A_199 = tpu.memref_slice %arg4[%add3A_193, %dma_wait3A_198] : memref<832x4096xf32, #tpu.memory_space<hbm>> -> memref<1x4096xf32, #tpu.memory_space<hbm>>
    %dma_wait3A_200 = tpu.memref_squeeze %dma_wait3A_199 : memref<1x4096xf32, #tpu.memory_space<hbm>> -> memref<4096xf32, #tpu.memory_space<hbm>>
    %dma_wait3A_201 = arith.constant 0 : i32
    %dma_wait3A_202 = tpu.memref_slice %arg4[%add3A_193, %dma_wait3A_201] : memref<832x4096xf32, #tpu.memory_space<hbm>> -> memref<1x4096xf32, #tpu.memory_space<hbm>>
    %dma_wait3A_203 = tpu.memref_squeeze %dma_wait3A_202 : memref<1x4096xf32, #tpu.memory_space<hbm>> -> memref<4096xf32, #tpu.memory_space<hbm>>
    %dma_wait3A_204 = arith.constant 0 : i32
    %dma_wait3A_205 = tpu.memref_slice %arg7[%dma_wait3A_194, %dma_wait3A_204] : memref<2x4096xf32, #tpu.memory_space<vmem>> -> memref<1x4096xf32, #tpu.memory_space<vmem>>
    %dma_wait3A_206 = tpu.memref_squeeze %dma_wait3A_205 : memref<1x4096xf32, #tpu.memory_space<vmem>> -> memref<4096xf32, #tpu.memory_space<vmem>>
    tpu.wait_dma2 semaphore(%arg9 : memref<!tpu.dma_semaphore, #tpu.memory_space<semaphore_mem>>) src(%dma_wait3A_206 : memref<4096xf32, #tpu.memory_space<vmem>>) dst(%dma_wait3A_203 : memref<4096xf32, #tpu.memory_space<hbm>>)
    %dma_start3A_207 = arith.constant 0 : i32
    %dma_start3A_208 = arith.constant 0 : i32
    %dma_start3A_209 = arith.constant 0 : i32
    %dma_start3A_210 = tpu.memref_slice %arg7[%dma_start3A_208, %dma_start3A_209] : memref<2x4096xf32, #tpu.memory_space<vmem>> -> memref<1x4096xf32, #tpu.memory_space<vmem>>
    %dma_start3A_211 = tpu.memref_squeeze %dma_start3A_210 : memref<1x4096xf32, #tpu.memory_space<vmem>> -> memref<4096xf32, #tpu.memory_space<vmem>>
    %dma_start3A_212 = arith.constant 0 : i32
    %dma_start3A_213 = tpu.memref_slice %arg6[%dma_start3A_207, %dma_start3A_212] : memref<2x4096xi32, #tpu.memory_space<vmem>> -> memref<1x4096xi32, #tpu.memory_space<vmem>>
    %dma_start3A_214 = tpu.memref_squeeze %dma_start3A_213 : memref<1x4096xi32, #tpu.memory_space<vmem>> -> memref<4096xi32, #tpu.memory_space<vmem>>
    %dma_start3A_215 = arith.constant 0 : i32
    %dma_start3A_216 = tpu.memref_slice %arg2[%dma_start3A_215] : memref<83200000xf32, #tpu.memory_space<hbm>> -> memref<83200000xf32, #tpu.memory_space<hbm>>
    tpu.enqueue_indirect_dma source(%dma_start3A_216 : memref<83200000xf32, #tpu.memory_space<hbm>>) target(%dma_start3A_211 : memref<4096xf32, #tpu.memory_space<vmem>>) offsets(%dma_start3A_214 : memref<4096xi32, #tpu.memory_space<vmem>>) semaphore(%arg8 : memref<!tpu.dma_semaphore, #tpu.memory_space<semaphore_mem>>)
    %add3A_217 = arith.constant 3 : i32
    %add3A_218 = arith.addi %mul3A_2, %add3A_217 : i32
    %jit3A_219 = arith.constant 32 : i32
    %div3A_220 = arith.divsi %add3A_218, %jit3A_219 : i32
    %sign3A_221 = arith.constant 0 : i32
    %sign3A_222 = arith.cmpi sgt, %add3A_218, %sign3A_221 : i32
    %sign3A_223 = arith.extui %sign3A_222 : i1 to i32
    %sign3A_224 = arith.constant 0 : i32
    %sign3A_225 = arith.cmpi slt, %add3A_218, %sign3A_224 : i32
    %sign3A_226 = arith.extui %sign3A_225 : i1 to i32
    %sign3A_227 = arith.subi %sign3A_223, %sign3A_226 : i32
    %sign3A_228 = arith.constant 0 : i32
    %sign3A_229 = arith.cmpi sgt, %jit3A_219, %sign3A_228 : i32
    %sign3A_230 = arith.extui %sign3A_229 : i1 to i32
    %sign3A_231 = arith.constant 0 : i32
    %sign3A_232 = arith.cmpi slt, %jit3A_219, %sign3A_231 : i32
    %sign3A_233 = arith.extui %sign3A_232 : i1 to i32
    %sign3A_234 = arith.subi %sign3A_230, %sign3A_233 : i32
    %ne3A_235 = arith.cmpi ne, %sign3A_227, %sign3A_234 : i32
    %rem3A_236 = arith.remsi %add3A_218, %jit3A_219 : i32
    %ne3A_237 = arith.constant 0 : i32
    %ne3A_238 = arith.cmpi ne, %rem3A_236, %ne3A_237 : i32
    %and3A_239 = arith.andi %ne3A_235, %ne3A_238 : i1
    %sub3A_240 = arith.constant 1 : i32
    %sub3A_241 = arith.subi %div3A_220, %sub3A_240 : i32
    %select_n3A_242 = arith.select %and3A_239, %sub3A_241, %div3A_220 : i32
    %sub3A_243 = arith.subi %select_n3A_242, %min3A_19 : i32
    %mul3A_244 = arith.constant 100000 : i32
    %mul3A_245 = arith.muli %add3A_218, %mul3A_244 : i32
    %scan3A_246 = arith.constant 0 : i32
    %scan3A_247 = arith.constant 0 : i32
    %scan3A_248 = arith.constant 256 : i32
    %scan3A_249 = arith.addi %scan3A_247, %scan3A_248 : i32
    %scan3A_250 = arith.constant 1 : i32
    scf.for %scan3A_2227 = %scan3A_247 to %scan3A_249 step %scan3A_250  : i32 {
      %mul3A_2228 = arith.constant 16 : i32
      %mul3A_2229 = arith.muli %scan3A_2227, %mul3A_2228 : i32
      %get3A = arith.index_cast %sub3A_243 : i32 to index
      %get3A_2230 = arith.index_cast %mul3A_2229 : i32 to index
      %get3A_2231 = tpu.vector_load %arg5[%get3A, %get3A_2230] {strides = array<i32>} : memref<2x4096xi32, #tpu.memory_space<vmem>>, vector<1x16xi32>,
      %get3A_2232 = vector.shape_cast %get3A_2231 : vector<1x16xi32> to vector<16xi32>
      %add3A_2233 = vector.broadcast %mul3A_245 : i32 to vector<16xi32>
      %add3A_2234 = arith.addi %get3A_2232, %add3A_2233 : vector<16xi32>
      %mul3A_2235 = arith.constant 16 : i32
      %mul3A_2236 = arith.muli %scan3A_2227, %mul3A_2235 : i32
      %swap3A = arith.constant 1 : i32
      %swap3A_2237 = arith.index_cast %swap3A : i32 to index
      %swap3A_2238 = arith.index_cast %mul3A_2236 : i32 to index
      %swap3A_2239 = tpu.vector_load %arg6[%swap3A_2237, %swap3A_2238] {strides = array<i32>} : memref<2x4096xi32, #tpu.memory_space<vmem>>, vector<1x16xi32>,
      %swap3A_2240 = vector.shape_cast %swap3A_2239 : vector<1x16xi32> to vector<16xi32>
      %swap3A_2241 = vector.shape_cast %add3A_2234 : vector<16xi32> to vector<1x16xi32>
      tpu.vector_store %arg6[%swap3A_2237, %swap3A_2238], %swap3A_2241 {strides = array<i32>} : memref<2x4096xi32, #tpu.memory_space<vmem>>, vector<1x16xi32>,
    }
    %scan3A_251 = arith.constant 256 : i32
    %dma_wait3A_252 = arith.constant 0 : i32
    %dma_wait3A_253 = arith.constant 0 : i32
    %dma_wait3A_254 = arith.constant 0 : i32
    %dma_wait3A_255 = tpu.memref_slice %arg7[%dma_wait3A_253, %dma_wait3A_254] : memref<2x4096xf32, #tpu.memory_space<vmem>> -> memref<1x4096xf32, #tpu.memory_space<vmem>>
    %dma_wait3A_256 = tpu.memref_squeeze %dma_wait3A_255 : memref<1x4096xf32, #tpu.memory_space<vmem>> -> memref<4096xf32, #tpu.memory_space<vmem>>
    %dma_wait3A_257 = arith.constant 0 : i32
    %dma_wait3A_258 = tpu.memref_slice %arg6[%dma_wait3A_252, %dma_wait3A_257] : memref<2x4096xi32, #tpu.memory_space<vmem>> -> memref<1x4096xi32, #tpu.memory_space<vmem>>
    %dma_wait3A_259 = tpu.memref_squeeze %dma_wait3A_258 : memref<1x4096xi32, #tpu.memory_space<vmem>> -> memref<4096xi32, #tpu.memory_space<vmem>>
    %dma_wait3A_260 = arith.constant 0 : i32
    %dma_wait3A_261 = tpu.memref_slice %arg2[%dma_wait3A_260] : memref<83200000xf32, #tpu.memory_space<hbm>> -> memref<83200000xf32, #tpu.memory_space<hbm>>
    tpu.wait_indirect_dma semaphore(%arg8 : memref<!tpu.dma_semaphore, #tpu.memory_space<semaphore_mem>>) src(%dma_wait3A_261 : memref<83200000xf32, #tpu.memory_space<hbm>>) dst(%dma_wait3A_256 : memref<4096xf32, #tpu.memory_space<vmem>>)
    %add3A_262 = arith.constant 2 : i32
    %add3A_263 = arith.addi %mul3A_2, %add3A_262 : i32
    %dma_start3A_264 = arith.constant 0 : i32
    %dma_start3A_265 = arith.constant 0 : i32
    %dma_start3A_266 = tpu.memref_slice %arg7[%dma_start3A_264, %dma_start3A_265] : memref<2x4096xf32, #tpu.memory_space<vmem>> -> memref<1x4096xf32, #tpu.memory_space<vmem>>
    %dma_start3A_267 = tpu.memref_squeeze %dma_start3A_266 : memref<1x4096xf32, #tpu.memory_space<vmem>> -> memref<4096xf32, #tpu.memory_space<vmem>>
    %dma_start3A_268 = arith.constant 0 : i32
    %dma_start3A_269 = tpu.memref_slice %arg4[%add3A_263, %dma_start3A_268] : memref<832x4096xf32, #tpu.memory_space<hbm>> -> memref<1x4096xf32, #tpu.memory_space<hbm>>
    %dma_start3A_270 = tpu.memref_squeeze %dma_start3A_269 : memref<1x4096xf32, #tpu.memory_space<hbm>> -> memref<4096xf32, #tpu.memory_space<hbm>>
    %dma_start3A_271 = arith.constant 0 : i32
    %dma_start3A_272 = tpu.memref_slice %arg4[%add3A_263, %dma_start3A_271] : memref<832x4096xf32, #tpu.memory_space<hbm>> -> memref<1x4096xf32, #tpu.memory_space<hbm>>
    %dma_start3A_273 = tpu.memref_squeeze %dma_start3A_272 : memref<1x4096xf32, #tpu.memory_space<hbm>> -> memref<4096xf32, #tpu.memory_space<hbm>>
    %dma_start3A_274 = arith.constant 0 : i32
    %dma_start3A_275 = tpu.memref_slice %arg7[%dma_start3A_264, %dma_start3A_274] : memref<2x4096xf32, #tpu.memory_space<vmem>> -> memref<1x4096xf32, #tpu.memory_space<vmem>>
    %dma_start3A_276 = tpu.memref_squeeze %dma_start3A_275 : memref<1x4096xf32, #tpu.memory_space<vmem>> -> memref<4096xf32, #tpu.memory_space<vmem>>
    tpu.enqueue_dma source(%dma_start3A_276 : memref<4096xf32, #tpu.memory_space<vmem>>) target(%dma_start3A_273 : memref<4096xf32, #tpu.memory_space<hbm>>) target_semaphore(%arg9 : memref<!tpu.dma_semaphore, #tpu.memory_space<semaphore_mem>>)
    %add3A_277 = arith.constant 1 : i32
    %add3A_278 = arith.addi %mul3A_2, %add3A_277 : i32
    %dma_wait3A_279 = arith.constant 1 : i32
    %dma_wait3A_280 = arith.constant 0 : i32
    %dma_wait3A_281 = tpu.memref_slice %arg7[%dma_wait3A_279, %dma_wait3A_280] : memref<2x4096xf32, #tpu.memory_space<vmem>> -> memref<1x4096xf32, #tpu.memory_space<vmem>>
    %dma_wait3A_282 = tpu.memref_squeeze %dma_wait3A_281 : memref<1x4096xf32, #tpu.memory_space<vmem>> -> memref<4096xf32, #tpu.memory_space<vmem>>
    %dma_wait3A_283 = arith.constant 0 : i32
    %dma_wait3A_284 = tpu.memref_slice %arg4[%add3A_278, %dma_wait3A_283] : memref<832x4096xf32, #tpu.memory_space<hbm>> -> memref<1x4096xf32, #tpu.memory_space<hbm>>
    %dma_wait3A_285 = tpu.memref_squeeze %dma_wait3A_284 : memref<1x4096xf32, #tpu.memory_space<hbm>> -> memref<4096xf32, #tpu.memory_space<hbm>>
    %dma_wait3A_286 = arith.constant 0 : i32
    %dma_wait3A_287 = tpu.memref_slice %arg4[%add3A_278, %dma_wait3A_286] : memref<832x4096xf32, #tpu.memory_space<hbm>> -> memref<1x4096xf32, #tpu.memory_space<hbm>>
    %dma_wait3A_288 = tpu.memref_squeeze %dma_wait3A_287 : memref<1x4096xf32, #tpu.memory_space<hbm>> -> memref<4096xf32, #tpu.memory_space<hbm>>
    %dma_wait3A_289 = arith.constant 0 : i32
    %dma_wait3A_290 = tpu.memref_slice %arg7[%dma_wait3A_279, %dma_wait3A_289] : memref<2x4096xf32, #tpu.memory_space<vmem>> -> memref<1x4096xf32, #tpu.memory_space<vmem>>
    %dma_wait3A_291 = tpu.memref_squeeze %dma_wait3A_290 : memref<1x4096xf32, #tpu.memory_space<vmem>> -> memref<4096xf32, #tpu.memory_space<vmem>>
    tpu.wait_dma2 semaphore(%arg9 : memref<!tpu.dma_semaphore, #tpu.memory_space<semaphore_mem>>) src(%dma_wait3A_291 : memref<4096xf32, #tpu.memory_space<vmem>>) dst(%dma_wait3A_288 : memref<4096xf32, #tpu.memory_space<hbm>>)
    %dma_start3A_292 = arith.constant 1 : i32
    %dma_start3A_293 = arith.constant 1 : i32
    %dma_start3A_294 = arith.constant 0 : i32
    %dma_start3A_295 = tpu.memref_slice %arg7[%dma_start3A_293, %dma_start3A_294] : memref<2x4096xf32, #tpu.memory_space<vmem>> -> memref<1x4096xf32, #tpu.memory_space<vmem>>
    %dma_start3A_296 = tpu.memref_squeeze %dma_start3A_295 : memref<1x4096xf32, #tpu.memory_space<vmem>> -> memref<4096xf32, #tpu.memory_space<vmem>>
    %dma_start3A_297 = arith.constant 0 : i32
    %dma_start3A_298 = tpu.memref_slice %arg6[%dma_start3A_292, %dma_start3A_297] : memref<2x4096xi32, #tpu.memory_space<vmem>> -> memref<1x4096xi32, #tpu.memory_space<vmem>>
    %dma_start3A_299 = tpu.memref_squeeze %dma_start3A_298 : memref<1x4096xi32, #tpu.memory_space<vmem>> -> memref<4096xi32, #tpu.memory_space<vmem>>
    %dma_start3A_300 = arith.constant 0 : i32
    %dma_start3A_301 = tpu.memref_slice %arg2[%dma_start3A_300] : memref<83200000xf32, #tpu.memory_space<hbm>> -> memref<83200000xf32, #tpu.memory_space<hbm>>
    tpu.enqueue_indirect_dma source(%dma_start3A_301 : memref<83200000xf32, #tpu.memory_space<hbm>>) target(%dma_start3A_296 : memref<4096xf32, #tpu.memory_space<vmem>>) offsets(%dma_start3A_299 : memref<4096xi32, #tpu.memory_space<vmem>>) semaphore(%arg8 : memref<!tpu.dma_semaphore, #tpu.memory_space<semaphore_mem>>)
    %add3A_302 = arith.constant 4 : i32
    %add3A_303 = arith.addi %mul3A_2, %add3A_302 : i32
    %jit3A_304 = arith.constant 32 : i32
    %div3A_305 = arith.divsi %add3A_303, %jit3A_304 : i32
    %sign3A_306 = arith.constant 0 : i32
    %sign3A_307 = arith.cmpi sgt, %add3A_303, %sign3A_306 : i32
    %sign3A_308 = arith.extui %sign3A_307 : i1 to i32
    %sign3A_309 = arith.constant 0 : i32
    %sign3A_310 = arith.cmpi slt, %add3A_303, %sign3A_309 : i32
    %sign3A_311 = arith.extui %sign3A_310 : i1 to i32
    %sign3A_312 = arith.subi %sign3A_308, %sign3A_311 : i32
    %sign3A_313 = arith.constant 0 : i32
    %sign3A_314 = arith.cmpi sgt, %jit3A_304, %sign3A_313 : i32
    %sign3A_315 = arith.extui %sign3A_314 : i1 to i32
    %sign3A_316 = arith.constant 0 : i32
    %sign3A_317 = arith.cmpi slt, %jit3A_304, %sign3A_316 : i32
    %sign3A_318 = arith.extui %sign3A_317 : i1 to i32
    %sign3A_319 = arith.subi %sign3A_315, %sign3A_318 : i32
    %ne3A_320 = arith.cmpi ne, %sign3A_312, %sign3A_319 : i32
    %rem3A_321 = arith.remsi %add3A_303, %jit3A_304 : i32
    %ne3A_322 = arith.constant 0 : i32
    %ne3A_323 = arith.cmpi ne, %rem3A_321, %ne3A_322 : i32
    %and3A_324 = arith.andi %ne3A_320, %ne3A_323 : i1
    %sub3A_325 = arith.constant 1 : i32
    %sub3A_326 = arith.subi %div3A_305, %sub3A_325 : i32
    %select_n3A_327 = arith.select %and3A_324, %sub3A_326, %div3A_305 : i32
    %sub3A_328 = arith.subi %select_n3A_327, %min3A_19 : i32
    %mul3A_329 = arith.constant 100000 : i32
    %mul3A_330 = arith.muli %add3A_303, %mul3A_329 : i32
    %scan3A_331 = arith.constant 0 : i32
    %scan3A_332 = arith.constant 0 : i32
    %scan3A_333 = arith.constant 256 : i32
    %scan3A_334 = arith.addi %scan3A_332, %scan3A_333 : i32
    %scan3A_335 = arith.constant 1 : i32
    scf.for %scan3A_2227 = %scan3A_332 to %scan3A_334 step %scan3A_335  : i32 {
      %mul3A_2228 = arith.constant 16 : i32
      %mul3A_2229 = arith.muli %scan3A_2227, %mul3A_2228 : i32
      %get3A = arith.index_cast %sub3A_328 : i32 to index
      %get3A_2230 = arith.index_cast %mul3A_2229 : i32 to index
      %get3A_2231 = tpu.vector_load %arg5[%get3A, %get3A_2230] {strides = array<i32>} : memref<2x4096xi32, #tpu.memory_space<vmem>>, vector<1x16xi32>,
      %get3A_2232 = vector.shape_cast %get3A_2231 : vector<1x16xi32> to vector<16xi32>
      %add3A_2233 = vector.broadcast %mul3A_330 : i32 to vector<16xi32>
      %add3A_2234 = arith.addi %get3A_2232, %add3A_2233 : vector<16xi32>
      %mul3A_2235 = arith.constant 16 : i32
      %mul3A_2236 = arith.muli %scan3A_2227, %mul3A_2235 : i32
      %swap3A = arith.constant 0 : i32
      %swap3A_2237 = arith.index_cast %swap3A : i32 to index
      %swap3A_2238 = arith.index_cast %mul3A_2236 : i32 to index
      %swap3A_2239 = tpu.vector_load %arg6[%swap3A_2237, %swap3A_2238] {strides = array<i32>} : memref<2x4096xi32, #tpu.memory_space<vmem>>, vector<1x16xi32>,
      %swap3A_2240 = vector.shape_cast %swap3A_2239 : vector<1x16xi32> to vector<16xi32>
      %swap3A_2241 = vector.shape_cast %add3A_2234 : vector<16xi32> to vector<1x16xi32>
      tpu.vector_store %arg6[%swap3A_2237, %swap3A_2238], %swap3A_2241 {strides = array<i32>} : memref<2x4096xi32, #tpu.memory_space<vmem>>, vector<1x16xi32>,
    }
    %scan3A_336 = arith.constant 256 : i32
    %dma_wait3A_337 = arith.constant 1 : i32
    %dma_wait3A_338 = arith.constant 1 : i32
    %dma_wait3A_339 = arith.constant 0 : i32
    %dma_wait3A_340 = tpu.memref_slice %arg7[%dma_wait3A_338, %dma_wait3A_339] : memref<2x4096xf32, #tpu.memory_space<vmem>> -> memref<1x4096xf32, #tpu.memory_space<vmem>>
    %dma_wait3A_341 = tpu.memref_squeeze %dma_wait3A_340 : memref<1x4096xf32, #tpu.memory_space<vmem>> -> memref<4096xf32, #tpu.memory_space<vmem>>
    %dma_wait3A_342 = arith.constant 0 : i32
    %dma_wait3A_343 = tpu.memref_slice %arg6[%dma_wait3A_337, %dma_wait3A_342] : memref<2x4096xi32, #tpu.memory_space<vmem>> -> memref<1x4096xi32, #tpu.memory_space<vmem>>
    %dma_wait3A_344 = tpu.memref_squeeze %dma_wait3A_343 : memref<1x4096xi32, #tpu.memory_space<vmem>> -> memref<4096xi32, #tpu.memory_space<vmem>>
    %dma_wait3A_345 = arith.constant 0 : i32
    %dma_wait3A_346 = tpu.memref_slice %arg2[%dma_wait3A_345] : memref<83200000xf32, #tpu.memory_space<hbm>> -> memref<83200000xf32, #tpu.memory_space<hbm>>
    tpu.wait_indirect_dma semaphore(%arg8 : memref<!tpu.dma_semaphore, #tpu.memory_space<semaphore_mem>>) src(%dma_wait3A_346 : memref<83200000xf32, #tpu.memory_space<hbm>>) dst(%dma_wait3A_341 : memref<4096xf32, #tpu.memory_space<vmem>>)
    %add3A_347 = arith.constant 3 : i32
    %add3A_348 = arith.addi %mul3A_2, %add3A_347 : i32
    %dma_start3A_349 = arith.constant 1 : i32
    %dma_start3A_350 = arith.constant 0 : i32
    %dma_start3A_351 = tpu.memref_slice %arg7[%dma_start3A_349, %dma_start3A_350] : memref<2x4096xf32, #tpu.memory_space<vmem>> -> memref<1x4096xf32, #tpu.memory_space<vmem>>
    %dma_start3A_352 = tpu.memref_squeeze %dma_start3A_351 : memref<1x4096xf32, #tpu.memory_space<vmem>> -> memref<4096xf32, #tpu.memory_space<vmem>>
    %dma_start3A_353 = arith.constant 0 : i32
    %dma_start3A_354 = tpu.memref_slice %arg4[%add3A_348, %dma_start3A_353] : memref<832x4096xf32, #tpu.memory_space<hbm>> -> memref<1x4096xf32, #tpu.memory_space<hbm>>
    %dma_start3A_355 = tpu.memref_squeeze %dma_start3A_354 : memref<1x4096xf32, #tpu.memory_space<hbm>> -> memref<4096xf32, #tpu.memory_space<hbm>>
    %dma_start3A_356 = arith.constant 0 : i32
    %dma_start3A_357 = tpu.memref_slice %arg4[%add3A_348, %dma_start3A_356] : memref<832x4096xf32, #tpu.memory_space<hbm>> -> memref<1x4096xf32, #tpu.memory_space<hbm>>
    %dma_start3A_358 = tpu.memref_squeeze %dma_start3A_357 : memref<1x4096xf32, #tpu.memory_space<hbm>> -> memref<4096xf32, #tpu.memory_space<hbm>>
    %dma_start3A_359 = arith.constant 0 : i32
    %dma_start3A_360 = tpu.memref_slice %arg7[%dma_start3A_349, %dma_start3A_359] : memref<2x4096xf32, #tpu.memory_space<vmem>> -> memref<1x4096xf32, #tpu.memory_space<vmem>>
    %dma_start3A_361 = tpu.memref_squeeze %dma_start3A_360 : memref<1x4096xf32, #tpu.memory_space<vmem>> -> memref<4096xf32, #tpu.memory_space<vmem>>
    tpu.enqueue_dma source(%dma_start3A_361 : memref<4096xf32, #tpu.memory_space<vmem>>) target(%dma_start3A_358 : memref<4096xf32, #tpu.memory_space<hbm>>) target_semaphore(%arg9 : memref<!tpu.dma_semaphore, #tpu.memory_space<semaphore_mem>>)
    %add3A_362 = arith.constant 2 : i32
    %add3A_363 = arith.addi %mul3A_2, %add3A_362 : i32
    %dma_wait3A_364 = arith.constant 0 : i32
    %dma_wait3A_365 = arith.constant 0 : i32
    %dma_wait3A_366 = tpu.memref_slice %arg7[%dma_wait3A_364, %dma_wait3A_365] : memref<2x4096xf32, #tpu.memory_space<vmem>> -> memref<1x4096xf32, #tpu.memory_space<vmem>>
    %dma_wait3A_367 = tpu.memref_squeeze %dma_wait3A_366 : memref<1x4096xf32, #tpu.memory_space<vmem>> -> memref<4096xf32, #tpu.memory_space<vmem>>
    %dma_wait3A_368 = arith.constant 0 : i32
    %dma_wait3A_369 = tpu.memref_slice %arg4[%add3A_363, %dma_wait3A_368] : memref<832x4096xf32, #tpu.memory_space<hbm>> -> memref<1x4096xf32, #tpu.memory_space<hbm>>
    %dma_wait3A_370 = tpu.memref_squeeze %dma_wait3A_369 : memref<1x4096xf32, #tpu.memory_space<hbm>> -> memref<4096xf32, #tpu.memory_space<hbm>>
    %dma_wait3A_371 = arith.constant 0 : i32
    %dma_wait3A_372 = tpu.memref_slice %arg4[%add3A_363, %dma_wait3A_371] : memref<832x4096xf32, #tpu.memory_space<hbm>> -> memref<1x4096xf32, #tpu.memory_space<hbm>>
    %dma_wait3A_373 = tpu.memref_squeeze %dma_wait3A_372 : memref<1x4096xf32, #tpu.memory_space<hbm>> -> memref<4096xf32, #tpu.memory_space<hbm>>
    %dma_wait3A_374 = arith.constant 0 : i32
    %dma_wait3A_375 = tpu.memref_slice %arg7[%dma_wait3A_364, %dma_wait3A_374] : memref<2x4096xf32, #tpu.memory_space<vmem>> -> memref<1x4096xf32, #tpu.memory_space<vmem>>
    %dma_wait3A_376 = tpu.memref_squeeze %dma_wait3A_375 : memref<1x4096xf32, #tpu.memory_space<vmem>> -> memref<4096xf32, #tpu.memory_space<vmem>>
    tpu.wait_dma2 semaphore(%arg9 : memref<!tpu.dma_semaphore, #tpu.memory_space<semaphore_mem>>) src(%dma_wait3A_376 : memref<4096xf32, #tpu.memory_space<vmem>>) dst(%dma_wait3A_373 : memref<4096xf32, #tpu.memory_space<hbm>>)
    %dma_start3A_377 = arith.constant 0 : i32
    %dma_start3A_378 = arith.constant 0 : i32
    %dma_start3A_379 = arith.constant 0 : i32
    %dma_start3A_380 = tpu.memref_slice %arg7[%dma_start3A_378, %dma_start3A_379] : memref<2x4096xf32, #tpu.memory_space<vmem>> -> memref<1x4096xf32, #tpu.memory_space<vmem>>
    %dma_start3A_381 = tpu.memref_squeeze %dma_start3A_380 : memref<1x4096xf32, #tpu.memory_space<vmem>> -> memref<4096xf32, #tpu.memory_space<vmem>>
    %dma_start3A_382 = arith.constant 0 : i32
    %dma_start3A_383 = tpu.memref_slice %arg6[%dma_start3A_377, %dma_start3A_382] : memref<2x4096xi32, #tpu.memory_space<vmem>> -> memref<1x4096xi32, #tpu.memory_space<vmem>>
    %dma_start3A_384 = tpu.memref_squeeze %dma_start3A_383 : memref<1x4096xi32, #tpu.memory_space<vmem>> -> memref<4096xi32, #tpu.memory_space<vmem>>
    %dma_start3A_385 = arith.constant 0 : i32
    %dma_start3A_386 = tpu.memref_slice %arg2[%dma_start3A_385] : memref<83200000xf32, #tpu.memory_space<hbm>> -> memref<83200000xf32, #tpu.memory_space<hbm>>
    tpu.enqueue_indirect_dma source(%dma_start3A_386 : memref<83200000xf32, #tpu.memory_space<hbm>>) target(%dma_start3A_381 : memref<4096xf32, #tpu.memory_space<vmem>>) offsets(%dma_start3A_384 : memref<4096xi32, #tpu.memory_space<vmem>>) semaphore(%arg8 : memref<!tpu.dma_semaphore, #tpu.memory_space<semaphore_mem>>)
    %add3A_387 = arith.constant 5 : i32
    %add3A_388 = arith.addi %mul3A_2, %add3A_387 : i32
    %jit3A_389 = arith.constant 32 : i32
    %div3A_390 = arith.divsi %add3A_388, %jit3A_389 : i32
    %sign3A_391 = arith.constant 0 : i32
    %sign3A_392 = arith.cmpi sgt, %add3A_388, %sign3A_391 : i32
    %sign3A_393 = arith.extui %sign3A_392 : i1 to i32
    %sign3A_394 = arith.constant 0 : i32
    %sign3A_395 = arith.cmpi slt, %add3A_388, %sign3A_394 : i32
    %sign3A_396 = arith.extui %sign3A_395 : i1 to i32
    %sign3A_397 = arith.subi %sign3A_393, %sign3A_396 : i32
    %sign3A_398 = arith.constant 0 : i32
    %sign3A_399 = arith.cmpi sgt, %jit3A_389, %sign3A_398 : i32
    %sign3A_400 = arith.extui %sign3A_399 : i1 to i32
    %sign3A_401 = arith.constant 0 : i32
    %sign3A_402 = arith.cmpi slt, %jit3A_389, %sign3A_401 : i32
    %sign3A_403 = arith.extui %sign3A_402 : i1 to i32
    %sign3A_404 = arith.subi %sign3A_400, %sign3A_403 : i32
    %ne3A_405 = arith.cmpi ne, %sign3A_397, %sign3A_404 : i32
    %rem3A_406 = arith.remsi %add3A_388, %jit3A_389 : i32
    %ne3A_407 = arith.constant 0 : i32
    %ne3A_408 = arith.cmpi ne, %rem3A_406, %ne3A_407 : i32
    %and3A_409 = arith.andi %ne3A_405, %ne3A_408 : i1
    %sub3A_410 = arith.constant 1 : i32
    %sub3A_411 = arith.subi %div3A_390, %sub3A_410 : i32
    %select_n3A_412 = arith.select %and3A_409, %sub3A_411, %div3A_390 : i32
    %sub3A_413 = arith.subi %select_n3A_412, %min3A_19 : i32
    %mul3A_414 = arith.constant 100000 : i32
    %mul3A_415 = arith.muli %add3A_388, %mul3A_414 : i32
    %scan3A_416 = arith.constant 0 : i32
    %scan3A_417 = arith.constant 0 : i32
    %scan3A_418 = arith.constant 256 : i32
    %scan3A_419 = arith.addi %scan3A_417, %scan3A_418 : i32
    %scan3A_420 = arith.constant 1 : i32
    scf.for %scan3A_2227 = %scan3A_417 to %scan3A_419 step %scan3A_420  : i32 {
      %mul3A_2228 = arith.constant 16 : i32
      %mul3A_2229 = arith.muli %scan3A_2227, %mul3A_2228 : i32
      %get3A = arith.index_cast %sub3A_413 : i32 to index
      %get3A_2230 = arith.index_cast %mul3A_2229 : i32 to index
      %get3A_2231 = tpu.vector_load %arg5[%get3A, %get3A_2230] {strides = array<i32>} : memref<2x4096xi32, #tpu.memory_space<vmem>>, vector<1x16xi32>,
      %get3A_2232 = vector.shape_cast %get3A_2231 : vector<1x16xi32> to vector<16xi32>
      %add3A_2233 = vector.broadcast %mul3A_415 : i32 to vector<16xi32>
      %add3A_2234 = arith.addi %get3A_2232, %add3A_2233 : vector<16xi32>
      %mul3A_2235 = arith.constant 16 : i32
      %mul3A_2236 = arith.muli %scan3A_2227, %mul3A_2235 : i32
      %swap3A = arith.constant 1 : i32
      %swap3A_2237 = arith.index_cast %swap3A : i32 to index
      %swap3A_2238 = arith.index_cast %mul3A_2236 : i32 to index
      %swap3A_2239 = tpu.vector_load %arg6[%swap3A_2237, %swap3A_2238] {strides = array<i32>} : memref<2x4096xi32, #tpu.memory_space<vmem>>, vector<1x16xi32>,
      %swap3A_2240 = vector.shape_cast %swap3A_2239 : vector<1x16xi32> to vector<16xi32>
      %swap3A_2241 = vector.shape_cast %add3A_2234 : vector<16xi32> to vector<1x16xi32>
      tpu.vector_store %arg6[%swap3A_2237, %swap3A_2238], %swap3A_2241 {strides = array<i32>} : memref<2x4096xi32, #tpu.memory_space<vmem>>, vector<1x16xi32>,
    }
    %scan3A_421 = arith.constant 256 : i32
    %dma_wait3A_422 = arith.constant 0 : i32
    %dma_wait3A_423 = arith.constant 0 : i32
    %dma_wait3A_424 = arith.constant 0 : i32
    %dma_wait3A_425 = tpu.memref_slice %arg7[%dma_wait3A_423, %dma_wait3A_424] : memref<2x4096xf32, #tpu.memory_space<vmem>> -> memref<1x4096xf32, #tpu.memory_space<vmem>>
    %dma_wait3A_426 = tpu.memref_squeeze %dma_wait3A_425 : memref<1x4096xf32, #tpu.memory_space<vmem>> -> memref<4096xf32, #tpu.memory_space<vmem>>
    %dma_wait3A_427 = arith.constant 0 : i32
    %dma_wait3A_428 = tpu.memref_slice %arg6[%dma_wait3A_422, %dma_wait3A_427] : memref<2x4096xi32, #tpu.memory_space<vmem>> -> memref<1x4096xi32, #tpu.memory_space<vmem>>
    %dma_wait3A_429 = tpu.memref_squeeze %dma_wait3A_428 : memref<1x4096xi32, #tpu.memory_space<vmem>> -> memref<4096xi32, #tpu.memory_space<vmem>>
    %dma_wait3A_430 = arith.constant 0 : i32
    %dma_wait3A_431 = tpu.memref_slice %arg2[%dma_wait3A_430] : memref<83200000xf32, #tpu.memory_space<hbm>> -> memref<83200000xf32, #tpu.memory_space<hbm>>
    tpu.wait_indirect_dma semaphore(%arg8 : memref<!tpu.dma_semaphore, #tpu.memory_space<semaphore_mem>>) src(%dma_wait3A_431 : memref<83200000xf32, #tpu.memory_space<hbm>>) dst(%dma_wait3A_426 : memref<4096xf32, #tpu.memory_space<vmem>>)
    %add3A_432 = arith.constant 4 : i32
    %add3A_433 = arith.addi %mul3A_2, %add3A_432 : i32
    %dma_start3A_434 = arith.constant 0 : i32
    %dma_start3A_435 = arith.constant 0 : i32
    %dma_start3A_436 = tpu.memref_slice %arg7[%dma_start3A_434, %dma_start3A_435] : memref<2x4096xf32, #tpu.memory_space<vmem>> -> memref<1x4096xf32, #tpu.memory_space<vmem>>
    %dma_start3A_437 = tpu.memref_squeeze %dma_start3A_436 : memref<1x4096xf32, #tpu.memory_space<vmem>> -> memref<4096xf32, #tpu.memory_space<vmem>>
    %dma_start3A_438 = arith.constant 0 : i32
    %dma_start3A_439 = tpu.memref_slice %arg4[%add3A_433, %dma_start3A_438] : memref<832x4096xf32, #tpu.memory_space<hbm>> -> memref<1x4096xf32, #tpu.memory_space<hbm>>
    %dma_start3A_440 = tpu.memref_squeeze %dma_start3A_439 : memref<1x4096xf32, #tpu.memory_space<hbm>> -> memref<4096xf32, #tpu.memory_space<hbm>>
    %dma_start3A_441 = arith.constant 0 : i32
    %dma_start3A_442 = tpu.memref_slice %arg4[%add3A_433, %dma_start3A_441] : memref<832x4096xf32, #tpu.memory_space<hbm>> -> memref<1x4096xf32, #tpu.memory_space<hbm>>
    %dma_start3A_443 = tpu.memref_squeeze %dma_start3A_442 : memref<1x4096xf32, #tpu.memory_space<hbm>> -> memref<4096xf32, #tpu.memory_space<hbm>>
    %dma_start3A_444 = arith.constant 0 : i32
    %dma_start3A_445 = tpu.memref_slice %arg7[%dma_start3A_434, %dma_start3A_444] : memref<2x4096xf32, #tpu.memory_space<vmem>> -> memref<1x4096xf32, #tpu.memory_space<vmem>>
    %dma_start3A_446 = tpu.memref_squeeze %dma_start3A_445 : memref<1x4096xf32, #tpu.memory_space<vmem>> -> memref<4096xf32, #tpu.memory_space<vmem>>
    tpu.enqueue_dma source(%dma_start3A_446 : memref<4096xf32, #tpu.memory_space<vmem>>) target(%dma_start3A_443 : memref<4096xf32, #tpu.memory_space<hbm>>) target_semaphore(%arg9 : memref<!tpu.dma_semaphore, #tpu.memory_space<semaphore_mem>>)
    %add3A_447 = arith.constant 3 : i32
    %add3A_448 = arith.addi %mul3A_2, %add3A_447 : i32
    %dma_wait3A_449 = arith.constant 1 : i32
    %dma_wait3A_450 = arith.constant 0 : i32
    %dma_wait3A_451 = tpu.memref_slice %arg7[%dma_wait3A_449, %dma_wait3A_450] : memref<2x4096xf32, #tpu.memory_space<vmem>> -> memref<1x4096xf32, #tpu.memory_space<vmem>>
    %dma_wait3A_452 = tpu.memref_squeeze %dma_wait3A_451 : memref<1x4096xf32, #tpu.memory_space<vmem>> -> memref<4096xf32, #tpu.memory_space<vmem>>
    %dma_wait3A_453 = arith.constant 0 : i32
    %dma_wait3A_454 = tpu.memref_slice %arg4[%add3A_448, %dma_wait3A_453] : memref<832x4096xf32, #tpu.memory_space<hbm>> -> memref<1x4096xf32, #tpu.memory_space<hbm>>
    %dma_wait3A_455 = tpu.memref_squeeze %dma_wait3A_454 : memref<1x4096xf32, #tpu.memory_space<hbm>> -> memref<4096xf32, #tpu.memory_space<hbm>>
    %dma_wait3A_456 = arith.constant 0 : i32
    %dma_wait3A_457 = tpu.memref_slice %arg4[%add3A_448, %dma_wait3A_456] : memref<832x4096xf32, #tpu.memory_space<hbm>> -> memref<1x4096xf32, #tpu.memory_space<hbm>>
    %dma_wait3A_458 = tpu.memref_squeeze %dma_wait3A_457 : memref<1x4096xf32, #tpu.memory_space<hbm>> -> memref<4096xf32, #tpu.memory_space<hbm>>
    %dma_wait3A_459 = arith.constant 0 : i32
    %dma_wait3A_460 = tpu.memref_slice %arg7[%dma_wait3A_449, %dma_wait3A_459] : memref<2x4096xf32, #tpu.memory_space<vmem>> -> memref<1x4096xf32, #tpu.memory_space<vmem>>
    %dma_wait3A_461 = tpu.memref_squeeze %dma_wait3A_460 : memref<1x4096xf32, #tpu.memory_space<vmem>> -> memref<4096xf32, #tpu.memory_space<vmem>>
    tpu.wait_dma2 semaphore(%arg9 : memref<!tpu.dma_semaphore, #tpu.memory_space<semaphore_mem>>) src(%dma_wait3A_461 : memref<4096xf32, #tpu.memory_space<vmem>>) dst(%dma_wait3A_458 : memref<4096xf32, #tpu.memory_space<hbm>>)
    %dma_start3A_462 = arith.constant 1 : i32
    %dma_start3A_463 = arith.constant 1 : i32
    %dma_start3A_464 = arith.constant 0 : i32
    %dma_start3A_465 = tpu.memref_slice %arg7[%dma_start3A_463, %dma_start3A_464] : memref<2x4096xf32, #tpu.memory_space<vmem>> -> memref<1x4096xf32, #tpu.memory_space<vmem>>
    %dma_start3A_466 = tpu.memref_squeeze %dma_start3A_465 : memref<1x4096xf32, #tpu.memory_space<vmem>> -> memref<4096xf32, #tpu.memory_space<vmem>>
    %dma_start3A_467 = arith.constant 0 : i32
    %dma_start3A_468 = tpu.memref_slice %arg6[%dma_start3A_462, %dma_start3A_467] : memref<2x4096xi32, #tpu.memory_space<vmem>> -> memref<1x4096xi32, #tpu.memory_space<vmem>>
    %dma_start3A_469 = tpu.memref_squeeze %dma_start3A_468 : memref<1x4096xi32, #tpu.memory_space<vmem>> -> memref<4096xi32, #tpu.memory_space<vmem>>
    %dma_start3A_470 = arith.constant 0 : i32
    %dma_start3A_471 = tpu.memref_slice %arg2[%dma_start3A_470] : memref<83200000xf32, #tpu.memory_space<hbm>> -> memref<83200000xf32, #tpu.memory_space<hbm>>
    tpu.enqueue_indirect_dma source(%dma_start3A_471 : memref<83200000xf32, #tpu.memory_space<hbm>>) target(%dma_start3A_466 : memref<4096xf32, #tpu.memory_space<vmem>>) offsets(%dma_start3A_469 : memref<4096xi32, #tpu.memory_space<vmem>>) semaphore(%arg8 : memref<!tpu.dma_semaphore, #tpu.memory_space<semaphore_mem>>)
    %add3A_472 = arith.constant 6 : i32
    %add3A_473 = arith.addi %mul3A_2, %add3A_472 : i32
    %jit3A_474 = arith.constant 32 : i32
    %div3A_475 = arith.divsi %add3A_473, %jit3A_474 : i32
    %sign3A_476 = arith.constant 0 : i32
    %sign3A_477 = arith.cmpi sgt, %add3A_473, %sign3A_476 : i32
    %sign3A_478 = arith.extui %sign3A_477 : i1 to i32
    %sign3A_479 = arith.constant 0 : i32
    %sign3A_480 = arith.cmpi slt, %add3A_473, %sign3A_479 : i32
    %sign3A_481 = arith.extui %sign3A_480 : i1 to i32
    %sign3A_482 = arith.subi %sign3A_478, %sign3A_481 : i32
    %sign3A_483 = arith.constant 0 : i32
    %sign3A_484 = arith.cmpi sgt, %jit3A_474, %sign3A_483 : i32
    %sign3A_485 = arith.extui %sign3A_484 : i1 to i32
    %sign3A_486 = arith.constant 0 : i32
    %sign3A_487 = arith.cmpi slt, %jit3A_474, %sign3A_486 : i32
    %sign3A_488 = arith.extui %sign3A_487 : i1 to i32
    %sign3A_489 = arith.subi %sign3A_485, %sign3A_488 : i32
    %ne3A_490 = arith.cmpi ne, %sign3A_482, %sign3A_489 : i32
    %rem3A_491 = arith.remsi %add3A_473, %jit3A_474 : i32
    %ne3A_492 = arith.constant 0 : i32
    %ne3A_493 = arith.cmpi ne, %rem3A_491, %ne3A_492 : i32
    %and3A_494 = arith.andi %ne3A_490, %ne3A_493 : i1
    %sub3A_495 = arith.constant 1 : i32
    %sub3A_496 = arith.subi %div3A_475, %sub3A_495 : i32
    %select_n3A_497 = arith.select %and3A_494, %sub3A_496, %div3A_475 : i32
    %sub3A_498 = arith.subi %select_n3A_497, %min3A_19 : i32
    %mul3A_499 = arith.constant 100000 : i32
    %mul3A_500 = arith.muli %add3A_473, %mul3A_499 : i32
    %scan3A_501 = arith.constant 0 : i32
    %scan3A_502 = arith.constant 0 : i32
    %scan3A_503 = arith.constant 256 : i32
    %scan3A_504 = arith.addi %scan3A_502, %scan3A_503 : i32
    %scan3A_505 = arith.constant 1 : i32
    scf.for %scan3A_2227 = %scan3A_502 to %scan3A_504 step %scan3A_505  : i32 {
      %mul3A_2228 = arith.constant 16 : i32
      %mul3A_2229 = arith.muli %scan3A_2227, %mul3A_2228 : i32
      %get3A = arith.index_cast %sub3A_498 : i32 to index
      %get3A_2230 = arith.index_cast %mul3A_2229 : i32 to index
      %get3A_2231 = tpu.vector_load %arg5[%get3A, %get3A_2230] {strides = array<i32>} : memref<2x4096xi32, #tpu.memory_space<vmem>>, vector<1x16xi32>,
      %get3A_2232 = vector.shape_cast %get3A_2231 : vector<1x16xi32> to vector<16xi32>
      %add3A_2233 = vector.broadcast %mul3A_500 : i32 to vector<16xi32>
      %add3A_2234 = arith.addi %get3A_2232, %add3A_2233 : vector<16xi32>
      %mul3A_2235 = arith.constant 16 : i32
      %mul3A_2236 = arith.muli %scan3A_2227, %mul3A_2235 : i32
      %swap3A = arith.constant 0 : i32
      %swap3A_2237 = arith.index_cast %swap3A : i32 to index
      %swap3A_2238 = arith.index_cast %mul3A_2236 : i32 to index
      %swap3A_2239 = tpu.vector_load %arg6[%swap3A_2237, %swap3A_2238] {strides = array<i32>} : memref<2x4096xi32, #tpu.memory_space<vmem>>, vector<1x16xi32>,
      %swap3A_2240 = vector.shape_cast %swap3A_2239 : vector<1x16xi32> to vector<16xi32>
      %swap3A_2241 = vector.shape_cast %add3A_2234 : vector<16xi32> to vector<1x16xi32>
      tpu.vector_store %arg6[%swap3A_2237, %swap3A_2238], %swap3A_2241 {strides = array<i32>} : memref<2x4096xi32, #tpu.memory_space<vmem>>, vector<1x16xi32>,
    }
    %scan3A_506 = arith.constant 256 : i32
    %dma_wait3A_507 = arith.constant 1 : i32
    %dma_wait3A_508 = arith.constant 1 : i32
    %dma_wait3A_509 = arith.constant 0 : i32
    %dma_wait3A_510 = tpu.memref_slice %arg7[%dma_wait3A_508, %dma_wait3A_509] : memref<2x4096xf32, #tpu.memory_space<vmem>> -> memref<1x4096xf32, #tpu.memory_space<vmem>>
    %dma_wait3A_511 = tpu.memref_squeeze %dma_wait3A_510 : memref<1x4096xf32, #tpu.memory_space<vmem>> -> memref<4096xf32, #tpu.memory_space<vmem>>
    %dma_wait3A_512 = arith.constant 0 : i32
    %dma_wait3A_513 = tpu.memref_slice %arg6[%dma_wait3A_507, %dma_wait3A_512] : memref<2x4096xi32, #tpu.memory_space<vmem>> -> memref<1x4096xi32, #tpu.memory_space<vmem>>
    %dma_wait3A_514 = tpu.memref_squeeze %dma_wait3A_513 : memref<1x4096xi32, #tpu.memory_space<vmem>> -> memref<4096xi32, #tpu.memory_space<vmem>>
    %dma_wait3A_515 = arith.constant 0 : i32
    %dma_wait3A_516 = tpu.memref_slice %arg2[%dma_wait3A_515] : memref<83200000xf32, #tpu.memory_space<hbm>> -> memref<83200000xf32, #tpu.memory_space<hbm>>
    tpu.wait_indirect_dma semaphore(%arg8 : memref<!tpu.dma_semaphore, #tpu.memory_space<semaphore_mem>>) src(%dma_wait3A_516 : memref<83200000xf32, #tpu.memory_space<hbm>>) dst(%dma_wait3A_511 : memref<4096xf32, #tpu.memory_space<vmem>>)
    %add3A_517 = arith.constant 5 : i32
    %add3A_518 = arith.addi %mul3A_2, %add3A_517 : i32
    %dma_start3A_519 = arith.constant 1 : i32
    %dma_start3A_520 = arith.constant 0 : i32
    %dma_start3A_521 = tpu.memref_slice %arg7[%dma_start3A_519, %dma_start3A_520] : memref<2x4096xf32, #tpu.memory_space<vmem>> -> memref<1x4096xf32, #tpu.memory_space<vmem>>
    %dma_start3A_522 = tpu.memref_squeeze %dma_start3A_521 : memref<1x4096xf32, #tpu.memory_space<vmem>> -> memref<4096xf32, #tpu.memory_space<vmem>>
    %dma_start3A_523 = arith.constant 0 : i32
    %dma_start3A_524 = tpu.memref_slice %arg4[%add3A_518, %dma_start3A_523] : memref<832x4096xf32, #tpu.memory_space<hbm>> -> memref<1x4096xf32, #tpu.memory_space<hbm>>
    %dma_start3A_525 = tpu.memref_squeeze %dma_start3A_524 : memref<1x4096xf32, #tpu.memory_space<hbm>> -> memref<4096xf32, #tpu.memory_space<hbm>>
    %dma_start3A_526 = arith.constant 0 : i32
    %dma_start3A_527 = tpu.memref_slice %arg4[%add3A_518, %dma_start3A_526] : memref<832x4096xf32, #tpu.memory_space<hbm>> -> memref<1x4096xf32, #tpu.memory_space<hbm>>
    %dma_start3A_528 = tpu.memref_squeeze %dma_start3A_527 : memref<1x4096xf32, #tpu.memory_space<hbm>> -> memref<4096xf32, #tpu.memory_space<hbm>>
    %dma_start3A_529 = arith.constant 0 : i32
    %dma_start3A_530 = tpu.memref_slice %arg7[%dma_start3A_519, %dma_start3A_529] : memref<2x4096xf32, #tpu.memory_space<vmem>> -> memref<1x4096xf32, #tpu.memory_space<vmem>>
    %dma_start3A_531 = tpu.memref_squeeze %dma_start3A_530 : memref<1x4096xf32, #tpu.memory_space<vmem>> -> memref<4096xf32, #tpu.memory_space<vmem>>
    tpu.enqueue_dma source(%dma_start3A_531 : memref<4096xf32, #tpu.memory_space<vmem>>) target(%dma_start3A_528 : memref<4096xf32, #tpu.memory_space<hbm>>) target_semaphore(%arg9 : memref<!tpu.dma_semaphore, #tpu.memory_space<semaphore_mem>>)
    %add3A_532 = arith.constant 4 : i32
    %add3A_533 = arith.addi %mul3A_2, %add3A_532 : i32
    %dma_wait3A_534 = arith.constant 0 : i32
    %dma_wait3A_535 = arith.constant 0 : i32
    %dma_wait3A_536 = tpu.memref_slice %arg7[%dma_wait3A_534, %dma_wait3A_535] : memref<2x4096xf32, #tpu.memory_space<vmem>> -> memref<1x4096xf32, #tpu.memory_space<vmem>>
    %dma_wait3A_537 = tpu.memref_squeeze %dma_wait3A_536 : memref<1x4096xf32, #tpu.memory_space<vmem>> -> memref<4096xf32, #tpu.memory_space<vmem>>
    %dma_wait3A_538 = arith.constant 0 : i32
    %dma_wait3A_539 = tpu.memref_slice %arg4[%add3A_533, %dma_wait3A_538] : memref<832x4096xf32, #tpu.memory_space<hbm>> -> memref<1x4096xf32, #tpu.memory_space<hbm>>
    %dma_wait3A_540 = tpu.memref_squeeze %dma_wait3A_539 : memref<1x4096xf32, #tpu.memory_space<hbm>> -> memref<4096xf32, #tpu.memory_space<hbm>>
    %dma_wait3A_541 = arith.constant 0 : i32
    %dma_wait3A_542 = tpu.memref_slice %arg4[%add3A_533, %dma_wait3A_541] : memref<832x4096xf32, #tpu.memory_space<hbm>> -> memref<1x4096xf32, #tpu.memory_space<hbm>>
    %dma_wait3A_543 = tpu.memref_squeeze %dma_wait3A_542 : memref<1x4096xf32, #tpu.memory_space<hbm>> -> memref<4096xf32, #tpu.memory_space<hbm>>
    %dma_wait3A_544 = arith.constant 0 : i32
    %dma_wait3A_545 = tpu.memref_slice %arg7[%dma_wait3A_534, %dma_wait3A_544] : memref<2x4096xf32, #tpu.memory_space<vmem>> -> memref<1x4096xf32, #tpu.memory_space<vmem>>
    %dma_wait3A_546 = tpu.memref_squeeze %dma_wait3A_545 : memref<1x4096xf32, #tpu.memory_space<vmem>> -> memref<4096xf32, #tpu.memory_space<vmem>>
    tpu.wait_dma2 semaphore(%arg9 : memref<!tpu.dma_semaphore, #tpu.memory_space<semaphore_mem>>) src(%dma_wait3A_546 : memref<4096xf32, #tpu.memory_space<vmem>>) dst(%dma_wait3A_543 : memref<4096xf32, #tpu.memory_space<hbm>>)
    %dma_start3A_547 = arith.constant 0 : i32
    %dma_start3A_548 = arith.constant 0 : i32
    %dma_start3A_549 = arith.constant 0 : i32
    %dma_start3A_550 = tpu.memref_slice %arg7[%dma_start3A_548, %dma_start3A_549] : memref<2x4096xf32, #tpu.memory_space<vmem>> -> memref<1x4096xf32, #tpu.memory_space<vmem>>
    %dma_start3A_551 = tpu.memref_squeeze %dma_start3A_550 : memref<1x4096xf32, #tpu.memory_space<vmem>> -> memref<4096xf32, #tpu.memory_space<vmem>>
    %dma_start3A_552 = arith.constant 0 : i32
    %dma_start3A_553 = tpu.memref_slice %arg6[%dma_start3A_547, %dma_start3A_552] : memref<2x4096xi32, #tpu.memory_space<vmem>> -> memref<1x4096xi32, #tpu.memory_space<vmem>>
    %dma_start3A_554 = tpu.memref_squeeze %dma_start3A_553 : memref<1x4096xi32, #tpu.memory_space<vmem>> -> memref<4096xi32, #tpu.memory_space<vmem>>
    %dma_start3A_555 = arith.constant 0 : i32
    %dma_start3A_556 = tpu.memref_slice %arg2[%dma_start3A_555] : memref<83200000xf32, #tpu.memory_space<hbm>> -> memref<83200000xf32, #tpu.memory_space<hbm>>
    tpu.enqueue_indirect_dma source(%dma_start3A_556 : memref<83200000xf32, #tpu.memory_space<hbm>>) target(%dma_start3A_551 : memref<4096xf32, #tpu.memory_space<vmem>>) offsets(%dma_start3A_554 : memref<4096xi32, #tpu.memory_space<vmem>>) semaphore(%arg8 : memref<!tpu.dma_semaphore, #tpu.memory_space<semaphore_mem>>)
    %add3A_557 = arith.constant 7 : i32
    %add3A_558 = arith.addi %mul3A_2, %add3A_557 : i32
    %jit3A_559 = arith.constant 32 : i32
    %div3A_560 = arith.divsi %add3A_558, %jit3A_559 : i32
    %sign3A_561 = arith.constant 0 : i32
    %sign3A_562 = arith.cmpi sgt, %add3A_558, %sign3A_561 : i32
    %sign3A_563 = arith.extui %sign3A_562 : i1 to i32
    %sign3A_564 = arith.constant 0 : i32
    %sign3A_565 = arith.cmpi slt, %add3A_558, %sign3A_564 : i32
    %sign3A_566 = arith.extui %sign3A_565 : i1 to i32
    %sign3A_567 = arith.subi %sign3A_563, %sign3A_566 : i32
    %sign3A_568 = arith.constant 0 : i32
    %sign3A_569 = arith.cmpi sgt, %jit3A_559, %sign3A_568 : i32
    %sign3A_570 = arith.extui %sign3A_569 : i1 to i32
    %sign3A_571 = arith.constant 0 : i32
    %sign3A_572 = arith.cmpi slt, %jit3A_559, %sign3A_571 : i32
    %sign3A_573 = arith.extui %sign3A_572 : i1 to i32
    %sign3A_574 = arith.subi %sign3A_570, %sign3A_573 : i32
    %ne3A_575 = arith.cmpi ne, %sign3A_567, %sign3A_574 : i32
    %rem3A_576 = arith.remsi %add3A_558, %jit3A_559 : i32
    %ne3A_577 = arith.constant 0 : i32
    %ne3A_578 = arith.cmpi ne, %rem3A_576, %ne3A_577 : i32
    %and3A_579 = arith.andi %ne3A_575, %ne3A_578 : i1
    %sub3A_580 = arith.constant 1 : i32
    %sub3A_581 = arith.subi %div3A_560, %sub3A_580 : i32
    %select_n3A_582 = arith.select %and3A_579, %sub3A_581, %div3A_560 : i32
    %sub3A_583 = arith.subi %select_n3A_582, %min3A_19 : i32
    %mul3A_584 = arith.constant 100000 : i32
    %mul3A_585 = arith.muli %add3A_558, %mul3A_584 : i32
    %scan3A_586 = arith.constant 0 : i32
    %scan3A_587 = arith.constant 0 : i32
    %scan3A_588 = arith.constant 256 : i32
    %scan3A_589 = arith.addi %scan3A_587, %scan3A_588 : i32
    %scan3A_590 = arith.constant 1 : i32
    scf.for %scan3A_2227 = %scan3A_587 to %scan3A_589 step %scan3A_590  : i32 {
      %mul3A_2228 = arith.constant 16 : i32
      %mul3A_2229 = arith.muli %scan3A_2227, %mul3A_2228 : i32
      %get3A = arith.index_cast %sub3A_583 : i32 to index
      %get3A_2230 = arith.index_cast %mul3A_2229 : i32 to index
      %get3A_2231 = tpu.vector_load %arg5[%get3A, %get3A_2230] {strides = array<i32>} : memref<2x4096xi32, #tpu.memory_space<vmem>>, vector<1x16xi32>,
      %get3A_2232 = vector.shape_cast %get3A_2231 : vector<1x16xi32> to vector<16xi32>
      %add3A_2233 = vector.broadcast %mul3A_585 : i32 to vector<16xi32>
      %add3A_2234 = arith.addi %get3A_2232, %add3A_2233 : vector<16xi32>
      %mul3A_2235 = arith.constant 16 : i32
      %mul3A_2236 = arith.muli %scan3A_2227, %mul3A_2235 : i32
      %swap3A = arith.constant 1 : i32
      %swap3A_2237 = arith.index_cast %swap3A : i32 to index
      %swap3A_2238 = arith.index_cast %mul3A_2236 : i32 to index
      %swap3A_2239 = tpu.vector_load %arg6[%swap3A_2237, %swap3A_2238] {strides = array<i32>} : memref<2x4096xi32, #tpu.memory_space<vmem>>, vector<1x16xi32>,
      %swap3A_2240 = vector.shape_cast %swap3A_2239 : vector<1x16xi32> to vector<16xi32>
      %swap3A_2241 = vector.shape_cast %add3A_2234 : vector<16xi32> to vector<1x16xi32>
      tpu.vector_store %arg6[%swap3A_2237, %swap3A_2238], %swap3A_2241 {strides = array<i32>} : memref<2x4096xi32, #tpu.memory_space<vmem>>, vector<1x16xi32>,
    }
    %scan3A_591 = arith.constant 256 : i32
    %dma_wait3A_592 = arith.constant 0 : i32
    %dma_wait3A_593 = arith.constant 0 : i32
    %dma_wait3A_594 = arith.constant 0 : i32
    %dma_wait3A_595 = tpu.memref_slice %arg7[%dma_wait3A_593, %dma_wait3A_594] : memref<2x4096xf32, #tpu.memory_space<vmem>> -> memref<1x4096xf32, #tpu.memory_space<vmem>>
    %dma_wait3A_596 = tpu.memref_squeeze %dma_wait3A_595 : memref<1x4096xf32, #tpu.memory_space<vmem>> -> memref<4096xf32, #tpu.memory_space<vmem>>
    %dma_wait3A_597 = arith.constant 0 : i32
    %dma_wait3A_598 = tpu.memref_slice %arg6[%dma_wait3A_592, %dma_wait3A_597] : memref<2x4096xi32, #tpu.memory_space<vmem>> -> memref<1x4096xi32, #tpu.memory_space<vmem>>
    %dma_wait3A_599 = tpu.memref_squeeze %dma_wait3A_598 : memref<1x4096xi32, #tpu.memory_space<vmem>> -> memref<4096xi32, #tpu.memory_space<vmem>>
    %dma_wait3A_600 = arith.constant 0 : i32
    %dma_wait3A_601 = tpu.memref_slice %arg2[%dma_wait3A_600] : memref<83200000xf32, #tpu.memory_space<hbm>> -> memref<83200000xf32, #tpu.memory_space<hbm>>
    tpu.wait_indirect_dma semaphore(%arg8 : memref<!tpu.dma_semaphore, #tpu.memory_space<semaphore_mem>>) src(%dma_wait3A_601 : memref<83200000xf32, #tpu.memory_space<hbm>>) dst(%dma_wait3A_596 : memref<4096xf32, #tpu.memory_space<vmem>>)
    %add3A_602 = arith.constant 6 : i32
    %add3A_603 = arith.addi %mul3A_2, %add3A_602 : i32
    %dma_start3A_604 = arith.constant 0 : i32
    %dma_start3A_605 = arith.constant 0 : i32
    %dma_start3A_606 = tpu.memref_slice %arg7[%dma_start3A_604, %dma_start3A_605] : memref<2x4096xf32, #tpu.memory_space<vmem>> -> memref<1x4096xf32, #tpu.memory_space<vmem>>
    %dma_start3A_607 = tpu.memref_squeeze %dma_start3A_606 : memref<1x4096xf32, #tpu.memory_space<vmem>> -> memref<4096xf32, #tpu.memory_space<vmem>>
    %dma_start3A_608 = arith.constant 0 : i32
    %dma_start3A_609 = tpu.memref_slice %arg4[%add3A_603, %dma_start3A_608] : memref<832x4096xf32, #tpu.memory_space<hbm>> -> memref<1x4096xf32, #tpu.memory_space<hbm>>
    %dma_start3A_610 = tpu.memref_squeeze %dma_start3A_609 : memref<1x4096xf32, #tpu.memory_space<hbm>> -> memref<4096xf32, #tpu.memory_space<hbm>>
    %dma_start3A_611 = arith.constant 0 : i32
    %dma_start3A_612 = tpu.memref_slice %arg4[%add3A_603, %dma_start3A_611] : memref<832x4096xf32, #tpu.memory_space<hbm>> -> memref<1x4096xf32, #tpu.memory_space<hbm>>
    %dma_start3A_613 = tpu.memref_squeeze %dma_start3A_612 : memref<1x4096xf32, #tpu.memory_space<hbm>> -> memref<4096xf32, #tpu.memory_space<hbm>>
    %dma_start3A_614 = arith.constant 0 : i32
    %dma_start3A_615 = tpu.memref_slice %arg7[%dma_start3A_604, %dma_start3A_614] : memref<2x4096xf32, #tpu.memory_space<vmem>> -> memref<1x4096xf32, #tpu.memory_space<vmem>>
    %dma_start3A_616 = tpu.memref_squeeze %dma_start3A_615 : memref<1x4096xf32, #tpu.memory_space<vmem>> -> memref<4096xf32, #tpu.memory_space<vmem>>
    tpu.enqueue_dma source(%dma_start3A_616 : memref<4096xf32, #tpu.memory_space<vmem>>) target(%dma_start3A_613 : memref<4096xf32, #tpu.memory_space<hbm>>) target_semaphore(%arg9 : memref<!tpu.dma_semaphore, #tpu.memory_space<semaphore_mem>>)
    %add3A_617 = arith.constant 5 : i32
    %add3A_618 = arith.addi %mul3A_2, %add3A_617 : i32
    %dma_wait3A_619 = arith.constant 1 : i32
    %dma_wait3A_620 = arith.constant 0 : i32
    %dma_wait3A_621 = tpu.memref_slice %arg7[%dma_wait3A_619, %dma_wait3A_620] : memref<2x4096xf32, #tpu.memory_space<vmem>> -> memref<1x4096xf32, #tpu.memory_space<vmem>>
    %dma_wait3A_622 = tpu.memref_squeeze %dma_wait3A_621 : memref<1x4096xf32, #tpu.memory_space<vmem>> -> memref<4096xf32, #tpu.memory_space<vmem>>
    %dma_wait3A_623 = arith.constant 0 : i32
    %dma_wait3A_624 = tpu.memref_slice %arg4[%add3A_618, %dma_wait3A_623] : memref<832x4096xf32, #tpu.memory_space<hbm>> -> memref<1x4096xf32, #tpu.memory_space<hbm>>
    %dma_wait3A_625 = tpu.memref_squeeze %dma_wait3A_624 : memref<1x4096xf32, #tpu.memory_space<hbm>> -> memref<4096xf32, #tpu.memory_space<hbm>>
    %dma_wait3A_626 = arith.constant 0 : i32
    %dma_wait3A_627 = tpu.memref_slice %arg4[%add3A_618, %dma_wait3A_626] : memref<832x4096xf32, #tpu.memory_space<hbm>> -> memref<1x4096xf32, #tpu.memory_space<hbm>>
    %dma_wait3A_628 = tpu.memref_squeeze %dma_wait3A_627 : memref<1x4096xf32, #tpu.memory_space<hbm>> -> memref<4096xf32, #tpu.memory_space<hbm>>
    %dma_wait3A_629 = arith.constant 0 : i32
    %dma_wait3A_630 = tpu.memref_slice %arg7[%dma_wait3A_619, %dma_wait3A_629] : memref<2x4096xf32, #tpu.memory_space<vmem>> -> memref<1x4096xf32, #tpu.memory_space<vmem>>
    %dma_wait3A_631 = tpu.memref_squeeze %dma_wait3A_630 : memref<1x4096xf32, #tpu.memory_space<vmem>> -> memref<4096xf32, #tpu.memory_space<vmem>>
    tpu.wait_dma2 semaphore(%arg9 : memref<!tpu.dma_semaphore, #tpu.memory_space<semaphore_mem>>) src(%dma_wait3A_631 : memref<4096xf32, #tpu.memory_space<vmem>>) dst(%dma_wait3A_628 : memref<4096xf32, #tpu.memory_space<hbm>>)
    %dma_start3A_632 = arith.constant 1 : i32
    %dma_start3A_633 = arith.constant 1 : i32
    %dma_start3A_634 = arith.constant 0 : i32
    %dma_start3A_635 = tpu.memref_slice %arg7[%dma_start3A_633, %dma_start3A_634] : memref<2x4096xf32, #tpu.memory_space<vmem>> -> memref<1x4096xf32, #tpu.memory_space<vmem>>
    %dma_start3A_636 = tpu.memref_squeeze %dma_start3A_635 : memref<1x4096xf32, #tpu.memory_space<vmem>> -> memref<4096xf32, #tpu.memory_space<vmem>>
    %dma_start3A_637 = arith.constant 0 : i32
    %dma_start3A_638 = tpu.memref_slice %arg6[%dma_start3A_632, %dma_start3A_637] : memref<2x4096xi32, #tpu.memory_space<vmem>> -> memref<1x4096xi32, #tpu.memory_space<vmem>>
    %dma_start3A_639 = tpu.memref_squeeze %dma_start3A_638 : memref<1x4096xi32, #tpu.memory_space<vmem>> -> memref<4096xi32, #tpu.memory_space<vmem>>
    %dma_start3A_640 = arith.constant 0 : i32
    %dma_start3A_641 = tpu.memref_slice %arg2[%dma_start3A_640] : memref<83200000xf32, #tpu.memory_space<hbm>> -> memref<83200000xf32, #tpu.memory_space<hbm>>
    tpu.enqueue_indirect_dma source(%dma_start3A_641 : memref<83200000xf32, #tpu.memory_space<hbm>>) target(%dma_start3A_636 : memref<4096xf32, #tpu.memory_space<vmem>>) offsets(%dma_start3A_639 : memref<4096xi32, #tpu.memory_space<vmem>>) semaphore(%arg8 : memref<!tpu.dma_semaphore, #tpu.memory_space<semaphore_mem>>)
    %add3A_642 = arith.constant 8 : i32
    %add3A_643 = arith.addi %mul3A_2, %add3A_642 : i32
    %jit3A_644 = arith.constant 32 : i32
    %div3A_645 = arith.divsi %add3A_643, %jit3A_644 : i32
    %sign3A_646 = arith.constant 0 : i32
    %sign3A_647 = arith.cmpi sgt, %add3A_643, %sign3A_646 : i32
    %sign3A_648 = arith.extui %sign3A_647 : i1 to i32
    %sign3A_649 = arith.constant 0 : i32
    %sign3A_650 = arith.cmpi slt, %add3A_643, %sign3A_649 : i32
    %sign3A_651 = arith.extui %sign3A_650 : i1 to i32
    %sign3A_652 = arith.subi %sign3A_648, %sign3A_651 : i32
    %sign3A_653 = arith.constant 0 : i32
    %sign3A_654 = arith.cmpi sgt, %jit3A_644, %sign3A_653 : i32
    %sign3A_655 = arith.extui %sign3A_654 : i1 to i32
    %sign3A_656 = arith.constant 0 : i32
    %sign3A_657 = arith.cmpi slt, %jit3A_644, %sign3A_656 : i32
    %sign3A_658 = arith.extui %sign3A_657 : i1 to i32
    %sign3A_659 = arith.subi %sign3A_655, %sign3A_658 : i32
    %ne3A_660 = arith.cmpi ne, %sign3A_652, %sign3A_659 : i32
    %rem3A_661 = arith.remsi %add3A_643, %jit3A_644 : i32
    %ne3A_662 = arith.constant 0 : i32
    %ne3A_663 = arith.cmpi ne, %rem3A_661, %ne3A_662 : i32
    %and3A_664 = arith.andi %ne3A_660, %ne3A_663 : i1
    %sub3A_665 = arith.constant 1 : i32
    %sub3A_666 = arith.subi %div3A_645, %sub3A_665 : i32
    %select_n3A_667 = arith.select %and3A_664, %sub3A_666, %div3A_645 : i32
    %sub3A_668 = arith.subi %select_n3A_667, %min3A_19 : i32
    %mul3A_669 = arith.constant 100000 : i32
    %mul3A_670 = arith.muli %add3A_643, %mul3A_669 : i32
    %scan3A_671 = arith.constant 0 : i32
    %scan3A_672 = arith.constant 0 : i32
    %scan3A_673 = arith.constant 256 : i32
    %scan3A_674 = arith.addi %scan3A_672, %scan3A_673 : i32
    %scan3A_675 = arith.constant 1 : i32
    scf.for %scan3A_2227 = %scan3A_672 to %scan3A_674 step %scan3A_675  : i32 {
      %mul3A_2228 = arith.constant 16 : i32
      %mul3A_2229 = arith.muli %scan3A_2227, %mul3A_2228 : i32
      %get3A = arith.index_cast %sub3A_668 : i32 to index
      %get3A_2230 = arith.index_cast %mul3A_2229 : i32 to index
      %get3A_2231 = tpu.vector_load %arg5[%get3A, %get3A_2230] {strides = array<i32>} : memref<2x4096xi32, #tpu.memory_space<vmem>>, vector<1x16xi32>,
      %get3A_2232 = vector.shape_cast %get3A_2231 : vector<1x16xi32> to vector<16xi32>
      %add3A_2233 = vector.broadcast %mul3A_670 : i32 to vector<16xi32>
      %add3A_2234 = arith.addi %get3A_2232, %add3A_2233 : vector<16xi32>
      %mul3A_2235 = arith.constant 16 : i32
      %mul3A_2236 = arith.muli %scan3A_2227, %mul3A_2235 : i32
      %swap3A = arith.constant 0 : i32
      %swap3A_2237 = arith.index_cast %swap3A : i32 to index
      %swap3A_2238 = arith.index_cast %mul3A_2236 : i32 to index
      %swap3A_2239 = tpu.vector_load %arg6[%swap3A_2237, %swap3A_2238] {strides = array<i32>} : memref<2x4096xi32, #tpu.memory_space<vmem>>, vector<1x16xi32>,
      %swap3A_2240 = vector.shape_cast %swap3A_2239 : vector<1x16xi32> to vector<16xi32>
      %swap3A_2241 = vector.shape_cast %add3A_2234 : vector<16xi32> to vector<1x16xi32>
      tpu.vector_store %arg6[%swap3A_2237, %swap3A_2238], %swap3A_2241 {strides = array<i32>} : memref<2x4096xi32, #tpu.memory_space<vmem>>, vector<1x16xi32>,
    }
    %scan3A_676 = arith.constant 256 : i32
    %dma_wait3A_677 = arith.constant 1 : i32
    %dma_wait3A_678 = arith.constant 1 : i32
    %dma_wait3A_679 = arith.constant 0 : i32
    %dma_wait3A_680 = tpu.memref_slice %arg7[%dma_wait3A_678, %dma_wait3A_679] : memref<2x4096xf32, #tpu.memory_space<vmem>> -> memref<1x4096xf32, #tpu.memory_space<vmem>>
    %dma_wait3A_681 = tpu.memref_squeeze %dma_wait3A_680 : memref<1x4096xf32, #tpu.memory_space<vmem>> -> memref<4096xf32, #tpu.memory_space<vmem>>
    %dma_wait3A_682 = arith.constant 0 : i32
    %dma_wait3A_683 = tpu.memref_slice %arg6[%dma_wait3A_677, %dma_wait3A_682] : memref<2x4096xi32, #tpu.memory_space<vmem>> -> memref<1x4096xi32, #tpu.memory_space<vmem>>
    %dma_wait3A_684 = tpu.memref_squeeze %dma_wait3A_683 : memref<1x4096xi32, #tpu.memory_space<vmem>> -> memref<4096xi32, #tpu.memory_space<vmem>>
    %dma_wait3A_685 = arith.constant 0 : i32
    %dma_wait3A_686 = tpu.memref_slice %arg2[%dma_wait3A_685] : memref<83200000xf32, #tpu.memory_space<hbm>> -> memref<83200000xf32, #tpu.memory_space<hbm>>
    tpu.wait_indirect_dma semaphore(%arg8 : memref<!tpu.dma_semaphore, #tpu.memory_space<semaphore_mem>>) src(%dma_wait3A_686 : memref<83200000xf32, #tpu.memory_space<hbm>>) dst(%dma_wait3A_681 : memref<4096xf32, #tpu.memory_space<vmem>>)
    %add3A_687 = arith.constant 7 : i32
    %add3A_688 = arith.addi %mul3A_2, %add3A_687 : i32
    %dma_start3A_689 = arith.constant 1 : i32
    %dma_start3A_690 = arith.constant 0 : i32
    %dma_start3A_691 = tpu.memref_slice %arg7[%dma_start3A_689, %dma_start3A_690] : memref<2x4096xf32, #tpu.memory_space<vmem>> -> memref<1x4096xf32, #tpu.memory_space<vmem>>
    %dma_start3A_692 = tpu.memref_squeeze %dma_start3A_691 : memref<1x4096xf32, #tpu.memory_space<vmem>> -> memref<4096xf32, #tpu.memory_space<vmem>>
    %dma_start3A_693 = arith.constant 0 : i32
    %dma_start3A_694 = tpu.memref_slice %arg4[%add3A_688, %dma_start3A_693] : memref<832x4096xf32, #tpu.memory_space<hbm>> -> memref<1x4096xf32, #tpu.memory_space<hbm>>
    %dma_start3A_695 = tpu.memref_squeeze %dma_start3A_694 : memref<1x4096xf32, #tpu.memory_space<hbm>> -> memref<4096xf32, #tpu.memory_space<hbm>>
    %dma_start3A_696 = arith.constant 0 : i32
    %dma_start3A_697 = tpu.memref_slice %arg4[%add3A_688, %dma_start3A_696] : memref<832x4096xf32, #tpu.memory_space<hbm>> -> memref<1x4096xf32, #tpu.memory_space<hbm>>
    %dma_start3A_698 = tpu.memref_squeeze %dma_start3A_697 : memref<1x4096xf32, #tpu.memory_space<hbm>> -> memref<4096xf32, #tpu.memory_space<hbm>>
    %dma_start3A_699 = arith.constant 0 : i32
    %dma_start3A_700 = tpu.memref_slice %arg7[%dma_start3A_689, %dma_start3A_699] : memref<2x4096xf32, #tpu.memory_space<vmem>> -> memref<1x4096xf32, #tpu.memory_space<vmem>>
    %dma_start3A_701 = tpu.memref_squeeze %dma_start3A_700 : memref<1x4096xf32, #tpu.memory_space<vmem>> -> memref<4096xf32, #tpu.memory_space<vmem>>
    tpu.enqueue_dma source(%dma_start3A_701 : memref<4096xf32, #tpu.memory_space<vmem>>) target(%dma_start3A_698 : memref<4096xf32, #tpu.memory_space<hbm>>) target_semaphore(%arg9 : memref<!tpu.dma_semaphore, #tpu.memory_space<semaphore_mem>>)
    %add3A_702 = arith.constant 6 : i32
    %add3A_703 = arith.addi %mul3A_2, %add3A_702 : i32
    %dma_wait3A_704 = arith.constant 0 : i32
    %dma_wait3A_705 = arith.constant 0 : i32
    %dma_wait3A_706 = tpu.memref_slice %arg7[%dma_wait3A_704, %dma_wait3A_705] : memref<2x4096xf32, #tpu.memory_space<vmem>> -> memref<1x4096xf32, #tpu.memory_space<vmem>>
    %dma_wait3A_707 = tpu.memref_squeeze %dma_wait3A_706 : memref<1x4096xf32, #tpu.memory_space<vmem>> -> memref<4096xf32, #tpu.memory_space<vmem>>
    %dma_wait3A_708 = arith.constant 0 : i32
    %dma_wait3A_709 = tpu.memref_slice %arg4[%add3A_703, %dma_wait3A_708] : memref<832x4096xf32, #tpu.memory_space<hbm>> -> memref<1x4096xf32, #tpu.memory_space<hbm>>
    %dma_wait3A_710 = tpu.memref_squeeze %dma_wait3A_709 : memref<1x4096xf32, #tpu.memory_space<hbm>> -> memref<4096xf32, #tpu.memory_space<hbm>>
    %dma_wait3A_711 = arith.constant 0 : i32
    %dma_wait3A_712 = tpu.memref_slice %arg4[%add3A_703, %dma_wait3A_711] : memref<832x4096xf32, #tpu.memory_space<hbm>> -> memref<1x4096xf32, #tpu.memory_space<hbm>>
    %dma_wait3A_713 = tpu.memref_squeeze %dma_wait3A_712 : memref<1x4096xf32, #tpu.memory_space<hbm>> -> memref<4096xf32, #tpu.memory_space<hbm>>
    %dma_wait3A_714 = arith.constant 0 : i32
    %dma_wait3A_715 = tpu.memref_slice %arg7[%dma_wait3A_704, %dma_wait3A_714] : memref<2x4096xf32, #tpu.memory_space<vmem>> -> memref<1x4096xf32, #tpu.memory_space<vmem>>
    %dma_wait3A_716 = tpu.memref_squeeze %dma_wait3A_715 : memref<1x4096xf32, #tpu.memory_space<vmem>> -> memref<4096xf32, #tpu.memory_space<vmem>>
    tpu.wait_dma2 semaphore(%arg9 : memref<!tpu.dma_semaphore, #tpu.memory_space<semaphore_mem>>) src(%dma_wait3A_716 : memref<4096xf32, #tpu.memory_space<vmem>>) dst(%dma_wait3A_713 : memref<4096xf32, #tpu.memory_space<hbm>>)
    %dma_start3A_717 = arith.constant 0 : i32
    %dma_start3A_718 = arith.constant 0 : i32
    %dma_start3A_719 = arith.constant 0 : i32
    %dma_start3A_720 = tpu.memref_slice %arg7[%dma_start3A_718, %dma_start3A_719] : memref<2x4096xf32, #tpu.memory_space<vmem>> -> memref<1x4096xf32, #tpu.memory_space<vmem>>
    %dma_start3A_721 = tpu.memref_squeeze %dma_start3A_720 : memref<1x4096xf32, #tpu.memory_space<vmem>> -> memref<4096xf32, #tpu.memory_space<vmem>>
    %dma_start3A_722 = arith.constant 0 : i32
    %dma_start3A_723 = tpu.memref_slice %arg6[%dma_start3A_717, %dma_start3A_722] : memref<2x4096xi32, #tpu.memory_space<vmem>> -> memref<1x4096xi32, #tpu.memory_space<vmem>>
    %dma_start3A_724 = tpu.memref_squeeze %dma_start3A_723 : memref<1x4096xi32, #tpu.memory_space<vmem>> -> memref<4096xi32, #tpu.memory_space<vmem>>
    %dma_start3A_725 = arith.constant 0 : i32
    %dma_start3A_726 = tpu.memref_slice %arg2[%dma_start3A_725] : memref<83200000xf32, #tpu.memory_space<hbm>> -> memref<83200000xf32, #tpu.memory_space<hbm>>
    tpu.enqueue_indirect_dma source(%dma_start3A_726 : memref<83200000xf32, #tpu.memory_space<hbm>>) target(%dma_start3A_721 : memref<4096xf32, #tpu.memory_space<vmem>>) offsets(%dma_start3A_724 : memref<4096xi32, #tpu.memory_space<vmem>>) semaphore(%arg8 : memref<!tpu.dma_semaphore, #tpu.memory_space<semaphore_mem>>)
    %add3A_727 = arith.constant 9 : i32
    %add3A_728 = arith.addi %mul3A_2, %add3A_727 : i32
    %jit3A_729 = arith.constant 32 : i32
    %div3A_730 = arith.divsi %add3A_728, %jit3A_729 : i32
    %sign3A_731 = arith.constant 0 : i32
    %sign3A_732 = arith.cmpi sgt, %add3A_728, %sign3A_731 : i32
    %sign3A_733 = arith.extui %sign3A_732 : i1 to i32
    %sign3A_734 = arith.constant 0 : i32
    %sign3A_735 = arith.cmpi slt, %add3A_728, %sign3A_734 : i32
    %sign3A_736 = arith.extui %sign3A_735 : i1 to i32
    %sign3A_737 = arith.subi %sign3A_733, %sign3A_736 : i32
    %sign3A_738 = arith.constant 0 : i32
    %sign3A_739 = arith.cmpi sgt, %jit3A_729, %sign3A_738 : i32
    %sign3A_740 = arith.extui %sign3A_739 : i1 to i32
    %sign3A_741 = arith.constant 0 : i32
    %sign3A_742 = arith.cmpi slt, %jit3A_729, %sign3A_741 : i32
    %sign3A_743 = arith.extui %sign3A_742 : i1 to i32
    %sign3A_744 = arith.subi %sign3A_740, %sign3A_743 : i32
    %ne3A_745 = arith.cmpi ne, %sign3A_737, %sign3A_744 : i32
    %rem3A_746 = arith.remsi %add3A_728, %jit3A_729 : i32
    %ne3A_747 = arith.constant 0 : i32
    %ne3A_748 = arith.cmpi ne, %rem3A_746, %ne3A_747 : i32
    %and3A_749 = arith.andi %ne3A_745, %ne3A_748 : i1
    %sub3A_750 = arith.constant 1 : i32
    %sub3A_751 = arith.subi %div3A_730, %sub3A_750 : i32
    %select_n3A_752 = arith.select %and3A_749, %sub3A_751, %div3A_730 : i32
    %sub3A_753 = arith.subi %select_n3A_752, %min3A_19 : i32
    %mul3A_754 = arith.constant 100000 : i32
    %mul3A_755 = arith.muli %add3A_728, %mul3A_754 : i32
    %scan3A_756 = arith.constant 0 : i32
    %scan3A_757 = arith.constant 0 : i32
    %scan3A_758 = arith.constant 256 : i32
    %scan3A_759 = arith.addi %scan3A_757, %scan3A_758 : i32
    %scan3A_760 = arith.constant 1 : i32
    scf.for %scan3A_2227 = %scan3A_757 to %scan3A_759 step %scan3A_760  : i32 {
      %mul3A_2228 = arith.constant 16 : i32
      %mul3A_2229 = arith.muli %scan3A_2227, %mul3A_2228 : i32
      %get3A = arith.index_cast %sub3A_753 : i32 to index
      %get3A_2230 = arith.index_cast %mul3A_2229 : i32 to index
      %get3A_2231 = tpu.vector_load %arg5[%get3A, %get3A_2230] {strides = array<i32>} : memref<2x4096xi32, #tpu.memory_space<vmem>>, vector<1x16xi32>,
      %get3A_2232 = vector.shape_cast %get3A_2231 : vector<1x16xi32> to vector<16xi32>
      %add3A_2233 = vector.broadcast %mul3A_755 : i32 to vector<16xi32>
      %add3A_2234 = arith.addi %get3A_2232, %add3A_2233 : vector<16xi32>
      %mul3A_2235 = arith.constant 16 : i32
      %mul3A_2236 = arith.muli %scan3A_2227, %mul3A_2235 : i32
      %swap3A = arith.constant 1 : i32
      %swap3A_2237 = arith.index_cast %swap3A : i32 to index
      %swap3A_2238 = arith.index_cast %mul3A_2236 : i32 to index
      %swap3A_2239 = tpu.vector_load %arg6[%swap3A_2237, %swap3A_2238] {strides = array<i32>} : memref<2x4096xi32, #tpu.memory_space<vmem>>, vector<1x16xi32>,
      %swap3A_2240 = vector.shape_cast %swap3A_2239 : vector<1x16xi32> to vector<16xi32>
      %swap3A_2241 = vector.shape_cast %add3A_2234 : vector<16xi32> to vector<1x16xi32>
      tpu.vector_store %arg6[%swap3A_2237, %swap3A_2238], %swap3A_2241 {strides = array<i32>} : memref<2x4096xi32, #tpu.memory_space<vmem>>, vector<1x16xi32>,
    }
    %scan3A_761 = arith.constant 256 : i32
    %dma_wait3A_762 = arith.constant 0 : i32
    %dma_wait3A_763 = arith.constant 0 : i32
    %dma_wait3A_764 = arith.constant 0 : i32
    %dma_wait3A_765 = tpu.memref_slice %arg7[%dma_wait3A_763, %dma_wait3A_764] : memref<2x4096xf32, #tpu.memory_space<vmem>> -> memref<1x4096xf32, #tpu.memory_space<vmem>>
    %dma_wait3A_766 = tpu.memref_squeeze %dma_wait3A_765 : memref<1x4096xf32, #tpu.memory_space<vmem>> -> memref<4096xf32, #tpu.memory_space<vmem>>
    %dma_wait3A_767 = arith.constant 0 : i32
    %dma_wait3A_768 = tpu.memref_slice %arg6[%dma_wait3A_762, %dma_wait3A_767] : memref<2x4096xi32, #tpu.memory_space<vmem>> -> memref<1x4096xi32, #tpu.memory_space<vmem>>
    %dma_wait3A_769 = tpu.memref_squeeze %dma_wait3A_768 : memref<1x4096xi32, #tpu.memory_space<vmem>> -> memref<4096xi32, #tpu.memory_space<vmem>>
    %dma_wait3A_770 = arith.constant 0 : i32
    %dma_wait3A_771 = tpu.memref_slice %arg2[%dma_wait3A_770] : memref<83200000xf32, #tpu.memory_space<hbm>> -> memref<83200000xf32, #tpu.memory_space<hbm>>
    tpu.wait_indirect_dma semaphore(%arg8 : memref<!tpu.dma_semaphore, #tpu.memory_space<semaphore_mem>>) src(%dma_wait3A_771 : memref<83200000xf32, #tpu.memory_space<hbm>>) dst(%dma_wait3A_766 : memref<4096xf32, #tpu.memory_space<vmem>>)
    %add3A_772 = arith.constant 8 : i32
    %add3A_773 = arith.addi %mul3A_2, %add3A_772 : i32
    %dma_start3A_774 = arith.constant 0 : i32
    %dma_start3A_775 = arith.constant 0 : i32
    %dma_start3A_776 = tpu.memref_slice %arg7[%dma_start3A_774, %dma_start3A_775] : memref<2x4096xf32, #tpu.memory_space<vmem>> -> memref<1x4096xf32, #tpu.memory_space<vmem>>
    %dma_start3A_777 = tpu.memref_squeeze %dma_start3A_776 : memref<1x4096xf32, #tpu.memory_space<vmem>> -> memref<4096xf32, #tpu.memory_space<vmem>>
    %dma_start3A_778 = arith.constant 0 : i32
    %dma_start3A_779 = tpu.memref_slice %arg4[%add3A_773, %dma_start3A_778] : memref<832x4096xf32, #tpu.memory_space<hbm>> -> memref<1x4096xf32, #tpu.memory_space<hbm>>
    %dma_start3A_780 = tpu.memref_squeeze %dma_start3A_779 : memref<1x4096xf32, #tpu.memory_space<hbm>> -> memref<4096xf32, #tpu.memory_space<hbm>>
    %dma_start3A_781 = arith.constant 0 : i32
    %dma_start3A_782 = tpu.memref_slice %arg4[%add3A_773, %dma_start3A_781] : memref<832x4096xf32, #tpu.memory_space<hbm>> -> memref<1x4096xf32, #tpu.memory_space<hbm>>
    %dma_start3A_783 = tpu.memref_squeeze %dma_start3A_782 : memref<1x4096xf32, #tpu.memory_space<hbm>> -> memref<4096xf32, #tpu.memory_space<hbm>>
    %dma_start3A_784 = arith.constant 0 : i32
    %dma_start3A_785 = tpu.memref_slice %arg7[%dma_start3A_774, %dma_start3A_784] : memref<2x4096xf32, #tpu.memory_space<vmem>> -> memref<1x4096xf32, #tpu.memory_space<vmem>>
    %dma_start3A_786 = tpu.memref_squeeze %dma_start3A_785 : memref<1x4096xf32, #tpu.memory_space<vmem>> -> memref<4096xf32, #tpu.memory_space<vmem>>
    tpu.enqueue_dma source(%dma_start3A_786 : memref<4096xf32, #tpu.memory_space<vmem>>) target(%dma_start3A_783 : memref<4096xf32, #tpu.memory_space<hbm>>) target_semaphore(%arg9 : memref<!tpu.dma_semaphore, #tpu.memory_space<semaphore_mem>>)
    %add3A_787 = arith.constant 7 : i32
    %add3A_788 = arith.addi %mul3A_2, %add3A_787 : i32
    %dma_wait3A_789 = arith.constant 1 : i32
    %dma_wait3A_790 = arith.constant 0 : i32
    %dma_wait3A_791 = tpu.memref_slice %arg7[%dma_wait3A_789, %dma_wait3A_790] : memref<2x4096xf32, #tpu.memory_space<vmem>> -> memref<1x4096xf32, #tpu.memory_space<vmem>>
    %dma_wait3A_792 = tpu.memref_squeeze %dma_wait3A_791 : memref<1x4096xf32, #tpu.memory_space<vmem>> -> memref<4096xf32, #tpu.memory_space<vmem>>
    %dma_wait3A_793 = arith.constant 0 : i32
    %dma_wait3A_794 = tpu.memref_slice %arg4[%add3A_788, %dma_wait3A_793] : memref<832x4096xf32, #tpu.memory_space<hbm>> -> memref<1x4096xf32, #tpu.memory_space<hbm>>
    %dma_wait3A_795 = tpu.memref_squeeze %dma_wait3A_794 : memref<1x4096xf32, #tpu.memory_space<hbm>> -> memref<4096xf32, #tpu.memory_space<hbm>>
    %dma_wait3A_796 = arith.constant 0 : i32
    %dma_wait3A_797 = tpu.memref_slice %arg4[%add3A_788, %dma_wait3A_796] : memref<832x4096xf32, #tpu.memory_space<hbm>> -> memref<1x4096xf32, #tpu.memory_space<hbm>>
    %dma_wait3A_798 = tpu.memref_squeeze %dma_wait3A_797 : memref<1x4096xf32, #tpu.memory_space<hbm>> -> memref<4096xf32, #tpu.memory_space<hbm>>
    %dma_wait3A_799 = arith.constant 0 : i32
    %dma_wait3A_800 = tpu.memref_slice %arg7[%dma_wait3A_789, %dma_wait3A_799] : memref<2x4096xf32, #tpu.memory_space<vmem>> -> memref<1x4096xf32, #tpu.memory_space<vmem>>
    %dma_wait3A_801 = tpu.memref_squeeze %dma_wait3A_800 : memref<1x4096xf32, #tpu.memory_space<vmem>> -> memref<4096xf32, #tpu.memory_space<vmem>>
    tpu.wait_dma2 semaphore(%arg9 : memref<!tpu.dma_semaphore, #tpu.memory_space<semaphore_mem>>) src(%dma_wait3A_801 : memref<4096xf32, #tpu.memory_space<vmem>>) dst(%dma_wait3A_798 : memref<4096xf32, #tpu.memory_space<hbm>>)
    %dma_start3A_802 = arith.constant 1 : i32
    %dma_start3A_803 = arith.constant 1 : i32
    %dma_start3A_804 = arith.constant 0 : i32
    %dma_start3A_805 = tpu.memref_slice %arg7[%dma_start3A_803, %dma_start3A_804] : memref<2x4096xf32, #tpu.memory_space<vmem>> -> memref<1x4096xf32, #tpu.memory_space<vmem>>
    %dma_start3A_806 = tpu.memref_squeeze %dma_start3A_805 : memref<1x4096xf32, #tpu.memory_space<vmem>> -> memref<4096xf32, #tpu.memory_space<vmem>>
    %dma_start3A_807 = arith.constant 0 : i32
    %dma_start3A_808 = tpu.memref_slice %arg6[%dma_start3A_802, %dma_start3A_807] : memref<2x4096xi32, #tpu.memory_space<vmem>> -> memref<1x4096xi32, #tpu.memory_space<vmem>>
    %dma_start3A_809 = tpu.memref_squeeze %dma_start3A_808 : memref<1x4096xi32, #tpu.memory_space<vmem>> -> memref<4096xi32, #tpu.memory_space<vmem>>
    %dma_start3A_810 = arith.constant 0 : i32
    %dma_start3A_811 = tpu.memref_slice %arg2[%dma_start3A_810] : memref<83200000xf32, #tpu.memory_space<hbm>> -> memref<83200000xf32, #tpu.memory_space<hbm>>
    tpu.enqueue_indirect_dma source(%dma_start3A_811 : memref<83200000xf32, #tpu.memory_space<hbm>>) target(%dma_start3A_806 : memref<4096xf32, #tpu.memory_space<vmem>>) offsets(%dma_start3A_809 : memref<4096xi32, #tpu.memory_space<vmem>>) semaphore(%arg8 : memref<!tpu.dma_semaphore, #tpu.memory_space<semaphore_mem>>)
    %add3A_812 = arith.constant 10 : i32
    %add3A_813 = arith.addi %mul3A_2, %add3A_812 : i32
    %jit3A_814 = arith.constant 32 : i32
    %div3A_815 = arith.divsi %add3A_813, %jit3A_814 : i32
    %sign3A_816 = arith.constant 0 : i32
    %sign3A_817 = arith.cmpi sgt, %add3A_813, %sign3A_816 : i32
    %sign3A_818 = arith.extui %sign3A_817 : i1 to i32
    %sign3A_819 = arith.constant 0 : i32
    %sign3A_820 = arith.cmpi slt, %add3A_813, %sign3A_819 : i32
    %sign3A_821 = arith.extui %sign3A_820 : i1 to i32
    %sign3A_822 = arith.subi %sign3A_818, %sign3A_821 : i32
    %sign3A_823 = arith.constant 0 : i32
    %sign3A_824 = arith.cmpi sgt, %jit3A_814, %sign3A_823 : i32
    %sign3A_825 = arith.extui %sign3A_824 : i1 to i32
    %sign3A_826 = arith.constant 0 : i32
    %sign3A_827 = arith.cmpi slt, %jit3A_814, %sign3A_826 : i32
    %sign3A_828 = arith.extui %sign3A_827 : i1 to i32
    %sign3A_829 = arith.subi %sign3A_825, %sign3A_828 : i32
    %ne3A_830 = arith.cmpi ne, %sign3A_822, %sign3A_829 : i32
    %rem3A_831 = arith.remsi %add3A_813, %jit3A_814 : i32
    %ne3A_832 = arith.constant 0 : i32
    %ne3A_833 = arith.cmpi ne, %rem3A_831, %ne3A_832 : i32
    %and3A_834 = arith.andi %ne3A_830, %ne3A_833 : i1
    %sub3A_835 = arith.constant 1 : i32
    %sub3A_836 = arith.subi %div3A_815, %sub3A_835 : i32
    %select_n3A_837 = arith.select %and3A_834, %sub3A_836, %div3A_815 : i32
    %sub3A_838 = arith.subi %select_n3A_837, %min3A_19 : i32
    %mul3A_839 = arith.constant 100000 : i32
    %mul3A_840 = arith.muli %add3A_813, %mul3A_839 : i32
    %scan3A_841 = arith.constant 0 : i32
    %scan3A_842 = arith.constant 0 : i32
    %scan3A_843 = arith.constant 256 : i32
    %scan3A_844 = arith.addi %scan3A_842, %scan3A_843 : i32
    %scan3A_845 = arith.constant 1 : i32
    scf.for %scan3A_2227 = %scan3A_842 to %scan3A_844 step %scan3A_845  : i32 {
      %mul3A_2228 = arith.constant 16 : i32
      %mul3A_2229 = arith.muli %scan3A_2227, %mul3A_2228 : i32
      %get3A = arith.index_cast %sub3A_838 : i32 to index
      %get3A_2230 = arith.index_cast %mul3A_2229 : i32 to index
      %get3A_2231 = tpu.vector_load %arg5[%get3A, %get3A_2230] {strides = array<i32>} : memref<2x4096xi32, #tpu.memory_space<vmem>>, vector<1x16xi32>,
      %get3A_2232 = vector.shape_cast %get3A_2231 : vector<1x16xi32> to vector<16xi32>
      %add3A_2233 = vector.broadcast %mul3A_840 : i32 to vector<16xi32>
      %add3A_2234 = arith.addi %get3A_2232, %add3A_2233 : vector<16xi32>
      %mul3A_2235 = arith.constant 16 : i32
      %mul3A_2236 = arith.muli %scan3A_2227, %mul3A_2235 : i32
      %swap3A = arith.constant 0 : i32
      %swap3A_2237 = arith.index_cast %swap3A : i32 to index
      %swap3A_2238 = arith.index_cast %mul3A_2236 : i32 to index
      %swap3A_2239 = tpu.vector_load %arg6[%swap3A_2237, %swap3A_2238] {strides = array<i32>} : memref<2x4096xi32, #tpu.memory_space<vmem>>, vector<1x16xi32>,
      %swap3A_2240 = vector.shape_cast %swap3A_2239 : vector<1x16xi32> to vector<16xi32>
      %swap3A_2241 = vector.shape_cast %add3A_2234 : vector<16xi32> to vector<1x16xi32>
      tpu.vector_store %arg6[%swap3A_2237, %swap3A_2238], %swap3A_2241 {strides = array<i32>} : memref<2x4096xi32, #tpu.memory_space<vmem>>, vector<1x16xi32>,
    }
    %scan3A_846 = arith.constant 256 : i32
    %dma_wait3A_847 = arith.constant 1 : i32
    %dma_wait3A_848 = arith.constant 1 : i32
    %dma_wait3A_849 = arith.constant 0 : i32
    %dma_wait3A_850 = tpu.memref_slice %arg7[%dma_wait3A_848, %dma_wait3A_849] : memref<2x4096xf32, #tpu.memory_space<vmem>> -> memref<1x4096xf32, #tpu.memory_space<vmem>>
    %dma_wait3A_851 = tpu.memref_squeeze %dma_wait3A_850 : memref<1x4096xf32, #tpu.memory_space<vmem>> -> memref<4096xf32, #tpu.memory_space<vmem>>
    %dma_wait3A_852 = arith.constant 0 : i32
    %dma_wait3A_853 = tpu.memref_slice %arg6[%dma_wait3A_847, %dma_wait3A_852] : memref<2x4096xi32, #tpu.memory_space<vmem>> -> memref<1x4096xi32, #tpu.memory_space<vmem>>
    %dma_wait3A_854 = tpu.memref_squeeze %dma_wait3A_853 : memref<1x4096xi32, #tpu.memory_space<vmem>> -> memref<4096xi32, #tpu.memory_space<vmem>>
    %dma_wait3A_855 = arith.constant 0 : i32
    %dma_wait3A_856 = tpu.memref_slice %arg2[%dma_wait3A_855] : memref<83200000xf32, #tpu.memory_space<hbm>> -> memref<83200000xf32, #tpu.memory_space<hbm>>
    tpu.wait_indirect_dma semaphore(%arg8 : memref<!tpu.dma_semaphore, #tpu.memory_space<semaphore_mem>>) src(%dma_wait3A_856 : memref<83200000xf32, #tpu.memory_space<hbm>>) dst(%dma_wait3A_851 : memref<4096xf32, #tpu.memory_space<vmem>>)
    %add3A_857 = arith.constant 9 : i32
    %add3A_858 = arith.addi %mul3A_2, %add3A_857 : i32
    %dma_start3A_859 = arith.constant 1 : i32
    %dma_start3A_860 = arith.constant 0 : i32
    %dma_start3A_861 = tpu.memref_slice %arg7[%dma_start3A_859, %dma_start3A_860] : memref<2x4096xf32, #tpu.memory_space<vmem>> -> memref<1x4096xf32, #tpu.memory_space<vmem>>
    %dma_start3A_862 = tpu.memref_squeeze %dma_start3A_861 : memref<1x4096xf32, #tpu.memory_space<vmem>> -> memref<4096xf32, #tpu.memory_space<vmem>>
    %dma_start3A_863 = arith.constant 0 : i32
    %dma_start3A_864 = tpu.memref_slice %arg4[%add3A_858, %dma_start3A_863] : memref<832x4096xf32, #tpu.memory_space<hbm>> -> memref<1x4096xf32, #tpu.memory_space<hbm>>
    %dma_start3A_865 = tpu.memref_squeeze %dma_start3A_864 : memref<1x4096xf32, #tpu.memory_space<hbm>> -> memref<4096xf32, #tpu.memory_space<hbm>>
    %dma_start3A_866 = arith.constant 0 : i32
    %dma_start3A_867 = tpu.memref_slice %arg4[%add3A_858, %dma_start3A_866] : memref<832x4096xf32, #tpu.memory_space<hbm>> -> memref<1x4096xf32, #tpu.memory_space<hbm>>
    %dma_start3A_868 = tpu.memref_squeeze %dma_start3A_867 : memref<1x4096xf32, #tpu.memory_space<hbm>> -> memref<4096xf32, #tpu.memory_space<hbm>>
    %dma_start3A_869 = arith.constant 0 : i32
    %dma_start3A_870 = tpu.memref_slice %arg7[%dma_start3A_859, %dma_start3A_869] : memref<2x4096xf32, #tpu.memory_space<vmem>> -> memref<1x4096xf32, #tpu.memory_space<vmem>>
    %dma_start3A_871 = tpu.memref_squeeze %dma_start3A_870 : memref<1x4096xf32, #tpu.memory_space<vmem>> -> memref<4096xf32, #tpu.memory_space<vmem>>
    tpu.enqueue_dma source(%dma_start3A_871 : memref<4096xf32, #tpu.memory_space<vmem>>) target(%dma_start3A_868 : memref<4096xf32, #tpu.memory_space<hbm>>) target_semaphore(%arg9 : memref<!tpu.dma_semaphore, #tpu.memory_space<semaphore_mem>>)
    %add3A_872 = arith.constant 8 : i32
    %add3A_873 = arith.addi %mul3A_2, %add3A_872 : i32
    %dma_wait3A_874 = arith.constant 0 : i32
    %dma_wait3A_875 = arith.constant 0 : i32
    %dma_wait3A_876 = tpu.memref_slice %arg7[%dma_wait3A_874, %dma_wait3A_875] : memref<2x4096xf32, #tpu.memory_space<vmem>> -> memref<1x4096xf32, #tpu.memory_space<vmem>>
    %dma_wait3A_877 = tpu.memref_squeeze %dma_wait3A_876 : memref<1x4096xf32, #tpu.memory_space<vmem>> -> memref<4096xf32, #tpu.memory_space<vmem>>
    %dma_wait3A_878 = arith.constant 0 : i32
    %dma_wait3A_879 = tpu.memref_slice %arg4[%add3A_873, %dma_wait3A_878] : memref<832x4096xf32, #tpu.memory_space<hbm>> -> memref<1x4096xf32, #tpu.memory_space<hbm>>
    %dma_wait3A_880 = tpu.memref_squeeze %dma_wait3A_879 : memref<1x4096xf32, #tpu.memory_space<hbm>> -> memref<4096xf32, #tpu.memory_space<hbm>>
    %dma_wait3A_881 = arith.constant 0 : i32
    %dma_wait3A_882 = tpu.memref_slice %arg4[%add3A_873, %dma_wait3A_881] : memref<832x4096xf32, #tpu.memory_space<hbm>> -> memref<1x4096xf32, #tpu.memory_space<hbm>>
    %dma_wait3A_883 = tpu.memref_squeeze %dma_wait3A_882 : memref<1x4096xf32, #tpu.memory_space<hbm>> -> memref<4096xf32, #tpu.memory_space<hbm>>
    %dma_wait3A_884 = arith.constant 0 : i32
    %dma_wait3A_885 = tpu.memref_slice %arg7[%dma_wait3A_874, %dma_wait3A_884] : memref<2x4096xf32, #tpu.memory_space<vmem>> -> memref<1x4096xf32, #tpu.memory_space<vmem>>
    %dma_wait3A_886 = tpu.memref_squeeze %dma_wait3A_885 : memref<1x4096xf32, #tpu.memory_space<vmem>> -> memref<4096xf32, #tpu.memory_space<vmem>>
    tpu.wait_dma2 semaphore(%arg9 : memref<!tpu.dma_semaphore, #tpu.memory_space<semaphore_mem>>) src(%dma_wait3A_886 : memref<4096xf32, #tpu.memory_space<vmem>>) dst(%dma_wait3A_883 : memref<4096xf32, #tpu.memory_space<hbm>>)
    %dma_start3A_887 = arith.constant 0 : i32
    %dma_start3A_888 = arith.constant 0 : i32
    %dma_start3A_889 = arith.constant 0 : i32
    %dma_start3A_890 = tpu.memref_slice %arg7[%dma_start3A_888, %dma_start3A_889] : memref<2x4096xf32, #tpu.memory_space<vmem>> -> memref<1x4096xf32, #tpu.memory_space<vmem>>
    %dma_start3A_891 = tpu.memref_squeeze %dma_start3A_890 : memref<1x4096xf32, #tpu.memory_space<vmem>> -> memref<4096xf32, #tpu.memory_space<vmem>>
    %dma_start3A_892 = arith.constant 0 : i32
    %dma_start3A_893 = tpu.memref_slice %arg6[%dma_start3A_887, %dma_start3A_892] : memref<2x4096xi32, #tpu.memory_space<vmem>> -> memref<1x4096xi32, #tpu.memory_space<vmem>>
    %dma_start3A_894 = tpu.memref_squeeze %dma_start3A_893 : memref<1x4096xi32, #tpu.memory_space<vmem>> -> memref<4096xi32, #tpu.memory_space<vmem>>
    %dma_start3A_895 = arith.constant 0 : i32
    %dma_start3A_896 = tpu.memref_slice %arg2[%dma_start3A_895] : memref<83200000xf32, #tpu.memory_space<hbm>> -> memref<83200000xf32, #tpu.memory_space<hbm>>
    tpu.enqueue_indirect_dma source(%dma_start3A_896 : memref<83200000xf32, #tpu.memory_space<hbm>>) target(%dma_start3A_891 : memref<4096xf32, #tpu.memory_space<vmem>>) offsets(%dma_start3A_894 : memref<4096xi32, #tpu.memory_space<vmem>>) semaphore(%arg8 : memref<!tpu.dma_semaphore, #tpu.memory_space<semaphore_mem>>)
    %add3A_897 = arith.constant 11 : i32
    %add3A_898 = arith.addi %mul3A_2, %add3A_897 : i32
    %jit3A_899 = arith.constant 32 : i32
    %div3A_900 = arith.divsi %add3A_898, %jit3A_899 : i32
    %sign3A_901 = arith.constant 0 : i32
    %sign3A_902 = arith.cmpi sgt, %add3A_898, %sign3A_901 : i32
    %sign3A_903 = arith.extui %sign3A_902 : i1 to i32
    %sign3A_904 = arith.constant 0 : i32
    %sign3A_905 = arith.cmpi slt, %add3A_898, %sign3A_904 : i32
    %sign3A_906 = arith.extui %sign3A_905 : i1 to i32
    %sign3A_907 = arith.subi %sign3A_903, %sign3A_906 : i32
    %sign3A_908 = arith.constant 0 : i32
    %sign3A_909 = arith.cmpi sgt, %jit3A_899, %sign3A_908 : i32
    %sign3A_910 = arith.extui %sign3A_909 : i1 to i32
    %sign3A_911 = arith.constant 0 : i32
    %sign3A_912 = arith.cmpi slt, %jit3A_899, %sign3A_911 : i32
    %sign3A_913 = arith.extui %sign3A_912 : i1 to i32
    %sign3A_914 = arith.subi %sign3A_910, %sign3A_913 : i32
    %ne3A_915 = arith.cmpi ne, %sign3A_907, %sign3A_914 : i32
    %rem3A_916 = arith.remsi %add3A_898, %jit3A_899 : i32
    %ne3A_917 = arith.constant 0 : i32
    %ne3A_918 = arith.cmpi ne, %rem3A_916, %ne3A_917 : i32
    %and3A_919 = arith.andi %ne3A_915, %ne3A_918 : i1
    %sub3A_920 = arith.constant 1 : i32
    %sub3A_921 = arith.subi %div3A_900, %sub3A_920 : i32
    %select_n3A_922 = arith.select %and3A_919, %sub3A_921, %div3A_900 : i32
    %sub3A_923 = arith.subi %select_n3A_922, %min3A_19 : i32
    %mul3A_924 = arith.constant 100000 : i32
    %mul3A_925 = arith.muli %add3A_898, %mul3A_924 : i32
    %scan3A_926 = arith.constant 0 : i32
    %scan3A_927 = arith.constant 0 : i32
    %scan3A_928 = arith.constant 256 : i32
    %scan3A_929 = arith.addi %scan3A_927, %scan3A_928 : i32
    %scan3A_930 = arith.constant 1 : i32
    scf.for %scan3A_2227 = %scan3A_927 to %scan3A_929 step %scan3A_930  : i32 {
      %mul3A_2228 = arith.constant 16 : i32
      %mul3A_2229 = arith.muli %scan3A_2227, %mul3A_2228 : i32
      %get3A = arith.index_cast %sub3A_923 : i32 to index
      %get3A_2230 = arith.index_cast %mul3A_2229 : i32 to index
      %get3A_2231 = tpu.vector_load %arg5[%get3A, %get3A_2230] {strides = array<i32>} : memref<2x4096xi32, #tpu.memory_space<vmem>>, vector<1x16xi32>,
      %get3A_2232 = vector.shape_cast %get3A_2231 : vector<1x16xi32> to vector<16xi32>
      %add3A_2233 = vector.broadcast %mul3A_925 : i32 to vector<16xi32>
      %add3A_2234 = arith.addi %get3A_2232, %add3A_2233 : vector<16xi32>
      %mul3A_2235 = arith.constant 16 : i32
      %mul3A_2236 = arith.muli %scan3A_2227, %mul3A_2235 : i32
      %swap3A = arith.constant 1 : i32
      %swap3A_2237 = arith.index_cast %swap3A : i32 to index
      %swap3A_2238 = arith.index_cast %mul3A_2236 : i32 to index
      %swap3A_2239 = tpu.vector_load %arg6[%swap3A_2237, %swap3A_2238] {strides = array<i32>} : memref<2x4096xi32, #tpu.memory_space<vmem>>, vector<1x16xi32>,
      %swap3A_2240 = vector.shape_cast %swap3A_2239 : vector<1x16xi32> to vector<16xi32>
      %swap3A_2241 = vector.shape_cast %add3A_2234 : vector<16xi32> to vector<1x16xi32>
      tpu.vector_store %arg6[%swap3A_2237, %swap3A_2238], %swap3A_2241 {strides = array<i32>} : memref<2x4096xi32, #tpu.memory_space<vmem>>, vector<1x16xi32>,
    }
    %scan3A_931 = arith.constant 256 : i32
    %dma_wait3A_932 = arith.constant 0 : i32
    %dma_wait3A_933 = arith.constant 0 : i32
    %dma_wait3A_934 = arith.constant 0 : i32
    %dma_wait3A_935 = tpu.memref_slice %arg7[%dma_wait3A_933, %dma_wait3A_934] : memref<2x4096xf32, #tpu.memory_space<vmem>> -> memref<1x4096xf32, #tpu.memory_space<vmem>>
    %dma_wait3A_936 = tpu.memref_squeeze %dma_wait3A_935 : memref<1x4096xf32, #tpu.memory_space<vmem>> -> memref<4096xf32, #tpu.memory_space<vmem>>
    %dma_wait3A_937 = arith.constant 0 : i32
    %dma_wait3A_938 = tpu.memref_slice %arg6[%dma_wait3A_932, %dma_wait3A_937] : memref<2x4096xi32, #tpu.memory_space<vmem>> -> memref<1x4096xi32, #tpu.memory_space<vmem>>
    %dma_wait3A_939 = tpu.memref_squeeze %dma_wait3A_938 : memref<1x4096xi32, #tpu.memory_space<vmem>> -> memref<4096xi32, #tpu.memory_space<vmem>>
    %dma_wait3A_940 = arith.constant 0 : i32
    %dma_wait3A_941 = tpu.memref_slice %arg2[%dma_wait3A_940] : memref<83200000xf32, #tpu.memory_space<hbm>> -> memref<83200000xf32, #tpu.memory_space<hbm>>
    tpu.wait_indirect_dma semaphore(%arg8 : memref<!tpu.dma_semaphore, #tpu.memory_space<semaphore_mem>>) src(%dma_wait3A_941 : memref<83200000xf32, #tpu.memory_space<hbm>>) dst(%dma_wait3A_936 : memref<4096xf32, #tpu.memory_space<vmem>>)
    %add3A_942 = arith.constant 10 : i32
    %add3A_943 = arith.addi %mul3A_2, %add3A_942 : i32
    %dma_start3A_944 = arith.constant 0 : i32
    %dma_start3A_945 = arith.constant 0 : i32
    %dma_start3A_946 = tpu.memref_slice %arg7[%dma_start3A_944, %dma_start3A_945] : memref<2x4096xf32, #tpu.memory_space<vmem>> -> memref<1x4096xf32, #tpu.memory_space<vmem>>
    %dma_start3A_947 = tpu.memref_squeeze %dma_start3A_946 : memref<1x4096xf32, #tpu.memory_space<vmem>> -> memref<4096xf32, #tpu.memory_space<vmem>>
    %dma_start3A_948 = arith.constant 0 : i32
    %dma_start3A_949 = tpu.memref_slice %arg4[%add3A_943, %dma_start3A_948] : memref<832x4096xf32, #tpu.memory_space<hbm>> -> memref<1x4096xf32, #tpu.memory_space<hbm>>
    %dma_start3A_950 = tpu.memref_squeeze %dma_start3A_949 : memref<1x4096xf32, #tpu.memory_space<hbm>> -> memref<4096xf32, #tpu.memory_space<hbm>>
    %dma_start3A_951 = arith.constant 0 : i32
    %dma_start3A_952 = tpu.memref_slice %arg4[%add3A_943, %dma_start3A_951] : memref<832x4096xf32, #tpu.memory_space<hbm>> -> memref<1x4096xf32, #tpu.memory_space<hbm>>
    %dma_start3A_953 = tpu.memref_squeeze %dma_start3A_952 : memref<1x4096xf32, #tpu.memory_space<hbm>> -> memref<4096xf32, #tpu.memory_space<hbm>>
    %dma_start3A_954 = arith.constant 0 : i32
    %dma_start3A_955 = tpu.memref_slice %arg7[%dma_start3A_944, %dma_start3A_954] : memref<2x4096xf32, #tpu.memory_space<vmem>> -> memref<1x4096xf32, #tpu.memory_space<vmem>>
    %dma_start3A_956 = tpu.memref_squeeze %dma_start3A_955 : memref<1x4096xf32, #tpu.memory_space<vmem>> -> memref<4096xf32, #tpu.memory_space<vmem>>
    tpu.enqueue_dma source(%dma_start3A_956 : memref<4096xf32, #tpu.memory_space<vmem>>) target(%dma_start3A_953 : memref<4096xf32, #tpu.memory_space<hbm>>) target_semaphore(%arg9 : memref<!tpu.dma_semaphore, #tpu.memory_space<semaphore_mem>>)
    %add3A_957 = arith.constant 9 : i32
    %add3A_958 = arith.addi %mul3A_2, %add3A_957 : i32
    %dma_wait3A_959 = arith.constant 1 : i32
    %dma_wait3A_960 = arith.constant 0 : i32
    %dma_wait3A_961 = tpu.memref_slice %arg7[%dma_wait3A_959, %dma_wait3A_960] : memref<2x4096xf32, #tpu.memory_space<vmem>> -> memref<1x4096xf32, #tpu.memory_space<vmem>>
    %dma_wait3A_962 = tpu.memref_squeeze %dma_wait3A_961 : memref<1x4096xf32, #tpu.memory_space<vmem>> -> memref<4096xf32, #tpu.memory_space<vmem>>
    %dma_wait3A_963 = arith.constant 0 : i32
    %dma_wait3A_964 = tpu.memref_slice %arg4[%add3A_958, %dma_wait3A_963] : memref<832x4096xf32, #tpu.memory_space<hbm>> -> memref<1x4096xf32, #tpu.memory_space<hbm>>
    %dma_wait3A_965 = tpu.memref_squeeze %dma_wait3A_964 : memref<1x4096xf32, #tpu.memory_space<hbm>> -> memref<4096xf32, #tpu.memory_space<hbm>>
    %dma_wait3A_966 = arith.constant 0 : i32
    %dma_wait3A_967 = tpu.memref_slice %arg4[%add3A_958, %dma_wait3A_966] : memref<832x4096xf32, #tpu.memory_space<hbm>> -> memref<1x4096xf32, #tpu.memory_space<hbm>>
    %dma_wait3A_968 = tpu.memref_squeeze %dma_wait3A_967 : memref<1x4096xf32, #tpu.memory_space<hbm>> -> memref<4096xf32, #tpu.memory_space<hbm>>
    %dma_wait3A_969 = arith.constant 0 : i32
    %dma_wait3A_970 = tpu.memref_slice %arg7[%dma_wait3A_959, %dma_wait3A_969] : memref<2x4096xf32, #tpu.memory_space<vmem>> -> memref<1x4096xf32, #tpu.memory_space<vmem>>
    %dma_wait3A_971 = tpu.memref_squeeze %dma_wait3A_970 : memref<1x4096xf32, #tpu.memory_space<vmem>> -> memref<4096xf32, #tpu.memory_space<vmem>>
    tpu.wait_dma2 semaphore(%arg9 : memref<!tpu.dma_semaphore, #tpu.memory_space<semaphore_mem>>) src(%dma_wait3A_971 : memref<4096xf32, #tpu.memory_space<vmem>>) dst(%dma_wait3A_968 : memref<4096xf32, #tpu.memory_space<hbm>>)
    %dma_start3A_972 = arith.constant 1 : i32
    %dma_start3A_973 = arith.constant 1 : i32
    %dma_start3A_974 = arith.constant 0 : i32
    %dma_start3A_975 = tpu.memref_slice %arg7[%dma_start3A_973, %dma_start3A_974] : memref<2x4096xf32, #tpu.memory_space<vmem>> -> memref<1x4096xf32, #tpu.memory_space<vmem>>
    %dma_start3A_976 = tpu.memref_squeeze %dma_start3A_975 : memref<1x4096xf32, #tpu.memory_space<vmem>> -> memref<4096xf32, #tpu.memory_space<vmem>>
    %dma_start3A_977 = arith.constant 0 : i32
    %dma_start3A_978 = tpu.memref_slice %arg6[%dma_start3A_972, %dma_start3A_977] : memref<2x4096xi32, #tpu.memory_space<vmem>> -> memref<1x4096xi32, #tpu.memory_space<vmem>>
    %dma_start3A_979 = tpu.memref_squeeze %dma_start3A_978 : memref<1x4096xi32, #tpu.memory_space<vmem>> -> memref<4096xi32, #tpu.memory_space<vmem>>
    %dma_start3A_980 = arith.constant 0 : i32
    %dma_start3A_981 = tpu.memref_slice %arg2[%dma_start3A_980] : memref<83200000xf32, #tpu.memory_space<hbm>> -> memref<83200000xf32, #tpu.memory_space<hbm>>
    tpu.enqueue_indirect_dma source(%dma_start3A_981 : memref<83200000xf32, #tpu.memory_space<hbm>>) target(%dma_start3A_976 : memref<4096xf32, #tpu.memory_space<vmem>>) offsets(%dma_start3A_979 : memref<4096xi32, #tpu.memory_space<vmem>>) semaphore(%arg8 : memref<!tpu.dma_semaphore, #tpu.memory_space<semaphore_mem>>)
    %add3A_982 = arith.constant 12 : i32
    %add3A_983 = arith.addi %mul3A_2, %add3A_982 : i32
    %jit3A_984 = arith.constant 32 : i32
    %div3A_985 = arith.divsi %add3A_983, %jit3A_984 : i32
    %sign3A_986 = arith.constant 0 : i32
    %sign3A_987 = arith.cmpi sgt, %add3A_983, %sign3A_986 : i32
    %sign3A_988 = arith.extui %sign3A_987 : i1 to i32
    %sign3A_989 = arith.constant 0 : i32
    %sign3A_990 = arith.cmpi slt, %add3A_983, %sign3A_989 : i32
    %sign3A_991 = arith.extui %sign3A_990 : i1 to i32
    %sign3A_992 = arith.subi %sign3A_988, %sign3A_991 : i32
    %sign3A_993 = arith.constant 0 : i32
    %sign3A_994 = arith.cmpi sgt, %jit3A_984, %sign3A_993 : i32
    %sign3A_995 = arith.extui %sign3A_994 : i1 to i32
    %sign3A_996 = arith.constant 0 : i32
    %sign3A_997 = arith.cmpi slt, %jit3A_984, %sign3A_996 : i32
    %sign3A_998 = arith.extui %sign3A_997 : i1 to i32
    %sign3A_999 = arith.subi %sign3A_995, %sign3A_998 : i32
    %ne3A_1000 = arith.cmpi ne, %sign3A_992, %sign3A_999 : i32
    %rem3A_1001 = arith.remsi %add3A_983, %jit3A_984 : i32
    %ne3A_1002 = arith.constant 0 : i32
    %ne3A_1003 = arith.cmpi ne, %rem3A_1001, %ne3A_1002 : i32
    %and3A_1004 = arith.andi %ne3A_1000, %ne3A_1003 : i1
    %sub3A_1005 = arith.constant 1 : i32
    %sub3A_1006 = arith.subi %div3A_985, %sub3A_1005 : i32
    %select_n3A_1007 = arith.select %and3A_1004, %sub3A_1006, %div3A_985 : i32
    %sub3A_1008 = arith.subi %select_n3A_1007, %min3A_19 : i32
    %mul3A_1009 = arith.constant 100000 : i32
    %mul3A_1010 = arith.muli %add3A_983, %mul3A_1009 : i32
    %scan3A_1011 = arith.constant 0 : i32
    %scan3A_1012 = arith.constant 0 : i32
    %scan3A_1013 = arith.constant 256 : i32
    %scan3A_1014 = arith.addi %scan3A_1012, %scan3A_1013 : i32
    %scan3A_1015 = arith.constant 1 : i32
    scf.for %scan3A_2227 = %scan3A_1012 to %scan3A_1014 step %scan3A_1015  : i32 {
      %mul3A_2228 = arith.constant 16 : i32
      %mul3A_2229 = arith.muli %scan3A_2227, %mul3A_2228 : i32
      %get3A = arith.index_cast %sub3A_1008 : i32 to index
      %get3A_2230 = arith.index_cast %mul3A_2229 : i32 to index
      %get3A_2231 = tpu.vector_load %arg5[%get3A, %get3A_2230] {strides = array<i32>} : memref<2x4096xi32, #tpu.memory_space<vmem>>, vector<1x16xi32>,
      %get3A_2232 = vector.shape_cast %get3A_2231 : vector<1x16xi32> to vector<16xi32>
      %add3A_2233 = vector.broadcast %mul3A_1010 : i32 to vector<16xi32>
      %add3A_2234 = arith.addi %get3A_2232, %add3A_2233 : vector<16xi32>
      %mul3A_2235 = arith.constant 16 : i32
      %mul3A_2236 = arith.muli %scan3A_2227, %mul3A_2235 : i32
      %swap3A = arith.constant 0 : i32
      %swap3A_2237 = arith.index_cast %swap3A : i32 to index
      %swap3A_2238 = arith.index_cast %mul3A_2236 : i32 to index
      %swap3A_2239 = tpu.vector_load %arg6[%swap3A_2237, %swap3A_2238] {strides = array<i32>} : memref<2x4096xi32, #tpu.memory_space<vmem>>, vector<1x16xi32>,
      %swap3A_2240 = vector.shape_cast %swap3A_2239 : vector<1x16xi32> to vector<16xi32>
      %swap3A_2241 = vector.shape_cast %add3A_2234 : vector<16xi32> to vector<1x16xi32>
      tpu.vector_store %arg6[%swap3A_2237, %swap3A_2238], %swap3A_2241 {strides = array<i32>} : memref<2x4096xi32, #tpu.memory_space<vmem>>, vector<1x16xi32>,
    }
    %scan3A_1016 = arith.constant 256 : i32
    %dma_wait3A_1017 = arith.constant 1 : i32
    %dma_wait3A_1018 = arith.constant 1 : i32
    %dma_wait3A_1019 = arith.constant 0 : i32
    %dma_wait3A_1020 = tpu.memref_slice %arg7[%dma_wait3A_1018, %dma_wait3A_1019] : memref<2x4096xf32, #tpu.memory_space<vmem>> -> memref<1x4096xf32, #tpu.memory_space<vmem>>
    %dma_wait3A_1021 = tpu.memref_squeeze %dma_wait3A_1020 : memref<1x4096xf32, #tpu.memory_space<vmem>> -> memref<4096xf32, #tpu.memory_space<vmem>>
    %dma_wait3A_1022 = arith.constant 0 : i32
    %dma_wait3A_1023 = tpu.memref_slice %arg6[%dma_wait3A_1017, %dma_wait3A_1022] : memref<2x4096xi32, #tpu.memory_space<vmem>> -> memref<1x4096xi32, #tpu.memory_space<vmem>>
    %dma_wait3A_1024 = tpu.memref_squeeze %dma_wait3A_1023 : memref<1x4096xi32, #tpu.memory_space<vmem>> -> memref<4096xi32, #tpu.memory_space<vmem>>
    %dma_wait3A_1025 = arith.constant 0 : i32
    %dma_wait3A_1026 = tpu.memref_slice %arg2[%dma_wait3A_1025] : memref<83200000xf32, #tpu.memory_space<hbm>> -> memref<83200000xf32, #tpu.memory_space<hbm>>
    tpu.wait_indirect_dma semaphore(%arg8 : memref<!tpu.dma_semaphore, #tpu.memory_space<semaphore_mem>>) src(%dma_wait3A_1026 : memref<83200000xf32, #tpu.memory_space<hbm>>) dst(%dma_wait3A_1021 : memref<4096xf32, #tpu.memory_space<vmem>>)
    %add3A_1027 = arith.constant 11 : i32
    %add3A_1028 = arith.addi %mul3A_2, %add3A_1027 : i32
    %dma_start3A_1029 = arith.constant 1 : i32
    %dma_start3A_1030 = arith.constant 0 : i32
    %dma_start3A_1031 = tpu.memref_slice %arg7[%dma_start3A_1029, %dma_start3A_1030] : memref<2x4096xf32, #tpu.memory_space<vmem>> -> memref<1x4096xf32, #tpu.memory_space<vmem>>
    %dma_start3A_1032 = tpu.memref_squeeze %dma_start3A_1031 : memref<1x4096xf32, #tpu.memory_space<vmem>> -> memref<4096xf32, #tpu.memory_space<vmem>>
    %dma_start3A_1033 = arith.constant 0 : i32
    %dma_start3A_1034 = tpu.memref_slice %arg4[%add3A_1028, %dma_start3A_1033] : memref<832x4096xf32, #tpu.memory_space<hbm>> -> memref<1x4096xf32, #tpu.memory_space<hbm>>
    %dma_start3A_1035 = tpu.memref_squeeze %dma_start3A_1034 : memref<1x4096xf32, #tpu.memory_space<hbm>> -> memref<4096xf32, #tpu.memory_space<hbm>>
    %dma_start3A_1036 = arith.constant 0 : i32
    %dma_start3A_1037 = tpu.memref_slice %arg4[%add3A_1028, %dma_start3A_1036] : memref<832x4096xf32, #tpu.memory_space<hbm>> -> memref<1x4096xf32, #tpu.memory_space<hbm>>
    %dma_start3A_1038 = tpu.memref_squeeze %dma_start3A_1037 : memref<1x4096xf32, #tpu.memory_space<hbm>> -> memref<4096xf32, #tpu.memory_space<hbm>>
    %dma_start3A_1039 = arith.constant 0 : i32
    %dma_start3A_1040 = tpu.memref_slice %arg7[%dma_start3A_1029, %dma_start3A_1039] : memref<2x4096xf32, #tpu.memory_space<vmem>> -> memref<1x4096xf32, #tpu.memory_space<vmem>>
    %dma_start3A_1041 = tpu.memref_squeeze %dma_start3A_1040 : memref<1x4096xf32, #tpu.memory_space<vmem>> -> memref<4096xf32, #tpu.memory_space<vmem>>
    tpu.enqueue_dma source(%dma_start3A_1041 : memref<4096xf32, #tpu.memory_space<vmem>>) target(%dma_start3A_1038 : memref<4096xf32, #tpu.memory_space<hbm>>) target_semaphore(%arg9 : memref<!tpu.dma_semaphore, #tpu.memory_space<semaphore_mem>>)
    %add3A_1042 = arith.constant 10 : i32
    %add3A_1043 = arith.addi %mul3A_2, %add3A_1042 : i32
    %dma_wait3A_1044 = arith.constant 0 : i32
    %dma_wait3A_1045 = arith.constant 0 : i32
    %dma_wait3A_1046 = tpu.memref_slice %arg7[%dma_wait3A_1044, %dma_wait3A_1045] : memref<2x4096xf32, #tpu.memory_space<vmem>> -> memref<1x4096xf32, #tpu.memory_space<vmem>>
    %dma_wait3A_1047 = tpu.memref_squeeze %dma_wait3A_1046 : memref<1x4096xf32, #tpu.memory_space<vmem>> -> memref<4096xf32, #tpu.memory_space<vmem>>
    %dma_wait3A_1048 = arith.constant 0 : i32
    %dma_wait3A_1049 = tpu.memref_slice %arg4[%add3A_1043, %dma_wait3A_1048] : memref<832x4096xf32, #tpu.memory_space<hbm>> -> memref<1x4096xf32, #tpu.memory_space<hbm>>
    %dma_wait3A_1050 = tpu.memref_squeeze %dma_wait3A_1049 : memref<1x4096xf32, #tpu.memory_space<hbm>> -> memref<4096xf32, #tpu.memory_space<hbm>>
    %dma_wait3A_1051 = arith.constant 0 : i32
    %dma_wait3A_1052 = tpu.memref_slice %arg4[%add3A_1043, %dma_wait3A_1051] : memref<832x4096xf32, #tpu.memory_space<hbm>> -> memref<1x4096xf32, #tpu.memory_space<hbm>>
    %dma_wait3A_1053 = tpu.memref_squeeze %dma_wait3A_1052 : memref<1x4096xf32, #tpu.memory_space<hbm>> -> memref<4096xf32, #tpu.memory_space<hbm>>
    %dma_wait3A_1054 = arith.constant 0 : i32
    %dma_wait3A_1055 = tpu.memref_slice %arg7[%dma_wait3A_1044, %dma_wait3A_1054] : memref<2x4096xf32, #tpu.memory_space<vmem>> -> memref<1x4096xf32, #tpu.memory_space<vmem>>
    %dma_wait3A_1056 = tpu.memref_squeeze %dma_wait3A_1055 : memref<1x4096xf32, #tpu.memory_space<vmem>> -> memref<4096xf32, #tpu.memory_space<vmem>>
    tpu.wait_dma2 semaphore(%arg9 : memref<!tpu.dma_semaphore, #tpu.memory_space<semaphore_mem>>) src(%dma_wait3A_1056 : memref<4096xf32, #tpu.memory_space<vmem>>) dst(%dma_wait3A_1053 : memref<4096xf32, #tpu.memory_space<hbm>>)
    %dma_start3A_1057 = arith.constant 0 : i32
    %dma_start3A_1058 = arith.constant 0 : i32
    %dma_start3A_1059 = arith.constant 0 : i32
    %dma_start3A_1060 = tpu.memref_slice %arg7[%dma_start3A_1058, %dma_start3A_1059] : memref<2x4096xf32, #tpu.memory_space<vmem>> -> memref<1x4096xf32, #tpu.memory_space<vmem>>
    %dma_start3A_1061 = tpu.memref_squeeze %dma_start3A_1060 : memref<1x4096xf32, #tpu.memory_space<vmem>> -> memref<4096xf32, #tpu.memory_space<vmem>>
    %dma_start3A_1062 = arith.constant 0 : i32
    %dma_start3A_1063 = tpu.memref_slice %arg6[%dma_start3A_1057, %dma_start3A_1062] : memref<2x4096xi32, #tpu.memory_space<vmem>> -> memref<1x4096xi32, #tpu.memory_space<vmem>>
    %dma_start3A_1064 = tpu.memref_squeeze %dma_start3A_1063 : memref<1x4096xi32, #tpu.memory_space<vmem>> -> memref<4096xi32, #tpu.memory_space<vmem>>
    %dma_start3A_1065 = arith.constant 0 : i32
    %dma_start3A_1066 = tpu.memref_slice %arg2[%dma_start3A_1065] : memref<83200000xf32, #tpu.memory_space<hbm>> -> memref<83200000xf32, #tpu.memory_space<hbm>>
    tpu.enqueue_indirect_dma source(%dma_start3A_1066 : memref<83200000xf32, #tpu.memory_space<hbm>>) target(%dma_start3A_1061 : memref<4096xf32, #tpu.memory_space<vmem>>) offsets(%dma_start3A_1064 : memref<4096xi32, #tpu.memory_space<vmem>>) semaphore(%arg8 : memref<!tpu.dma_semaphore, #tpu.memory_space<semaphore_mem>>)
    %add3A_1067 = arith.constant 13 : i32
    %add3A_1068 = arith.addi %mul3A_2, %add3A_1067 : i32
    %jit3A_1069 = arith.constant 32 : i32
    %div3A_1070 = arith.divsi %add3A_1068, %jit3A_1069 : i32
    %sign3A_1071 = arith.constant 0 : i32
    %sign3A_1072 = arith.cmpi sgt, %add3A_1068, %sign3A_1071 : i32
    %sign3A_1073 = arith.extui %sign3A_1072 : i1 to i32
    %sign3A_1074 = arith.constant 0 : i32
    %sign3A_1075 = arith.cmpi slt, %add3A_1068, %sign3A_1074 : i32
    %sign3A_1076 = arith.extui %sign3A_1075 : i1 to i32
    %sign3A_1077 = arith.subi %sign3A_1073, %sign3A_1076 : i32
    %sign3A_1078 = arith.constant 0 : i32
    %sign3A_1079 = arith.cmpi sgt, %jit3A_1069, %sign3A_1078 : i32
    %sign3A_1080 = arith.extui %sign3A_1079 : i1 to i32
    %sign3A_1081 = arith.constant 0 : i32
    %sign3A_1082 = arith.cmpi slt, %jit3A_1069, %sign3A_1081 : i32
    %sign3A_1083 = arith.extui %sign3A_1082 : i1 to i32
    %sign3A_1084 = arith.subi %sign3A_1080, %sign3A_1083 : i32
    %ne3A_1085 = arith.cmpi ne, %sign3A_1077, %sign3A_1084 : i32
    %rem3A_1086 = arith.remsi %add3A_1068, %jit3A_1069 : i32
    %ne3A_1087 = arith.constant 0 : i32
    %ne3A_1088 = arith.cmpi ne, %rem3A_1086, %ne3A_1087 : i32
    %and3A_1089 = arith.andi %ne3A_1085, %ne3A_1088 : i1
    %sub3A_1090 = arith.constant 1 : i32
    %sub3A_1091 = arith.subi %div3A_1070, %sub3A_1090 : i32
    %select_n3A_1092 = arith.select %and3A_1089, %sub3A_1091, %div3A_1070 : i32
    %sub3A_1093 = arith.subi %select_n3A_1092, %min3A_19 : i32
    %mul3A_1094 = arith.constant 100000 : i32
    %mul3A_1095 = arith.muli %add3A_1068, %mul3A_1094 : i32
    %scan3A_1096 = arith.constant 0 : i32
    %scan3A_1097 = arith.constant 0 : i32
    %scan3A_1098 = arith.constant 256 : i32
    %scan3A_1099 = arith.addi %scan3A_1097, %scan3A_1098 : i32
    %scan3A_1100 = arith.constant 1 : i32
    scf.for %scan3A_2227 = %scan3A_1097 to %scan3A_1099 step %scan3A_1100  : i32 {
      %mul3A_2228 = arith.constant 16 : i32
      %mul3A_2229 = arith.muli %scan3A_2227, %mul3A_2228 : i32
      %get3A = arith.index_cast %sub3A_1093 : i32 to index
      %get3A_2230 = arith.index_cast %mul3A_2229 : i32 to index
      %get3A_2231 = tpu.vector_load %arg5[%get3A, %get3A_2230] {strides = array<i32>} : memref<2x4096xi32, #tpu.memory_space<vmem>>, vector<1x16xi32>,
      %get3A_2232 = vector.shape_cast %get3A_2231 : vector<1x16xi32> to vector<16xi32>
      %add3A_2233 = vector.broadcast %mul3A_1095 : i32 to vector<16xi32>
      %add3A_2234 = arith.addi %get3A_2232, %add3A_2233 : vector<16xi32>
      %mul3A_2235 = arith.constant 16 : i32
      %mul3A_2236 = arith.muli %scan3A_2227, %mul3A_2235 : i32
      %swap3A = arith.constant 1 : i32
      %swap3A_2237 = arith.index_cast %swap3A : i32 to index
      %swap3A_2238 = arith.index_cast %mul3A_2236 : i32 to index
      %swap3A_2239 = tpu.vector_load %arg6[%swap3A_2237, %swap3A_2238] {strides = array<i32>} : memref<2x4096xi32, #tpu.memory_space<vmem>>, vector<1x16xi32>,
      %swap3A_2240 = vector.shape_cast %swap3A_2239 : vector<1x16xi32> to vector<16xi32>
      %swap3A_2241 = vector.shape_cast %add3A_2234 : vector<16xi32> to vector<1x16xi32>
      tpu.vector_store %arg6[%swap3A_2237, %swap3A_2238], %swap3A_2241 {strides = array<i32>} : memref<2x4096xi32, #tpu.memory_space<vmem>>, vector<1x16xi32>,
    }
    %scan3A_1101 = arith.constant 256 : i32
    %dma_wait3A_1102 = arith.constant 0 : i32
    %dma_wait3A_1103 = arith.constant 0 : i32
    %dma_wait3A_1104 = arith.constant 0 : i32
    %dma_wait3A_1105 = tpu.memref_slice %arg7[%dma_wait3A_1103, %dma_wait3A_1104] : memref<2x4096xf32, #tpu.memory_space<vmem>> -> memref<1x4096xf32, #tpu.memory_space<vmem>>
    %dma_wait3A_1106 = tpu.memref_squeeze %dma_wait3A_1105 : memref<1x4096xf32, #tpu.memory_space<vmem>> -> memref<4096xf32, #tpu.memory_space<vmem>>
    %dma_wait3A_1107 = arith.constant 0 : i32
    %dma_wait3A_1108 = tpu.memref_slice %arg6[%dma_wait3A_1102, %dma_wait3A_1107] : memref<2x4096xi32, #tpu.memory_space<vmem>> -> memref<1x4096xi32, #tpu.memory_space<vmem>>
    %dma_wait3A_1109 = tpu.memref_squeeze %dma_wait3A_1108 : memref<1x4096xi32, #tpu.memory_space<vmem>> -> memref<4096xi32, #tpu.memory_space<vmem>>
    %dma_wait3A_1110 = arith.constant 0 : i32
    %dma_wait3A_1111 = tpu.memref_slice %arg2[%dma_wait3A_1110] : memref<83200000xf32, #tpu.memory_space<hbm>> -> memref<83200000xf32, #tpu.memory_space<hbm>>
    tpu.wait_indirect_dma semaphore(%arg8 : memref<!tpu.dma_semaphore, #tpu.memory_space<semaphore_mem>>) src(%dma_wait3A_1111 : memref<83200000xf32, #tpu.memory_space<hbm>>) dst(%dma_wait3A_1106 : memref<4096xf32, #tpu.memory_space<vmem>>)
    %add3A_1112 = arith.constant 12 : i32
    %add3A_1113 = arith.addi %mul3A_2, %add3A_1112 : i32
    %dma_start3A_1114 = arith.constant 0 : i32
    %dma_start3A_1115 = arith.constant 0 : i32
    %dma_start3A_1116 = tpu.memref_slice %arg7[%dma_start3A_1114, %dma_start3A_1115] : memref<2x4096xf32, #tpu.memory_space<vmem>> -> memref<1x4096xf32, #tpu.memory_space<vmem>>
    %dma_start3A_1117 = tpu.memref_squeeze %dma_start3A_1116 : memref<1x4096xf32, #tpu.memory_space<vmem>> -> memref<4096xf32, #tpu.memory_space<vmem>>
    %dma_start3A_1118 = arith.constant 0 : i32
    %dma_start3A_1119 = tpu.memref_slice %arg4[%add3A_1113, %dma_start3A_1118] : memref<832x4096xf32, #tpu.memory_space<hbm>> -> memref<1x4096xf32, #tpu.memory_space<hbm>>
    %dma_start3A_1120 = tpu.memref_squeeze %dma_start3A_1119 : memref<1x4096xf32, #tpu.memory_space<hbm>> -> memref<4096xf32, #tpu.memory_space<hbm>>
    %dma_start3A_1121 = arith.constant 0 : i32
    %dma_start3A_1122 = tpu.memref_slice %arg4[%add3A_1113, %dma_start3A_1121] : memref<832x4096xf32, #tpu.memory_space<hbm>> -> memref<1x4096xf32, #tpu.memory_space<hbm>>
    %dma_start3A_1123 = tpu.memref_squeeze %dma_start3A_1122 : memref<1x4096xf32, #tpu.memory_space<hbm>> -> memref<4096xf32, #tpu.memory_space<hbm>>
    %dma_start3A_1124 = arith.constant 0 : i32
    %dma_start3A_1125 = tpu.memref_slice %arg7[%dma_start3A_1114, %dma_start3A_1124] : memref<2x4096xf32, #tpu.memory_space<vmem>> -> memref<1x4096xf32, #tpu.memory_space<vmem>>
    %dma_start3A_1126 = tpu.memref_squeeze %dma_start3A_1125 : memref<1x4096xf32, #tpu.memory_space<vmem>> -> memref<4096xf32, #tpu.memory_space<vmem>>
    tpu.enqueue_dma source(%dma_start3A_1126 : memref<4096xf32, #tpu.memory_space<vmem>>) target(%dma_start3A_1123 : memref<4096xf32, #tpu.memory_space<hbm>>) target_semaphore(%arg9 : memref<!tpu.dma_semaphore, #tpu.memory_space<semaphore_mem>>)
    %add3A_1127 = arith.constant 11 : i32
    %add3A_1128 = arith.addi %mul3A_2, %add3A_1127 : i32
    %dma_wait3A_1129 = arith.constant 1 : i32
    %dma_wait3A_1130 = arith.constant 0 : i32
    %dma_wait3A_1131 = tpu.memref_slice %arg7[%dma_wait3A_1129, %dma_wait3A_1130] : memref<2x4096xf32, #tpu.memory_space<vmem>> -> memref<1x4096xf32, #tpu.memory_space<vmem>>
    %dma_wait3A_1132 = tpu.memref_squeeze %dma_wait3A_1131 : memref<1x4096xf32, #tpu.memory_space<vmem>> -> memref<4096xf32, #tpu.memory_space<vmem>>
    %dma_wait3A_1133 = arith.constant 0 : i32
    %dma_wait3A_1134 = tpu.memref_slice %arg4[%add3A_1128, %dma_wait3A_1133] : memref<832x4096xf32, #tpu.memory_space<hbm>> -> memref<1x4096xf32, #tpu.memory_space<hbm>>
    %dma_wait3A_1135 = tpu.memref_squeeze %dma_wait3A_1134 : memref<1x4096xf32, #tpu.memory_space<hbm>> -> memref<4096xf32, #tpu.memory_space<hbm>>
    %dma_wait3A_1136 = arith.constant 0 : i32
    %dma_wait3A_1137 = tpu.memref_slice %arg4[%add3A_1128, %dma_wait3A_1136] : memref<832x4096xf32, #tpu.memory_space<hbm>> -> memref<1x4096xf32, #tpu.memory_space<hbm>>
    %dma_wait3A_1138 = tpu.memref_squeeze %dma_wait3A_1137 : memref<1x4096xf32, #tpu.memory_space<hbm>> -> memref<4096xf32, #tpu.memory_space<hbm>>
    %dma_wait3A_1139 = arith.constant 0 : i32
    %dma_wait3A_1140 = tpu.memref_slice %arg7[%dma_wait3A_1129, %dma_wait3A_1139] : memref<2x4096xf32, #tpu.memory_space<vmem>> -> memref<1x4096xf32, #tpu.memory_space<vmem>>
    %dma_wait3A_1141 = tpu.memref_squeeze %dma_wait3A_1140 : memref<1x4096xf32, #tpu.memory_space<vmem>> -> memref<4096xf32, #tpu.memory_space<vmem>>
    tpu.wait_dma2 semaphore(%arg9 : memref<!tpu.dma_semaphore, #tpu.memory_space<semaphore_mem>>) src(%dma_wait3A_1141 : memref<4096xf32, #tpu.memory_space<vmem>>) dst(%dma_wait3A_1138 : memref<4096xf32, #tpu.memory_space<hbm>>)
    %dma_start3A_1142 = arith.constant 1 : i32
    %dma_start3A_1143 = arith.constant 1 : i32
    %dma_start3A_1144 = arith.constant 0 : i32
    %dma_start3A_1145 = tpu.memref_slice %arg7[%dma_start3A_1143, %dma_start3A_1144] : memref<2x4096xf32, #tpu.memory_space<vmem>> -> memref<1x4096xf32, #tpu.memory_space<vmem>>
    %dma_start3A_1146 = tpu.memref_squeeze %dma_start3A_1145 : memref<1x4096xf32, #tpu.memory_space<vmem>> -> memref<4096xf32, #tpu.memory_space<vmem>>
    %dma_start3A_1147 = arith.constant 0 : i32
    %dma_start3A_1148 = tpu.memref_slice %arg6[%dma_start3A_1142, %dma_start3A_1147] : memref<2x4096xi32, #tpu.memory_space<vmem>> -> memref<1x4096xi32, #tpu.memory_space<vmem>>
    %dma_start3A_1149 = tpu.memref_squeeze %dma_start3A_1148 : memref<1x4096xi32, #tpu.memory_space<vmem>> -> memref<4096xi32, #tpu.memory_space<vmem>>
    %dma_start3A_1150 = arith.constant 0 : i32
    %dma_start3A_1151 = tpu.memref_slice %arg2[%dma_start3A_1150] : memref<83200000xf32, #tpu.memory_space<hbm>> -> memref<83200000xf32, #tpu.memory_space<hbm>>
    tpu.enqueue_indirect_dma source(%dma_start3A_1151 : memref<83200000xf32, #tpu.memory_space<hbm>>) target(%dma_start3A_1146 : memref<4096xf32, #tpu.memory_space<vmem>>) offsets(%dma_start3A_1149 : memref<4096xi32, #tpu.memory_space<vmem>>) semaphore(%arg8 : memref<!tpu.dma_semaphore, #tpu.memory_space<semaphore_mem>>)
    %add3A_1152 = arith.constant 14 : i32
    %add3A_1153 = arith.addi %mul3A_2, %add3A_1152 : i32
    %jit3A_1154 = arith.constant 32 : i32
    %div3A_1155 = arith.divsi %add3A_1153, %jit3A_1154 : i32
    %sign3A_1156 = arith.constant 0 : i32
    %sign3A_1157 = arith.cmpi sgt, %add3A_1153, %sign3A_1156 : i32
    %sign3A_1158 = arith.extui %sign3A_1157 : i1 to i32
    %sign3A_1159 = arith.constant 0 : i32
    %sign3A_1160 = arith.cmpi slt, %add3A_1153, %sign3A_1159 : i32
    %sign3A_1161 = arith.extui %sign3A_1160 : i1 to i32
    %sign3A_1162 = arith.subi %sign3A_1158, %sign3A_1161 : i32
    %sign3A_1163 = arith.constant 0 : i32
    %sign3A_1164 = arith.cmpi sgt, %jit3A_1154, %sign3A_1163 : i32
    %sign3A_1165 = arith.extui %sign3A_1164 : i1 to i32
    %sign3A_1166 = arith.constant 0 : i32
    %sign3A_1167 = arith.cmpi slt, %jit3A_1154, %sign3A_1166 : i32
    %sign3A_1168 = arith.extui %sign3A_1167 : i1 to i32
    %sign3A_1169 = arith.subi %sign3A_1165, %sign3A_1168 : i32
    %ne3A_1170 = arith.cmpi ne, %sign3A_1162, %sign3A_1169 : i32
    %rem3A_1171 = arith.remsi %add3A_1153, %jit3A_1154 : i32
    %ne3A_1172 = arith.constant 0 : i32
    %ne3A_1173 = arith.cmpi ne, %rem3A_1171, %ne3A_1172 : i32
    %and3A_1174 = arith.andi %ne3A_1170, %ne3A_1173 : i1
    %sub3A_1175 = arith.constant 1 : i32
    %sub3A_1176 = arith.subi %div3A_1155, %sub3A_1175 : i32
    %select_n3A_1177 = arith.select %and3A_1174, %sub3A_1176, %div3A_1155 : i32
    %sub3A_1178 = arith.subi %select_n3A_1177, %min3A_19 : i32
    %mul3A_1179 = arith.constant 100000 : i32
    %mul3A_1180 = arith.muli %add3A_1153, %mul3A_1179 : i32
    %scan3A_1181 = arith.constant 0 : i32
    %scan3A_1182 = arith.constant 0 : i32
    %scan3A_1183 = arith.constant 256 : i32
    %scan3A_1184 = arith.addi %scan3A_1182, %scan3A_1183 : i32
    %scan3A_1185 = arith.constant 1 : i32
    scf.for %scan3A_2227 = %scan3A_1182 to %scan3A_1184 step %scan3A_1185  : i32 {
      %mul3A_2228 = arith.constant 16 : i32
      %mul3A_2229 = arith.muli %scan3A_2227, %mul3A_2228 : i32
      %get3A = arith.index_cast %sub3A_1178 : i32 to index
      %get3A_2230 = arith.index_cast %mul3A_2229 : i32 to index
      %get3A_2231 = tpu.vector_load %arg5[%get3A, %get3A_2230] {strides = array<i32>} : memref<2x4096xi32, #tpu.memory_space<vmem>>, vector<1x16xi32>,
      %get3A_2232 = vector.shape_cast %get3A_2231 : vector<1x16xi32> to vector<16xi32>
      %add3A_2233 = vector.broadcast %mul3A_1180 : i32 to vector<16xi32>
      %add3A_2234 = arith.addi %get3A_2232, %add3A_2233 : vector<16xi32>
      %mul3A_2235 = arith.constant 16 : i32
      %mul3A_2236 = arith.muli %scan3A_2227, %mul3A_2235 : i32
      %swap3A = arith.constant 0 : i32
      %swap3A_2237 = arith.index_cast %swap3A : i32 to index
      %swap3A_2238 = arith.index_cast %mul3A_2236 : i32 to index
      %swap3A_2239 = tpu.vector_load %arg6[%swap3A_2237, %swap3A_2238] {strides = array<i32>} : memref<2x4096xi32, #tpu.memory_space<vmem>>, vector<1x16xi32>,
      %swap3A_2240 = vector.shape_cast %swap3A_2239 : vector<1x16xi32> to vector<16xi32>
      %swap3A_2241 = vector.shape_cast %add3A_2234 : vector<16xi32> to vector<1x16xi32>
      tpu.vector_store %arg6[%swap3A_2237, %swap3A_2238], %swap3A_2241 {strides = array<i32>} : memref<2x4096xi32, #tpu.memory_space<vmem>>, vector<1x16xi32>,
    }
    %scan3A_1186 = arith.constant 256 : i32
    %dma_wait3A_1187 = arith.constant 1 : i32
    %dma_wait3A_1188 = arith.constant 1 : i32
    %dma_wait3A_1189 = arith.constant 0 : i32
    %dma_wait3A_1190 = tpu.memref_slice %arg7[%dma_wait3A_1188, %dma_wait3A_1189] : memref<2x4096xf32, #tpu.memory_space<vmem>> -> memref<1x4096xf32, #tpu.memory_space<vmem>>
    %dma_wait3A_1191 = tpu.memref_squeeze %dma_wait3A_1190 : memref<1x4096xf32, #tpu.memory_space<vmem>> -> memref<4096xf32, #tpu.memory_space<vmem>>
    %dma_wait3A_1192 = arith.constant 0 : i32
    %dma_wait3A_1193 = tpu.memref_slice %arg6[%dma_wait3A_1187, %dma_wait3A_1192] : memref<2x4096xi32, #tpu.memory_space<vmem>> -> memref<1x4096xi32, #tpu.memory_space<vmem>>
    %dma_wait3A_1194 = tpu.memref_squeeze %dma_wait3A_1193 : memref<1x4096xi32, #tpu.memory_space<vmem>> -> memref<4096xi32, #tpu.memory_space<vmem>>
    %dma_wait3A_1195 = arith.constant 0 : i32
    %dma_wait3A_1196 = tpu.memref_slice %arg2[%dma_wait3A_1195] : memref<83200000xf32, #tpu.memory_space<hbm>> -> memref<83200000xf32, #tpu.memory_space<hbm>>
    tpu.wait_indirect_dma semaphore(%arg8 : memref<!tpu.dma_semaphore, #tpu.memory_space<semaphore_mem>>) src(%dma_wait3A_1196 : memref<83200000xf32, #tpu.memory_space<hbm>>) dst(%dma_wait3A_1191 : memref<4096xf32, #tpu.memory_space<vmem>>)
    %add3A_1197 = arith.constant 13 : i32
    %add3A_1198 = arith.addi %mul3A_2, %add3A_1197 : i32
    %dma_start3A_1199 = arith.constant 1 : i32
    %dma_start3A_1200 = arith.constant 0 : i32
    %dma_start3A_1201 = tpu.memref_slice %arg7[%dma_start3A_1199, %dma_start3A_1200] : memref<2x4096xf32, #tpu.memory_space<vmem>> -> memref<1x4096xf32, #tpu.memory_space<vmem>>
    %dma_start3A_1202 = tpu.memref_squeeze %dma_start3A_1201 : memref<1x4096xf32, #tpu.memory_space<vmem>> -> memref<4096xf32, #tpu.memory_space<vmem>>
    %dma_start3A_1203 = arith.constant 0 : i32
    %dma_start3A_1204 = tpu.memref_slice %arg4[%add3A_1198, %dma_start3A_1203] : memref<832x4096xf32, #tpu.memory_space<hbm>> -> memref<1x4096xf32, #tpu.memory_space<hbm>>
    %dma_start3A_1205 = tpu.memref_squeeze %dma_start3A_1204 : memref<1x4096xf32, #tpu.memory_space<hbm>> -> memref<4096xf32, #tpu.memory_space<hbm>>
    %dma_start3A_1206 = arith.constant 0 : i32
    %dma_start3A_1207 = tpu.memref_slice %arg4[%add3A_1198, %dma_start3A_1206] : memref<832x4096xf32, #tpu.memory_space<hbm>> -> memref<1x4096xf32, #tpu.memory_space<hbm>>
    %dma_start3A_1208 = tpu.memref_squeeze %dma_start3A_1207 : memref<1x4096xf32, #tpu.memory_space<hbm>> -> memref<4096xf32, #tpu.memory_space<hbm>>
    %dma_start3A_1209 = arith.constant 0 : i32
    %dma_start3A_1210 = tpu.memref_slice %arg7[%dma_start3A_1199, %dma_start3A_1209] : memref<2x4096xf32, #tpu.memory_space<vmem>> -> memref<1x4096xf32, #tpu.memory_space<vmem>>
    %dma_start3A_1211 = tpu.memref_squeeze %dma_start3A_1210 : memref<1x4096xf32, #tpu.memory_space<vmem>> -> memref<4096xf32, #tpu.memory_space<vmem>>
    tpu.enqueue_dma source(%dma_start3A_1211 : memref<4096xf32, #tpu.memory_space<vmem>>) target(%dma_start3A_1208 : memref<4096xf32, #tpu.memory_space<hbm>>) target_semaphore(%arg9 : memref<!tpu.dma_semaphore, #tpu.memory_space<semaphore_mem>>)
    %add3A_1212 = arith.constant 12 : i32
    %add3A_1213 = arith.addi %mul3A_2, %add3A_1212 : i32
    %dma_wait3A_1214 = arith.constant 0 : i32
    %dma_wait3A_1215 = arith.constant 0 : i32
    %dma_wait3A_1216 = tpu.memref_slice %arg7[%dma_wait3A_1214, %dma_wait3A_1215] : memref<2x4096xf32, #tpu.memory_space<vmem>> -> memref<1x4096xf32, #tpu.memory_space<vmem>>
    %dma_wait3A_1217 = tpu.memref_squeeze %dma_wait3A_1216 : memref<1x4096xf32, #tpu.memory_space<vmem>> -> memref<4096xf32, #tpu.memory_space<vmem>>
    %dma_wait3A_1218 = arith.constant 0 : i32
    %dma_wait3A_1219 = tpu.memref_slice %arg4[%add3A_1213, %dma_wait3A_1218] : memref<832x4096xf32, #tpu.memory_space<hbm>> -> memref<1x4096xf32, #tpu.memory_space<hbm>>
    %dma_wait3A_1220 = tpu.memref_squeeze %dma_wait3A_1219 : memref<1x4096xf32, #tpu.memory_space<hbm>> -> memref<4096xf32, #tpu.memory_space<hbm>>
    %dma_wait3A_1221 = arith.constant 0 : i32
    %dma_wait3A_1222 = tpu.memref_slice %arg4[%add3A_1213, %dma_wait3A_1221] : memref<832x4096xf32, #tpu.memory_space<hbm>> -> memref<1x4096xf32, #tpu.memory_space<hbm>>
    %dma_wait3A_1223 = tpu.memref_squeeze %dma_wait3A_1222 : memref<1x4096xf32, #tpu.memory_space<hbm>> -> memref<4096xf32, #tpu.memory_space<hbm>>
    %dma_wait3A_1224 = arith.constant 0 : i32
    %dma_wait3A_1225 = tpu.memref_slice %arg7[%dma_wait3A_1214, %dma_wait3A_1224] : memref<2x4096xf32, #tpu.memory_space<vmem>> -> memref<1x4096xf32, #tpu.memory_space<vmem>>
    %dma_wait3A_1226 = tpu.memref_squeeze %dma_wait3A_1225 : memref<1x4096xf32, #tpu.memory_space<vmem>> -> memref<4096xf32, #tpu.memory_space<vmem>>
    tpu.wait_dma2 semaphore(%arg9 : memref<!tpu.dma_semaphore, #tpu.memory_space<semaphore_mem>>) src(%dma_wait3A_1226 : memref<4096xf32, #tpu.memory_space<vmem>>) dst(%dma_wait3A_1223 : memref<4096xf32, #tpu.memory_space<hbm>>)
    %dma_start3A_1227 = arith.constant 0 : i32
    %dma_start3A_1228 = arith.constant 0 : i32
    %dma_start3A_1229 = arith.constant 0 : i32
    %dma_start3A_1230 = tpu.memref_slice %arg7[%dma_start3A_1228, %dma_start3A_1229] : memref<2x4096xf32, #tpu.memory_space<vmem>> -> memref<1x4096xf32, #tpu.memory_space<vmem>>
    %dma_start3A_1231 = tpu.memref_squeeze %dma_start3A_1230 : memref<1x4096xf32, #tpu.memory_space<vmem>> -> memref<4096xf32, #tpu.memory_space<vmem>>
    %dma_start3A_1232 = arith.constant 0 : i32
    %dma_start3A_1233 = tpu.memref_slice %arg6[%dma_start3A_1227, %dma_start3A_1232] : memref<2x4096xi32, #tpu.memory_space<vmem>> -> memref<1x4096xi32, #tpu.memory_space<vmem>>
    %dma_start3A_1234 = tpu.memref_squeeze %dma_start3A_1233 : memref<1x4096xi32, #tpu.memory_space<vmem>> -> memref<4096xi32, #tpu.memory_space<vmem>>
    %dma_start3A_1235 = arith.constant 0 : i32
    %dma_start3A_1236 = tpu.memref_slice %arg2[%dma_start3A_1235] : memref<83200000xf32, #tpu.memory_space<hbm>> -> memref<83200000xf32, #tpu.memory_space<hbm>>
    tpu.enqueue_indirect_dma source(%dma_start3A_1236 : memref<83200000xf32, #tpu.memory_space<hbm>>) target(%dma_start3A_1231 : memref<4096xf32, #tpu.memory_space<vmem>>) offsets(%dma_start3A_1234 : memref<4096xi32, #tpu.memory_space<vmem>>) semaphore(%arg8 : memref<!tpu.dma_semaphore, #tpu.memory_space<semaphore_mem>>)
    %add3A_1237 = arith.constant 15 : i32
    %add3A_1238 = arith.addi %mul3A_2, %add3A_1237 : i32
    %jit3A_1239 = arith.constant 32 : i32
    %div3A_1240 = arith.divsi %add3A_1238, %jit3A_1239 : i32
    %sign3A_1241 = arith.constant 0 : i32
    %sign3A_1242 = arith.cmpi sgt, %add3A_1238, %sign3A_1241 : i32
    %sign3A_1243 = arith.extui %sign3A_1242 : i1 to i32
    %sign3A_1244 = arith.constant 0 : i32
    %sign3A_1245 = arith.cmpi slt, %add3A_1238, %sign3A_1244 : i32
    %sign3A_1246 = arith.extui %sign3A_1245 : i1 to i32
    %sign3A_1247 = arith.subi %sign3A_1243, %sign3A_1246 : i32
    %sign3A_1248 = arith.constant 0 : i32
    %sign3A_1249 = arith.cmpi sgt, %jit3A_1239, %sign3A_1248 : i32
    %sign3A_1250 = arith.extui %sign3A_1249 : i1 to i32
    %sign3A_1251 = arith.constant 0 : i32
    %sign3A_1252 = arith.cmpi slt, %jit3A_1239, %sign3A_1251 : i32
    %sign3A_1253 = arith.extui %sign3A_1252 : i1 to i32
    %sign3A_1254 = arith.subi %sign3A_1250, %sign3A_1253 : i32
    %ne3A_1255 = arith.cmpi ne, %sign3A_1247, %sign3A_1254 : i32
    %rem3A_1256 = arith.remsi %add3A_1238, %jit3A_1239 : i32
    %ne3A_1257 = arith.constant 0 : i32
    %ne3A_1258 = arith.cmpi ne, %rem3A_1256, %ne3A_1257 : i32
    %and3A_1259 = arith.andi %ne3A_1255, %ne3A_1258 : i1
    %sub3A_1260 = arith.constant 1 : i32
    %sub3A_1261 = arith.subi %div3A_1240, %sub3A_1260 : i32
    %select_n3A_1262 = arith.select %and3A_1259, %sub3A_1261, %div3A_1240 : i32
    %sub3A_1263 = arith.subi %select_n3A_1262, %min3A_19 : i32
    %mul3A_1264 = arith.constant 100000 : i32
    %mul3A_1265 = arith.muli %add3A_1238, %mul3A_1264 : i32
    %scan3A_1266 = arith.constant 0 : i32
    %scan3A_1267 = arith.constant 0 : i32
    %scan3A_1268 = arith.constant 256 : i32
    %scan3A_1269 = arith.addi %scan3A_1267, %scan3A_1268 : i32
    %scan3A_1270 = arith.constant 1 : i32
    scf.for %scan3A_2227 = %scan3A_1267 to %scan3A_1269 step %scan3A_1270  : i32 {
      %mul3A_2228 = arith.constant 16 : i32
      %mul3A_2229 = arith.muli %scan3A_2227, %mul3A_2228 : i32
      %get3A = arith.index_cast %sub3A_1263 : i32 to index
      %get3A_2230 = arith.index_cast %mul3A_2229 : i32 to index
      %get3A_2231 = tpu.vector_load %arg5[%get3A, %get3A_2230] {strides = array<i32>} : memref<2x4096xi32, #tpu.memory_space<vmem>>, vector<1x16xi32>,
      %get3A_2232 = vector.shape_cast %get3A_2231 : vector<1x16xi32> to vector<16xi32>
      %add3A_2233 = vector.broadcast %mul3A_1265 : i32 to vector<16xi32>
      %add3A_2234 = arith.addi %get3A_2232, %add3A_2233 : vector<16xi32>
      %mul3A_2235 = arith.constant 16 : i32
      %mul3A_2236 = arith.muli %scan3A_2227, %mul3A_2235 : i32
      %swap3A = arith.constant 1 : i32
      %swap3A_2237 = arith.index_cast %swap3A : i32 to index
      %swap3A_2238 = arith.index_cast %mul3A_2236 : i32 to index
      %swap3A_2239 = tpu.vector_load %arg6[%swap3A_2237, %swap3A_2238] {strides = array<i32>} : memref<2x4096xi32, #tpu.memory_space<vmem>>, vector<1x16xi32>,
      %swap3A_2240 = vector.shape_cast %swap3A_2239 : vector<1x16xi32> to vector<16xi32>
      %swap3A_2241 = vector.shape_cast %add3A_2234 : vector<16xi32> to vector<1x16xi32>
      tpu.vector_store %arg6[%swap3A_2237, %swap3A_2238], %swap3A_2241 {strides = array<i32>} : memref<2x4096xi32, #tpu.memory_space<vmem>>, vector<1x16xi32>,
    }
    %scan3A_1271 = arith.constant 256 : i32
    %dma_wait3A_1272 = arith.constant 0 : i32
    %dma_wait3A_1273 = arith.constant 0 : i32
    %dma_wait3A_1274 = arith.constant 0 : i32
    %dma_wait3A_1275 = tpu.memref_slice %arg7[%dma_wait3A_1273, %dma_wait3A_1274] : memref<2x4096xf32, #tpu.memory_space<vmem>> -> memref<1x4096xf32, #tpu.memory_space<vmem>>
    %dma_wait3A_1276 = tpu.memref_squeeze %dma_wait3A_1275 : memref<1x4096xf32, #tpu.memory_space<vmem>> -> memref<4096xf32, #tpu.memory_space<vmem>>
    %dma_wait3A_1277 = arith.constant 0 : i32
    %dma_wait3A_1278 = tpu.memref_slice %arg6[%dma_wait3A_1272, %dma_wait3A_1277] : memref<2x4096xi32, #tpu.memory_space<vmem>> -> memref<1x4096xi32, #tpu.memory_space<vmem>>
    %dma_wait3A_1279 = tpu.memref_squeeze %dma_wait3A_1278 : memref<1x4096xi32, #tpu.memory_space<vmem>> -> memref<4096xi32, #tpu.memory_space<vmem>>
    %dma_wait3A_1280 = arith.constant 0 : i32
    %dma_wait3A_1281 = tpu.memref_slice %arg2[%dma_wait3A_1280] : memref<83200000xf32, #tpu.memory_space<hbm>> -> memref<83200000xf32, #tpu.memory_space<hbm>>
    tpu.wait_indirect_dma semaphore(%arg8 : memref<!tpu.dma_semaphore, #tpu.memory_space<semaphore_mem>>) src(%dma_wait3A_1281 : memref<83200000xf32, #tpu.memory_space<hbm>>) dst(%dma_wait3A_1276 : memref<4096xf32, #tpu.memory_space<vmem>>)
    %add3A_1282 = arith.constant 14 : i32
    %add3A_1283 = arith.addi %mul3A_2, %add3A_1282 : i32
    %dma_start3A_1284 = arith.constant 0 : i32
    %dma_start3A_1285 = arith.constant 0 : i32
    %dma_start3A_1286 = tpu.memref_slice %arg7[%dma_start3A_1284, %dma_start3A_1285] : memref<2x4096xf32, #tpu.memory_space<vmem>> -> memref<1x4096xf32, #tpu.memory_space<vmem>>
    %dma_start3A_1287 = tpu.memref_squeeze %dma_start3A_1286 : memref<1x4096xf32, #tpu.memory_space<vmem>> -> memref<4096xf32, #tpu.memory_space<vmem>>
    %dma_start3A_1288 = arith.constant 0 : i32
    %dma_start3A_1289 = tpu.memref_slice %arg4[%add3A_1283, %dma_start3A_1288] : memref<832x4096xf32, #tpu.memory_space<hbm>> -> memref<1x4096xf32, #tpu.memory_space<hbm>>
    %dma_start3A_1290 = tpu.memref_squeeze %dma_start3A_1289 : memref<1x4096xf32, #tpu.memory_space<hbm>> -> memref<4096xf32, #tpu.memory_space<hbm>>
    %dma_start3A_1291 = arith.constant 0 : i32
    %dma_start3A_1292 = tpu.memref_slice %arg4[%add3A_1283, %dma_start3A_1291] : memref<832x4096xf32, #tpu.memory_space<hbm>> -> memref<1x4096xf32, #tpu.memory_space<hbm>>
    %dma_start3A_1293 = tpu.memref_squeeze %dma_start3A_1292 : memref<1x4096xf32, #tpu.memory_space<hbm>> -> memref<4096xf32, #tpu.memory_space<hbm>>
    %dma_start3A_1294 = arith.constant 0 : i32
    %dma_start3A_1295 = tpu.memref_slice %arg7[%dma_start3A_1284, %dma_start3A_1294] : memref<2x4096xf32, #tpu.memory_space<vmem>> -> memref<1x4096xf32, #tpu.memory_space<vmem>>
    %dma_start3A_1296 = tpu.memref_squeeze %dma_start3A_1295 : memref<1x4096xf32, #tpu.memory_space<vmem>> -> memref<4096xf32, #tpu.memory_space<vmem>>
    tpu.enqueue_dma source(%dma_start3A_1296 : memref<4096xf32, #tpu.memory_space<vmem>>) target(%dma_start3A_1293 : memref<4096xf32, #tpu.memory_space<hbm>>) target_semaphore(%arg9 : memref<!tpu.dma_semaphore, #tpu.memory_space<semaphore_mem>>)
    %add3A_1297 = arith.constant 13 : i32
    %add3A_1298 = arith.addi %mul3A_2, %add3A_1297 : i32
    %dma_wait3A_1299 = arith.constant 1 : i32
    %dma_wait3A_1300 = arith.constant 0 : i32
    %dma_wait3A_1301 = tpu.memref_slice %arg7[%dma_wait3A_1299, %dma_wait3A_1300] : memref<2x4096xf32, #tpu.memory_space<vmem>> -> memref<1x4096xf32, #tpu.memory_space<vmem>>
    %dma_wait3A_1302 = tpu.memref_squeeze %dma_wait3A_1301 : memref<1x4096xf32, #tpu.memory_space<vmem>> -> memref<4096xf32, #tpu.memory_space<vmem>>
    %dma_wait3A_1303 = arith.constant 0 : i32
    %dma_wait3A_1304 = tpu.memref_slice %arg4[%add3A_1298, %dma_wait3A_1303] : memref<832x4096xf32, #tpu.memory_space<hbm>> -> memref<1x4096xf32, #tpu.memory_space<hbm>>
    %dma_wait3A_1305 = tpu.memref_squeeze %dma_wait3A_1304 : memref<1x4096xf32, #tpu.memory_space<hbm>> -> memref<4096xf32, #tpu.memory_space<hbm>>
    %dma_wait3A_1306 = arith.constant 0 : i32
    %dma_wait3A_1307 = tpu.memref_slice %arg4[%add3A_1298, %dma_wait3A_1306] : memref<832x4096xf32, #tpu.memory_space<hbm>> -> memref<1x4096xf32, #tpu.memory_space<hbm>>
    %dma_wait3A_1308 = tpu.memref_squeeze %dma_wait3A_1307 : memref<1x4096xf32, #tpu.memory_space<hbm>> -> memref<4096xf32, #tpu.memory_space<hbm>>
    %dma_wait3A_1309 = arith.constant 0 : i32
    %dma_wait3A_1310 = tpu.memref_slice %arg7[%dma_wait3A_1299, %dma_wait3A_1309] : memref<2x4096xf32, #tpu.memory_space<vmem>> -> memref<1x4096xf32, #tpu.memory_space<vmem>>
    %dma_wait3A_1311 = tpu.memref_squeeze %dma_wait3A_1310 : memref<1x4096xf32, #tpu.memory_space<vmem>> -> memref<4096xf32, #tpu.memory_space<vmem>>
    tpu.wait_dma2 semaphore(%arg9 : memref<!tpu.dma_semaphore, #tpu.memory_space<semaphore_mem>>) src(%dma_wait3A_1311 : memref<4096xf32, #tpu.memory_space<vmem>>) dst(%dma_wait3A_1308 : memref<4096xf32, #tpu.memory_space<hbm>>)
    %dma_start3A_1312 = arith.constant 1 : i32
    %dma_start3A_1313 = arith.constant 1 : i32
    %dma_start3A_1314 = arith.constant 0 : i32
    %dma_start3A_1315 = tpu.memref_slice %arg7[%dma_start3A_1313, %dma_start3A_1314] : memref<2x4096xf32, #tpu.memory_space<vmem>> -> memref<1x4096xf32, #tpu.memory_space<vmem>>
    %dma_start3A_1316 = tpu.memref_squeeze %dma_start3A_1315 : memref<1x4096xf32, #tpu.memory_space<vmem>> -> memref<4096xf32, #tpu.memory_space<vmem>>
    %dma_start3A_1317 = arith.constant 0 : i32
    %dma_start3A_1318 = tpu.memref_slice %arg6[%dma_start3A_1312, %dma_start3A_1317] : memref<2x4096xi32, #tpu.memory_space<vmem>> -> memref<1x4096xi32, #tpu.memory_space<vmem>>
    %dma_start3A_1319 = tpu.memref_squeeze %dma_start3A_1318 : memref<1x4096xi32, #tpu.memory_space<vmem>> -> memref<4096xi32, #tpu.memory_space<vmem>>
    %dma_start3A_1320 = arith.constant 0 : i32
    %dma_start3A_1321 = tpu.memref_slice %arg2[%dma_start3A_1320] : memref<83200000xf32, #tpu.memory_space<hbm>> -> memref<83200000xf32, #tpu.memory_space<hbm>>
    tpu.enqueue_indirect_dma source(%dma_start3A_1321 : memref<83200000xf32, #tpu.memory_space<hbm>>) target(%dma_start3A_1316 : memref<4096xf32, #tpu.memory_space<vmem>>) offsets(%dma_start3A_1319 : memref<4096xi32, #tpu.memory_space<vmem>>) semaphore(%arg8 : memref<!tpu.dma_semaphore, #tpu.memory_space<semaphore_mem>>)
    %add3A_1322 = arith.constant 16 : i32
    %add3A_1323 = arith.addi %mul3A_2, %add3A_1322 : i32
    %jit3A_1324 = arith.constant 32 : i32
    %div3A_1325 = arith.divsi %add3A_1323, %jit3A_1324 : i32
    %sign3A_1326 = arith.constant 0 : i32
    %sign3A_1327 = arith.cmpi sgt, %add3A_1323, %sign3A_1326 : i32
    %sign3A_1328 = arith.extui %sign3A_1327 : i1 to i32
    %sign3A_1329 = arith.constant 0 : i32
    %sign3A_1330 = arith.cmpi slt, %add3A_1323, %sign3A_1329 : i32
    %sign3A_1331 = arith.extui %sign3A_1330 : i1 to i32
    %sign3A_1332 = arith.subi %sign3A_1328, %sign3A_1331 : i32
    %sign3A_1333 = arith.constant 0 : i32
    %sign3A_1334 = arith.cmpi sgt, %jit3A_1324, %sign3A_1333 : i32
    %sign3A_1335 = arith.extui %sign3A_1334 : i1 to i32
    %sign3A_1336 = arith.constant 0 : i32
    %sign3A_1337 = arith.cmpi slt, %jit3A_1324, %sign3A_1336 : i32
    %sign3A_1338 = arith.extui %sign3A_1337 : i1 to i32
    %sign3A_1339 = arith.subi %sign3A_1335, %sign3A_1338 : i32
    %ne3A_1340 = arith.cmpi ne, %sign3A_1332, %sign3A_1339 : i32
    %rem3A_1341 = arith.remsi %add3A_1323, %jit3A_1324 : i32
    %ne3A_1342 = arith.constant 0 : i32
    %ne3A_1343 = arith.cmpi ne, %rem3A_1341, %ne3A_1342 : i32
    %and3A_1344 = arith.andi %ne3A_1340, %ne3A_1343 : i1
    %sub3A_1345 = arith.constant 1 : i32
    %sub3A_1346 = arith.subi %div3A_1325, %sub3A_1345 : i32
    %select_n3A_1347 = arith.select %and3A_1344, %sub3A_1346, %div3A_1325 : i32
    %sub3A_1348 = arith.subi %select_n3A_1347, %min3A_19 : i32
    %mul3A_1349 = arith.constant 100000 : i32
    %mul3A_1350 = arith.muli %add3A_1323, %mul3A_1349 : i32
    %scan3A_1351 = arith.constant 0 : i32
    %scan3A_1352 = arith.constant 0 : i32
    %scan3A_1353 = arith.constant 256 : i32
    %scan3A_1354 = arith.addi %scan3A_1352, %scan3A_1353 : i32
    %scan3A_1355 = arith.constant 1 : i32
    scf.for %scan3A_2227 = %scan3A_1352 to %scan3A_1354 step %scan3A_1355  : i32 {
      %mul3A_2228 = arith.constant 16 : i32
      %mul3A_2229 = arith.muli %scan3A_2227, %mul3A_2228 : i32
      %get3A = arith.index_cast %sub3A_1348 : i32 to index
      %get3A_2230 = arith.index_cast %mul3A_2229 : i32 to index
      %get3A_2231 = tpu.vector_load %arg5[%get3A, %get3A_2230] {strides = array<i32>} : memref<2x4096xi32, #tpu.memory_space<vmem>>, vector<1x16xi32>,
      %get3A_2232 = vector.shape_cast %get3A_2231 : vector<1x16xi32> to vector<16xi32>
      %add3A_2233 = vector.broadcast %mul3A_1350 : i32 to vector<16xi32>
      %add3A_2234 = arith.addi %get3A_2232, %add3A_2233 : vector<16xi32>
      %mul3A_2235 = arith.constant 16 : i32
      %mul3A_2236 = arith.muli %scan3A_2227, %mul3A_2235 : i32
      %swap3A = arith.constant 0 : i32
      %swap3A_2237 = arith.index_cast %swap3A : i32 to index
      %swap3A_2238 = arith.index_cast %mul3A_2236 : i32 to index
      %swap3A_2239 = tpu.vector_load %arg6[%swap3A_2237, %swap3A_2238] {strides = array<i32>} : memref<2x4096xi32, #tpu.memory_space<vmem>>, vector<1x16xi32>,
      %swap3A_2240 = vector.shape_cast %swap3A_2239 : vector<1x16xi32> to vector<16xi32>
      %swap3A_2241 = vector.shape_cast %add3A_2234 : vector<16xi32> to vector<1x16xi32>
      tpu.vector_store %arg6[%swap3A_2237, %swap3A_2238], %swap3A_2241 {strides = array<i32>} : memref<2x4096xi32, #tpu.memory_space<vmem>>, vector<1x16xi32>,
    }
    %scan3A_1356 = arith.constant 256 : i32
    %dma_wait3A_1357 = arith.constant 1 : i32
    %dma_wait3A_1358 = arith.constant 1 : i32
    %dma_wait3A_1359 = arith.constant 0 : i32
    %dma_wait3A_1360 = tpu.memref_slice %arg7[%dma_wait3A_1358, %dma_wait3A_1359] : memref<2x4096xf32, #tpu.memory_space<vmem>> -> memref<1x4096xf32, #tpu.memory_space<vmem>>
    %dma_wait3A_1361 = tpu.memref_squeeze %dma_wait3A_1360 : memref<1x4096xf32, #tpu.memory_space<vmem>> -> memref<4096xf32, #tpu.memory_space<vmem>>
    %dma_wait3A_1362 = arith.constant 0 : i32
    %dma_wait3A_1363 = tpu.memref_slice %arg6[%dma_wait3A_1357, %dma_wait3A_1362] : memref<2x4096xi32, #tpu.memory_space<vmem>> -> memref<1x4096xi32, #tpu.memory_space<vmem>>
    %dma_wait3A_1364 = tpu.memref_squeeze %dma_wait3A_1363 : memref<1x4096xi32, #tpu.memory_space<vmem>> -> memref<4096xi32, #tpu.memory_space<vmem>>
    %dma_wait3A_1365 = arith.constant 0 : i32
    %dma_wait3A_1366 = tpu.memref_slice %arg2[%dma_wait3A_1365] : memref<83200000xf32, #tpu.memory_space<hbm>> -> memref<83200000xf32, #tpu.memory_space<hbm>>
    tpu.wait_indirect_dma semaphore(%arg8 : memref<!tpu.dma_semaphore, #tpu.memory_space<semaphore_mem>>) src(%dma_wait3A_1366 : memref<83200000xf32, #tpu.memory_space<hbm>>) dst(%dma_wait3A_1361 : memref<4096xf32, #tpu.memory_space<vmem>>)
    %add3A_1367 = arith.constant 15 : i32
    %add3A_1368 = arith.addi %mul3A_2, %add3A_1367 : i32
    %dma_start3A_1369 = arith.constant 1 : i32
    %dma_start3A_1370 = arith.constant 0 : i32
    %dma_start3A_1371 = tpu.memref_slice %arg7[%dma_start3A_1369, %dma_start3A_1370] : memref<2x4096xf32, #tpu.memory_space<vmem>> -> memref<1x4096xf32, #tpu.memory_space<vmem>>
    %dma_start3A_1372 = tpu.memref_squeeze %dma_start3A_1371 : memref<1x4096xf32, #tpu.memory_space<vmem>> -> memref<4096xf32, #tpu.memory_space<vmem>>
    %dma_start3A_1373 = arith.constant 0 : i32
    %dma_start3A_1374 = tpu.memref_slice %arg4[%add3A_1368, %dma_start3A_1373] : memref<832x4096xf32, #tpu.memory_space<hbm>> -> memref<1x4096xf32, #tpu.memory_space<hbm>>
    %dma_start3A_1375 = tpu.memref_squeeze %dma_start3A_1374 : memref<1x4096xf32, #tpu.memory_space<hbm>> -> memref<4096xf32, #tpu.memory_space<hbm>>
    %dma_start3A_1376 = arith.constant 0 : i32
    %dma_start3A_1377 = tpu.memref_slice %arg4[%add3A_1368, %dma_start3A_1376] : memref<832x4096xf32, #tpu.memory_space<hbm>> -> memref<1x4096xf32, #tpu.memory_space<hbm>>
    %dma_start3A_1378 = tpu.memref_squeeze %dma_start3A_1377 : memref<1x4096xf32, #tpu.memory_space<hbm>> -> memref<4096xf32, #tpu.memory_space<hbm>>
    %dma_start3A_1379 = arith.constant 0 : i32
    %dma_start3A_1380 = tpu.memref_slice %arg7[%dma_start3A_1369, %dma_start3A_1379] : memref<2x4096xf32, #tpu.memory_space<vmem>> -> memref<1x4096xf32, #tpu.memory_space<vmem>>
    %dma_start3A_1381 = tpu.memref_squeeze %dma_start3A_1380 : memref<1x4096xf32, #tpu.memory_space<vmem>> -> memref<4096xf32, #tpu.memory_space<vmem>>
    tpu.enqueue_dma source(%dma_start3A_1381 : memref<4096xf32, #tpu.memory_space<vmem>>) target(%dma_start3A_1378 : memref<4096xf32, #tpu.memory_space<hbm>>) target_semaphore(%arg9 : memref<!tpu.dma_semaphore, #tpu.memory_space<semaphore_mem>>)
    %add3A_1382 = arith.constant 14 : i32
    %add3A_1383 = arith.addi %mul3A_2, %add3A_1382 : i32
    %dma_wait3A_1384 = arith.constant 0 : i32
    %dma_wait3A_1385 = arith.constant 0 : i32
    %dma_wait3A_1386 = tpu.memref_slice %arg7[%dma_wait3A_1384, %dma_wait3A_1385] : memref<2x4096xf32, #tpu.memory_space<vmem>> -> memref<1x4096xf32, #tpu.memory_space<vmem>>
    %dma_wait3A_1387 = tpu.memref_squeeze %dma_wait3A_1386 : memref<1x4096xf32, #tpu.memory_space<vmem>> -> memref<4096xf32, #tpu.memory_space<vmem>>
    %dma_wait3A_1388 = arith.constant 0 : i32
    %dma_wait3A_1389 = tpu.memref_slice %arg4[%add3A_1383, %dma_wait3A_1388] : memref<832x4096xf32, #tpu.memory_space<hbm>> -> memref<1x4096xf32, #tpu.memory_space<hbm>>
    %dma_wait3A_1390 = tpu.memref_squeeze %dma_wait3A_1389 : memref<1x4096xf32, #tpu.memory_space<hbm>> -> memref<4096xf32, #tpu.memory_space<hbm>>
    %dma_wait3A_1391 = arith.constant 0 : i32
    %dma_wait3A_1392 = tpu.memref_slice %arg4[%add3A_1383, %dma_wait3A_1391] : memref<832x4096xf32, #tpu.memory_space<hbm>> -> memref<1x4096xf32, #tpu.memory_space<hbm>>
    %dma_wait3A_1393 = tpu.memref_squeeze %dma_wait3A_1392 : memref<1x4096xf32, #tpu.memory_space<hbm>> -> memref<4096xf32, #tpu.memory_space<hbm>>
    %dma_wait3A_1394 = arith.constant 0 : i32
    %dma_wait3A_1395 = tpu.memref_slice %arg7[%dma_wait3A_1384, %dma_wait3A_1394] : memref<2x4096xf32, #tpu.memory_space<vmem>> -> memref<1x4096xf32, #tpu.memory_space<vmem>>
    %dma_wait3A_1396 = tpu.memref_squeeze %dma_wait3A_1395 : memref<1x4096xf32, #tpu.memory_space<vmem>> -> memref<4096xf32, #tpu.memory_space<vmem>>
    tpu.wait_dma2 semaphore(%arg9 : memref<!tpu.dma_semaphore, #tpu.memory_space<semaphore_mem>>) src(%dma_wait3A_1396 : memref<4096xf32, #tpu.memory_space<vmem>>) dst(%dma_wait3A_1393 : memref<4096xf32, #tpu.memory_space<hbm>>)
    %dma_start3A_1397 = arith.constant 0 : i32
    %dma_start3A_1398 = arith.constant 0 : i32
    %dma_start3A_1399 = arith.constant 0 : i32
    %dma_start3A_1400 = tpu.memref_slice %arg7[%dma_start3A_1398, %dma_start3A_1399] : memref<2x4096xf32, #tpu.memory_space<vmem>> -> memref<1x4096xf32, #tpu.memory_space<vmem>>
    %dma_start3A_1401 = tpu.memref_squeeze %dma_start3A_1400 : memref<1x4096xf32, #tpu.memory_space<vmem>> -> memref<4096xf32, #tpu.memory_space<vmem>>
    %dma_start3A_1402 = arith.constant 0 : i32
    %dma_start3A_1403 = tpu.memref_slice %arg6[%dma_start3A_1397, %dma_start3A_1402] : memref<2x4096xi32, #tpu.memory_space<vmem>> -> memref<1x4096xi32, #tpu.memory_space<vmem>>
    %dma_start3A_1404 = tpu.memref_squeeze %dma_start3A_1403 : memref<1x4096xi32, #tpu.memory_space<vmem>> -> memref<4096xi32, #tpu.memory_space<vmem>>
    %dma_start3A_1405 = arith.constant 0 : i32
    %dma_start3A_1406 = tpu.memref_slice %arg2[%dma_start3A_1405] : memref<83200000xf32, #tpu.memory_space<hbm>> -> memref<83200000xf32, #tpu.memory_space<hbm>>
    tpu.enqueue_indirect_dma source(%dma_start3A_1406 : memref<83200000xf32, #tpu.memory_space<hbm>>) target(%dma_start3A_1401 : memref<4096xf32, #tpu.memory_space<vmem>>) offsets(%dma_start3A_1404 : memref<4096xi32, #tpu.memory_space<vmem>>) semaphore(%arg8 : memref<!tpu.dma_semaphore, #tpu.memory_space<semaphore_mem>>)
    %add3A_1407 = arith.constant 17 : i32
    %add3A_1408 = arith.addi %mul3A_2, %add3A_1407 : i32
    %jit3A_1409 = arith.constant 32 : i32
    %div3A_1410 = arith.divsi %add3A_1408, %jit3A_1409 : i32
    %sign3A_1411 = arith.constant 0 : i32
    %sign3A_1412 = arith.cmpi sgt, %add3A_1408, %sign3A_1411 : i32
    %sign3A_1413 = arith.extui %sign3A_1412 : i1 to i32
    %sign3A_1414 = arith.constant 0 : i32
    %sign3A_1415 = arith.cmpi slt, %add3A_1408, %sign3A_1414 : i32
    %sign3A_1416 = arith.extui %sign3A_1415 : i1 to i32
    %sign3A_1417 = arith.subi %sign3A_1413, %sign3A_1416 : i32
    %sign3A_1418 = arith.constant 0 : i32
    %sign3A_1419 = arith.cmpi sgt, %jit3A_1409, %sign3A_1418 : i32
    %sign3A_1420 = arith.extui %sign3A_1419 : i1 to i32
    %sign3A_1421 = arith.constant 0 : i32
    %sign3A_1422 = arith.cmpi slt, %jit3A_1409, %sign3A_1421 : i32
    %sign3A_1423 = arith.extui %sign3A_1422 : i1 to i32
    %sign3A_1424 = arith.subi %sign3A_1420, %sign3A_1423 : i32
    %ne3A_1425 = arith.cmpi ne, %sign3A_1417, %sign3A_1424 : i32
    %rem3A_1426 = arith.remsi %add3A_1408, %jit3A_1409 : i32
    %ne3A_1427 = arith.constant 0 : i32
    %ne3A_1428 = arith.cmpi ne, %rem3A_1426, %ne3A_1427 : i32
    %and3A_1429 = arith.andi %ne3A_1425, %ne3A_1428 : i1
    %sub3A_1430 = arith.constant 1 : i32
    %sub3A_1431 = arith.subi %div3A_1410, %sub3A_1430 : i32
    %select_n3A_1432 = arith.select %and3A_1429, %sub3A_1431, %div3A_1410 : i32
    %sub3A_1433 = arith.subi %select_n3A_1432, %min3A_19 : i32
    %mul3A_1434 = arith.constant 100000 : i32
    %mul3A_1435 = arith.muli %add3A_1408, %mul3A_1434 : i32
    %scan3A_1436 = arith.constant 0 : i32
    %scan3A_1437 = arith.constant 0 : i32
    %scan3A_1438 = arith.constant 256 : i32
    %scan3A_1439 = arith.addi %scan3A_1437, %scan3A_1438 : i32
    %scan3A_1440 = arith.constant 1 : i32
    scf.for %scan3A_2227 = %scan3A_1437 to %scan3A_1439 step %scan3A_1440  : i32 {
      %mul3A_2228 = arith.constant 16 : i32
      %mul3A_2229 = arith.muli %scan3A_2227, %mul3A_2228 : i32
      %get3A = arith.index_cast %sub3A_1433 : i32 to index
      %get3A_2230 = arith.index_cast %mul3A_2229 : i32 to index
      %get3A_2231 = tpu.vector_load %arg5[%get3A, %get3A_2230] {strides = array<i32>} : memref<2x4096xi32, #tpu.memory_space<vmem>>, vector<1x16xi32>,
      %get3A_2232 = vector.shape_cast %get3A_2231 : vector<1x16xi32> to vector<16xi32>
      %add3A_2233 = vector.broadcast %mul3A_1435 : i32 to vector<16xi32>
      %add3A_2234 = arith.addi %get3A_2232, %add3A_2233 : vector<16xi32>
      %mul3A_2235 = arith.constant 16 : i32
      %mul3A_2236 = arith.muli %scan3A_2227, %mul3A_2235 : i32
      %swap3A = arith.constant 1 : i32
      %swap3A_2237 = arith.index_cast %swap3A : i32 to index
      %swap3A_2238 = arith.index_cast %mul3A_2236 : i32 to index
      %swap3A_2239 = tpu.vector_load %arg6[%swap3A_2237, %swap3A_2238] {strides = array<i32>} : memref<2x4096xi32, #tpu.memory_space<vmem>>, vector<1x16xi32>,
      %swap3A_2240 = vector.shape_cast %swap3A_2239 : vector<1x16xi32> to vector<16xi32>
      %swap3A_2241 = vector.shape_cast %add3A_2234 : vector<16xi32> to vector<1x16xi32>
      tpu.vector_store %arg6[%swap3A_2237, %swap3A_2238], %swap3A_2241 {strides = array<i32>} : memref<2x4096xi32, #tpu.memory_space<vmem>>, vector<1x16xi32>,
    }
    %scan3A_1441 = arith.constant 256 : i32
    %dma_wait3A_1442 = arith.constant 0 : i32
    %dma_wait3A_1443 = arith.constant 0 : i32
    %dma_wait3A_1444 = arith.constant 0 : i32
    %dma_wait3A_1445 = tpu.memref_slice %arg7[%dma_wait3A_1443, %dma_wait3A_1444] : memref<2x4096xf32, #tpu.memory_space<vmem>> -> memref<1x4096xf32, #tpu.memory_space<vmem>>
    %dma_wait3A_1446 = tpu.memref_squeeze %dma_wait3A_1445 : memref<1x4096xf32, #tpu.memory_space<vmem>> -> memref<4096xf32, #tpu.memory_space<vmem>>
    %dma_wait3A_1447 = arith.constant 0 : i32
    %dma_wait3A_1448 = tpu.memref_slice %arg6[%dma_wait3A_1442, %dma_wait3A_1447] : memref<2x4096xi32, #tpu.memory_space<vmem>> -> memref<1x4096xi32, #tpu.memory_space<vmem>>
    %dma_wait3A_1449 = tpu.memref_squeeze %dma_wait3A_1448 : memref<1x4096xi32, #tpu.memory_space<vmem>> -> memref<4096xi32, #tpu.memory_space<vmem>>
    %dma_wait3A_1450 = arith.constant 0 : i32
    %dma_wait3A_1451 = tpu.memref_slice %arg2[%dma_wait3A_1450] : memref<83200000xf32, #tpu.memory_space<hbm>> -> memref<83200000xf32, #tpu.memory_space<hbm>>
    tpu.wait_indirect_dma semaphore(%arg8 : memref<!tpu.dma_semaphore, #tpu.memory_space<semaphore_mem>>) src(%dma_wait3A_1451 : memref<83200000xf32, #tpu.memory_space<hbm>>) dst(%dma_wait3A_1446 : memref<4096xf32, #tpu.memory_space<vmem>>)
    %add3A_1452 = arith.constant 16 : i32
    %add3A_1453 = arith.addi %mul3A_2, %add3A_1452 : i32
    %dma_start3A_1454 = arith.constant 0 : i32
    %dma_start3A_1455 = arith.constant 0 : i32
    %dma_start3A_1456 = tpu.memref_slice %arg7[%dma_start3A_1454, %dma_start3A_1455] : memref<2x4096xf32, #tpu.memory_space<vmem>> -> memref<1x4096xf32, #tpu.memory_space<vmem>>
    %dma_start3A_1457 = tpu.memref_squeeze %dma_start3A_1456 : memref<1x4096xf32, #tpu.memory_space<vmem>> -> memref<4096xf32, #tpu.memory_space<vmem>>
    %dma_start3A_1458 = arith.constant 0 : i32
    %dma_start3A_1459 = tpu.memref_slice %arg4[%add3A_1453, %dma_start3A_1458] : memref<832x4096xf32, #tpu.memory_space<hbm>> -> memref<1x4096xf32, #tpu.memory_space<hbm>>
    %dma_start3A_1460 = tpu.memref_squeeze %dma_start3A_1459 : memref<1x4096xf32, #tpu.memory_space<hbm>> -> memref<4096xf32, #tpu.memory_space<hbm>>
    %dma_start3A_1461 = arith.constant 0 : i32
    %dma_start3A_1462 = tpu.memref_slice %arg4[%add3A_1453, %dma_start3A_1461] : memref<832x4096xf32, #tpu.memory_space<hbm>> -> memref<1x4096xf32, #tpu.memory_space<hbm>>
    %dma_start3A_1463 = tpu.memref_squeeze %dma_start3A_1462 : memref<1x4096xf32, #tpu.memory_space<hbm>> -> memref<4096xf32, #tpu.memory_space<hbm>>
    %dma_start3A_1464 = arith.constant 0 : i32
    %dma_start3A_1465 = tpu.memref_slice %arg7[%dma_start3A_1454, %dma_start3A_1464] : memref<2x4096xf32, #tpu.memory_space<vmem>> -> memref<1x4096xf32, #tpu.memory_space<vmem>>
    %dma_start3A_1466 = tpu.memref_squeeze %dma_start3A_1465 : memref<1x4096xf32, #tpu.memory_space<vmem>> -> memref<4096xf32, #tpu.memory_space<vmem>>
    tpu.enqueue_dma source(%dma_start3A_1466 : memref<4096xf32, #tpu.memory_space<vmem>>) target(%dma_start3A_1463 : memref<4096xf32, #tpu.memory_space<hbm>>) target_semaphore(%arg9 : memref<!tpu.dma_semaphore, #tpu.memory_space<semaphore_mem>>)
    %add3A_1467 = arith.constant 15 : i32
    %add3A_1468 = arith.addi %mul3A_2, %add3A_1467 : i32
    %dma_wait3A_1469 = arith.constant 1 : i32
    %dma_wait3A_1470 = arith.constant 0 : i32
    %dma_wait3A_1471 = tpu.memref_slice %arg7[%dma_wait3A_1469, %dma_wait3A_1470] : memref<2x4096xf32, #tpu.memory_space<vmem>> -> memref<1x4096xf32, #tpu.memory_space<vmem>>
    %dma_wait3A_1472 = tpu.memref_squeeze %dma_wait3A_1471 : memref<1x4096xf32, #tpu.memory_space<vmem>> -> memref<4096xf32, #tpu.memory_space<vmem>>
    %dma_wait3A_1473 = arith.constant 0 : i32
    %dma_wait3A_1474 = tpu.memref_slice %arg4[%add3A_1468, %dma_wait3A_1473] : memref<832x4096xf32, #tpu.memory_space<hbm>> -> memref<1x4096xf32, #tpu.memory_space<hbm>>
    %dma_wait3A_1475 = tpu.memref_squeeze %dma_wait3A_1474 : memref<1x4096xf32, #tpu.memory_space<hbm>> -> memref<4096xf32, #tpu.memory_space<hbm>>
    %dma_wait3A_1476 = arith.constant 0 : i32
    %dma_wait3A_1477 = tpu.memref_slice %arg4[%add3A_1468, %dma_wait3A_1476] : memref<832x4096xf32, #tpu.memory_space<hbm>> -> memref<1x4096xf32, #tpu.memory_space<hbm>>
    %dma_wait3A_1478 = tpu.memref_squeeze %dma_wait3A_1477 : memref<1x4096xf32, #tpu.memory_space<hbm>> -> memref<4096xf32, #tpu.memory_space<hbm>>
    %dma_wait3A_1479 = arith.constant 0 : i32
    %dma_wait3A_1480 = tpu.memref_slice %arg7[%dma_wait3A_1469, %dma_wait3A_1479] : memref<2x4096xf32, #tpu.memory_space<vmem>> -> memref<1x4096xf32, #tpu.memory_space<vmem>>
    %dma_wait3A_1481 = tpu.memref_squeeze %dma_wait3A_1480 : memref<1x4096xf32, #tpu.memory_space<vmem>> -> memref<4096xf32, #tpu.memory_space<vmem>>
    tpu.wait_dma2 semaphore(%arg9 : memref<!tpu.dma_semaphore, #tpu.memory_space<semaphore_mem>>) src(%dma_wait3A_1481 : memref<4096xf32, #tpu.memory_space<vmem>>) dst(%dma_wait3A_1478 : memref<4096xf32, #tpu.memory_space<hbm>>)
    %dma_start3A_1482 = arith.constant 1 : i32
    %dma_start3A_1483 = arith.constant 1 : i32
    %dma_start3A_1484 = arith.constant 0 : i32
    %dma_start3A_1485 = tpu.memref_slice %arg7[%dma_start3A_1483, %dma_start3A_1484] : memref<2x4096xf32, #tpu.memory_space<vmem>> -> memref<1x4096xf32, #tpu.memory_space<vmem>>
    %dma_start3A_1486 = tpu.memref_squeeze %dma_start3A_1485 : memref<1x4096xf32, #tpu.memory_space<vmem>> -> memref<4096xf32, #tpu.memory_space<vmem>>
    %dma_start3A_1487 = arith.constant 0 : i32
    %dma_start3A_1488 = tpu.memref_slice %arg6[%dma_start3A_1482, %dma_start3A_1487] : memref<2x4096xi32, #tpu.memory_space<vmem>> -> memref<1x4096xi32, #tpu.memory_space<vmem>>
    %dma_start3A_1489 = tpu.memref_squeeze %dma_start3A_1488 : memref<1x4096xi32, #tpu.memory_space<vmem>> -> memref<4096xi32, #tpu.memory_space<vmem>>
    %dma_start3A_1490 = arith.constant 0 : i32
    %dma_start3A_1491 = tpu.memref_slice %arg2[%dma_start3A_1490] : memref<83200000xf32, #tpu.memory_space<hbm>> -> memref<83200000xf32, #tpu.memory_space<hbm>>
    tpu.enqueue_indirect_dma source(%dma_start3A_1491 : memref<83200000xf32, #tpu.memory_space<hbm>>) target(%dma_start3A_1486 : memref<4096xf32, #tpu.memory_space<vmem>>) offsets(%dma_start3A_1489 : memref<4096xi32, #tpu.memory_space<vmem>>) semaphore(%arg8 : memref<!tpu.dma_semaphore, #tpu.memory_space<semaphore_mem>>)
    %add3A_1492 = arith.constant 18 : i32
    %add3A_1493 = arith.addi %mul3A_2, %add3A_1492 : i32
    %jit3A_1494 = arith.constant 32 : i32
    %div3A_1495 = arith.divsi %add3A_1493, %jit3A_1494 : i32
    %sign3A_1496 = arith.constant 0 : i32
    %sign3A_1497 = arith.cmpi sgt, %add3A_1493, %sign3A_1496 : i32
    %sign3A_1498 = arith.extui %sign3A_1497 : i1 to i32
    %sign3A_1499 = arith.constant 0 : i32
    %sign3A_1500 = arith.cmpi slt, %add3A_1493, %sign3A_1499 : i32
    %sign3A_1501 = arith.extui %sign3A_1500 : i1 to i32
    %sign3A_1502 = arith.subi %sign3A_1498, %sign3A_1501 : i32
    %sign3A_1503 = arith.constant 0 : i32
    %sign3A_1504 = arith.cmpi sgt, %jit3A_1494, %sign3A_1503 : i32
    %sign3A_1505 = arith.extui %sign3A_1504 : i1 to i32
    %sign3A_1506 = arith.constant 0 : i32
    %sign3A_1507 = arith.cmpi slt, %jit3A_1494, %sign3A_1506 : i32
    %sign3A_1508 = arith.extui %sign3A_1507 : i1 to i32
    %sign3A_1509 = arith.subi %sign3A_1505, %sign3A_1508 : i32
    %ne3A_1510 = arith.cmpi ne, %sign3A_1502, %sign3A_1509 : i32
    %rem3A_1511 = arith.remsi %add3A_1493, %jit3A_1494 : i32
    %ne3A_1512 = arith.constant 0 : i32
    %ne3A_1513 = arith.cmpi ne, %rem3A_1511, %ne3A_1512 : i32
    %and3A_1514 = arith.andi %ne3A_1510, %ne3A_1513 : i1
    %sub3A_1515 = arith.constant 1 : i32
    %sub3A_1516 = arith.subi %div3A_1495, %sub3A_1515 : i32
    %select_n3A_1517 = arith.select %and3A_1514, %sub3A_1516, %div3A_1495 : i32
    %sub3A_1518 = arith.subi %select_n3A_1517, %min3A_19 : i32
    %mul3A_1519 = arith.constant 100000 : i32
    %mul3A_1520 = arith.muli %add3A_1493, %mul3A_1519 : i32
    %scan3A_1521 = arith.constant 0 : i32
    %scan3A_1522 = arith.constant 0 : i32
    %scan3A_1523 = arith.constant 256 : i32
    %scan3A_1524 = arith.addi %scan3A_1522, %scan3A_1523 : i32
    %scan3A_1525 = arith.constant 1 : i32
    scf.for %scan3A_2227 = %scan3A_1522 to %scan3A_1524 step %scan3A_1525  : i32 {
      %mul3A_2228 = arith.constant 16 : i32
      %mul3A_2229 = arith.muli %scan3A_2227, %mul3A_2228 : i32
      %get3A = arith.index_cast %sub3A_1518 : i32 to index
      %get3A_2230 = arith.index_cast %mul3A_2229 : i32 to index
      %get3A_2231 = tpu.vector_load %arg5[%get3A, %get3A_2230] {strides = array<i32>} : memref<2x4096xi32, #tpu.memory_space<vmem>>, vector<1x16xi32>,
      %get3A_2232 = vector.shape_cast %get3A_2231 : vector<1x16xi32> to vector<16xi32>
      %add3A_2233 = vector.broadcast %mul3A_1520 : i32 to vector<16xi32>
      %add3A_2234 = arith.addi %get3A_2232, %add3A_2233 : vector<16xi32>
      %mul3A_2235 = arith.constant 16 : i32
      %mul3A_2236 = arith.muli %scan3A_2227, %mul3A_2235 : i32
      %swap3A = arith.constant 0 : i32
      %swap3A_2237 = arith.index_cast %swap3A : i32 to index
      %swap3A_2238 = arith.index_cast %mul3A_2236 : i32 to index
      %swap3A_2239 = tpu.vector_load %arg6[%swap3A_2237, %swap3A_2238] {strides = array<i32>} : memref<2x4096xi32, #tpu.memory_space<vmem>>, vector<1x16xi32>,
      %swap3A_2240 = vector.shape_cast %swap3A_2239 : vector<1x16xi32> to vector<16xi32>
      %swap3A_2241 = vector.shape_cast %add3A_2234 : vector<16xi32> to vector<1x16xi32>
      tpu.vector_store %arg6[%swap3A_2237, %swap3A_2238], %swap3A_2241 {strides = array<i32>} : memref<2x4096xi32, #tpu.memory_space<vmem>>, vector<1x16xi32>,
    }
    %scan3A_1526 = arith.constant 256 : i32
    %dma_wait3A_1527 = arith.constant 1 : i32
    %dma_wait3A_1528 = arith.constant 1 : i32
    %dma_wait3A_1529 = arith.constant 0 : i32
    %dma_wait3A_1530 = tpu.memref_slice %arg7[%dma_wait3A_1528, %dma_wait3A_1529] : memref<2x4096xf32, #tpu.memory_space<vmem>> -> memref<1x4096xf32, #tpu.memory_space<vmem>>
    %dma_wait3A_1531 = tpu.memref_squeeze %dma_wait3A_1530 : memref<1x4096xf32, #tpu.memory_space<vmem>> -> memref<4096xf32, #tpu.memory_space<vmem>>
    %dma_wait3A_1532 = arith.constant 0 : i32
    %dma_wait3A_1533 = tpu.memref_slice %arg6[%dma_wait3A_1527, %dma_wait3A_1532] : memref<2x4096xi32, #tpu.memory_space<vmem>> -> memref<1x4096xi32, #tpu.memory_space<vmem>>
    %dma_wait3A_1534 = tpu.memref_squeeze %dma_wait3A_1533 : memref<1x4096xi32, #tpu.memory_space<vmem>> -> memref<4096xi32, #tpu.memory_space<vmem>>
    %dma_wait3A_1535 = arith.constant 0 : i32
    %dma_wait3A_1536 = tpu.memref_slice %arg2[%dma_wait3A_1535] : memref<83200000xf32, #tpu.memory_space<hbm>> -> memref<83200000xf32, #tpu.memory_space<hbm>>
    tpu.wait_indirect_dma semaphore(%arg8 : memref<!tpu.dma_semaphore, #tpu.memory_space<semaphore_mem>>) src(%dma_wait3A_1536 : memref<83200000xf32, #tpu.memory_space<hbm>>) dst(%dma_wait3A_1531 : memref<4096xf32, #tpu.memory_space<vmem>>)
    %add3A_1537 = arith.constant 17 : i32
    %add3A_1538 = arith.addi %mul3A_2, %add3A_1537 : i32
    %dma_start3A_1539 = arith.constant 1 : i32
    %dma_start3A_1540 = arith.constant 0 : i32
    %dma_start3A_1541 = tpu.memref_slice %arg7[%dma_start3A_1539, %dma_start3A_1540] : memref<2x4096xf32, #tpu.memory_space<vmem>> -> memref<1x4096xf32, #tpu.memory_space<vmem>>
    %dma_start3A_1542 = tpu.memref_squeeze %dma_start3A_1541 : memref<1x4096xf32, #tpu.memory_space<vmem>> -> memref<4096xf32, #tpu.memory_space<vmem>>
    %dma_start3A_1543 = arith.constant 0 : i32
    %dma_start3A_1544 = tpu.memref_slice %arg4[%add3A_1538, %dma_start3A_1543] : memref<832x4096xf32, #tpu.memory_space<hbm>> -> memref<1x4096xf32, #tpu.memory_space<hbm>>
    %dma_start3A_1545 = tpu.memref_squeeze %dma_start3A_1544 : memref<1x4096xf32, #tpu.memory_space<hbm>> -> memref<4096xf32, #tpu.memory_space<hbm>>
    %dma_start3A_1546 = arith.constant 0 : i32
    %dma_start3A_1547 = tpu.memref_slice %arg4[%add3A_1538, %dma_start3A_1546] : memref<832x4096xf32, #tpu.memory_space<hbm>> -> memref<1x4096xf32, #tpu.memory_space<hbm>>
    %dma_start3A_1548 = tpu.memref_squeeze %dma_start3A_1547 : memref<1x4096xf32, #tpu.memory_space<hbm>> -> memref<4096xf32, #tpu.memory_space<hbm>>
    %dma_start3A_1549 = arith.constant 0 : i32
    %dma_start3A_1550 = tpu.memref_slice %arg7[%dma_start3A_1539, %dma_start3A_1549] : memref<2x4096xf32, #tpu.memory_space<vmem>> -> memref<1x4096xf32, #tpu.memory_space<vmem>>
    %dma_start3A_1551 = tpu.memref_squeeze %dma_start3A_1550 : memref<1x4096xf32, #tpu.memory_space<vmem>> -> memref<4096xf32, #tpu.memory_space<vmem>>
    tpu.enqueue_dma source(%dma_start3A_1551 : memref<4096xf32, #tpu.memory_space<vmem>>) target(%dma_start3A_1548 : memref<4096xf32, #tpu.memory_space<hbm>>) target_semaphore(%arg9 : memref<!tpu.dma_semaphore, #tpu.memory_space<semaphore_mem>>)
    %add3A_1552 = arith.constant 16 : i32
    %add3A_1553 = arith.addi %mul3A_2, %add3A_1552 : i32
    %dma_wait3A_1554 = arith.constant 0 : i32
    %dma_wait3A_1555 = arith.constant 0 : i32
    %dma_wait3A_1556 = tpu.memref_slice %arg7[%dma_wait3A_1554, %dma_wait3A_1555] : memref<2x4096xf32, #tpu.memory_space<vmem>> -> memref<1x4096xf32, #tpu.memory_space<vmem>>
    %dma_wait3A_1557 = tpu.memref_squeeze %dma_wait3A_1556 : memref<1x4096xf32, #tpu.memory_space<vmem>> -> memref<4096xf32, #tpu.memory_space<vmem>>
    %dma_wait3A_1558 = arith.constant 0 : i32
    %dma_wait3A_1559 = tpu.memref_slice %arg4[%add3A_1553, %dma_wait3A_1558] : memref<832x4096xf32, #tpu.memory_space<hbm>> -> memref<1x4096xf32, #tpu.memory_space<hbm>>
    %dma_wait3A_1560 = tpu.memref_squeeze %dma_wait3A_1559 : memref<1x4096xf32, #tpu.memory_space<hbm>> -> memref<4096xf32, #tpu.memory_space<hbm>>
    %dma_wait3A_1561 = arith.constant 0 : i32
    %dma_wait3A_1562 = tpu.memref_slice %arg4[%add3A_1553, %dma_wait3A_1561] : memref<832x4096xf32, #tpu.memory_space<hbm>> -> memref<1x4096xf32, #tpu.memory_space<hbm>>
    %dma_wait3A_1563 = tpu.memref_squeeze %dma_wait3A_1562 : memref<1x4096xf32, #tpu.memory_space<hbm>> -> memref<4096xf32, #tpu.memory_space<hbm>>
    %dma_wait3A_1564 = arith.constant 0 : i32
    %dma_wait3A_1565 = tpu.memref_slice %arg7[%dma_wait3A_1554, %dma_wait3A_1564] : memref<2x4096xf32, #tpu.memory_space<vmem>> -> memref<1x4096xf32, #tpu.memory_space<vmem>>
    %dma_wait3A_1566 = tpu.memref_squeeze %dma_wait3A_1565 : memref<1x4096xf32, #tpu.memory_space<vmem>> -> memref<4096xf32, #tpu.memory_space<vmem>>
    tpu.wait_dma2 semaphore(%arg9 : memref<!tpu.dma_semaphore, #tpu.memory_space<semaphore_mem>>) src(%dma_wait3A_1566 : memref<4096xf32, #tpu.memory_space<vmem>>) dst(%dma_wait3A_1563 : memref<4096xf32, #tpu.memory_space<hbm>>)
    %dma_start3A_1567 = arith.constant 0 : i32
    %dma_start3A_1568 = arith.constant 0 : i32
    %dma_start3A_1569 = arith.constant 0 : i32
    %dma_start3A_1570 = tpu.memref_slice %arg7[%dma_start3A_1568, %dma_start3A_1569] : memref<2x4096xf32, #tpu.memory_space<vmem>> -> memref<1x4096xf32, #tpu.memory_space<vmem>>
    %dma_start3A_1571 = tpu.memref_squeeze %dma_start3A_1570 : memref<1x4096xf32, #tpu.memory_space<vmem>> -> memref<4096xf32, #tpu.memory_space<vmem>>
    %dma_start3A_1572 = arith.constant 0 : i32
    %dma_start3A_1573 = tpu.memref_slice %arg6[%dma_start3A_1567, %dma_start3A_1572] : memref<2x4096xi32, #tpu.memory_space<vmem>> -> memref<1x4096xi32, #tpu.memory_space<vmem>>
    %dma_start3A_1574 = tpu.memref_squeeze %dma_start3A_1573 : memref<1x4096xi32, #tpu.memory_space<vmem>> -> memref<4096xi32, #tpu.memory_space<vmem>>
    %dma_start3A_1575 = arith.constant 0 : i32
    %dma_start3A_1576 = tpu.memref_slice %arg2[%dma_start3A_1575] : memref<83200000xf32, #tpu.memory_space<hbm>> -> memref<83200000xf32, #tpu.memory_space<hbm>>
    tpu.enqueue_indirect_dma source(%dma_start3A_1576 : memref<83200000xf32, #tpu.memory_space<hbm>>) target(%dma_start3A_1571 : memref<4096xf32, #tpu.memory_space<vmem>>) offsets(%dma_start3A_1574 : memref<4096xi32, #tpu.memory_space<vmem>>) semaphore(%arg8 : memref<!tpu.dma_semaphore, #tpu.memory_space<semaphore_mem>>)
    %add3A_1577 = arith.constant 19 : i32
    %add3A_1578 = arith.addi %mul3A_2, %add3A_1577 : i32
    %jit3A_1579 = arith.constant 32 : i32
    %div3A_1580 = arith.divsi %add3A_1578, %jit3A_1579 : i32
    %sign3A_1581 = arith.constant 0 : i32
    %sign3A_1582 = arith.cmpi sgt, %add3A_1578, %sign3A_1581 : i32
    %sign3A_1583 = arith.extui %sign3A_1582 : i1 to i32
    %sign3A_1584 = arith.constant 0 : i32
    %sign3A_1585 = arith.cmpi slt, %add3A_1578, %sign3A_1584 : i32
    %sign3A_1586 = arith.extui %sign3A_1585 : i1 to i32
    %sign3A_1587 = arith.subi %sign3A_1583, %sign3A_1586 : i32
    %sign3A_1588 = arith.constant 0 : i32
    %sign3A_1589 = arith.cmpi sgt, %jit3A_1579, %sign3A_1588 : i32
    %sign3A_1590 = arith.extui %sign3A_1589 : i1 to i32
    %sign3A_1591 = arith.constant 0 : i32
    %sign3A_1592 = arith.cmpi slt, %jit3A_1579, %sign3A_1591 : i32
    %sign3A_1593 = arith.extui %sign3A_1592 : i1 to i32
    %sign3A_1594 = arith.subi %sign3A_1590, %sign3A_1593 : i32
    %ne3A_1595 = arith.cmpi ne, %sign3A_1587, %sign3A_1594 : i32
    %rem3A_1596 = arith.remsi %add3A_1578, %jit3A_1579 : i32
    %ne3A_1597 = arith.constant 0 : i32
    %ne3A_1598 = arith.cmpi ne, %rem3A_1596, %ne3A_1597 : i32
    %and3A_1599 = arith.andi %ne3A_1595, %ne3A_1598 : i1
    %sub3A_1600 = arith.constant 1 : i32
    %sub3A_1601 = arith.subi %div3A_1580, %sub3A_1600 : i32
    %select_n3A_1602 = arith.select %and3A_1599, %sub3A_1601, %div3A_1580 : i32
    %sub3A_1603 = arith.subi %select_n3A_1602, %min3A_19 : i32
    %mul3A_1604 = arith.constant 100000 : i32
    %mul3A_1605 = arith.muli %add3A_1578, %mul3A_1604 : i32
    %scan3A_1606 = arith.constant 0 : i32
    %scan3A_1607 = arith.constant 0 : i32
    %scan3A_1608 = arith.constant 256 : i32
    %scan3A_1609 = arith.addi %scan3A_1607, %scan3A_1608 : i32
    %scan3A_1610 = arith.constant 1 : i32
    scf.for %scan3A_2227 = %scan3A_1607 to %scan3A_1609 step %scan3A_1610  : i32 {
      %mul3A_2228 = arith.constant 16 : i32
      %mul3A_2229 = arith.muli %scan3A_2227, %mul3A_2228 : i32
      %get3A = arith.index_cast %sub3A_1603 : i32 to index
      %get3A_2230 = arith.index_cast %mul3A_2229 : i32 to index
      %get3A_2231 = tpu.vector_load %arg5[%get3A, %get3A_2230] {strides = array<i32>} : memref<2x4096xi32, #tpu.memory_space<vmem>>, vector<1x16xi32>,
      %get3A_2232 = vector.shape_cast %get3A_2231 : vector<1x16xi32> to vector<16xi32>
      %add3A_2233 = vector.broadcast %mul3A_1605 : i32 to vector<16xi32>
      %add3A_2234 = arith.addi %get3A_2232, %add3A_2233 : vector<16xi32>
      %mul3A_2235 = arith.constant 16 : i32
      %mul3A_2236 = arith.muli %scan3A_2227, %mul3A_2235 : i32
      %swap3A = arith.constant 1 : i32
      %swap3A_2237 = arith.index_cast %swap3A : i32 to index
      %swap3A_2238 = arith.index_cast %mul3A_2236 : i32 to index
      %swap3A_2239 = tpu.vector_load %arg6[%swap3A_2237, %swap3A_2238] {strides = array<i32>} : memref<2x4096xi32, #tpu.memory_space<vmem>>, vector<1x16xi32>,
      %swap3A_2240 = vector.shape_cast %swap3A_2239 : vector<1x16xi32> to vector<16xi32>
      %swap3A_2241 = vector.shape_cast %add3A_2234 : vector<16xi32> to vector<1x16xi32>
      tpu.vector_store %arg6[%swap3A_2237, %swap3A_2238], %swap3A_2241 {strides = array<i32>} : memref<2x4096xi32, #tpu.memory_space<vmem>>, vector<1x16xi32>,
    }
    %scan3A_1611 = arith.constant 256 : i32
    %dma_wait3A_1612 = arith.constant 0 : i32
    %dma_wait3A_1613 = arith.constant 0 : i32
    %dma_wait3A_1614 = arith.constant 0 : i32
    %dma_wait3A_1615 = tpu.memref_slice %arg7[%dma_wait3A_1613, %dma_wait3A_1614] : memref<2x4096xf32, #tpu.memory_space<vmem>> -> memref<1x4096xf32, #tpu.memory_space<vmem>>
    %dma_wait3A_1616 = tpu.memref_squeeze %dma_wait3A_1615 : memref<1x4096xf32, #tpu.memory_space<vmem>> -> memref<4096xf32, #tpu.memory_space<vmem>>
    %dma_wait3A_1617 = arith.constant 0 : i32
    %dma_wait3A_1618 = tpu.memref_slice %arg6[%dma_wait3A_1612, %dma_wait3A_1617] : memref<2x4096xi32, #tpu.memory_space<vmem>> -> memref<1x4096xi32, #tpu.memory_space<vmem>>
    %dma_wait3A_1619 = tpu.memref_squeeze %dma_wait3A_1618 : memref<1x4096xi32, #tpu.memory_space<vmem>> -> memref<4096xi32, #tpu.memory_space<vmem>>
    %dma_wait3A_1620 = arith.constant 0 : i32
    %dma_wait3A_1621 = tpu.memref_slice %arg2[%dma_wait3A_1620] : memref<83200000xf32, #tpu.memory_space<hbm>> -> memref<83200000xf32, #tpu.memory_space<hbm>>
    tpu.wait_indirect_dma semaphore(%arg8 : memref<!tpu.dma_semaphore, #tpu.memory_space<semaphore_mem>>) src(%dma_wait3A_1621 : memref<83200000xf32, #tpu.memory_space<hbm>>) dst(%dma_wait3A_1616 : memref<4096xf32, #tpu.memory_space<vmem>>)
    %add3A_1622 = arith.constant 18 : i32
    %add3A_1623 = arith.addi %mul3A_2, %add3A_1622 : i32
    %dma_start3A_1624 = arith.constant 0 : i32
    %dma_start3A_1625 = arith.constant 0 : i32
    %dma_start3A_1626 = tpu.memref_slice %arg7[%dma_start3A_1624, %dma_start3A_1625] : memref<2x4096xf32, #tpu.memory_space<vmem>> -> memref<1x4096xf32, #tpu.memory_space<vmem>>
    %dma_start3A_1627 = tpu.memref_squeeze %dma_start3A_1626 : memref<1x4096xf32, #tpu.memory_space<vmem>> -> memref<4096xf32, #tpu.memory_space<vmem>>
    %dma_start3A_1628 = arith.constant 0 : i32
    %dma_start3A_1629 = tpu.memref_slice %arg4[%add3A_1623, %dma_start3A_1628] : memref<832x4096xf32, #tpu.memory_space<hbm>> -> memref<1x4096xf32, #tpu.memory_space<hbm>>
    %dma_start3A_1630 = tpu.memref_squeeze %dma_start3A_1629 : memref<1x4096xf32, #tpu.memory_space<hbm>> -> memref<4096xf32, #tpu.memory_space<hbm>>
    %dma_start3A_1631 = arith.constant 0 : i32
    %dma_start3A_1632 = tpu.memref_slice %arg4[%add3A_1623, %dma_start3A_1631] : memref<832x4096xf32, #tpu.memory_space<hbm>> -> memref<1x4096xf32, #tpu.memory_space<hbm>>
    %dma_start3A_1633 = tpu.memref_squeeze %dma_start3A_1632 : memref<1x4096xf32, #tpu.memory_space<hbm>> -> memref<4096xf32, #tpu.memory_space<hbm>>
    %dma_start3A_1634 = arith.constant 0 : i32
    %dma_start3A_1635 = tpu.memref_slice %arg7[%dma_start3A_1624, %dma_start3A_1634] : memref<2x4096xf32, #tpu.memory_space<vmem>> -> memref<1x4096xf32, #tpu.memory_space<vmem>>
    %dma_start3A_1636 = tpu.memref_squeeze %dma_start3A_1635 : memref<1x4096xf32, #tpu.memory_space<vmem>> -> memref<4096xf32, #tpu.memory_space<vmem>>
    tpu.enqueue_dma source(%dma_start3A_1636 : memref<4096xf32, #tpu.memory_space<vmem>>) target(%dma_start3A_1633 : memref<4096xf32, #tpu.memory_space<hbm>>) target_semaphore(%arg9 : memref<!tpu.dma_semaphore, #tpu.memory_space<semaphore_mem>>)
    %add3A_1637 = arith.constant 17 : i32
    %add3A_1638 = arith.addi %mul3A_2, %add3A_1637 : i32
    %dma_wait3A_1639 = arith.constant 1 : i32
    %dma_wait3A_1640 = arith.constant 0 : i32
    %dma_wait3A_1641 = tpu.memref_slice %arg7[%dma_wait3A_1639, %dma_wait3A_1640] : memref<2x4096xf32, #tpu.memory_space<vmem>> -> memref<1x4096xf32, #tpu.memory_space<vmem>>
    %dma_wait3A_1642 = tpu.memref_squeeze %dma_wait3A_1641 : memref<1x4096xf32, #tpu.memory_space<vmem>> -> memref<4096xf32, #tpu.memory_space<vmem>>
    %dma_wait3A_1643 = arith.constant 0 : i32
    %dma_wait3A_1644 = tpu.memref_slice %arg4[%add3A_1638, %dma_wait3A_1643] : memref<832x4096xf32, #tpu.memory_space<hbm>> -> memref<1x4096xf32, #tpu.memory_space<hbm>>
    %dma_wait3A_1645 = tpu.memref_squeeze %dma_wait3A_1644 : memref<1x4096xf32, #tpu.memory_space<hbm>> -> memref<4096xf32, #tpu.memory_space<hbm>>
    %dma_wait3A_1646 = arith.constant 0 : i32
    %dma_wait3A_1647 = tpu.memref_slice %arg4[%add3A_1638, %dma_wait3A_1646] : memref<832x4096xf32, #tpu.memory_space<hbm>> -> memref<1x4096xf32, #tpu.memory_space<hbm>>
    %dma_wait3A_1648 = tpu.memref_squeeze %dma_wait3A_1647 : memref<1x4096xf32, #tpu.memory_space<hbm>> -> memref<4096xf32, #tpu.memory_space<hbm>>
    %dma_wait3A_1649 = arith.constant 0 : i32
    %dma_wait3A_1650 = tpu.memref_slice %arg7[%dma_wait3A_1639, %dma_wait3A_1649] : memref<2x4096xf32, #tpu.memory_space<vmem>> -> memref<1x4096xf32, #tpu.memory_space<vmem>>
    %dma_wait3A_1651 = tpu.memref_squeeze %dma_wait3A_1650 : memref<1x4096xf32, #tpu.memory_space<vmem>> -> memref<4096xf32, #tpu.memory_space<vmem>>
    tpu.wait_dma2 semaphore(%arg9 : memref<!tpu.dma_semaphore, #tpu.memory_space<semaphore_mem>>) src(%dma_wait3A_1651 : memref<4096xf32, #tpu.memory_space<vmem>>) dst(%dma_wait3A_1648 : memref<4096xf32, #tpu.memory_space<hbm>>)
    %dma_start3A_1652 = arith.constant 1 : i32
    %dma_start3A_1653 = arith.constant 1 : i32
    %dma_start3A_1654 = arith.constant 0 : i32
    %dma_start3A_1655 = tpu.memref_slice %arg7[%dma_start3A_1653, %dma_start3A_1654] : memref<2x4096xf32, #tpu.memory_space<vmem>> -> memref<1x4096xf32, #tpu.memory_space<vmem>>
    %dma_start3A_1656 = tpu.memref_squeeze %dma_start3A_1655 : memref<1x4096xf32, #tpu.memory_space<vmem>> -> memref<4096xf32, #tpu.memory_space<vmem>>
    %dma_start3A_1657 = arith.constant 0 : i32
    %dma_start3A_1658 = tpu.memref_slice %arg6[%dma_start3A_1652, %dma_start3A_1657] : memref<2x4096xi32, #tpu.memory_space<vmem>> -> memref<1x4096xi32, #tpu.memory_space<vmem>>
    %dma_start3A_1659 = tpu.memref_squeeze %dma_start3A_1658 : memref<1x4096xi32, #tpu.memory_space<vmem>> -> memref<4096xi32, #tpu.memory_space<vmem>>
    %dma_start3A_1660 = arith.constant 0 : i32
    %dma_start3A_1661 = tpu.memref_slice %arg2[%dma_start3A_1660] : memref<83200000xf32, #tpu.memory_space<hbm>> -> memref<83200000xf32, #tpu.memory_space<hbm>>
    tpu.enqueue_indirect_dma source(%dma_start3A_1661 : memref<83200000xf32, #tpu.memory_space<hbm>>) target(%dma_start3A_1656 : memref<4096xf32, #tpu.memory_space<vmem>>) offsets(%dma_start3A_1659 : memref<4096xi32, #tpu.memory_space<vmem>>) semaphore(%arg8 : memref<!tpu.dma_semaphore, #tpu.memory_space<semaphore_mem>>)
    %add3A_1662 = arith.constant 20 : i32
    %add3A_1663 = arith.addi %mul3A_2, %add3A_1662 : i32
    %jit3A_1664 = arith.constant 32 : i32
    %div3A_1665 = arith.divsi %add3A_1663, %jit3A_1664 : i32
    %sign3A_1666 = arith.constant 0 : i32
    %sign3A_1667 = arith.cmpi sgt, %add3A_1663, %sign3A_1666 : i32
    %sign3A_1668 = arith.extui %sign3A_1667 : i1 to i32
    %sign3A_1669 = arith.constant 0 : i32
    %sign3A_1670 = arith.cmpi slt, %add3A_1663, %sign3A_1669 : i32
    %sign3A_1671 = arith.extui %sign3A_1670 : i1 to i32
    %sign3A_1672 = arith.subi %sign3A_1668, %sign3A_1671 : i32
    %sign3A_1673 = arith.constant 0 : i32
    %sign3A_1674 = arith.cmpi sgt, %jit3A_1664, %sign3A_1673 : i32
    %sign3A_1675 = arith.extui %sign3A_1674 : i1 to i32
    %sign3A_1676 = arith.constant 0 : i32
    %sign3A_1677 = arith.cmpi slt, %jit3A_1664, %sign3A_1676 : i32
    %sign3A_1678 = arith.extui %sign3A_1677 : i1 to i32
    %sign3A_1679 = arith.subi %sign3A_1675, %sign3A_1678 : i32
    %ne3A_1680 = arith.cmpi ne, %sign3A_1672, %sign3A_1679 : i32
    %rem3A_1681 = arith.remsi %add3A_1663, %jit3A_1664 : i32
    %ne3A_1682 = arith.constant 0 : i32
    %ne3A_1683 = arith.cmpi ne, %rem3A_1681, %ne3A_1682 : i32
    %and3A_1684 = arith.andi %ne3A_1680, %ne3A_1683 : i1
    %sub3A_1685 = arith.constant 1 : i32
    %sub3A_1686 = arith.subi %div3A_1665, %sub3A_1685 : i32
    %select_n3A_1687 = arith.select %and3A_1684, %sub3A_1686, %div3A_1665 : i32
    %sub3A_1688 = arith.subi %select_n3A_1687, %min3A_19 : i32
    %mul3A_1689 = arith.constant 100000 : i32
    %mul3A_1690 = arith.muli %add3A_1663, %mul3A_1689 : i32
    %scan3A_1691 = arith.constant 0 : i32
    %scan3A_1692 = arith.constant 0 : i32
    %scan3A_1693 = arith.constant 256 : i32
    %scan3A_1694 = arith.addi %scan3A_1692, %scan3A_1693 : i32
    %scan3A_1695 = arith.constant 1 : i32
    scf.for %scan3A_2227 = %scan3A_1692 to %scan3A_1694 step %scan3A_1695  : i32 {
      %mul3A_2228 = arith.constant 16 : i32
      %mul3A_2229 = arith.muli %scan3A_2227, %mul3A_2228 : i32
      %get3A = arith.index_cast %sub3A_1688 : i32 to index
      %get3A_2230 = arith.index_cast %mul3A_2229 : i32 to index
      %get3A_2231 = tpu.vector_load %arg5[%get3A, %get3A_2230] {strides = array<i32>} : memref<2x4096xi32, #tpu.memory_space<vmem>>, vector<1x16xi32>,
      %get3A_2232 = vector.shape_cast %get3A_2231 : vector<1x16xi32> to vector<16xi32>
      %add3A_2233 = vector.broadcast %mul3A_1690 : i32 to vector<16xi32>
      %add3A_2234 = arith.addi %get3A_2232, %add3A_2233 : vector<16xi32>
      %mul3A_2235 = arith.constant 16 : i32
      %mul3A_2236 = arith.muli %scan3A_2227, %mul3A_2235 : i32
      %swap3A = arith.constant 0 : i32
      %swap3A_2237 = arith.index_cast %swap3A : i32 to index
      %swap3A_2238 = arith.index_cast %mul3A_2236 : i32 to index
      %swap3A_2239 = tpu.vector_load %arg6[%swap3A_2237, %swap3A_2238] {strides = array<i32>} : memref<2x4096xi32, #tpu.memory_space<vmem>>, vector<1x16xi32>,
      %swap3A_2240 = vector.shape_cast %swap3A_2239 : vector<1x16xi32> to vector<16xi32>
      %swap3A_2241 = vector.shape_cast %add3A_2234 : vector<16xi32> to vector<1x16xi32>
      tpu.vector_store %arg6[%swap3A_2237, %swap3A_2238], %swap3A_2241 {strides = array<i32>} : memref<2x4096xi32, #tpu.memory_space<vmem>>, vector<1x16xi32>,
    }
    %scan3A_1696 = arith.constant 256 : i32
    %dma_wait3A_1697 = arith.constant 1 : i32
    %dma_wait3A_1698 = arith.constant 1 : i32
    %dma_wait3A_1699 = arith.constant 0 : i32
    %dma_wait3A_1700 = tpu.memref_slice %arg7[%dma_wait3A_1698, %dma_wait3A_1699] : memref<2x4096xf32, #tpu.memory_space<vmem>> -> memref<1x4096xf32, #tpu.memory_space<vmem>>
    %dma_wait3A_1701 = tpu.memref_squeeze %dma_wait3A_1700 : memref<1x4096xf32, #tpu.memory_space<vmem>> -> memref<4096xf32, #tpu.memory_space<vmem>>
    %dma_wait3A_1702 = arith.constant 0 : i32
    %dma_wait3A_1703 = tpu.memref_slice %arg6[%dma_wait3A_1697, %dma_wait3A_1702] : memref<2x4096xi32, #tpu.memory_space<vmem>> -> memref<1x4096xi32, #tpu.memory_space<vmem>>
    %dma_wait3A_1704 = tpu.memref_squeeze %dma_wait3A_1703 : memref<1x4096xi32, #tpu.memory_space<vmem>> -> memref<4096xi32, #tpu.memory_space<vmem>>
    %dma_wait3A_1705 = arith.constant 0 : i32
    %dma_wait3A_1706 = tpu.memref_slice %arg2[%dma_wait3A_1705] : memref<83200000xf32, #tpu.memory_space<hbm>> -> memref<83200000xf32, #tpu.memory_space<hbm>>
    tpu.wait_indirect_dma semaphore(%arg8 : memref<!tpu.dma_semaphore, #tpu.memory_space<semaphore_mem>>) src(%dma_wait3A_1706 : memref<83200000xf32, #tpu.memory_space<hbm>>) dst(%dma_wait3A_1701 : memref<4096xf32, #tpu.memory_space<vmem>>)
    %add3A_1707 = arith.constant 19 : i32
    %add3A_1708 = arith.addi %mul3A_2, %add3A_1707 : i32
    %dma_start3A_1709 = arith.constant 1 : i32
    %dma_start3A_1710 = arith.constant 0 : i32
    %dma_start3A_1711 = tpu.memref_slice %arg7[%dma_start3A_1709, %dma_start3A_1710] : memref<2x4096xf32, #tpu.memory_space<vmem>> -> memref<1x4096xf32, #tpu.memory_space<vmem>>
    %dma_start3A_1712 = tpu.memref_squeeze %dma_start3A_1711 : memref<1x4096xf32, #tpu.memory_space<vmem>> -> memref<4096xf32, #tpu.memory_space<vmem>>
    %dma_start3A_1713 = arith.constant 0 : i32
    %dma_start3A_1714 = tpu.memref_slice %arg4[%add3A_1708, %dma_start3A_1713] : memref<832x4096xf32, #tpu.memory_space<hbm>> -> memref<1x4096xf32, #tpu.memory_space<hbm>>
    %dma_start3A_1715 = tpu.memref_squeeze %dma_start3A_1714 : memref<1x4096xf32, #tpu.memory_space<hbm>> -> memref<4096xf32, #tpu.memory_space<hbm>>
    %dma_start3A_1716 = arith.constant 0 : i32
    %dma_start3A_1717 = tpu.memref_slice %arg4[%add3A_1708, %dma_start3A_1716] : memref<832x4096xf32, #tpu.memory_space<hbm>> -> memref<1x4096xf32, #tpu.memory_space<hbm>>
    %dma_start3A_1718 = tpu.memref_squeeze %dma_start3A_1717 : memref<1x4096xf32, #tpu.memory_space<hbm>> -> memref<4096xf32, #tpu.memory_space<hbm>>
    %dma_start3A_1719 = arith.constant 0 : i32
    %dma_start3A_1720 = tpu.memref_slice %arg7[%dma_start3A_1709, %dma_start3A_1719] : memref<2x4096xf32, #tpu.memory_space<vmem>> -> memref<1x4096xf32, #tpu.memory_space<vmem>>
    %dma_start3A_1721 = tpu.memref_squeeze %dma_start3A_1720 : memref<1x4096xf32, #tpu.memory_space<vmem>> -> memref<4096xf32, #tpu.memory_space<vmem>>
    tpu.enqueue_dma source(%dma_start3A_1721 : memref<4096xf32, #tpu.memory_space<vmem>>) target(%dma_start3A_1718 : memref<4096xf32, #tpu.memory_space<hbm>>) target_semaphore(%arg9 : memref<!tpu.dma_semaphore, #tpu.memory_space<semaphore_mem>>)
    %add3A_1722 = arith.constant 18 : i32
    %add3A_1723 = arith.addi %mul3A_2, %add3A_1722 : i32
    %dma_wait3A_1724 = arith.constant 0 : i32
    %dma_wait3A_1725 = arith.constant 0 : i32
    %dma_wait3A_1726 = tpu.memref_slice %arg7[%dma_wait3A_1724, %dma_wait3A_1725] : memref<2x4096xf32, #tpu.memory_space<vmem>> -> memref<1x4096xf32, #tpu.memory_space<vmem>>
    %dma_wait3A_1727 = tpu.memref_squeeze %dma_wait3A_1726 : memref<1x4096xf32, #tpu.memory_space<vmem>> -> memref<4096xf32, #tpu.memory_space<vmem>>
    %dma_wait3A_1728 = arith.constant 0 : i32
    %dma_wait3A_1729 = tpu.memref_slice %arg4[%add3A_1723, %dma_wait3A_1728] : memref<832x4096xf32, #tpu.memory_space<hbm>> -> memref<1x4096xf32, #tpu.memory_space<hbm>>
    %dma_wait3A_1730 = tpu.memref_squeeze %dma_wait3A_1729 : memref<1x4096xf32, #tpu.memory_space<hbm>> -> memref<4096xf32, #tpu.memory_space<hbm>>
    %dma_wait3A_1731 = arith.constant 0 : i32
    %dma_wait3A_1732 = tpu.memref_slice %arg4[%add3A_1723, %dma_wait3A_1731] : memref<832x4096xf32, #tpu.memory_space<hbm>> -> memref<1x4096xf32, #tpu.memory_space<hbm>>
    %dma_wait3A_1733 = tpu.memref_squeeze %dma_wait3A_1732 : memref<1x4096xf32, #tpu.memory_space<hbm>> -> memref<4096xf32, #tpu.memory_space<hbm>>
    %dma_wait3A_1734 = arith.constant 0 : i32
    %dma_wait3A_1735 = tpu.memref_slice %arg7[%dma_wait3A_1724, %dma_wait3A_1734] : memref<2x4096xf32, #tpu.memory_space<vmem>> -> memref<1x4096xf32, #tpu.memory_space<vmem>>
    %dma_wait3A_1736 = tpu.memref_squeeze %dma_wait3A_1735 : memref<1x4096xf32, #tpu.memory_space<vmem>> -> memref<4096xf32, #tpu.memory_space<vmem>>
    tpu.wait_dma2 semaphore(%arg9 : memref<!tpu.dma_semaphore, #tpu.memory_space<semaphore_mem>>) src(%dma_wait3A_1736 : memref<4096xf32, #tpu.memory_space<vmem>>) dst(%dma_wait3A_1733 : memref<4096xf32, #tpu.memory_space<hbm>>)
    %dma_start3A_1737 = arith.constant 0 : i32
    %dma_start3A_1738 = arith.constant 0 : i32
    %dma_start3A_1739 = arith.constant 0 : i32
    %dma_start3A_1740 = tpu.memref_slice %arg7[%dma_start3A_1738, %dma_start3A_1739] : memref<2x4096xf32, #tpu.memory_space<vmem>> -> memref<1x4096xf32, #tpu.memory_space<vmem>>
    %dma_start3A_1741 = tpu.memref_squeeze %dma_start3A_1740 : memref<1x4096xf32, #tpu.memory_space<vmem>> -> memref<4096xf32, #tpu.memory_space<vmem>>
    %dma_start3A_1742 = arith.constant 0 : i32
    %dma_start3A_1743 = tpu.memref_slice %arg6[%dma_start3A_1737, %dma_start3A_1742] : memref<2x4096xi32, #tpu.memory_space<vmem>> -> memref<1x4096xi32, #tpu.memory_space<vmem>>
    %dma_start3A_1744 = tpu.memref_squeeze %dma_start3A_1743 : memref<1x4096xi32, #tpu.memory_space<vmem>> -> memref<4096xi32, #tpu.memory_space<vmem>>
    %dma_start3A_1745 = arith.constant 0 : i32
    %dma_start3A_1746 = tpu.memref_slice %arg2[%dma_start3A_1745] : memref<83200000xf32, #tpu.memory_space<hbm>> -> memref<83200000xf32, #tpu.memory_space<hbm>>
    tpu.enqueue_indirect_dma source(%dma_start3A_1746 : memref<83200000xf32, #tpu.memory_space<hbm>>) target(%dma_start3A_1741 : memref<4096xf32, #tpu.memory_space<vmem>>) offsets(%dma_start3A_1744 : memref<4096xi32, #tpu.memory_space<vmem>>) semaphore(%arg8 : memref<!tpu.dma_semaphore, #tpu.memory_space<semaphore_mem>>)
    %add3A_1747 = arith.constant 21 : i32
    %add3A_1748 = arith.addi %mul3A_2, %add3A_1747 : i32
    %jit3A_1749 = arith.constant 32 : i32
    %div3A_1750 = arith.divsi %add3A_1748, %jit3A_1749 : i32
    %sign3A_1751 = arith.constant 0 : i32
    %sign3A_1752 = arith.cmpi sgt, %add3A_1748, %sign3A_1751 : i32
    %sign3A_1753 = arith.extui %sign3A_1752 : i1 to i32
    %sign3A_1754 = arith.constant 0 : i32
    %sign3A_1755 = arith.cmpi slt, %add3A_1748, %sign3A_1754 : i32
    %sign3A_1756 = arith.extui %sign3A_1755 : i1 to i32
    %sign3A_1757 = arith.subi %sign3A_1753, %sign3A_1756 : i32
    %sign3A_1758 = arith.constant 0 : i32
    %sign3A_1759 = arith.cmpi sgt, %jit3A_1749, %sign3A_1758 : i32
    %sign3A_1760 = arith.extui %sign3A_1759 : i1 to i32
    %sign3A_1761 = arith.constant 0 : i32
    %sign3A_1762 = arith.cmpi slt, %jit3A_1749, %sign3A_1761 : i32
    %sign3A_1763 = arith.extui %sign3A_1762 : i1 to i32
    %sign3A_1764 = arith.subi %sign3A_1760, %sign3A_1763 : i32
    %ne3A_1765 = arith.cmpi ne, %sign3A_1757, %sign3A_1764 : i32
    %rem3A_1766 = arith.remsi %add3A_1748, %jit3A_1749 : i32
    %ne3A_1767 = arith.constant 0 : i32
    %ne3A_1768 = arith.cmpi ne, %rem3A_1766, %ne3A_1767 : i32
    %and3A_1769 = arith.andi %ne3A_1765, %ne3A_1768 : i1
    %sub3A_1770 = arith.constant 1 : i32
    %sub3A_1771 = arith.subi %div3A_1750, %sub3A_1770 : i32
    %select_n3A_1772 = arith.select %and3A_1769, %sub3A_1771, %div3A_1750 : i32
    %sub3A_1773 = arith.subi %select_n3A_1772, %min3A_19 : i32
    %mul3A_1774 = arith.constant 100000 : i32
    %mul3A_1775 = arith.muli %add3A_1748, %mul3A_1774 : i32
    %scan3A_1776 = arith.constant 0 : i32
    %scan3A_1777 = arith.constant 0 : i32
    %scan3A_1778 = arith.constant 256 : i32
    %scan3A_1779 = arith.addi %scan3A_1777, %scan3A_1778 : i32
    %scan3A_1780 = arith.constant 1 : i32
    scf.for %scan3A_2227 = %scan3A_1777 to %scan3A_1779 step %scan3A_1780  : i32 {
      %mul3A_2228 = arith.constant 16 : i32
      %mul3A_2229 = arith.muli %scan3A_2227, %mul3A_2228 : i32
      %get3A = arith.index_cast %sub3A_1773 : i32 to index
      %get3A_2230 = arith.index_cast %mul3A_2229 : i32 to index
      %get3A_2231 = tpu.vector_load %arg5[%get3A, %get3A_2230] {strides = array<i32>} : memref<2x4096xi32, #tpu.memory_space<vmem>>, vector<1x16xi32>,
      %get3A_2232 = vector.shape_cast %get3A_2231 : vector<1x16xi32> to vector<16xi32>
      %add3A_2233 = vector.broadcast %mul3A_1775 : i32 to vector<16xi32>
      %add3A_2234 = arith.addi %get3A_2232, %add3A_2233 : vector<16xi32>
      %mul3A_2235 = arith.constant 16 : i32
      %mul3A_2236 = arith.muli %scan3A_2227, %mul3A_2235 : i32
      %swap3A = arith.constant 1 : i32
      %swap3A_2237 = arith.index_cast %swap3A : i32 to index
      %swap3A_2238 = arith.index_cast %mul3A_2236 : i32 to index
      %swap3A_2239 = tpu.vector_load %arg6[%swap3A_2237, %swap3A_2238] {strides = array<i32>} : memref<2x4096xi32, #tpu.memory_space<vmem>>, vector<1x16xi32>,
      %swap3A_2240 = vector.shape_cast %swap3A_2239 : vector<1x16xi32> to vector<16xi32>
      %swap3A_2241 = vector.shape_cast %add3A_2234 : vector<16xi32> to vector<1x16xi32>
      tpu.vector_store %arg6[%swap3A_2237, %swap3A_2238], %swap3A_2241 {strides = array<i32>} : memref<2x4096xi32, #tpu.memory_space<vmem>>, vector<1x16xi32>,
    }
    %scan3A_1781 = arith.constant 256 : i32
    %dma_wait3A_1782 = arith.constant 0 : i32
    %dma_wait3A_1783 = arith.constant 0 : i32
    %dma_wait3A_1784 = arith.constant 0 : i32
    %dma_wait3A_1785 = tpu.memref_slice %arg7[%dma_wait3A_1783, %dma_wait3A_1784] : memref<2x4096xf32, #tpu.memory_space<vmem>> -> memref<1x4096xf32, #tpu.memory_space<vmem>>
    %dma_wait3A_1786 = tpu.memref_squeeze %dma_wait3A_1785 : memref<1x4096xf32, #tpu.memory_space<vmem>> -> memref<4096xf32, #tpu.memory_space<vmem>>
    %dma_wait3A_1787 = arith.constant 0 : i32
    %dma_wait3A_1788 = tpu.memref_slice %arg6[%dma_wait3A_1782, %dma_wait3A_1787] : memref<2x4096xi32, #tpu.memory_space<vmem>> -> memref<1x4096xi32, #tpu.memory_space<vmem>>
    %dma_wait3A_1789 = tpu.memref_squeeze %dma_wait3A_1788 : memref<1x4096xi32, #tpu.memory_space<vmem>> -> memref<4096xi32, #tpu.memory_space<vmem>>
    %dma_wait3A_1790 = arith.constant 0 : i32
    %dma_wait3A_1791 = tpu.memref_slice %arg2[%dma_wait3A_1790] : memref<83200000xf32, #tpu.memory_space<hbm>> -> memref<83200000xf32, #tpu.memory_space<hbm>>
    tpu.wait_indirect_dma semaphore(%arg8 : memref<!tpu.dma_semaphore, #tpu.memory_space<semaphore_mem>>) src(%dma_wait3A_1791 : memref<83200000xf32, #tpu.memory_space<hbm>>) dst(%dma_wait3A_1786 : memref<4096xf32, #tpu.memory_space<vmem>>)
    %add3A_1792 = arith.constant 20 : i32
    %add3A_1793 = arith.addi %mul3A_2, %add3A_1792 : i32
    %dma_start3A_1794 = arith.constant 0 : i32
    %dma_start3A_1795 = arith.constant 0 : i32
    %dma_start3A_1796 = tpu.memref_slice %arg7[%dma_start3A_1794, %dma_start3A_1795] : memref<2x4096xf32, #tpu.memory_space<vmem>> -> memref<1x4096xf32, #tpu.memory_space<vmem>>
    %dma_start3A_1797 = tpu.memref_squeeze %dma_start3A_1796 : memref<1x4096xf32, #tpu.memory_space<vmem>> -> memref<4096xf32, #tpu.memory_space<vmem>>
    %dma_start3A_1798 = arith.constant 0 : i32
    %dma_start3A_1799 = tpu.memref_slice %arg4[%add3A_1793, %dma_start3A_1798] : memref<832x4096xf32, #tpu.memory_space<hbm>> -> memref<1x4096xf32, #tpu.memory_space<hbm>>
    %dma_start3A_1800 = tpu.memref_squeeze %dma_start3A_1799 : memref<1x4096xf32, #tpu.memory_space<hbm>> -> memref<4096xf32, #tpu.memory_space<hbm>>
    %dma_start3A_1801 = arith.constant 0 : i32
    %dma_start3A_1802 = tpu.memref_slice %arg4[%add3A_1793, %dma_start3A_1801] : memref<832x4096xf32, #tpu.memory_space<hbm>> -> memref<1x4096xf32, #tpu.memory_space<hbm>>
    %dma_start3A_1803 = tpu.memref_squeeze %dma_start3A_1802 : memref<1x4096xf32, #tpu.memory_space<hbm>> -> memref<4096xf32, #tpu.memory_space<hbm>>
    %dma_start3A_1804 = arith.constant 0 : i32
    %dma_start3A_1805 = tpu.memref_slice %arg7[%dma_start3A_1794, %dma_start3A_1804] : memref<2x4096xf32, #tpu.memory_space<vmem>> -> memref<1x4096xf32, #tpu.memory_space<vmem>>
    %dma_start3A_1806 = tpu.memref_squeeze %dma_start3A_1805 : memref<1x4096xf32, #tpu.memory_space<vmem>> -> memref<4096xf32, #tpu.memory_space<vmem>>
    tpu.enqueue_dma source(%dma_start3A_1806 : memref<4096xf32, #tpu.memory_space<vmem>>) target(%dma_start3A_1803 : memref<4096xf32, #tpu.memory_space<hbm>>) target_semaphore(%arg9 : memref<!tpu.dma_semaphore, #tpu.memory_space<semaphore_mem>>)
    %add3A_1807 = arith.constant 19 : i32
    %add3A_1808 = arith.addi %mul3A_2, %add3A_1807 : i32
    %dma_wait3A_1809 = arith.constant 1 : i32
    %dma_wait3A_1810 = arith.constant 0 : i32
    %dma_wait3A_1811 = tpu.memref_slice %arg7[%dma_wait3A_1809, %dma_wait3A_1810] : memref<2x4096xf32, #tpu.memory_space<vmem>> -> memref<1x4096xf32, #tpu.memory_space<vmem>>
    %dma_wait3A_1812 = tpu.memref_squeeze %dma_wait3A_1811 : memref<1x4096xf32, #tpu.memory_space<vmem>> -> memref<4096xf32, #tpu.memory_space<vmem>>
    %dma_wait3A_1813 = arith.constant 0 : i32
    %dma_wait3A_1814 = tpu.memref_slice %arg4[%add3A_1808, %dma_wait3A_1813] : memref<832x4096xf32, #tpu.memory_space<hbm>> -> memref<1x4096xf32, #tpu.memory_space<hbm>>
    %dma_wait3A_1815 = tpu.memref_squeeze %dma_wait3A_1814 : memref<1x4096xf32, #tpu.memory_space<hbm>> -> memref<4096xf32, #tpu.memory_space<hbm>>
    %dma_wait3A_1816 = arith.constant 0 : i32
    %dma_wait3A_1817 = tpu.memref_slice %arg4[%add3A_1808, %dma_wait3A_1816] : memref<832x4096xf32, #tpu.memory_space<hbm>> -> memref<1x4096xf32, #tpu.memory_space<hbm>>
    %dma_wait3A_1818 = tpu.memref_squeeze %dma_wait3A_1817 : memref<1x4096xf32, #tpu.memory_space<hbm>> -> memref<4096xf32, #tpu.memory_space<hbm>>
    %dma_wait3A_1819 = arith.constant 0 : i32
    %dma_wait3A_1820 = tpu.memref_slice %arg7[%dma_wait3A_1809, %dma_wait3A_1819] : memref<2x4096xf32, #tpu.memory_space<vmem>> -> memref<1x4096xf32, #tpu.memory_space<vmem>>
    %dma_wait3A_1821 = tpu.memref_squeeze %dma_wait3A_1820 : memref<1x4096xf32, #tpu.memory_space<vmem>> -> memref<4096xf32, #tpu.memory_space<vmem>>
    tpu.wait_dma2 semaphore(%arg9 : memref<!tpu.dma_semaphore, #tpu.memory_space<semaphore_mem>>) src(%dma_wait3A_1821 : memref<4096xf32, #tpu.memory_space<vmem>>) dst(%dma_wait3A_1818 : memref<4096xf32, #tpu.memory_space<hbm>>)
    %dma_start3A_1822 = arith.constant 1 : i32
    %dma_start3A_1823 = arith.constant 1 : i32
    %dma_start3A_1824 = arith.constant 0 : i32
    %dma_start3A_1825 = tpu.memref_slice %arg7[%dma_start3A_1823, %dma_start3A_1824] : memref<2x4096xf32, #tpu.memory_space<vmem>> -> memref<1x4096xf32, #tpu.memory_space<vmem>>
    %dma_start3A_1826 = tpu.memref_squeeze %dma_start3A_1825 : memref<1x4096xf32, #tpu.memory_space<vmem>> -> memref<4096xf32, #tpu.memory_space<vmem>>
    %dma_start3A_1827 = arith.constant 0 : i32
    %dma_start3A_1828 = tpu.memref_slice %arg6[%dma_start3A_1822, %dma_start3A_1827] : memref<2x4096xi32, #tpu.memory_space<vmem>> -> memref<1x4096xi32, #tpu.memory_space<vmem>>
    %dma_start3A_1829 = tpu.memref_squeeze %dma_start3A_1828 : memref<1x4096xi32, #tpu.memory_space<vmem>> -> memref<4096xi32, #tpu.memory_space<vmem>>
    %dma_start3A_1830 = arith.constant 0 : i32
    %dma_start3A_1831 = tpu.memref_slice %arg2[%dma_start3A_1830] : memref<83200000xf32, #tpu.memory_space<hbm>> -> memref<83200000xf32, #tpu.memory_space<hbm>>
    tpu.enqueue_indirect_dma source(%dma_start3A_1831 : memref<83200000xf32, #tpu.memory_space<hbm>>) target(%dma_start3A_1826 : memref<4096xf32, #tpu.memory_space<vmem>>) offsets(%dma_start3A_1829 : memref<4096xi32, #tpu.memory_space<vmem>>) semaphore(%arg8 : memref<!tpu.dma_semaphore, #tpu.memory_space<semaphore_mem>>)
    %add3A_1832 = arith.constant 22 : i32
    %add3A_1833 = arith.addi %mul3A_2, %add3A_1832 : i32
    %jit3A_1834 = arith.constant 32 : i32
    %div3A_1835 = arith.divsi %add3A_1833, %jit3A_1834 : i32
    %sign3A_1836 = arith.constant 0 : i32
    %sign3A_1837 = arith.cmpi sgt, %add3A_1833, %sign3A_1836 : i32
    %sign3A_1838 = arith.extui %sign3A_1837 : i1 to i32
    %sign3A_1839 = arith.constant 0 : i32
    %sign3A_1840 = arith.cmpi slt, %add3A_1833, %sign3A_1839 : i32
    %sign3A_1841 = arith.extui %sign3A_1840 : i1 to i32
    %sign3A_1842 = arith.subi %sign3A_1838, %sign3A_1841 : i32
    %sign3A_1843 = arith.constant 0 : i32
    %sign3A_1844 = arith.cmpi sgt, %jit3A_1834, %sign3A_1843 : i32
    %sign3A_1845 = arith.extui %sign3A_1844 : i1 to i32
    %sign3A_1846 = arith.constant 0 : i32
    %sign3A_1847 = arith.cmpi slt, %jit3A_1834, %sign3A_1846 : i32
    %sign3A_1848 = arith.extui %sign3A_1847 : i1 to i32
    %sign3A_1849 = arith.subi %sign3A_1845, %sign3A_1848 : i32
    %ne3A_1850 = arith.cmpi ne, %sign3A_1842, %sign3A_1849 : i32
    %rem3A_1851 = arith.remsi %add3A_1833, %jit3A_1834 : i32
    %ne3A_1852 = arith.constant 0 : i32
    %ne3A_1853 = arith.cmpi ne, %rem3A_1851, %ne3A_1852 : i32
    %and3A_1854 = arith.andi %ne3A_1850, %ne3A_1853 : i1
    %sub3A_1855 = arith.constant 1 : i32
    %sub3A_1856 = arith.subi %div3A_1835, %sub3A_1855 : i32
    %select_n3A_1857 = arith.select %and3A_1854, %sub3A_1856, %div3A_1835 : i32
    %sub3A_1858 = arith.subi %select_n3A_1857, %min3A_19 : i32
    %mul3A_1859 = arith.constant 100000 : i32
    %mul3A_1860 = arith.muli %add3A_1833, %mul3A_1859 : i32
    %scan3A_1861 = arith.constant 0 : i32
    %scan3A_1862 = arith.constant 0 : i32
    %scan3A_1863 = arith.constant 256 : i32
    %scan3A_1864 = arith.addi %scan3A_1862, %scan3A_1863 : i32
    %scan3A_1865 = arith.constant 1 : i32
    scf.for %scan3A_2227 = %scan3A_1862 to %scan3A_1864 step %scan3A_1865  : i32 {
      %mul3A_2228 = arith.constant 16 : i32
      %mul3A_2229 = arith.muli %scan3A_2227, %mul3A_2228 : i32
      %get3A = arith.index_cast %sub3A_1858 : i32 to index
      %get3A_2230 = arith.index_cast %mul3A_2229 : i32 to index
      %get3A_2231 = tpu.vector_load %arg5[%get3A, %get3A_2230] {strides = array<i32>} : memref<2x4096xi32, #tpu.memory_space<vmem>>, vector<1x16xi32>,
      %get3A_2232 = vector.shape_cast %get3A_2231 : vector<1x16xi32> to vector<16xi32>
      %add3A_2233 = vector.broadcast %mul3A_1860 : i32 to vector<16xi32>
      %add3A_2234 = arith.addi %get3A_2232, %add3A_2233 : vector<16xi32>
      %mul3A_2235 = arith.constant 16 : i32
      %mul3A_2236 = arith.muli %scan3A_2227, %mul3A_2235 : i32
      %swap3A = arith.constant 0 : i32
      %swap3A_2237 = arith.index_cast %swap3A : i32 to index
      %swap3A_2238 = arith.index_cast %mul3A_2236 : i32 to index
      %swap3A_2239 = tpu.vector_load %arg6[%swap3A_2237, %swap3A_2238] {strides = array<i32>} : memref<2x4096xi32, #tpu.memory_space<vmem>>, vector<1x16xi32>,
      %swap3A_2240 = vector.shape_cast %swap3A_2239 : vector<1x16xi32> to vector<16xi32>
      %swap3A_2241 = vector.shape_cast %add3A_2234 : vector<16xi32> to vector<1x16xi32>
      tpu.vector_store %arg6[%swap3A_2237, %swap3A_2238], %swap3A_2241 {strides = array<i32>} : memref<2x4096xi32, #tpu.memory_space<vmem>>, vector<1x16xi32>,
    }
    %scan3A_1866 = arith.constant 256 : i32
    %dma_wait3A_1867 = arith.constant 1 : i32
    %dma_wait3A_1868 = arith.constant 1 : i32
    %dma_wait3A_1869 = arith.constant 0 : i32
    %dma_wait3A_1870 = tpu.memref_slice %arg7[%dma_wait3A_1868, %dma_wait3A_1869] : memref<2x4096xf32, #tpu.memory_space<vmem>> -> memref<1x4096xf32, #tpu.memory_space<vmem>>
    %dma_wait3A_1871 = tpu.memref_squeeze %dma_wait3A_1870 : memref<1x4096xf32, #tpu.memory_space<vmem>> -> memref<4096xf32, #tpu.memory_space<vmem>>
    %dma_wait3A_1872 = arith.constant 0 : i32
    %dma_wait3A_1873 = tpu.memref_slice %arg6[%dma_wait3A_1867, %dma_wait3A_1872] : memref<2x4096xi32, #tpu.memory_space<vmem>> -> memref<1x4096xi32, #tpu.memory_space<vmem>>
    %dma_wait3A_1874 = tpu.memref_squeeze %dma_wait3A_1873 : memref<1x4096xi32, #tpu.memory_space<vmem>> -> memref<4096xi32, #tpu.memory_space<vmem>>
    %dma_wait3A_1875 = arith.constant 0 : i32
    %dma_wait3A_1876 = tpu.memref_slice %arg2[%dma_wait3A_1875] : memref<83200000xf32, #tpu.memory_space<hbm>> -> memref<83200000xf32, #tpu.memory_space<hbm>>
    tpu.wait_indirect_dma semaphore(%arg8 : memref<!tpu.dma_semaphore, #tpu.memory_space<semaphore_mem>>) src(%dma_wait3A_1876 : memref<83200000xf32, #tpu.memory_space<hbm>>) dst(%dma_wait3A_1871 : memref<4096xf32, #tpu.memory_space<vmem>>)
    %add3A_1877 = arith.constant 21 : i32
    %add3A_1878 = arith.addi %mul3A_2, %add3A_1877 : i32
    %dma_start3A_1879 = arith.constant 1 : i32
    %dma_start3A_1880 = arith.constant 0 : i32
    %dma_start3A_1881 = tpu.memref_slice %arg7[%dma_start3A_1879, %dma_start3A_1880] : memref<2x4096xf32, #tpu.memory_space<vmem>> -> memref<1x4096xf32, #tpu.memory_space<vmem>>
    %dma_start3A_1882 = tpu.memref_squeeze %dma_start3A_1881 : memref<1x4096xf32, #tpu.memory_space<vmem>> -> memref<4096xf32, #tpu.memory_space<vmem>>
    %dma_start3A_1883 = arith.constant 0 : i32
    %dma_start3A_1884 = tpu.memref_slice %arg4[%add3A_1878, %dma_start3A_1883] : memref<832x4096xf32, #tpu.memory_space<hbm>> -> memref<1x4096xf32, #tpu.memory_space<hbm>>
    %dma_start3A_1885 = tpu.memref_squeeze %dma_start3A_1884 : memref<1x4096xf32, #tpu.memory_space<hbm>> -> memref<4096xf32, #tpu.memory_space<hbm>>
    %dma_start3A_1886 = arith.constant 0 : i32
    %dma_start3A_1887 = tpu.memref_slice %arg4[%add3A_1878, %dma_start3A_1886] : memref<832x4096xf32, #tpu.memory_space<hbm>> -> memref<1x4096xf32, #tpu.memory_space<hbm>>
    %dma_start3A_1888 = tpu.memref_squeeze %dma_start3A_1887 : memref<1x4096xf32, #tpu.memory_space<hbm>> -> memref<4096xf32, #tpu.memory_space<hbm>>
    %dma_start3A_1889 = arith.constant 0 : i32
    %dma_start3A_1890 = tpu.memref_slice %arg7[%dma_start3A_1879, %dma_start3A_1889] : memref<2x4096xf32, #tpu.memory_space<vmem>> -> memref<1x4096xf32, #tpu.memory_space<vmem>>
    %dma_start3A_1891 = tpu.memref_squeeze %dma_start3A_1890 : memref<1x4096xf32, #tpu.memory_space<vmem>> -> memref<4096xf32, #tpu.memory_space<vmem>>
    tpu.enqueue_dma source(%dma_start3A_1891 : memref<4096xf32, #tpu.memory_space<vmem>>) target(%dma_start3A_1888 : memref<4096xf32, #tpu.memory_space<hbm>>) target_semaphore(%arg9 : memref<!tpu.dma_semaphore, #tpu.memory_space<semaphore_mem>>)
    %add3A_1892 = arith.constant 20 : i32
    %add3A_1893 = arith.addi %mul3A_2, %add3A_1892 : i32
    %dma_wait3A_1894 = arith.constant 0 : i32
    %dma_wait3A_1895 = arith.constant 0 : i32
    %dma_wait3A_1896 = tpu.memref_slice %arg7[%dma_wait3A_1894, %dma_wait3A_1895] : memref<2x4096xf32, #tpu.memory_space<vmem>> -> memref<1x4096xf32, #tpu.memory_space<vmem>>
    %dma_wait3A_1897 = tpu.memref_squeeze %dma_wait3A_1896 : memref<1x4096xf32, #tpu.memory_space<vmem>> -> memref<4096xf32, #tpu.memory_space<vmem>>
    %dma_wait3A_1898 = arith.constant 0 : i32
    %dma_wait3A_1899 = tpu.memref_slice %arg4[%add3A_1893, %dma_wait3A_1898] : memref<832x4096xf32, #tpu.memory_space<hbm>> -> memref<1x4096xf32, #tpu.memory_space<hbm>>
    %dma_wait3A_1900 = tpu.memref_squeeze %dma_wait3A_1899 : memref<1x4096xf32, #tpu.memory_space<hbm>> -> memref<4096xf32, #tpu.memory_space<hbm>>
    %dma_wait3A_1901 = arith.constant 0 : i32
    %dma_wait3A_1902 = tpu.memref_slice %arg4[%add3A_1893, %dma_wait3A_1901] : memref<832x4096xf32, #tpu.memory_space<hbm>> -> memref<1x4096xf32, #tpu.memory_space<hbm>>
    %dma_wait3A_1903 = tpu.memref_squeeze %dma_wait3A_1902 : memref<1x4096xf32, #tpu.memory_space<hbm>> -> memref<4096xf32, #tpu.memory_space<hbm>>
    %dma_wait3A_1904 = arith.constant 0 : i32
    %dma_wait3A_1905 = tpu.memref_slice %arg7[%dma_wait3A_1894, %dma_wait3A_1904] : memref<2x4096xf32, #tpu.memory_space<vmem>> -> memref<1x4096xf32, #tpu.memory_space<vmem>>
    %dma_wait3A_1906 = tpu.memref_squeeze %dma_wait3A_1905 : memref<1x4096xf32, #tpu.memory_space<vmem>> -> memref<4096xf32, #tpu.memory_space<vmem>>
    tpu.wait_dma2 semaphore(%arg9 : memref<!tpu.dma_semaphore, #tpu.memory_space<semaphore_mem>>) src(%dma_wait3A_1906 : memref<4096xf32, #tpu.memory_space<vmem>>) dst(%dma_wait3A_1903 : memref<4096xf32, #tpu.memory_space<hbm>>)
    %dma_start3A_1907 = arith.constant 0 : i32
    %dma_start3A_1908 = arith.constant 0 : i32
    %dma_start3A_1909 = arith.constant 0 : i32
    %dma_start3A_1910 = tpu.memref_slice %arg7[%dma_start3A_1908, %dma_start3A_1909] : memref<2x4096xf32, #tpu.memory_space<vmem>> -> memref<1x4096xf32, #tpu.memory_space<vmem>>
    %dma_start3A_1911 = tpu.memref_squeeze %dma_start3A_1910 : memref<1x4096xf32, #tpu.memory_space<vmem>> -> memref<4096xf32, #tpu.memory_space<vmem>>
    %dma_start3A_1912 = arith.constant 0 : i32
    %dma_start3A_1913 = tpu.memref_slice %arg6[%dma_start3A_1907, %dma_start3A_1912] : memref<2x4096xi32, #tpu.memory_space<vmem>> -> memref<1x4096xi32, #tpu.memory_space<vmem>>
    %dma_start3A_1914 = tpu.memref_squeeze %dma_start3A_1913 : memref<1x4096xi32, #tpu.memory_space<vmem>> -> memref<4096xi32, #tpu.memory_space<vmem>>
    %dma_start3A_1915 = arith.constant 0 : i32
    %dma_start3A_1916 = tpu.memref_slice %arg2[%dma_start3A_1915] : memref<83200000xf32, #tpu.memory_space<hbm>> -> memref<83200000xf32, #tpu.memory_space<hbm>>
    tpu.enqueue_indirect_dma source(%dma_start3A_1916 : memref<83200000xf32, #tpu.memory_space<hbm>>) target(%dma_start3A_1911 : memref<4096xf32, #tpu.memory_space<vmem>>) offsets(%dma_start3A_1914 : memref<4096xi32, #tpu.memory_space<vmem>>) semaphore(%arg8 : memref<!tpu.dma_semaphore, #tpu.memory_space<semaphore_mem>>)
    %add3A_1917 = arith.constant 23 : i32
    %add3A_1918 = arith.addi %mul3A_2, %add3A_1917 : i32
    %jit3A_1919 = arith.constant 32 : i32
    %div3A_1920 = arith.divsi %add3A_1918, %jit3A_1919 : i32
    %sign3A_1921 = arith.constant 0 : i32
    %sign3A_1922 = arith.cmpi sgt, %add3A_1918, %sign3A_1921 : i32
    %sign3A_1923 = arith.extui %sign3A_1922 : i1 to i32
    %sign3A_1924 = arith.constant 0 : i32
    %sign3A_1925 = arith.cmpi slt, %add3A_1918, %sign3A_1924 : i32
    %sign3A_1926 = arith.extui %sign3A_1925 : i1 to i32
    %sign3A_1927 = arith.subi %sign3A_1923, %sign3A_1926 : i32
    %sign3A_1928 = arith.constant 0 : i32
    %sign3A_1929 = arith.cmpi sgt, %jit3A_1919, %sign3A_1928 : i32
    %sign3A_1930 = arith.extui %sign3A_1929 : i1 to i32
    %sign3A_1931 = arith.constant 0 : i32
    %sign3A_1932 = arith.cmpi slt, %jit3A_1919, %sign3A_1931 : i32
    %sign3A_1933 = arith.extui %sign3A_1932 : i1 to i32
    %sign3A_1934 = arith.subi %sign3A_1930, %sign3A_1933 : i32
    %ne3A_1935 = arith.cmpi ne, %sign3A_1927, %sign3A_1934 : i32
    %rem3A_1936 = arith.remsi %add3A_1918, %jit3A_1919 : i32
    %ne3A_1937 = arith.constant 0 : i32
    %ne3A_1938 = arith.cmpi ne, %rem3A_1936, %ne3A_1937 : i32
    %and3A_1939 = arith.andi %ne3A_1935, %ne3A_1938 : i1
    %sub3A_1940 = arith.constant 1 : i32
    %sub3A_1941 = arith.subi %div3A_1920, %sub3A_1940 : i32
    %select_n3A_1942 = arith.select %and3A_1939, %sub3A_1941, %div3A_1920 : i32
    %sub3A_1943 = arith.subi %select_n3A_1942, %min3A_19 : i32
    %mul3A_1944 = arith.constant 100000 : i32
    %mul3A_1945 = arith.muli %add3A_1918, %mul3A_1944 : i32
    %scan3A_1946 = arith.constant 0 : i32
    %scan3A_1947 = arith.constant 0 : i32
    %scan3A_1948 = arith.constant 256 : i32
    %scan3A_1949 = arith.addi %scan3A_1947, %scan3A_1948 : i32
    %scan3A_1950 = arith.constant 1 : i32
    scf.for %scan3A_2227 = %scan3A_1947 to %scan3A_1949 step %scan3A_1950  : i32 {
      %mul3A_2228 = arith.constant 16 : i32
      %mul3A_2229 = arith.muli %scan3A_2227, %mul3A_2228 : i32
      %get3A = arith.index_cast %sub3A_1943 : i32 to index
      %get3A_2230 = arith.index_cast %mul3A_2229 : i32 to index
      %get3A_2231 = tpu.vector_load %arg5[%get3A, %get3A_2230] {strides = array<i32>} : memref<2x4096xi32, #tpu.memory_space<vmem>>, vector<1x16xi32>,
      %get3A_2232 = vector.shape_cast %get3A_2231 : vector<1x16xi32> to vector<16xi32>
      %add3A_2233 = vector.broadcast %mul3A_1945 : i32 to vector<16xi32>
      %add3A_2234 = arith.addi %get3A_2232, %add3A_2233 : vector<16xi32>
      %mul3A_2235 = arith.constant 16 : i32
      %mul3A_2236 = arith.muli %scan3A_2227, %mul3A_2235 : i32
      %swap3A = arith.constant 1 : i32
      %swap3A_2237 = arith.index_cast %swap3A : i32 to index
      %swap3A_2238 = arith.index_cast %mul3A_2236 : i32 to index
      %swap3A_2239 = tpu.vector_load %arg6[%swap3A_2237, %swap3A_2238] {strides = array<i32>} : memref<2x4096xi32, #tpu.memory_space<vmem>>, vector<1x16xi32>,
      %swap3A_2240 = vector.shape_cast %swap3A_2239 : vector<1x16xi32> to vector<16xi32>
      %swap3A_2241 = vector.shape_cast %add3A_2234 : vector<16xi32> to vector<1x16xi32>
      tpu.vector_store %arg6[%swap3A_2237, %swap3A_2238], %swap3A_2241 {strides = array<i32>} : memref<2x4096xi32, #tpu.memory_space<vmem>>, vector<1x16xi32>,
    }
    %scan3A_1951 = arith.constant 256 : i32
    %dma_wait3A_1952 = arith.constant 0 : i32
    %dma_wait3A_1953 = arith.constant 0 : i32
    %dma_wait3A_1954 = arith.constant 0 : i32
    %dma_wait3A_1955 = tpu.memref_slice %arg7[%dma_wait3A_1953, %dma_wait3A_1954] : memref<2x4096xf32, #tpu.memory_space<vmem>> -> memref<1x4096xf32, #tpu.memory_space<vmem>>
    %dma_wait3A_1956 = tpu.memref_squeeze %dma_wait3A_1955 : memref<1x4096xf32, #tpu.memory_space<vmem>> -> memref<4096xf32, #tpu.memory_space<vmem>>
    %dma_wait3A_1957 = arith.constant 0 : i32
    %dma_wait3A_1958 = tpu.memref_slice %arg6[%dma_wait3A_1952, %dma_wait3A_1957] : memref<2x4096xi32, #tpu.memory_space<vmem>> -> memref<1x4096xi32, #tpu.memory_space<vmem>>
    %dma_wait3A_1959 = tpu.memref_squeeze %dma_wait3A_1958 : memref<1x4096xi32, #tpu.memory_space<vmem>> -> memref<4096xi32, #tpu.memory_space<vmem>>
    %dma_wait3A_1960 = arith.constant 0 : i32
    %dma_wait3A_1961 = tpu.memref_slice %arg2[%dma_wait3A_1960] : memref<83200000xf32, #tpu.memory_space<hbm>> -> memref<83200000xf32, #tpu.memory_space<hbm>>
    tpu.wait_indirect_dma semaphore(%arg8 : memref<!tpu.dma_semaphore, #tpu.memory_space<semaphore_mem>>) src(%dma_wait3A_1961 : memref<83200000xf32, #tpu.memory_space<hbm>>) dst(%dma_wait3A_1956 : memref<4096xf32, #tpu.memory_space<vmem>>)
    %add3A_1962 = arith.constant 22 : i32
    %add3A_1963 = arith.addi %mul3A_2, %add3A_1962 : i32
    %dma_start3A_1964 = arith.constant 0 : i32
    %dma_start3A_1965 = arith.constant 0 : i32
    %dma_start3A_1966 = tpu.memref_slice %arg7[%dma_start3A_1964, %dma_start3A_1965] : memref<2x4096xf32, #tpu.memory_space<vmem>> -> memref<1x4096xf32, #tpu.memory_space<vmem>>
    %dma_start3A_1967 = tpu.memref_squeeze %dma_start3A_1966 : memref<1x4096xf32, #tpu.memory_space<vmem>> -> memref<4096xf32, #tpu.memory_space<vmem>>
    %dma_start3A_1968 = arith.constant 0 : i32
    %dma_start3A_1969 = tpu.memref_slice %arg4[%add3A_1963, %dma_start3A_1968] : memref<832x4096xf32, #tpu.memory_space<hbm>> -> memref<1x4096xf32, #tpu.memory_space<hbm>>
    %dma_start3A_1970 = tpu.memref_squeeze %dma_start3A_1969 : memref<1x4096xf32, #tpu.memory_space<hbm>> -> memref<4096xf32, #tpu.memory_space<hbm>>
    %dma_start3A_1971 = arith.constant 0 : i32
    %dma_start3A_1972 = tpu.memref_slice %arg4[%add3A_1963, %dma_start3A_1971] : memref<832x4096xf32, #tpu.memory_space<hbm>> -> memref<1x4096xf32, #tpu.memory_space<hbm>>
    %dma_start3A_1973 = tpu.memref_squeeze %dma_start3A_1972 : memref<1x4096xf32, #tpu.memory_space<hbm>> -> memref<4096xf32, #tpu.memory_space<hbm>>
    %dma_start3A_1974 = arith.constant 0 : i32
    %dma_start3A_1975 = tpu.memref_slice %arg7[%dma_start3A_1964, %dma_start3A_1974] : memref<2x4096xf32, #tpu.memory_space<vmem>> -> memref<1x4096xf32, #tpu.memory_space<vmem>>
    %dma_start3A_1976 = tpu.memref_squeeze %dma_start3A_1975 : memref<1x4096xf32, #tpu.memory_space<vmem>> -> memref<4096xf32, #tpu.memory_space<vmem>>
    tpu.enqueue_dma source(%dma_start3A_1976 : memref<4096xf32, #tpu.memory_space<vmem>>) target(%dma_start3A_1973 : memref<4096xf32, #tpu.memory_space<hbm>>) target_semaphore(%arg9 : memref<!tpu.dma_semaphore, #tpu.memory_space<semaphore_mem>>)
    %add3A_1977 = arith.constant 21 : i32
    %add3A_1978 = arith.addi %mul3A_2, %add3A_1977 : i32
    %dma_wait3A_1979 = arith.constant 1 : i32
    %dma_wait3A_1980 = arith.constant 0 : i32
    %dma_wait3A_1981 = tpu.memref_slice %arg7[%dma_wait3A_1979, %dma_wait3A_1980] : memref<2x4096xf32, #tpu.memory_space<vmem>> -> memref<1x4096xf32, #tpu.memory_space<vmem>>
    %dma_wait3A_1982 = tpu.memref_squeeze %dma_wait3A_1981 : memref<1x4096xf32, #tpu.memory_space<vmem>> -> memref<4096xf32, #tpu.memory_space<vmem>>
    %dma_wait3A_1983 = arith.constant 0 : i32
    %dma_wait3A_1984 = tpu.memref_slice %arg4[%add3A_1978, %dma_wait3A_1983] : memref<832x4096xf32, #tpu.memory_space<hbm>> -> memref<1x4096xf32, #tpu.memory_space<hbm>>
    %dma_wait3A_1985 = tpu.memref_squeeze %dma_wait3A_1984 : memref<1x4096xf32, #tpu.memory_space<hbm>> -> memref<4096xf32, #tpu.memory_space<hbm>>
    %dma_wait3A_1986 = arith.constant 0 : i32
    %dma_wait3A_1987 = tpu.memref_slice %arg4[%add3A_1978, %dma_wait3A_1986] : memref<832x4096xf32, #tpu.memory_space<hbm>> -> memref<1x4096xf32, #tpu.memory_space<hbm>>
    %dma_wait3A_1988 = tpu.memref_squeeze %dma_wait3A_1987 : memref<1x4096xf32, #tpu.memory_space<hbm>> -> memref<4096xf32, #tpu.memory_space<hbm>>
    %dma_wait3A_1989 = arith.constant 0 : i32
    %dma_wait3A_1990 = tpu.memref_slice %arg7[%dma_wait3A_1979, %dma_wait3A_1989] : memref<2x4096xf32, #tpu.memory_space<vmem>> -> memref<1x4096xf32, #tpu.memory_space<vmem>>
    %dma_wait3A_1991 = tpu.memref_squeeze %dma_wait3A_1990 : memref<1x4096xf32, #tpu.memory_space<vmem>> -> memref<4096xf32, #tpu.memory_space<vmem>>
    tpu.wait_dma2 semaphore(%arg9 : memref<!tpu.dma_semaphore, #tpu.memory_space<semaphore_mem>>) src(%dma_wait3A_1991 : memref<4096xf32, #tpu.memory_space<vmem>>) dst(%dma_wait3A_1988 : memref<4096xf32, #tpu.memory_space<hbm>>)
    %dma_start3A_1992 = arith.constant 1 : i32
    %dma_start3A_1993 = arith.constant 1 : i32
    %dma_start3A_1994 = arith.constant 0 : i32
    %dma_start3A_1995 = tpu.memref_slice %arg7[%dma_start3A_1993, %dma_start3A_1994] : memref<2x4096xf32, #tpu.memory_space<vmem>> -> memref<1x4096xf32, #tpu.memory_space<vmem>>
    %dma_start3A_1996 = tpu.memref_squeeze %dma_start3A_1995 : memref<1x4096xf32, #tpu.memory_space<vmem>> -> memref<4096xf32, #tpu.memory_space<vmem>>
    %dma_start3A_1997 = arith.constant 0 : i32
    %dma_start3A_1998 = tpu.memref_slice %arg6[%dma_start3A_1992, %dma_start3A_1997] : memref<2x4096xi32, #tpu.memory_space<vmem>> -> memref<1x4096xi32, #tpu.memory_space<vmem>>
    %dma_start3A_1999 = tpu.memref_squeeze %dma_start3A_1998 : memref<1x4096xi32, #tpu.memory_space<vmem>> -> memref<4096xi32, #tpu.memory_space<vmem>>
    %dma_start3A_2000 = arith.constant 0 : i32
    %dma_start3A_2001 = tpu.memref_slice %arg2[%dma_start3A_2000] : memref<83200000xf32, #tpu.memory_space<hbm>> -> memref<83200000xf32, #tpu.memory_space<hbm>>
    tpu.enqueue_indirect_dma source(%dma_start3A_2001 : memref<83200000xf32, #tpu.memory_space<hbm>>) target(%dma_start3A_1996 : memref<4096xf32, #tpu.memory_space<vmem>>) offsets(%dma_start3A_1999 : memref<4096xi32, #tpu.memory_space<vmem>>) semaphore(%arg8 : memref<!tpu.dma_semaphore, #tpu.memory_space<semaphore_mem>>)
    %add3A_2002 = arith.constant 24 : i32
    %add3A_2003 = arith.addi %mul3A_2, %add3A_2002 : i32
    %jit3A_2004 = arith.constant 32 : i32
    %div3A_2005 = arith.divsi %add3A_2003, %jit3A_2004 : i32
    %sign3A_2006 = arith.constant 0 : i32
    %sign3A_2007 = arith.cmpi sgt, %add3A_2003, %sign3A_2006 : i32
    %sign3A_2008 = arith.extui %sign3A_2007 : i1 to i32
    %sign3A_2009 = arith.constant 0 : i32
    %sign3A_2010 = arith.cmpi slt, %add3A_2003, %sign3A_2009 : i32
    %sign3A_2011 = arith.extui %sign3A_2010 : i1 to i32
    %sign3A_2012 = arith.subi %sign3A_2008, %sign3A_2011 : i32
    %sign3A_2013 = arith.constant 0 : i32
    %sign3A_2014 = arith.cmpi sgt, %jit3A_2004, %sign3A_2013 : i32
    %sign3A_2015 = arith.extui %sign3A_2014 : i1 to i32
    %sign3A_2016 = arith.constant 0 : i32
    %sign3A_2017 = arith.cmpi slt, %jit3A_2004, %sign3A_2016 : i32
    %sign3A_2018 = arith.extui %sign3A_2017 : i1 to i32
    %sign3A_2019 = arith.subi %sign3A_2015, %sign3A_2018 : i32
    %ne3A_2020 = arith.cmpi ne, %sign3A_2012, %sign3A_2019 : i32
    %rem3A_2021 = arith.remsi %add3A_2003, %jit3A_2004 : i32
    %ne3A_2022 = arith.constant 0 : i32
    %ne3A_2023 = arith.cmpi ne, %rem3A_2021, %ne3A_2022 : i32
    %and3A_2024 = arith.andi %ne3A_2020, %ne3A_2023 : i1
    %sub3A_2025 = arith.constant 1 : i32
    %sub3A_2026 = arith.subi %div3A_2005, %sub3A_2025 : i32
    %select_n3A_2027 = arith.select %and3A_2024, %sub3A_2026, %div3A_2005 : i32
    %sub3A_2028 = arith.subi %select_n3A_2027, %min3A_19 : i32
    %mul3A_2029 = arith.constant 100000 : i32
    %mul3A_2030 = arith.muli %add3A_2003, %mul3A_2029 : i32
    %scan3A_2031 = arith.constant 0 : i32
    %scan3A_2032 = arith.constant 0 : i32
    %scan3A_2033 = arith.constant 256 : i32
    %scan3A_2034 = arith.addi %scan3A_2032, %scan3A_2033 : i32
    %scan3A_2035 = arith.constant 1 : i32
    scf.for %scan3A_2227 = %scan3A_2032 to %scan3A_2034 step %scan3A_2035  : i32 {
      %mul3A_2228 = arith.constant 16 : i32
      %mul3A_2229 = arith.muli %scan3A_2227, %mul3A_2228 : i32
      %get3A = arith.index_cast %sub3A_2028 : i32 to index
      %get3A_2230 = arith.index_cast %mul3A_2229 : i32 to index
      %get3A_2231 = tpu.vector_load %arg5[%get3A, %get3A_2230] {strides = array<i32>} : memref<2x4096xi32, #tpu.memory_space<vmem>>, vector<1x16xi32>,
      %get3A_2232 = vector.shape_cast %get3A_2231 : vector<1x16xi32> to vector<16xi32>
      %add3A_2233 = vector.broadcast %mul3A_2030 : i32 to vector<16xi32>
      %add3A_2234 = arith.addi %get3A_2232, %add3A_2233 : vector<16xi32>
      %mul3A_2235 = arith.constant 16 : i32
      %mul3A_2236 = arith.muli %scan3A_2227, %mul3A_2235 : i32
      %swap3A = arith.constant 0 : i32
      %swap3A_2237 = arith.index_cast %swap3A : i32 to index
      %swap3A_2238 = arith.index_cast %mul3A_2236 : i32 to index
      %swap3A_2239 = tpu.vector_load %arg6[%swap3A_2237, %swap3A_2238] {strides = array<i32>} : memref<2x4096xi32, #tpu.memory_space<vmem>>, vector<1x16xi32>,
      %swap3A_2240 = vector.shape_cast %swap3A_2239 : vector<1x16xi32> to vector<16xi32>
      %swap3A_2241 = vector.shape_cast %add3A_2234 : vector<16xi32> to vector<1x16xi32>
      tpu.vector_store %arg6[%swap3A_2237, %swap3A_2238], %swap3A_2241 {strides = array<i32>} : memref<2x4096xi32, #tpu.memory_space<vmem>>, vector<1x16xi32>,
    }
    %scan3A_2036 = arith.constant 256 : i32
    %dma_wait3A_2037 = arith.constant 1 : i32
    %dma_wait3A_2038 = arith.constant 1 : i32
    %dma_wait3A_2039 = arith.constant 0 : i32
    %dma_wait3A_2040 = tpu.memref_slice %arg7[%dma_wait3A_2038, %dma_wait3A_2039] : memref<2x4096xf32, #tpu.memory_space<vmem>> -> memref<1x4096xf32, #tpu.memory_space<vmem>>
    %dma_wait3A_2041 = tpu.memref_squeeze %dma_wait3A_2040 : memref<1x4096xf32, #tpu.memory_space<vmem>> -> memref<4096xf32, #tpu.memory_space<vmem>>
    %dma_wait3A_2042 = arith.constant 0 : i32
    %dma_wait3A_2043 = tpu.memref_slice %arg6[%dma_wait3A_2037, %dma_wait3A_2042] : memref<2x4096xi32, #tpu.memory_space<vmem>> -> memref<1x4096xi32, #tpu.memory_space<vmem>>
    %dma_wait3A_2044 = tpu.memref_squeeze %dma_wait3A_2043 : memref<1x4096xi32, #tpu.memory_space<vmem>> -> memref<4096xi32, #tpu.memory_space<vmem>>
    %dma_wait3A_2045 = arith.constant 0 : i32
    %dma_wait3A_2046 = tpu.memref_slice %arg2[%dma_wait3A_2045] : memref<83200000xf32, #tpu.memory_space<hbm>> -> memref<83200000xf32, #tpu.memory_space<hbm>>
    tpu.wait_indirect_dma semaphore(%arg8 : memref<!tpu.dma_semaphore, #tpu.memory_space<semaphore_mem>>) src(%dma_wait3A_2046 : memref<83200000xf32, #tpu.memory_space<hbm>>) dst(%dma_wait3A_2041 : memref<4096xf32, #tpu.memory_space<vmem>>)
    %add3A_2047 = arith.constant 23 : i32
    %add3A_2048 = arith.addi %mul3A_2, %add3A_2047 : i32
    %dma_start3A_2049 = arith.constant 1 : i32
    %dma_start3A_2050 = arith.constant 0 : i32
    %dma_start3A_2051 = tpu.memref_slice %arg7[%dma_start3A_2049, %dma_start3A_2050] : memref<2x4096xf32, #tpu.memory_space<vmem>> -> memref<1x4096xf32, #tpu.memory_space<vmem>>
    %dma_start3A_2052 = tpu.memref_squeeze %dma_start3A_2051 : memref<1x4096xf32, #tpu.memory_space<vmem>> -> memref<4096xf32, #tpu.memory_space<vmem>>
    %dma_start3A_2053 = arith.constant 0 : i32
    %dma_start3A_2054 = tpu.memref_slice %arg4[%add3A_2048, %dma_start3A_2053] : memref<832x4096xf32, #tpu.memory_space<hbm>> -> memref<1x4096xf32, #tpu.memory_space<hbm>>
    %dma_start3A_2055 = tpu.memref_squeeze %dma_start3A_2054 : memref<1x4096xf32, #tpu.memory_space<hbm>> -> memref<4096xf32, #tpu.memory_space<hbm>>
    %dma_start3A_2056 = arith.constant 0 : i32
    %dma_start3A_2057 = tpu.memref_slice %arg4[%add3A_2048, %dma_start3A_2056] : memref<832x4096xf32, #tpu.memory_space<hbm>> -> memref<1x4096xf32, #tpu.memory_space<hbm>>
    %dma_start3A_2058 = tpu.memref_squeeze %dma_start3A_2057 : memref<1x4096xf32, #tpu.memory_space<hbm>> -> memref<4096xf32, #tpu.memory_space<hbm>>
    %dma_start3A_2059 = arith.constant 0 : i32
    %dma_start3A_2060 = tpu.memref_slice %arg7[%dma_start3A_2049, %dma_start3A_2059] : memref<2x4096xf32, #tpu.memory_space<vmem>> -> memref<1x4096xf32, #tpu.memory_space<vmem>>
    %dma_start3A_2061 = tpu.memref_squeeze %dma_start3A_2060 : memref<1x4096xf32, #tpu.memory_space<vmem>> -> memref<4096xf32, #tpu.memory_space<vmem>>
    tpu.enqueue_dma source(%dma_start3A_2061 : memref<4096xf32, #tpu.memory_space<vmem>>) target(%dma_start3A_2058 : memref<4096xf32, #tpu.memory_space<hbm>>) target_semaphore(%arg9 : memref<!tpu.dma_semaphore, #tpu.memory_space<semaphore_mem>>)
    %add3A_2062 = arith.constant 22 : i32
    %add3A_2063 = arith.addi %mul3A_2, %add3A_2062 : i32
    %dma_wait3A_2064 = arith.constant 0 : i32
    %dma_wait3A_2065 = arith.constant 0 : i32
    %dma_wait3A_2066 = tpu.memref_slice %arg7[%dma_wait3A_2064, %dma_wait3A_2065] : memref<2x4096xf32, #tpu.memory_space<vmem>> -> memref<1x4096xf32, #tpu.memory_space<vmem>>
    %dma_wait3A_2067 = tpu.memref_squeeze %dma_wait3A_2066 : memref<1x4096xf32, #tpu.memory_space<vmem>> -> memref<4096xf32, #tpu.memory_space<vmem>>
    %dma_wait3A_2068 = arith.constant 0 : i32
    %dma_wait3A_2069 = tpu.memref_slice %arg4[%add3A_2063, %dma_wait3A_2068] : memref<832x4096xf32, #tpu.memory_space<hbm>> -> memref<1x4096xf32, #tpu.memory_space<hbm>>
    %dma_wait3A_2070 = tpu.memref_squeeze %dma_wait3A_2069 : memref<1x4096xf32, #tpu.memory_space<hbm>> -> memref<4096xf32, #tpu.memory_space<hbm>>
    %dma_wait3A_2071 = arith.constant 0 : i32
    %dma_wait3A_2072 = tpu.memref_slice %arg4[%add3A_2063, %dma_wait3A_2071] : memref<832x4096xf32, #tpu.memory_space<hbm>> -> memref<1x4096xf32, #tpu.memory_space<hbm>>
    %dma_wait3A_2073 = tpu.memref_squeeze %dma_wait3A_2072 : memref<1x4096xf32, #tpu.memory_space<hbm>> -> memref<4096xf32, #tpu.memory_space<hbm>>
    %dma_wait3A_2074 = arith.constant 0 : i32
    %dma_wait3A_2075 = tpu.memref_slice %arg7[%dma_wait3A_2064, %dma_wait3A_2074] : memref<2x4096xf32, #tpu.memory_space<vmem>> -> memref<1x4096xf32, #tpu.memory_space<vmem>>
    %dma_wait3A_2076 = tpu.memref_squeeze %dma_wait3A_2075 : memref<1x4096xf32, #tpu.memory_space<vmem>> -> memref<4096xf32, #tpu.memory_space<vmem>>
    tpu.wait_dma2 semaphore(%arg9 : memref<!tpu.dma_semaphore, #tpu.memory_space<semaphore_mem>>) src(%dma_wait3A_2076 : memref<4096xf32, #tpu.memory_space<vmem>>) dst(%dma_wait3A_2073 : memref<4096xf32, #tpu.memory_space<hbm>>)
    %dma_start3A_2077 = arith.constant 0 : i32
    %dma_start3A_2078 = arith.constant 0 : i32
    %dma_start3A_2079 = arith.constant 0 : i32
    %dma_start3A_2080 = tpu.memref_slice %arg7[%dma_start3A_2078, %dma_start3A_2079] : memref<2x4096xf32, #tpu.memory_space<vmem>> -> memref<1x4096xf32, #tpu.memory_space<vmem>>
    %dma_start3A_2081 = tpu.memref_squeeze %dma_start3A_2080 : memref<1x4096xf32, #tpu.memory_space<vmem>> -> memref<4096xf32, #tpu.memory_space<vmem>>
    %dma_start3A_2082 = arith.constant 0 : i32
    %dma_start3A_2083 = tpu.memref_slice %arg6[%dma_start3A_2077, %dma_start3A_2082] : memref<2x4096xi32, #tpu.memory_space<vmem>> -> memref<1x4096xi32, #tpu.memory_space<vmem>>
    %dma_start3A_2084 = tpu.memref_squeeze %dma_start3A_2083 : memref<1x4096xi32, #tpu.memory_space<vmem>> -> memref<4096xi32, #tpu.memory_space<vmem>>
    %dma_start3A_2085 = arith.constant 0 : i32
    %dma_start3A_2086 = tpu.memref_slice %arg2[%dma_start3A_2085] : memref<83200000xf32, #tpu.memory_space<hbm>> -> memref<83200000xf32, #tpu.memory_space<hbm>>
    tpu.enqueue_indirect_dma source(%dma_start3A_2086 : memref<83200000xf32, #tpu.memory_space<hbm>>) target(%dma_start3A_2081 : memref<4096xf32, #tpu.memory_space<vmem>>) offsets(%dma_start3A_2084 : memref<4096xi32, #tpu.memory_space<vmem>>) semaphore(%arg8 : memref<!tpu.dma_semaphore, #tpu.memory_space<semaphore_mem>>)
    %add3A_2087 = arith.constant 25 : i32
    %add3A_2088 = arith.addi %mul3A_2, %add3A_2087 : i32
    %jit3A_2089 = arith.constant 32 : i32
    %div3A_2090 = arith.divsi %add3A_2088, %jit3A_2089 : i32
    %sign3A_2091 = arith.constant 0 : i32
    %sign3A_2092 = arith.cmpi sgt, %add3A_2088, %sign3A_2091 : i32
    %sign3A_2093 = arith.extui %sign3A_2092 : i1 to i32
    %sign3A_2094 = arith.constant 0 : i32
    %sign3A_2095 = arith.cmpi slt, %add3A_2088, %sign3A_2094 : i32
    %sign3A_2096 = arith.extui %sign3A_2095 : i1 to i32
    %sign3A_2097 = arith.subi %sign3A_2093, %sign3A_2096 : i32
    %sign3A_2098 = arith.constant 0 : i32
    %sign3A_2099 = arith.cmpi sgt, %jit3A_2089, %sign3A_2098 : i32
    %sign3A_2100 = arith.extui %sign3A_2099 : i1 to i32
    %sign3A_2101 = arith.constant 0 : i32
    %sign3A_2102 = arith.cmpi slt, %jit3A_2089, %sign3A_2101 : i32
    %sign3A_2103 = arith.extui %sign3A_2102 : i1 to i32
    %sign3A_2104 = arith.subi %sign3A_2100, %sign3A_2103 : i32
    %ne3A_2105 = arith.cmpi ne, %sign3A_2097, %sign3A_2104 : i32
    %rem3A_2106 = arith.remsi %add3A_2088, %jit3A_2089 : i32
    %ne3A_2107 = arith.constant 0 : i32
    %ne3A_2108 = arith.cmpi ne, %rem3A_2106, %ne3A_2107 : i32
    %and3A_2109 = arith.andi %ne3A_2105, %ne3A_2108 : i1
    %sub3A_2110 = arith.constant 1 : i32
    %sub3A_2111 = arith.subi %div3A_2090, %sub3A_2110 : i32
    %select_n3A_2112 = arith.select %and3A_2109, %sub3A_2111, %div3A_2090 : i32
    %sub3A_2113 = arith.subi %select_n3A_2112, %min3A_19 : i32
    %mul3A_2114 = arith.constant 100000 : i32
    %mul3A_2115 = arith.muli %add3A_2088, %mul3A_2114 : i32
    %scan3A_2116 = arith.constant 0 : i32
    %scan3A_2117 = arith.constant 0 : i32
    %scan3A_2118 = arith.constant 256 : i32
    %scan3A_2119 = arith.addi %scan3A_2117, %scan3A_2118 : i32
    %scan3A_2120 = arith.constant 1 : i32
    scf.for %scan3A_2227 = %scan3A_2117 to %scan3A_2119 step %scan3A_2120  : i32 {
      %mul3A_2228 = arith.constant 16 : i32
      %mul3A_2229 = arith.muli %scan3A_2227, %mul3A_2228 : i32
      %get3A = arith.index_cast %sub3A_2113 : i32 to index
      %get3A_2230 = arith.index_cast %mul3A_2229 : i32 to index
      %get3A_2231 = tpu.vector_load %arg5[%get3A, %get3A_2230] {strides = array<i32>} : memref<2x4096xi32, #tpu.memory_space<vmem>>, vector<1x16xi32>,
      %get3A_2232 = vector.shape_cast %get3A_2231 : vector<1x16xi32> to vector<16xi32>
      %add3A_2233 = vector.broadcast %mul3A_2115 : i32 to vector<16xi32>
      %add3A_2234 = arith.addi %get3A_2232, %add3A_2233 : vector<16xi32>
      %mul3A_2235 = arith.constant 16 : i32
      %mul3A_2236 = arith.muli %scan3A_2227, %mul3A_2235 : i32
      %swap3A = arith.constant 1 : i32
      %swap3A_2237 = arith.index_cast %swap3A : i32 to index
      %swap3A_2238 = arith.index_cast %mul3A_2236 : i32 to index
      %swap3A_2239 = tpu.vector_load %arg6[%swap3A_2237, %swap3A_2238] {strides = array<i32>} : memref<2x4096xi32, #tpu.memory_space<vmem>>, vector<1x16xi32>,
      %swap3A_2240 = vector.shape_cast %swap3A_2239 : vector<1x16xi32> to vector<16xi32>
      %swap3A_2241 = vector.shape_cast %add3A_2234 : vector<16xi32> to vector<1x16xi32>
      tpu.vector_store %arg6[%swap3A_2237, %swap3A_2238], %swap3A_2241 {strides = array<i32>} : memref<2x4096xi32, #tpu.memory_space<vmem>>, vector<1x16xi32>,
    }
    %scan3A_2121 = arith.constant 256 : i32
    %dma_wait3A_2122 = arith.constant 0 : i32
    %dma_wait3A_2123 = arith.constant 0 : i32
    %dma_wait3A_2124 = arith.constant 0 : i32
    %dma_wait3A_2125 = tpu.memref_slice %arg7[%dma_wait3A_2123, %dma_wait3A_2124] : memref<2x4096xf32, #tpu.memory_space<vmem>> -> memref<1x4096xf32, #tpu.memory_space<vmem>>
    %dma_wait3A_2126 = tpu.memref_squeeze %dma_wait3A_2125 : memref<1x4096xf32, #tpu.memory_space<vmem>> -> memref<4096xf32, #tpu.memory_space<vmem>>
    %dma_wait3A_2127 = arith.constant 0 : i32
    %dma_wait3A_2128 = tpu.memref_slice %arg6[%dma_wait3A_2122, %dma_wait3A_2127] : memref<2x4096xi32, #tpu.memory_space<vmem>> -> memref<1x4096xi32, #tpu.memory_space<vmem>>
    %dma_wait3A_2129 = tpu.memref_squeeze %dma_wait3A_2128 : memref<1x4096xi32, #tpu.memory_space<vmem>> -> memref<4096xi32, #tpu.memory_space<vmem>>
    %dma_wait3A_2130 = arith.constant 0 : i32
    %dma_wait3A_2131 = tpu.memref_slice %arg2[%dma_wait3A_2130] : memref<83200000xf32, #tpu.memory_space<hbm>> -> memref<83200000xf32, #tpu.memory_space<hbm>>
    tpu.wait_indirect_dma semaphore(%arg8 : memref<!tpu.dma_semaphore, #tpu.memory_space<semaphore_mem>>) src(%dma_wait3A_2131 : memref<83200000xf32, #tpu.memory_space<hbm>>) dst(%dma_wait3A_2126 : memref<4096xf32, #tpu.memory_space<vmem>>)
    %add3A_2132 = arith.constant 24 : i32
    %add3A_2133 = arith.addi %mul3A_2, %add3A_2132 : i32
    %dma_start3A_2134 = arith.constant 0 : i32
    %dma_start3A_2135 = arith.constant 0 : i32
    %dma_start3A_2136 = tpu.memref_slice %arg7[%dma_start3A_2134, %dma_start3A_2135] : memref<2x4096xf32, #tpu.memory_space<vmem>> -> memref<1x4096xf32, #tpu.memory_space<vmem>>
    %dma_start3A_2137 = tpu.memref_squeeze %dma_start3A_2136 : memref<1x4096xf32, #tpu.memory_space<vmem>> -> memref<4096xf32, #tpu.memory_space<vmem>>
    %dma_start3A_2138 = arith.constant 0 : i32
    %dma_start3A_2139 = tpu.memref_slice %arg4[%add3A_2133, %dma_start3A_2138] : memref<832x4096xf32, #tpu.memory_space<hbm>> -> memref<1x4096xf32, #tpu.memory_space<hbm>>
    %dma_start3A_2140 = tpu.memref_squeeze %dma_start3A_2139 : memref<1x4096xf32, #tpu.memory_space<hbm>> -> memref<4096xf32, #tpu.memory_space<hbm>>
    %dma_start3A_2141 = arith.constant 0 : i32
    %dma_start3A_2142 = tpu.memref_slice %arg4[%add3A_2133, %dma_start3A_2141] : memref<832x4096xf32, #tpu.memory_space<hbm>> -> memref<1x4096xf32, #tpu.memory_space<hbm>>
    %dma_start3A_2143 = tpu.memref_squeeze %dma_start3A_2142 : memref<1x4096xf32, #tpu.memory_space<hbm>> -> memref<4096xf32, #tpu.memory_space<hbm>>
    %dma_start3A_2144 = arith.constant 0 : i32
    %dma_start3A_2145 = tpu.memref_slice %arg7[%dma_start3A_2134, %dma_start3A_2144] : memref<2x4096xf32, #tpu.memory_space<vmem>> -> memref<1x4096xf32, #tpu.memory_space<vmem>>
    %dma_start3A_2146 = tpu.memref_squeeze %dma_start3A_2145 : memref<1x4096xf32, #tpu.memory_space<vmem>> -> memref<4096xf32, #tpu.memory_space<vmem>>
    tpu.enqueue_dma source(%dma_start3A_2146 : memref<4096xf32, #tpu.memory_space<vmem>>) target(%dma_start3A_2143 : memref<4096xf32, #tpu.memory_space<hbm>>) target_semaphore(%arg9 : memref<!tpu.dma_semaphore, #tpu.memory_space<semaphore_mem>>)
    %add3A_2147 = arith.constant 23 : i32
    %add3A_2148 = arith.addi %mul3A_2, %add3A_2147 : i32
    %dma_wait3A_2149 = arith.constant 1 : i32
    %dma_wait3A_2150 = arith.constant 0 : i32
    %dma_wait3A_2151 = tpu.memref_slice %arg7[%dma_wait3A_2149, %dma_wait3A_2150] : memref<2x4096xf32, #tpu.memory_space<vmem>> -> memref<1x4096xf32, #tpu.memory_space<vmem>>
    %dma_wait3A_2152 = tpu.memref_squeeze %dma_wait3A_2151 : memref<1x4096xf32, #tpu.memory_space<vmem>> -> memref<4096xf32, #tpu.memory_space<vmem>>
    %dma_wait3A_2153 = arith.constant 0 : i32
    %dma_wait3A_2154 = tpu.memref_slice %arg4[%add3A_2148, %dma_wait3A_2153] : memref<832x4096xf32, #tpu.memory_space<hbm>> -> memref<1x4096xf32, #tpu.memory_space<hbm>>
    %dma_wait3A_2155 = tpu.memref_squeeze %dma_wait3A_2154 : memref<1x4096xf32, #tpu.memory_space<hbm>> -> memref<4096xf32, #tpu.memory_space<hbm>>
    %dma_wait3A_2156 = arith.constant 0 : i32
    %dma_wait3A_2157 = tpu.memref_slice %arg4[%add3A_2148, %dma_wait3A_2156] : memref<832x4096xf32, #tpu.memory_space<hbm>> -> memref<1x4096xf32, #tpu.memory_space<hbm>>
    %dma_wait3A_2158 = tpu.memref_squeeze %dma_wait3A_2157 : memref<1x4096xf32, #tpu.memory_space<hbm>> -> memref<4096xf32, #tpu.memory_space<hbm>>
    %dma_wait3A_2159 = arith.constant 0 : i32
    %dma_wait3A_2160 = tpu.memref_slice %arg7[%dma_wait3A_2149, %dma_wait3A_2159] : memref<2x4096xf32, #tpu.memory_space<vmem>> -> memref<1x4096xf32, #tpu.memory_space<vmem>>
    %dma_wait3A_2161 = tpu.memref_squeeze %dma_wait3A_2160 : memref<1x4096xf32, #tpu.memory_space<vmem>> -> memref<4096xf32, #tpu.memory_space<vmem>>
    tpu.wait_dma2 semaphore(%arg9 : memref<!tpu.dma_semaphore, #tpu.memory_space<semaphore_mem>>) src(%dma_wait3A_2161 : memref<4096xf32, #tpu.memory_space<vmem>>) dst(%dma_wait3A_2158 : memref<4096xf32, #tpu.memory_space<hbm>>)
    %dma_start3A_2162 = arith.constant 1 : i32
    %dma_start3A_2163 = arith.constant 1 : i32
    %dma_start3A_2164 = arith.constant 0 : i32
    %dma_start3A_2165 = tpu.memref_slice %arg7[%dma_start3A_2163, %dma_start3A_2164] : memref<2x4096xf32, #tpu.memory_space<vmem>> -> memref<1x4096xf32, #tpu.memory_space<vmem>>
    %dma_start3A_2166 = tpu.memref_squeeze %dma_start3A_2165 : memref<1x4096xf32, #tpu.memory_space<vmem>> -> memref<4096xf32, #tpu.memory_space<vmem>>
    %dma_start3A_2167 = arith.constant 0 : i32
    %dma_start3A_2168 = tpu.memref_slice %arg6[%dma_start3A_2162, %dma_start3A_2167] : memref<2x4096xi32, #tpu.memory_space<vmem>> -> memref<1x4096xi32, #tpu.memory_space<vmem>>
    %dma_start3A_2169 = tpu.memref_squeeze %dma_start3A_2168 : memref<1x4096xi32, #tpu.memory_space<vmem>> -> memref<4096xi32, #tpu.memory_space<vmem>>
    %dma_start3A_2170 = arith.constant 0 : i32
    %dma_start3A_2171 = tpu.memref_slice %arg2[%dma_start3A_2170] : memref<83200000xf32, #tpu.memory_space<hbm>> -> memref<83200000xf32, #tpu.memory_space<hbm>>
    tpu.enqueue_indirect_dma source(%dma_start3A_2171 : memref<83200000xf32, #tpu.memory_space<hbm>>) target(%dma_start3A_2166 : memref<4096xf32, #tpu.memory_space<vmem>>) offsets(%dma_start3A_2169 : memref<4096xi32, #tpu.memory_space<vmem>>) semaphore(%arg8 : memref<!tpu.dma_semaphore, #tpu.memory_space<semaphore_mem>>)
    %dma_wait3A_2172 = arith.constant 1 : i32
    %dma_wait3A_2173 = arith.constant 1 : i32
    %dma_wait3A_2174 = arith.constant 0 : i32
    %dma_wait3A_2175 = tpu.memref_slice %arg7[%dma_wait3A_2173, %dma_wait3A_2174] : memref<2x4096xf32, #tpu.memory_space<vmem>> -> memref<1x4096xf32, #tpu.memory_space<vmem>>
    %dma_wait3A_2176 = tpu.memref_squeeze %dma_wait3A_2175 : memref<1x4096xf32, #tpu.memory_space<vmem>> -> memref<4096xf32, #tpu.memory_space<vmem>>
    %dma_wait3A_2177 = arith.constant 0 : i32
    %dma_wait3A_2178 = tpu.memref_slice %arg6[%dma_wait3A_2172, %dma_wait3A_2177] : memref<2x4096xi32, #tpu.memory_space<vmem>> -> memref<1x4096xi32, #tpu.memory_space<vmem>>
    %dma_wait3A_2179 = tpu.memref_squeeze %dma_wait3A_2178 : memref<1x4096xi32, #tpu.memory_space<vmem>> -> memref<4096xi32, #tpu.memory_space<vmem>>
    %dma_wait3A_2180 = arith.constant 0 : i32
    %dma_wait3A_2181 = tpu.memref_slice %arg2[%dma_wait3A_2180] : memref<83200000xf32, #tpu.memory_space<hbm>> -> memref<83200000xf32, #tpu.memory_space<hbm>>
    tpu.wait_indirect_dma semaphore(%arg8 : memref<!tpu.dma_semaphore, #tpu.memory_space<semaphore_mem>>) src(%dma_wait3A_2181 : memref<83200000xf32, #tpu.memory_space<hbm>>) dst(%dma_wait3A_2176 : memref<4096xf32, #tpu.memory_space<vmem>>)
    %add3A_2182 = arith.constant 25 : i32
    %add3A_2183 = arith.addi %mul3A_2, %add3A_2182 : i32
    %dma_start3A_2184 = arith.constant 1 : i32
    %dma_start3A_2185 = arith.constant 0 : i32
    %dma_start3A_2186 = tpu.memref_slice %arg7[%dma_start3A_2184, %dma_start3A_2185] : memref<2x4096xf32, #tpu.memory_space<vmem>> -> memref<1x4096xf32, #tpu.memory_space<vmem>>
    %dma_start3A_2187 = tpu.memref_squeeze %dma_start3A_2186 : memref<1x4096xf32, #tpu.memory_space<vmem>> -> memref<4096xf32, #tpu.memory_space<vmem>>
    %dma_start3A_2188 = arith.constant 0 : i32
    %dma_start3A_2189 = tpu.memref_slice %arg4[%add3A_2183, %dma_start3A_2188] : memref<832x4096xf32, #tpu.memory_space<hbm>> -> memref<1x4096xf32, #tpu.memory_space<hbm>>
    %dma_start3A_2190 = tpu.memref_squeeze %dma_start3A_2189 : memref<1x4096xf32, #tpu.memory_space<hbm>> -> memref<4096xf32, #tpu.memory_space<hbm>>
    %dma_start3A_2191 = arith.constant 0 : i32
    %dma_start3A_2192 = tpu.memref_slice %arg4[%add3A_2183, %dma_start3A_2191] : memref<832x4096xf32, #tpu.memory_space<hbm>> -> memref<1x4096xf32, #tpu.memory_space<hbm>>
    %dma_start3A_2193 = tpu.memref_squeeze %dma_start3A_2192 : memref<1x4096xf32, #tpu.memory_space<hbm>> -> memref<4096xf32, #tpu.memory_space<hbm>>
    %dma_start3A_2194 = arith.constant 0 : i32
    %dma_start3A_2195 = tpu.memref_slice %arg7[%dma_start3A_2184, %dma_start3A_2194] : memref<2x4096xf32, #tpu.memory_space<vmem>> -> memref<1x4096xf32, #tpu.memory_space<vmem>>
    %dma_start3A_2196 = tpu.memref_squeeze %dma_start3A_2195 : memref<1x4096xf32, #tpu.memory_space<vmem>> -> memref<4096xf32, #tpu.memory_space<vmem>>
    tpu.enqueue_dma source(%dma_start3A_2196 : memref<4096xf32, #tpu.memory_space<vmem>>) target(%dma_start3A_2193 : memref<4096xf32, #tpu.memory_space<hbm>>) target_semaphore(%arg9 : memref<!tpu.dma_semaphore, #tpu.memory_space<semaphore_mem>>)
    %add3A_2197 = arith.constant 24 : i32
    %add3A_2198 = arith.addi %mul3A_2, %add3A_2197 : i32
    %dma_wait3A_2199 = arith.constant 0 : i32
    %dma_wait3A_2200 = arith.constant 0 : i32
    %dma_wait3A_2201 = tpu.memref_slice %arg7[%dma_wait3A_2199, %dma_wait3A_2200] : memref<2x4096xf32, #tpu.memory_space<vmem>> -> memref<1x4096xf32, #tpu.memory_space<vmem>>
    %dma_wait3A_2202 = tpu.memref_squeeze %dma_wait3A_2201 : memref<1x4096xf32, #tpu.memory_space<vmem>> -> memref<4096xf32, #tpu.memory_space<vmem>>
    %dma_wait3A_2203 = arith.constant 0 : i32
    %dma_wait3A_2204 = tpu.memref_slice %arg4[%add3A_2198, %dma_wait3A_2203] : memref<832x4096xf32, #tpu.memory_space<hbm>> -> memref<1x4096xf32, #tpu.memory_space<hbm>>
    %dma_wait3A_2205 = tpu.memref_squeeze %dma_wait3A_2204 : memref<1x4096xf32, #tpu.memory_space<hbm>> -> memref<4096xf32, #tpu.memory_space<hbm>>
    %dma_wait3A_2206 = arith.constant 0 : i32
    %dma_wait3A_2207 = tpu.memref_slice %arg4[%add3A_2198, %dma_wait3A_2206] : memref<832x4096xf32, #tpu.memory_space<hbm>> -> memref<1x4096xf32, #tpu.memory_space<hbm>>
    %dma_wait3A_2208 = tpu.memref_squeeze %dma_wait3A_2207 : memref<1x4096xf32, #tpu.memory_space<hbm>> -> memref<4096xf32, #tpu.memory_space<hbm>>
    %dma_wait3A_2209 = arith.constant 0 : i32
    %dma_wait3A_2210 = tpu.memref_slice %arg7[%dma_wait3A_2199, %dma_wait3A_2209] : memref<2x4096xf32, #tpu.memory_space<vmem>> -> memref<1x4096xf32, #tpu.memory_space<vmem>>
    %dma_wait3A_2211 = tpu.memref_squeeze %dma_wait3A_2210 : memref<1x4096xf32, #tpu.memory_space<vmem>> -> memref<4096xf32, #tpu.memory_space<vmem>>
    tpu.wait_dma2 semaphore(%arg9 : memref<!tpu.dma_semaphore, #tpu.memory_space<semaphore_mem>>) src(%dma_wait3A_2211 : memref<4096xf32, #tpu.memory_space<vmem>>) dst(%dma_wait3A_2208 : memref<4096xf32, #tpu.memory_space<hbm>>)
    %add3A_2212 = arith.constant 25 : i32
    %add3A_2213 = arith.addi %mul3A_2, %add3A_2212 : i32
    %dma_wait3A_2214 = arith.constant 1 : i32
    %dma_wait3A_2215 = arith.constant 0 : i32
    %dma_wait3A_2216 = tpu.memref_slice %arg7[%dma_wait3A_2214, %dma_wait3A_2215] : memref<2x4096xf32, #tpu.memory_space<vmem>> -> memref<1x4096xf32, #tpu.memory_space<vmem>>
    %dma_wait3A_2217 = tpu.memref_squeeze %dma_wait3A_2216 : memref<1x4096xf32, #tpu.memory_space<vmem>> -> memref<4096xf32, #tpu.memory_space<vmem>>
    %dma_wait3A_2218 = arith.constant 0 : i32
    %dma_wait3A_2219 = tpu.memref_slice %arg4[%add3A_2213, %dma_wait3A_2218] : memref<832x4096xf32, #tpu.memory_space<hbm>> -> memref<1x4096xf32, #tpu.memory_space<hbm>>
    %dma_wait3A_2220 = tpu.memref_squeeze %dma_wait3A_2219 : memref<1x4096xf32, #tpu.memory_space<hbm>> -> memref<4096xf32, #tpu.memory_space<hbm>>
    %dma_wait3A_2221 = arith.constant 0 : i32
    %dma_wait3A_2222 = tpu.memref_slice %arg4[%add3A_2213, %dma_wait3A_2221] : memref<832x4096xf32, #tpu.memory_space<hbm>> -> memref<1x4096xf32, #tpu.memory_space<hbm>>
    %dma_wait3A_2223 = tpu.memref_squeeze %dma_wait3A_2222 : memref<1x4096xf32, #tpu.memory_space<hbm>> -> memref<4096xf32, #tpu.memory_space<hbm>>
    %dma_wait3A_2224 = arith.constant 0 : i32
    %dma_wait3A_2225 = tpu.memref_slice %arg7[%dma_wait3A_2214, %dma_wait3A_2224] : memref<2x4096xf32, #tpu.memory_space<vmem>> -> memref<1x4096xf32, #tpu.memory_space<vmem>>
    %dma_wait3A_2226 = tpu.memref_squeeze %dma_wait3A_2225 : memref<1x4096xf32, #tpu.memory_space<vmem>> -> memref<4096xf32, #tpu.memory_space<vmem>>
    tpu.wait_dma2 semaphore(%arg9 : memref<!tpu.dma_semaphore, #tpu.memory_space<semaphore_mem>>) src(%dma_wait3A_2226 : memref<4096xf32, #tpu.memory_space<vmem>>) dst(%dma_wait3A_2223 : memref<4096xf32, #tpu.memory_space<hbm>>)
    return
  }
}

module attributes {stable_mosaic.version = 14 : i64} {
  func.func @_mlp_body(%arg0: i32, %arg1: memref<832x1024xf32, #tpu.memory_space<vmem>>, %arg2: memref<64x832xf32, #tpu.memory_space<vmem>>, %arg3: memref<64x1xf32, #tpu.memory_space<vmem>>, %arg4: memref<1x64xf32, #tpu.memory_space<vmem>>, %arg5: memref<1x1xf32, #tpu.memory_space<vmem>>, %arg6: memref<1x1024xf32, #tpu.memory_space<vmem>>) attributes {dimension_semantics = [#tpu.dimension_semantics<arbitrary>], iteration_bounds = array<i64: 4>, scalar_prefetch = 0 : i64, scratch_operands = 0 : i64, tpu.core_type = #tpu.core_type<tc>, window_params = [{transform_indices = @transform_0, window_bounds = array<i64: 832, 1024>}, {pipeline_mode = #tpu.pipeline_mode<synchronous>, transform_indices = @transform_1, window_bounds = array<i64: 64, 832>}, {pipeline_mode = #tpu.pipeline_mode<synchronous>, transform_indices = @transform_2, window_bounds = array<i64: 64, 1>}, {pipeline_mode = #tpu.pipeline_mode<synchronous>, transform_indices = @transform_3, window_bounds = array<i64: 1, 64>}, {pipeline_mode = #tpu.pipeline_mode<synchronous>, transform_indices = @transform_4, window_bounds = array<i64: 1, 1>}, {transform_indices = @transform_5, window_bounds = array<i64: 1, 1024>}]} {
    %get3A = arith.constant 0 : index
    %get3A_0 = arith.constant 0 : index
    %get3A_1 = vector.load %arg2[%get3A, %get3A_0] : memref<64x832xf32, #tpu.memory_space<vmem>>, vector<64x832xf32>
    %get3A_2 = arith.constant 0 : index
    %get3A_3 = arith.constant 0 : index
    %get3A_4 = vector.load %arg1[%get3A_2, %get3A_3] : memref<832x1024xf32, #tpu.memory_space<vmem>>, vector<832x1024xf32>
    %dot_general3A = arith.constant dense<0.000000e+00> : vector<64x1024xf32>
    %dot_general3A_5 = tpu.matmul %get3A_1, %get3A_4, %dot_general3A {dimension_numbers = #tpu.dot_dimension_numbers<[1], [0], [0], [1], [0, 0, 1, 1], [], []>, transpose_lhs_hint = false} : vector<64x832xf32>, vector<832x1024xf32>, vector<64x1024xf32> -> vector<64x1024xf32>
    %get3A_6 = arith.constant 0 : index
    %get3A_7 = arith.constant 0 : index
    %get3A_8 = vector.load %arg3[%get3A_6, %get3A_7] : memref<64x1xf32, #tpu.memory_space<vmem>>, vector<64x1xf32>
    %add3A = vector.broadcast %get3A_8 : vector<64x1xf32> to vector<64x1024xf32>
    %add3A_9 = arith.addf %dot_general3A_5, %add3A : vector<64x1024xf32>
    %max3A = arith.constant 0.000000e+00 : f32
    %max3A_10 = vector.broadcast %max3A : f32 to vector<64x1024xf32>
    %max3A_11 = arith.maximumf %add3A_9, %max3A_10 : vector<64x1024xf32>
    %get3A_12 = arith.constant 0 : index
    %get3A_13 = arith.constant 0 : index
    %get3A_14 = vector.load %arg4[%get3A_12, %get3A_13] : memref<1x64xf32, #tpu.memory_space<vmem>>, vector<1x64xf32>
    %dot_general3A_15 = arith.constant dense<0.000000e+00> : vector<1x1024xf32>
    %dot_general3A_16 = tpu.matmul %get3A_14, %max3A_11, %dot_general3A_15 {dimension_numbers = #tpu.dot_dimension_numbers<[1], [0], [0], [1], [0, 0, 1, 1], [], []>, transpose_lhs_hint = false} : vector<1x64xf32>, vector<64x1024xf32>, vector<1x1024xf32> -> vector<1x1024xf32>
    %get3A_17 = arith.constant 0 : index
    %get3A_18 = arith.constant 0 : index
    %get3A_19 = vector.load %arg5[%get3A_17, %get3A_18] : memref<1x1xf32, #tpu.memory_space<vmem>>, vector<1x1xf32>
    %add3A_20 = vector.broadcast %get3A_19 : vector<1x1xf32> to vector<1x1024xf32>
    %add3A_21 = arith.addf %dot_general3A_16, %add3A_20 : vector<1x1024xf32>
    %swap3A = arith.constant 0 : index
    %swap3A_22 = arith.constant 0 : index
    %swap3A_23 = vector.load %arg6[%swap3A, %swap3A_22] : memref<1x1024xf32, #tpu.memory_space<vmem>>, vector<1x1024xf32>
    tpu.vector_store %arg6[%swap3A, %swap3A_22], %add3A_21 {strides = array<i32>} : memref<1x1024xf32, #tpu.memory_space<vmem>>, vector<1x1024xf32>,
    return
  }
  func.func @transform_0(%arg0: i32) -> (i32, i32) {
    %c0_i32 = arith.constant 0 : i32
    %c0_i32_0 = arith.constant 0 : i32
    return %c0_i32, %arg0 : i32, i32
  }
  func.func @transform_1(%arg0: i32) -> (i32, i32) {
    %c0_i32 = arith.constant 0 : i32
    %c0_i32_0 = arith.constant 0 : i32
    %c0_i32_1 = arith.constant 0 : i32
    return %c0_i32, %c0_i32_0 : i32, i32
  }
  func.func @transform_2(%arg0: i32) -> (i32, i32) {
    %c0_i32 = arith.constant 0 : i32
    %c0_i32_0 = arith.constant 0 : i32
    %c0_i32_1 = arith.constant 0 : i32
    return %c0_i32, %c0_i32_0 : i32, i32
  }
  func.func @transform_3(%arg0: i32) -> (i32, i32) {
    %c0_i32 = arith.constant 0 : i32
    %c0_i32_0 = arith.constant 0 : i32
    %c0_i32_1 = arith.constant 0 : i32
    return %c0_i32, %c0_i32_0 : i32, i32
  }
  func.func @transform_4(%arg0: i32) -> (i32, i32) {
    %c0_i32 = arith.constant 0 : i32
    %c0_i32_0 = arith.constant 0 : i32
    %c0_i32_1 = arith.constant 0 : i32
    return %c0_i32, %c0_i32_0 : i32, i32
  }
  func.func @transform_5(%arg0: i32) -> (i32, i32) {
    %c0_i32 = arith.constant 0 : i32
    %c0_i32_0 = arith.constant 0 : i32
    return %c0_i32, %arg0 : i32, i32
  }
}

</mosaic_0001>

<sc_bundles>
// kernel: kernel.4.cloned.1.call-start
scs
__scs_entry_jumppad:
0x0: {  	(pc) =	sbr.rel $0x88, $3  }
0x1: {  	(tag) =	ssettag $0x0;
	lr =	simm.s32 $0x1  }
0x2: {  	[smem:$0x3F9B] =	sst lr;
	_ =	strace $0xD0000000  }
0x3: {  	_ = 	snop  }
0x4: {  	_ = 	snop  }
0x5: {  	_ = 	snop  }
0x6: {  	_ = 	snop  }
0x7: {  	_ = 	snop  }
__scs_overlays_trampoline_lowered:
0x8: {  	[smem:$0x3FAA] =	sst s0  }
0x9: {  	[smem:$0x3FAB] =	sst s1  }
0xa: {  	[smem:$0x3FAC] =	sst s2  }
0xb: {  	[smem:$0x3FAD] =	sst s3  }
0xc: {  	[smem:$0x3FAE] =	sst s4  }
0xd: {  	[smem:$0x3FAF] =	sst s5  }
0xe: {  	[smem:$0x3FB0] =	sst s6  }
0xf: {  	[smem:$0x3FB1] =	sst s7  }
0x10: {  	[smem:$0x3FB2] =	sst s8  }
0x11: {  	[smem:$0x3FB3] =	sst s9;
	s0 =	simm.s32 @!p0 $0x0  }
0x12: {  	s1 =	sld [smem:$0x3F99];
	s0 =	simm.s32 @p0 $0x1  }
0x13: {  	[smem:$0x3FB4] =	sst s0;
	s0 =	simm.s32 @!p1 $0x0  }
0x14: {  	s2 =	sld [smem:$0x3F98];
	s0 =	simm.s32 @p1 $0x1  }
0x15: {  	[smem:$0x3FB5] =	sst s0;
	s0 =	simm.s32 @!p2 $0x0  }
0x16: {  	s3 =	sld [smem:$0x3FDB];
	s0 =	simm.s32 @p2 $0x1  }
0x17: {  	s4 =	simm.s32 $0x1BF5;
	[smem:$0x3FB7] =	sst s0  }
0x18: {  	s0 =	sld [smem:$0x3F9A];
	_ =	swait.ge [sflag:s4], $0x0  }
0x19: {  	s7 =	sld [smem:$0x3F9B]  }
0x1a: {  	s8 =	sadd.s32 $0xFFFFE003, lr  }
0x1b: {  	s9 =	sadd.s32 $0xFFFFFEF7, lr;
	s5 =	simm.s32 $0xFFFFFFFF;
	p2 =	slt.u32 s8, $0xFFFFF086  }
0x1c: {  	p1 =	slt.u32 s9, $0xF7A;
	s5 =	simm.s32 @!p2 $0x0  }
0x1d: {  	s5 =	simm.s32 @p1 $0x1;
	p0 =	seq.s32 s7, s2  }
0x1e: {  	s7 =	smul.u32 @!p0 $0xF7A, s2;
	p2 =	seq.s32 @!p0 s5, $0x0  }
0x1f: {  	s9 =	smul.u32 $0xF7A, s1;
	s8 =	simm.s32 @!p0 $0x1BF5;
	p2 =	por !p2, p0  }
0x20: {  	[sflag:s8] =	ssyncset.s32 @!p0 $0xFFFFF086;
	s6 =	sadd.s32 @!p0 s3, s7;
	s7 =	simm.s32 @!p0 $0x108  }
0x21: {  	s3 =	sadd.s32 s3, s9;
	s6 =	sadd.s32 @!p0 $0x88, s6;
	s7 =	simm.s32 @p2 $0x1082  }
0x22: {  	[simem:s7], [sflag:s8] =	dma.local @!p0 [hbm:s6], $0xF7A  }
0x23: {  	s9 =	sor.u32 $0xD0000000, s2;
	s6 =	simm.s32 $0x108;
	_ =	swait.ge @!p0 [sflag:s8], $0x0  }
0x24: {  	s3 =	sadd.s32 $0x88, s3;
	s6 =	simm.s32 @!p1 $0x1082;
	[sflag:s4] =	ssyncset.s32 $0xFFFFF086  }
0x25: {  	[simem:s6], [sflag:s4] =	dma.local [hbm:s3], $0xF7A  }
0x26: {  	[smem:$0x3F9B] =	sst s1;
	(tag) =	ssettag s2;
	_ =	strace s9  }
0x27: {  	s1 =	sld [smem:$0x3FAB]  }
0x28: {  	s2 =	sld [smem:$0x3FAC]  }
0x29: {  	s4 =	sld [smem:$0x3FAE]  }
0x2a: {  	p0 =	seq.s32 s5, $0x0;
	s5 =	sld [smem:$0x3FAF]  }
0x2b: {  	s6 =	sld [smem:$0x3FB0]  }
0x2c: {  	s7 =	sld [smem:$0x3FB1]  }
0x2d: {  	s3 =	simm.s32 $0x108;
	s8 =	sld [smem:$0x3FB2]  }
0x2e: {  	s3 =	simm.s32 @!p0 $0x1082;
	s9 =	sld [smem:$0x3FB3]  }
0x2f: {  	lr =	sadd.s32 s0, s3;
	s0 =	sld [smem:$0x3FAA]  }
0x30: {  	s3 =	sld [smem:$0x3FAD]  }
0x31: {  	[smem:$0x3FB6] =	sst s10  }
0x32: {  	s10 =	sld [smem:$0x3FB4];
	_ =	sdelay $0x3  }
0x33: {  	p0 =	seq.s32 s10, $0x1;
	s10 =	sld [smem:$0x3FB6];
	_ =	sdelay $0x3  }
0x34: {  	[smem:$0x3FB6] =	sst s10  }
0x35: {  	s10 =	sld [smem:$0x3FB5];
	_ =	sdelay $0x3  }
0x36: {  	p1 =	seq.s32 s10, $0x1;
	s10 =	sld [smem:$0x3FB6];
	_ =	sdelay $0x3  }
0x37: {  	[smem:$0x3FB6] =	sst s10  }
0x38: {  	s10 =	sld [smem:$0x3FB7]  }
0x39: {  	_ = 	snop;
	(pc) =	sbr.ind lr, $3  }
0x3a: {  	_ = 	snop  }
0x3b: {  	_ = 	snop  }
0x3c: {  	p2 =	seq.s32 s10, $0x1;
	s10 =	sld [smem:$0x3FB6]  }
0x3d: {  	_ =	shalt  }
0x3e: {  	_ =	shalt  }
0x3f: {  	_ =	shalt  }
0x40: {  	_ =	shalt  }
0x41: {  	_ =	shalt  }
0x42: {  	_ =	shalt  }
0x43: {  	_ =	shalt  }
0x44: {  	_ =	shalt  }
0x45: {  	_ =	shalt  }
0x46: {  	_ =	shalt  }
0x47: {  	_ =	shalt  }
0x48: {  	_ =	shalt  }
0x49: {  	_ =	shalt  }
0x4a: {  	_ =	shalt  }
0x4b: {  	_ =	shalt  }
0x4c: {  	_ =	shalt  }
0x4d: {  	_ =	shalt  }
0x4e: {  	_ =	shalt  }
0x4f: {  	_ =	shalt  }
0x50: {  	_ =	shalt  }
0x51: {  	_ =	shalt  }
0x52: {  	_ =	shalt  }
0x53: {  	_ =	shalt  }
0x54: {  	_ =	shalt  }
0x55: {  	_ =	shalt  }
0x56: {  	_ =	shalt  }
0x57: {  	_ =	shalt  }
0x58: {  	_ =	shalt  }
0x59: {  	_ =	shalt  }
0x5a: {  	_ =	shalt  }
0x5b: {  	_ =	shalt  }
0x5c: {  	_ =	shalt  }
0x5d: {  	_ =	shalt  }
0x5e: {  	_ =	shalt  }
0x5f: {  	_ =	shalt  }
0x60: {  	_ =	shalt  }
0x61: {  	_ =	shalt  }
0x62: {  	_ =	shalt  }
0x63: {  	_ =	shalt  }
0x64: {  	_ =	shalt  }
0x65: {  	_ =	shalt  }
0x66: {  	_ =	shalt  }
0x67: {  	_ =	shalt  }
0x68: {  	_ =	shalt  }
0x69: {  	_ =	shalt  }
0x6a: {  	_ =	shalt  }
0x6b: {  	_ =	shalt  }
0x6c: {  	_ =	shalt  }
0x6d: {  	_ =	shalt  }
0x6e: {  	_ =	shalt  }
0x6f: {  	_ =	shalt  }
0x70: {  	_ =	shalt  }
0x71: {  	_ =	shalt  }
0x72: {  	_ =	shalt  }
0x73: {  	_ =	shalt  }
0x74: {  	_ =	shalt  }
0x75: {  	_ =	shalt  }
0x76: {  	_ =	shalt  }
0x77: {  	_ =	shalt  }
0x78: {  	_ =	shalt  }
0x79: {  	_ =	shalt  }
0x7a: {  	_ =	shalt  }
0x7b: {  	_ =	shalt  }
0x7c: {  	_ =	shalt  }
0x7d: {  	_ =	shalt  }
0x7e: {  	_ =	shalt  }
0x7f: {  	_ =	shalt  }
0x80: {  	_ =	shalt  }
0x81: {  	_ =	shalt  }
0x82: {  	_ =	shalt  }
0x83: {  	_ =	shalt  }
0x84: {  	_ =	shalt  }
0x85: {  	_ =	shalt  }
0x86: {  	_ =	shalt  }
0x87: {  	_ =	shalt  }
.Lfunc_end0:
.L_simem_size_0:
called_computation_lowered:
.L_overlay_start_0:
0x88: {  	s2 =	sld [smem:$0x3FD9]  }
0x89: {  	s3 =	sld [smem:$0x3FFE];
	_ =	sdelay $0x1  }
0x8a: {  	s1 =	srdreg.scid  }
0x8b: {  	s0 =	sand.u32 $0x1, s1  }
0x8c: {  	s16 =	sshll.u32 s0, $0xA;
	s2 =	sadd.s32 s3, s2  }
0x8d: {  	s2 =	sadd.s32 s2, s16  }
0x8e: {  	[smem:$0x3FC2] =	sst s2  }
0x8f: {  	_ = 	snop  }
0x90: {  	(tm) =	ssettm $0x1  }
0x91: {  	s17 =	sld [smem:$0x3FFB];
	_ =	sdelay $0x3  }
0x92: {  	_ =	strace s17  }
0x93: {  	s2 =	sld [smem:$0x3FFC];
	_ =	sdelay $0x3  }
0x94: {  	_ =	strace s2  }
0x95: {  	s2 =	sld [smem:$0x3FFD];
	_ =	sdelay $0x3  }
0x96: {  	_ =	strace s2  }
0x97: {  	_ =	strace $0x8FFFFFFF  }
0x98: {  	s18 =	sld [smem:$0x3FDB];
	_ =	sdelay $0x1  }
0x99: {  	s19 =	simm.s32 $_scs_section_size  }
0x9a: {  	s4 =	simm.s32 $_size__tile_overlayer_lowered;
	s5 =	simm.s32 $_tile_overlayer_lowered  }
0x9b: {  	s22 =	simm.s32 $0x1BFF;
	s21 =	sshll.u32 s5, $0x1;
	s2 =	sadd.s32 s19, s18  }
0x9c: {  	s6 =	simm.s32 $0x0;
	s20 =	sshll.u32 s4, $0x1;
	s4 =	sadd.s32 s21, s2  }
0x9d: {  	[timem:s6], [sflag:s22] =	dma.local [hbm:s4], s20  }
0x9e: {  	_ =	swait.ge [sflag:s22], s20  }
0x9f: {  	s3 =	ssub.s32 $0x0, s20;
	[sflag:s22] =	ssyncset.done $0x0  }
0xa0: {  	[sflag:s22] =	ssyncadd.s32 s3;
	_ =	sdelay $0x1  }
0xa1: {  	s23 =	simm.s32 $0x1B8B  }
0xa2: {  	_ =	swait.ge [sflag:s23], $0x1  }
0xa3: {  	[sflag:s23] =	ssyncset.done $0x0  }
0xa4: {  	s25 =	simm.s32 $0x1B8E;
	s24 =	sld [smem:$0x3FFE];
	[sflag:s23] =	ssyncadd.s32 $0xFFFFFFFF  }
0xa5: {  	s26 =	simm.s32 $execute0_lowered;
	[smem:$0x3FD2] =	sst s25  }
0xa6: {  	s4 =	sshll.u32 s26, $0x1;
	_ =	strace $0x80000046;
	[dreg:$0x1] =	wrdreg $0xFFFFFFFF  }
0xa7: {  	s28 =	simm.s32 $_size_execute0_lowered;
	s2 =	sadd.s32 s2, s4;
	[dreg:$0x0] =	wrdreg $0x0  }
0xa8: {  	s4 =	sshll.u32 s28, $0x1;
	[dreg:$0x2] =	wrdreg s2  }
0xa9: {  	[dreg:$0x3] =	wrdreg s4  }
0xaa: {  	[dreg:$0x4] =	wrdreg $0xC0  }
0xab: {  	_ =	task [dreg:s6], $0x5FFFF  }
0xac: {  	[dreg:$0x1] =	wrdreg $0xFFFFFFFF  }
0xad: {  	[dreg:$0x0] =	wrdreg $0x60  }
0xae: {  	[dreg:$0x2] =	wrdreg s24  }
0xaf: {  	[dreg:$0x3] =	wrdreg $0x9  }
0xb0: {  	_ =	task.clear_ibuf [dreg:s6], $0x4FFFF;
	_ =	strace $0x90000046  }
0xb1: {  	s29 =	simm.s32 $0x9;
	_ =	strace $0x80000048  }
0xb2: {  	_ =	swait.ge [sflag:s29], $0x1  }
0xb3: {  	[sflag:s29] =	ssyncadd.s32 $0xFFFFFFFF  }
0xb4: {  	_ =	strace $0x90000048  }
0xb5: {  	_ =	sfence  }
0xb6: {  	s30 =	sld [smem:$0x0];
	_ =	sdelay $0x2  }
0xb7: {  	s31 =	sshll.u32 s1, $0xD;
	s1 =	sshrl.u32 s1, $0x2  }
0xb8: {  	s3 =	sand.u32 $0x4000, s31;
	s1 =	sadd.s32 s1, s30  }
0xb9: {  	s0 =	sor.u32 s3, s0;
	s1 =	sshll.u32 s1, $0x11  }
0xba: {  	s0 =	sor.u32 s1, s0  }
0xbb: {  	s0 =	sadd.s32 $0x8F2B, s0  }
0xbc: {  	[sflag:s0] =	ssyncadd.remote.s32 $0x1  }
0xbd: {  	_ =	sfence.sel $0xFFFF  }
0xbe: {  	[dreg:$0x0] =	wrdreg $0xFFFFFFFF;
	(pc) =	sbr.abs _section_cstart, $3  }
0xbf: {  	[dreg:$0x1] =	wrdreg $0xFFFFFFFF  }
0xc0: {  	_ =	task.clear_ibuf [dreg:s6], $0x2FFFF;
	_ =	strace $0x9FFFFFFF  }
0xc1: {  	(tm) =	ssettm $0x7FFFFFFF  }
tec
execute0_lowered:
.L_overlay_start_1:
0x0: {  	(tag) =	ssettag $0x1  }
0x1: {  	s0 =	srdreg.scid  }
0x2: {  	s10 =	stileid.u32;
	s4 =	rddreg [dreg:$0x0];
	s2 =	simm.s32 $0x0  }
0x3: {  	s0 =	sand.u32 $0x1, s0;
	s1 =	sshll.u32 s10, $0x1;
	s24 =	smul.u32 $0x34, s10  }
0x4: {  	s1 =	sor.u32 s0, s1;
	s8 =	ssub.s32 $0x2, s0;
	s0 =	smul.u32 $0x1A, s0  }
0x5: {  	[smem:$0x7FF] =	sst s2;
	s5 =	smul.u32 $0x1A, s1  }
0x6: {  	s3 =	sadd.s32 $0xC00, s4;
	s11 =	smul.u32 $0x27AC40, s1;
	s9 =	sshrl.u32 s8, $0x1  }
0x7: {  	_ =	strace $0x80000047;
	s1 =	smul.u32 $0x3400, s1;
	s8 =	ssub.s32 s8, s9  }
0x8: {  	s0 =	sadd.s32 s0, s24;
	s6 =	sshrl.u32 s5, $0x5;
	s7 =	sor.u32 $0x1, s5  }
0x9: {  	[dreg:$0xc] =	wrdreg s8;
	s25 =	sadd.s32 $0x2, s5;
	s5 =	sshll.u32 s5, $0x9  }
0xa: {  	s8 =	sshrl.u32 s0, $0x5;
	s0 =	sshll.u32 s0, $0x9;
	s28 =	sadd.s32 $0x10C8E0, s11  }
0xb: {  	s29 =	sadd.s32 $0x124F80, s11;
	s30 =	sadd.s32 $0x13D620, s11  }
0xc: {  	s31 =	sadd.s32 $0x155CC0, s11;
	s6 =	smin.u32 s6, $0x18;
	s15 =	smul.u32 $0x186A0, s7  }
0xd: {  	s16 =	smul.u32 $0x186A0, s25;
	s26 =	sshll.u32 s7, $0x9;
	s7 =	sshll.u32 s25, $0x9  }
0xe: {  	s9 =	smin.u32 s8, $0x18;
	s10 =	sshll.u32 s8, $0xE;
	s12 =	sadd.s32 $0x400, s0  }
0xf: {  	s13 =	sadd.s32 $0x600, s0;
	s18 =	sadd.s32 $0x800, s0;
	s20 =	sadd.s32 $0xA00, s0  }
0x10: {  	s22 =	sadd.s32 $0xC00, s0;
	s24 =	sadd.s32 $0xE00, s0;
	s8 =	sadd.s32 $0x1400, s0  }
0x11: {  	s6 =	sshll.u32 s6, $0x9;
	s17 =	sshll.u32 s9, $0xE;
	s14 =	sand.u32 $0x1FC000, s13  }
0x12: {  	s19 =	sand.u32 $0x1FC000, s18;
	s21 =	sand.u32 $0x1FC000, s20;
	s23 =	sand.u32 $0x1FC000, s22  }
0x13: {  	s25 =	sand.u32 $0x1FC000, s24;
	s9 =	sand.u32 $0x1FC000, s8;
	s13 =	sadd.s32 $0x1800, s0  }
0x14: {  	s18 =	sadd.s32 $0x1A00, s0;
	s20 =	sadd.s32 $0x1C00, s0;
	s6 =	sadd.s32 s6, s4  }
0x15: {  	s4 =	sadd.s32 $0x9EF200, s4;
	s6 =	sadd.s32 $0x9EBE00, s6  }
0x16: {  	s22 =	sadd.s32 $0x1E00, s0;
	s1 =	sadd.s32 s4, s1;
	[dreg:$0x2] =	wrdreg s6  }
0x17: {  	s24 =	sadd.s32 $0x2000, s0;
	[dreg:$0x3] =	wrdreg s1;
	s1 =	sadd.s32 s4, s26  }
0x18: {  	s6 =	sadd.s32 $0x1200, s0;
	[dreg:$0x4] =	wrdreg s1;
	s1 =	sadd.s32 s4, s7  }
0x19: {  	s26 =	sadd.s32 $0x1000, s0;
	s7 =	sand.u32 $0x1FC000, s6;
	[dreg:$0x5] =	wrdreg s1  }
0x1a: {  	s1 =	sadd.s32 s4, s5;
	s5 =	ssub.s32 s10, s17;
	s4 =	sand.u32 $0x1FC000, s12  }
0x1b: {  	s10 =	sadd.s32 $0x1600, s0;
	[dreg:$0xe] =	wrdreg s5;
	s4 =	ssub.s32 s4, s17  }
0x1c: {  	s5 =	sand.u32 $0x1FC000, s26;
	s12 =	sand.u32 $0x1FC000, s10;
	s26 =	sadd.s32 $0x2200, s0  }
0x1d: {  	v11 =	vmov s28;
	v1 =	vmov s15;
	v2 =	vmov s16;
	s15 =	sadd.s32 $0x1400, s1;
	s16 =	sadd.s32 $0x1600, s1;
	s28 =	sadd.s32 $0x2C00, s1  }
0x1e: {  	v12 =	vmov s29;
	v13 =	vmov s30;
	v14 =	vmov s31;
	s29 =	sadd.s32 $0x2E00, s1;
	s30 =	sadd.s32 $0x3000, s1;
	s31 =	sadd.s32 $0x3200, s1  }
0x1f: {  	[dreg:$0xd] =	wrdreg s4;
	s4 =	ssub.s32 s14, s17;
	s14 =	sand.u32 $0x1FC000, s13  }
0x20: {  	s6 =	sand.u32 $0x1FC000, s26;
	s13 =	sadd.s32 $0x2800, s0;
	s26 =	sadd.s32 $0x1000, s1  }
0x21: {  	[dreg:$0xf] =	wrdreg s4;
	s4 =	ssub.s32 s19, s17;
	s19 =	sand.u32 $0x1FC000, s18  }
0x22: {  	s18 =	sadd.s32 $0x2C00, s0;
	[dreg:$0xb] =	wrdreg s26;
	s26 =	sadd.s32 $0xF4240, s11  }
0x23: {  	[dreg:$0x11] =	wrdreg s4;
	s4 =	ssub.s32 s21, s17;
	s21 =	sand.u32 $0x1FC000, s20  }
0x24: {  	s20 =	sadd.s32 $0x3000, s0;
	v10 =	vmov s26;
	s26 =	sadd.s32 $0x2A00, s1;
	[dreg:$0x10] =	wrdreg s4  }
0x25: {  	s4 =	ssub.s32 s23, s17;
	s23 =	sand.u32 $0x1FC000, s22;
	s22 =	sadd.s32 $0x800, s1  }
0x26: {  	[dreg:$0x12] =	wrdreg s4;
	s4 =	ssub.s32 s25, s17;
	s25 =	sand.u32 $0x1FC000, s24  }
0x27: {  	[dreg:$0x7] =	wrdreg s22;
	s22 =	sadd.s32 $0x927C0, s11;
	s24 =	sadd.s32 $0xC00, s1  }
0x28: {  	[dreg:$0x14] =	wrdreg s4;
	s4 =	ssub.s32 s5, s17;
	s5 =	sand.u32 $0x1FC000, s13  }
0x29: {  	[dreg:$0x9] =	wrdreg s24;
	s24 =	sadd.s32 $0xC3500, s11;
	v6 =	vmov s22;
	s22 =	sadd.s32 $0x2200, s1  }
0x2a: {  	[dreg:$0x13] =	wrdreg s4;
	s4 =	ssub.s32 s7, s17;
	s7 =	sadd.s32 $0x2400, s0  }
0x2b: {  	v8 =	vmov s24;
	s24 =	sadd.s32 $0x2600, s1;
	[dreg:$0x15] =	wrdreg s4;
	s4 =	ssub.s32 s9, s17  }
0x2c: {  	s8 =	sand.u32 $0x1FC000, s7;
	s7 =	ssub.s32 s5, s17;
	[dreg:$0x17] =	wrdreg s4  }
0x2d: {  	s9 =	sadd.s32 $0x2600, s0;
	s5 =	sadd.s32 $0x16E360, s11;
	[dreg:$0x1f] =	wrdreg s7  }
0x2e: {  	s4 =	ssub.s32 s12, s17;
	s10 =	sand.u32 $0x1FC000, s9;
	v15 =	vmov s5;
	s5 =	rddreg [dreg:$0xc]  }
0x2f: {  	s12 =	sand.u32 $0x1FC000, s18;
	s7 =	sadd.s32 $0x1E8480, s11;
	[dreg:$0x16] =	wrdreg s4  }
0x30: {  	s18 =	sand.u32 $0x1FC000, s20;
	s4 =	ssub.s32 s14, s17;
	v20 =	vmov s7;
	s7 =	rddreg [dreg:$0xd]  }
0x31: {  	s20 =	sadd.s32 $0x61A80, s11;
	s9 =	ssub.s32 s12, s17;
	[dreg:$0x18] =	wrdreg s4  }
0x32: {  	s14 =	sadd.s32 $0x2A00, s0;
	s12 =	ssub.s32 s18, s17;
	[smem:$0x7FA] =	sst s9  }
0x33: {  	s18 =	sadd.s32 $0x2625A0, s11;
	v4 =	vmov s20;
	s20 =	sadd.s32 $0x1E00, s1;
	[smem:$0x7FC] =	sst s12  }
0x34: {  	s4 =	ssub.s32 s19, s17;
	s19 =	sadd.s32 $0x2E00, s0;
	[smem:$0x7F7] =	sst s18  }
0x35: {  	s0 =	sadd.s32 $0x3200, s0;
	s9 =	sadd.s32 $0x1B7740, s11;
	[dreg:$0x1a] =	wrdreg s4  }
0x36: {  	s12 =	sadd.s32 $0x231860, s11;
	s18 =	sadd.s32 $0x1A00, s1;
	v18 =	vmov s9;
	s9 =	rddreg [dreg:$0x11]  }
0x37: {  	s4 =	ssub.s32 s21, s17;
	s13 =	sand.u32 $0x1FC000, s19;
	v23 =	vmov s12;
	s12 =	rddreg [dreg:$0x14]  }
0x38: {  	s0 =	sand.u32 $0x1FC000, s0;
	s21 =	sadd.s32 $0x600, s1;
	[dreg:$0x19] =	wrdreg s4  }
0x39: {  	s19 =	sadd.s32 $0x493E0, s11;
	s4 =	ssub.s32 s23, s17;
	[dreg:$0x6] =	wrdreg s21  }
0x3a: {  	s21 =	sadd.s32 $0x7A120, s11;
	s23 =	sadd.s32 $0xA00, s1;
	[dreg:$0x1b] =	wrdreg s4  }
0x3b: {  	s0 =	ssub.s32 s0, s17;
	v3 =	vmov s19;
	s19 =	sadd.s32 $0x1C00, s1;
	[dreg:$0x8] =	wrdreg s23  }
0x3c: {  	s4 =	ssub.s32 s25, s17;
	s23 =	sadd.s32 $0xAAE60, s11;
	[smem:$0x7FD] =	sst s0  }
0x3d: {  	s25 =	sadd.s32 $0xE00, s1;
	s0 =	sadd.s32 $0x249F00, s11;
	[dreg:$0x1d] =	wrdreg s4  }
0x3e: {  	v5 =	vmov s21;
	s21 =	sadd.s32 $0x2000, s1;
	s4 =	ssub.s32 s6, s17;
	[dreg:$0xa] =	wrdreg s25  }
0x3f: {  	s6 =	sand.u32 $0x1FC000, s14;
	[dreg:$0x1c] =	wrdreg s4;
	s4 =	ssub.s32 s8, s17  }
0x40: {  	s25 =	sadd.s32 $0xDBBA0, s11;
	s8 =	ssub.s32 s6, s17;
	[dreg:$0x1e] =	wrdreg s4  }
0x41: {  	s14 =	sadd.s32 $0x1200, s1;
	s6 =	sadd.s32 $0x186A00, s11;
	[smem:$0x7F9] =	sst s8  }
0x42: {  	v7 =	vmov s23;
	s23 =	sadd.s32 $0x2400, s1;
	s4 =	ssub.s32 s10, s17;
	v16 =	vmov s6;
	s6 =	rddreg [dreg:$0xe]  }
0x43: {  	s8 =	sadd.s32 $0x1CFDE0, s11;
	s10 =	ssub.s32 s13, s17;
	[smem:$0x7F8] =	sst s4  }
0x44: {  	v9 =	vmov s25;
	s25 =	sadd.s32 $0x2800, s1;
	s13 =	sadd.s32 $0x200B20, s11;
	[smem:$0x7FB] =	sst s10  }
0x45: {  	s17 =	sadd.s32 $0x1800, s1;
	s1 =	smax.u32 s5, $0x1;
	v19 =	vmov s8;
	s8 =	rddreg [dreg:$0xf]  }
0x46: {  	v0 =	vmov s11;
	s4 =	sadd.s32 $0x19F0A0, s11;
	s10 =	sadd.s32 $0x2191C0, s11;
	s11 =	rddreg [dreg:$0x12]  }
0x47: {  	s5 =	sshra.s32 s7, $0x2;
	s7 =	sshra.s32 s9, $0x2;
	v21 =	vmov s13;
	s13 =	sld [smem:$0x7F7]  }
0x48: {  	v29 =	vmov s7;
	s7 =	rddreg [dreg:$0x16]  }
0x49: {  	v17 =	vmov s4;
	s4 =	sshra.s32 s6, $0x2;
	v22 =	vmov s10;
	s10 =	rddreg [dreg:$0x10]  }
0x4a: {  	s6 =	sshra.s32 s8, $0x2;
	s9 =	sshra.s32 s11, $0x2;
	s11 =	rddreg [dreg:$0x13]  }
0x4b: {  	s8 =	sshra.s32 s10, $0x2;
	s10 =	sshra.s32 s12, $0x2;
	s12 =	rddreg [dreg:$0x15]  }
0x4c: {  	v25 =	vmov s13;
	s13 =	rddreg [dreg:$0x17]  }
0x4d: {  	v26 =	vmov s4;
	s4 =	sshra.s32 s12, $0x2;
	s12 =	rddreg [dreg:$0x18]  }
0x4e: {  	v32 =	vmov s10;
	s10 =	rddreg [dreg:$0x19]  }
0x4f: {  	v24 =	vmov s0;
	s0 =	sshra.s32 s11, $0x2;
	s11 =	sshra.s32 s13, $0x2;
	s13 =	rddreg [dreg:$0x1a]  }
0x50: {  	v28 =	vmov s6;
	s6 =	sshra.s32 s12, $0x2;
	s12 =	rddreg [dreg:$0x1b]  }
0x51: {  	v27 =	vmov s5;
	s5 =	sshra.s32 s7, $0x2;
	s7 =	sshra.s32 s13, $0x2;
	s13 =	rddreg [dreg:$0x1d]  }
0x52: {  	v35 =	vmov s11;
	s11 =	rddreg [dreg:$0x1c]  }
0x53: {  	v31 =	vmov s9;
	s9 =	sshra.s32 s12, $0x2;
	s12 =	rddreg [dreg:$0x1e]  }
0x54: {  	v30 =	vmov s8;
	s8 =	sshra.s32 s10, $0x2;
	s10 =	sshra.s32 s13, $0x2;
	s13 =	sld [smem:$0x7F8]  }
0x55: {  	v38 =	vmov s7;
	s7 =	rddreg [dreg:$0x1f]  }
0x56: {  	v34 =	vmov s4;
	s4 =	sshra.s32 s12, $0x2;
	s12 =	sld [smem:$0x7F9]  }
0x57: {  	v33 =	vmov s0;
	s0 =	sshra.s32 s11, $0x2;
	s11 =	sshra.s32 s13, $0x2;
	s13 =	sld [smem:$0x7FA]  }
0x58: {  	v40 =	vmov s9;
	s9 =	sld [smem:$0x7FB]  }
0x59: {  	v37 =	vmov s6;
	s6 =	sshra.s32 s7, $0x2;
	v41 =	vmov s10;
	s10 =	sld [smem:$0x7FC]  }
0x5a: {  	s7 =	sshra.s32 s12, $0x2;
	s12 =	sshra.s32 s13, $0x2;
	s13 =	sld [smem:$0x7FD]  }
0x5b: {  	v36 =	vmov s5;
	v39 =	vmov s8  }
0x5c: {  	v42 =	vmov s0;
	v43 =	vmov s4;
	v45 =	vmov s6;
	s9 =	sshra.s32 s9, $0x2  }
0x5d: {  	s10 =	sshra.s32 s10, $0x2;
	v44 =	vmov s11;
	v46 =	vmov s7;
	v48 =	vmov s9;
	s13 =	sshra.s32 s13, $0x2  }
0x5e: {  	v49 =	vmov s10;
	v47 =	vmov s12;
	v50 =	vmov s13;
	_ =	sdelay $0x1  }
0x5f: {  	s5 =	simm.s32 $0x2000;
	s8 =	simm.s32 $0x3000;
	s0 =	simm.s32 $0x3  }
0x60: {  	s4 =	simm.s32 $0x1000;
	s6 =	simm.s32 $0x4000;
	s7 =	simm.s32 $0x1  }
0x61: {  	s9 =	simm.s32 $0x5000;
	s11 =	simm.s32 $0x0;
	s10 =	simm.s32 $0x2  }
.LBB2_1:
0x62: {  	s12 =	rddreg [dreg:$0x2]  }
0x63: {  	[tilespmem:s2], [sflag:$0x3] =	stream.linear.gather [hbm4b:s12+s2], $0x2000, $0x38;
	[tilespmem:$0x6000] =	vst v63  }
0x64: {  	_ =	swait.ge [sflag:s0], $0x2000  }
0x65: {  	[sflag:s0] =	ssyncset.done $0x0  }
0x66: {  	s13 =	simm.s32 $0x40;
	s12 =	simm.s32 $0x0;
	[sflag:s0] =	ssyncadd.s32 $0xFFFFE000  }
.LBB2_2:
0x67: {  	p0 =	sne.s32 s13, $0x3FC0;
	v51 =	vld.idx.msk [tilespmem:v26+s12+$0x0 ss:$0x1], $0xffff;
	_ =	sdelay $0x2  }
.Ltmp0:
0x68: {  	(pc) =	sbr.rel @p0 .LBB2_2-.Ltmp0, $3  }
0x69: {  	_ =	sdelay $0x1  }
0x6a: {  	v51 =	vadd.s32 v0, v51  }
0x6b: {  	[tilespmem:s12+$0x2000] =	vst v51;
	s12 =	sshra.s32 s13, $0x2;
	s13 =	sadd.s32 $0x40, s13  }
0x6c: {  	_ =	sdelay $0x3  }
0x6d: {  	v51 =	vld.idx.msk [tilespmem:v26+s12+$0x0 ss:$0x1], $0xffff;
	_ =	sdelay $0x4  }
0x6e: {  	v51 =	vadd.s32 v0, v51  }
0x6f: {  	s13 =	simm.s32 $0x40;
	[tilespmem:s12+$0x2000] =	vst v51;
	s12 =	simm.s32 $0x0  }
0x70: {  	[tilespmem:s6], [sflag:$0x1] =	stream.indirect.gather [hbm4b:s3+s4], $0x1, s5, s4, $0xb8;
	[tilespmem:$0x6000] =	vst v63  }
.LBB2_4:
0x71: {  	p0 =	sne.s32 s13, $0x3FC0;
	v51 =	vld.idx.msk [tilespmem:v26+s12+$0x0 ss:$0x1], $0xffff;
	_ =	sdelay $0x2  }
.Ltmp1:
0x72: {  	(pc) =	sbr.rel @p0 .LBB2_4-.Ltmp1, $3  }
0x73: {  	_ =	sdelay $0x1  }
0x74: {  	v51 =	vadd.s32 v1, v51  }
0x75: {  	[tilespmem:s12+$0x3000] =	vst v51;
	s12 =	sshra.s32 s13, $0x2;
	s13 =	sadd.s32 $0x40, s13  }
0x76: {  	_ =	sdelay $0x3  }
0x77: {  	v51 =	vld.idx.msk [tilespmem:v26+s12+$0x0 ss:$0x1], $0xffff;
	_ =	sdelay $0x4  }
0x78: {  	v51 =	vadd.s32 v1, v51  }
0x79: {  	[tilespmem:s12+$0x3000] =	vst v51  }
0x7a: {  	_ =	swait.ge [sflag:s7], $0x1000  }
0x7b: {  	[sflag:s7] =	ssyncset.done $0x0  }
0x7c: {  	s12 =	simm.s32 $0x0;
	s13 =	rddreg [dreg:$0x3];
	[sflag:s7] =	ssyncadd.s32 $0xFFFFF000  }
0x7d: {  	[hbm4b:s13+s12] =	stream.linear.scatter [tilespmem:s6], [sflag:$0x2], $0x1000, $0x38;
	[tilespmem:$0x6000] =	vst v63  }
0x7e: {  	s12 =	simm.s32 $0x0;
	s13 =	simm.s32 $0x40  }
0x7f: {  	[tilespmem:s9], [sflag:$0x1] =	stream.indirect.gather [hbm4b:s3+s4], $0x1, s8, s4, $0xb8;
	[tilespmem:$0x6000] =	vst v63  }
.LBB2_6:
0x80: {  	p0 =	sne.s32 s13, $0x3FC0;
	v51 =	vld.idx.msk [tilespmem:v27+s12+$0x0 ss:$0x1], $0xffff;
	_ =	sdelay $0x2  }
.Ltmp2:
0x81: {  	(pc) =	sbr.rel @p0 .LBB2_6-.Ltmp2, $3  }
0x82: {  	_ =	sdelay $0x1  }
0x83: {  	v51 =	vadd.s32 v2, v51  }
0x84: {  	[tilespmem:s12+$0x2000] =	vst v51;
	s12 =	sshra.s32 s13, $0x2;
	s13 =	sadd.s32 $0x40, s13  }
0x85: {  	_ =	sdelay $0x3  }
0x86: {  	v51 =	vld.idx.msk [tilespmem:v27+s12+$0x0 ss:$0x1], $0xffff;
	_ =	sdelay $0x4  }
0x87: {  	v51 =	vadd.s32 v2, v51  }
0x88: {  	[tilespmem:s12+$0x2000] =	vst v51  }
0x89: {  	_ =	swait.ge [sflag:s7], $0x1000  }
0x8a: {  	[sflag:s7] =	ssyncset.done $0x0  }
0x8b: {  	s12 =	simm.s32 $0x0;
	s13 =	rddreg [dreg:$0x4];
	[sflag:s7] =	ssyncadd.s32 $0xFFFFF000  }
0x8c: {  	[hbm4b:s13+s12] =	stream.linear.scatter [tilespmem:s9], [sflag:$0x2], $0x1000, $0x38;
	[tilespmem:$0x6000] =	vst v63  }
0x8d: {  	_ =	swait.ge [sflag:s10], $0x1000  }
0x8e: {  	[sflag:s10] =	ssyncset.done $0x0  }
0x8f: {  	s12 =	simm.s32 $0x0;
	s13 =	simm.s32 $0x40;
	[sflag:s10] =	ssyncadd.s32 $0xFFFFF000  }
0x90: {  	[tilespmem:s6], [sflag:$0x1] =	stream.indirect.gather [hbm4b:s3+s4], $0x1, s5, s4, $0xb8;
	[tilespmem:$0x6000] =	vst v63  }
.LBB2_8:
0x91: {  	p0 =	sne.s32 s13, $0x3FC0;
	v51 =	vld.idx.msk [tilespmem:v28+s12+$0x0 ss:$0x1], $0xffff;
	_ =	sdelay $0x2  }
.Ltmp3:
0x92: {  	(pc) =	sbr.rel @p0 .LBB2_8-.Ltmp3, $3  }
0x93: {  	_ =	sdelay $0x1  }
0x94: {  	v51 =	vadd.s32 v3, v51  }
0x95: {  	[tilespmem:s12+$0x3000] =	vst v51;
	s12 =	sshra.s32 s13, $0x2;
	s13 =	sadd.s32 $0x40, s13  }
0x96: {  	_ =	sdelay $0x3  }
0x97: {  	v51 =	vld.idx.msk [tilespmem:v28+s12+$0x0 ss:$0x1], $0xffff;
	_ =	sdelay $0x4  }
0x98: {  	v51 =	vadd.s32 v3, v51  }
0x99: {  	[tilespmem:s12+$0x3000] =	vst v51  }
0x9a: {  	_ =	swait.ge [sflag:s7], $0x1000  }
0x9b: {  	[sflag:s7] =	ssyncset.done $0x0  }
0x9c: {  	s12 =	simm.s32 $0x0;
	s13 =	rddreg [dreg:$0x5];
	[sflag:s7] =	ssyncadd.s32 $0xFFFFF000  }
0x9d: {  	[hbm4b:s13+s12] =	stream.linear.scatter [tilespmem:s6], [sflag:$0x2], $0x1000, $0x38;
	[tilespmem:$0x6000] =	vst v63  }
0x9e: {  	_ =	swait.ge [sflag:s10], $0x1000  }
0x9f: {  	[sflag:s10] =	ssyncset.done $0x0  }
0xa0: {  	s12 =	simm.s32 $0x0;
	s13 =	simm.s32 $0x40;
	[sflag:s10] =	ssyncadd.s32 $0xFFFFF000  }
0xa1: {  	[tilespmem:s9], [sflag:$0x1] =	stream.indirect.gather [hbm4b:s3+s4], $0x1, s8, s4, $0xb8;
	[tilespmem:$0x6000] =	vst v63  }
.LBB2_10:
0xa2: {  	p0 =	sne.s32 s13, $0x3FC0;
	v51 =	vld.idx.msk [tilespmem:v29+s12+$0x0 ss:$0x1], $0xffff;
	_ =	sdelay $0x2  }
.Ltmp4:
0xa3: {  	(pc) =	sbr.rel @p0 .LBB2_10-.Ltmp4, $3  }
0xa4: {  	_ =	sdelay $0x1  }
0xa5: {  	v51 =	vadd.s32 v4, v51  }
0xa6: {  	[tilespmem:s12+$0x2000] =	vst v51;
	s12 =	sshra.s32 s13, $0x2;
	s13 =	sadd.s32 $0x40, s13  }
0xa7: {  	_ =	sdelay $0x3  }
0xa8: {  	v51 =	vld.idx.msk [tilespmem:v29+s12+$0x0 ss:$0x1], $0xffff;
	_ =	sdelay $0x4  }
0xa9: {  	v51 =	vadd.s32 v4, v51  }
0xaa: {  	[tilespmem:s12+$0x2000] =	vst v51  }
0xab: {  	_ =	swait.ge [sflag:s7], $0x1000  }
0xac: {  	[sflag:s7] =	ssyncset.done $0x0  }
0xad: {  	s12 =	simm.s32 $0x0;
	s13 =	rddreg [dreg:$0x6];
	[sflag:s7] =	ssyncadd.s32 $0xFFFFF000  }
0xae: {  	[hbm4b:s13+s12] =	stream.linear.scatter [tilespmem:s9], [sflag:$0x2], $0x1000, $0x38;
	[tilespmem:$0x6000] =	vst v63  }
0xaf: {  	_ =	swait.ge [sflag:s10], $0x1000  }
0xb0: {  	[sflag:s10] =	ssyncset.done $0x0  }
0xb1: {  	s12 =	simm.s32 $0x0;
	s13 =	simm.s32 $0x40;
	[sflag:s10] =	ssyncadd.s32 $0xFFFFF000  }
0xb2: {  	[tilespmem:s6], [sflag:$0x1] =	stream.indirect.gather [hbm4b:s3+s4], $0x1, s5, s4, $0xb8;
	[tilespmem:$0x6000] =	vst v63  }
.LBB2_12:
0xb3: {  	p0 =	sne.s32 s13, $0x3FC0;
	v51 =	vld.idx.msk [tilespmem:v30+s12+$0x0 ss:$0x1], $0xffff;
	_ =	sdelay $0x2  }
.Ltmp5:
0xb4: {  	(pc) =	sbr.rel @p0 .LBB2_12-.Ltmp5, $3  }
0xb5: {  	_ =	sdelay $0x1  }
0xb6: {  	v51 =	vadd.s32 v5, v51  }
0xb7: {  	[tilespmem:s12+$0x3000] =	vst v51;
	s12 =	sshra.s32 s13, $0x2;
	s13 =	sadd.s32 $0x40, s13  }
0xb8: {  	_ =	sdelay $0x3  }
0xb9: {  	v51 =	vld.idx.msk [tilespmem:v30+s12+$0x0 ss:$0x1], $0xffff;
	_ =	sdelay $0x4  }
0xba: {  	v51 =	vadd.s32 v5, v51  }
0xbb: {  	[tilespmem:s12+$0x3000] =	vst v51  }
0xbc: {  	_ =	swait.ge [sflag:s7], $0x1000  }
0xbd: {  	[sflag:s7] =	ssyncset.done $0x0  }
0xbe: {  	s12 =	simm.s32 $0x0;
	s13 =	rddreg [dreg:$0x7];
	[sflag:s7] =	ssyncadd.s32 $0xFFFFF000  }
0xbf: {  	[hbm4b:s13+s12] =	stream.linear.scatter [tilespmem:s6], [sflag:$0x2], $0x1000, $0x38;
	[tilespmem:$0x6000] =	vst v63  }
0xc0: {  	_ =	swait.ge [sflag:s10], $0x1000  }
0xc1: {  	[sflag:s10] =	ssyncset.done $0x0  }
0xc2: {  	s12 =	simm.s32 $0x0;
	s13 =	simm.s32 $0x40;
	[sflag:s10] =	ssyncadd.s32 $0xFFFFF000  }
0xc3: {  	[tilespmem:s9], [sflag:$0x1] =	stream.indirect.gather [hbm4b:s3+s4], $0x1, s8, s4, $0xb8;
	[tilespmem:$0x6000] =	vst v63  }
.LBB2_14:
0xc4: {  	p0 =	sne.s32 s13, $0x3FC0;
	v51 =	vld.idx.msk [tilespmem:v31+s12+$0x0 ss:$0x1], $0xffff;
	_ =	sdelay $0x2  }
.Ltmp6:
0xc5: {  	(pc) =	sbr.rel @p0 .LBB2_14-.Ltmp6, $3  }
0xc6: {  	_ =	sdelay $0x1  }
0xc7: {  	v51 =	vadd.s32 v6, v51  }
0xc8: {  	[tilespmem:s12+$0x2000] =	vst v51;
	s12 =	sshra.s32 s13, $0x2;
	s13 =	sadd.s32 $0x40, s13  }
0xc9: {  	_ =	sdelay $0x3  }
0xca: {  	v51 =	vld.idx.msk [tilespmem:v31+s12+$0x0 ss:$0x1], $0xffff;
	_ =	sdelay $0x4  }
0xcb: {  	v51 =	vadd.s32 v6, v51  }
0xcc: {  	[tilespmem:s12+$0x2000] =	vst v51  }
0xcd: {  	_ =	swait.ge [sflag:s7], $0x1000  }
0xce: {  	[sflag:s7] =	ssyncset.done $0x0  }
0xcf: {  	s12 =	simm.s32 $0x0;
	s13 =	rddreg [dreg:$0x8];
	[sflag:s7] =	ssyncadd.s32 $0xFFFFF000  }
0xd0: {  	[hbm4b:s13+s12] =	stream.linear.scatter [tilespmem:s9], [sflag:$0x2], $0x1000, $0x38;
	[tilespmem:$0x6000] =	vst v63  }
0xd1: {  	_ =	swait.ge [sflag:s10], $0x1000  }
0xd2: {  	[sflag:s10] =	ssyncset.done $0x0  }
0xd3: {  	s12 =	simm.s32 $0x0;
	s13 =	simm.s32 $0x40;
	[sflag:s10] =	ssyncadd.s32 $0xFFFFF000  }
0xd4: {  	[tilespmem:s6], [sflag:$0x1] =	stream.indirect.gather [hbm4b:s3+s4], $0x1, s5, s4, $0xb8;
	[tilespmem:$0x6000] =	vst v63  }
.LBB2_16:
0xd5: {  	p0 =	sne.s32 s13, $0x3FC0;
	v51 =	vld.idx.msk [tilespmem:v32+s12+$0x0 ss:$0x1], $0xffff;
	_ =	sdelay $0x2  }
.Ltmp7:
0xd6: {  	(pc) =	sbr.rel @p0 .LBB2_16-.Ltmp7, $3  }
0xd7: {  	_ =	sdelay $0x1  }
0xd8: {  	v51 =	vadd.s32 v7, v51  }
0xd9: {  	[tilespmem:s12+$0x3000] =	vst v51;
	s12 =	sshra.s32 s13, $0x2;
	s13 =	sadd.s32 $0x40, s13  }
0xda: {  	_ =	sdelay $0x3  }
0xdb: {  	v51 =	vld.idx.msk [tilespmem:v32+s12+$0x0 ss:$0x1], $0xffff;
	_ =	sdelay $0x4  }
0xdc: {  	v51 =	vadd.s32 v7, v51  }
0xdd: {  	[tilespmem:s12+$0x3000] =	vst v51  }
0xde: {  	_ =	swait.ge [sflag:s7], $0x1000  }
0xdf: {  	[sflag:s7] =	ssyncset.done $0x0  }
0xe0: {  	s12 =	simm.s32 $0x0;
	s13 =	rddreg [dreg:$0x9];
	[sflag:s7] =	ssyncadd.s32 $0xFFFFF000  }
0xe1: {  	[hbm4b:s13+s12] =	stream.linear.scatter [tilespmem:s6], [sflag:$0x2], $0x1000, $0x38;
	[tilespmem:$0x6000] =	vst v63  }
0xe2: {  	_ =	swait.ge [sflag:s10], $0x1000  }
0xe3: {  	[sflag:s10] =	ssyncset.done $0x0  }
0xe4: {  	s12 =	simm.s32 $0x0;
	s13 =	simm.s32 $0x40;
	[sflag:s10] =	ssyncadd.s32 $0xFFFFF000  }
0xe5: {  	[tilespmem:s9], [sflag:$0x1] =	stream.indirect.gather [hbm4b:s3+s4], $0x1, s8, s4, $0xb8;
	[tilespmem:$0x6000] =	vst v63  }
.LBB2_18:
0xe6: {  	p0 =	sne.s32 s13, $0x3FC0;
	v51 =	vld.idx.msk [tilespmem:v33+s12+$0x0 ss:$0x1], $0xffff;
	_ =	sdelay $0x2  }
.Ltmp8:
0xe7: {  	(pc) =	sbr.rel @p0 .LBB2_18-.Ltmp8, $3  }
0xe8: {  	_ =	sdelay $0x1  }
0xe9: {  	v51 =	vadd.s32 v8, v51  }
0xea: {  	[tilespmem:s12+$0x2000] =	vst v51;
	s12 =	sshra.s32 s13, $0x2;
	s13 =	sadd.s32 $0x40, s13  }
0xeb: {  	_ =	sdelay $0x3  }
0xec: {  	v51 =	vld.idx.msk [tilespmem:v33+s12+$0x0 ss:$0x1], $0xffff;
	_ =	sdelay $0x4  }
0xed: {  	v51 =	vadd.s32 v8, v51  }
0xee: {  	[tilespmem:s12+$0x2000] =	vst v51  }
0xef: {  	_ =	swait.ge [sflag:s7], $0x1000  }
0xf0: {  	[sflag:s7] =	ssyncset.done $0x0  }
0xf1: {  	s12 =	simm.s32 $0x0;
	s13 =	rddreg [dreg:$0xa];
	[sflag:s7] =	ssyncadd.s32 $0xFFFFF000  }
0xf2: {  	[hbm4b:s13+s12] =	stream.linear.scatter [tilespmem:s9], [sflag:$0x2], $0x1000, $0x38;
	[tilespmem:$0x6000] =	vst v63  }
0xf3: {  	_ =	swait.ge [sflag:s10], $0x1000  }
0xf4: {  	[sflag:s10] =	ssyncset.done $0x0  }
0xf5: {  	s12 =	simm.s32 $0x0;
	s13 =	simm.s32 $0x40;
	[sflag:s10] =	ssyncadd.s32 $0xFFFFF000  }
0xf6: {  	[tilespmem:s6], [sflag:$0x1] =	stream.indirect.gather [hbm4b:s3+s4], $0x1, s5, s4, $0xb8;
	[tilespmem:$0x6000] =	vst v63  }
.LBB2_20:
0xf7: {  	p0 =	sne.s32 s13, $0x3FC0;
	v51 =	vld.idx.msk [tilespmem:v34+s12+$0x0 ss:$0x1], $0xffff;
	_ =	sdelay $0x2  }
.Ltmp9:
0xf8: {  	(pc) =	sbr.rel @p0 .LBB2_20-.Ltmp9, $3  }
0xf9: {  	_ =	sdelay $0x1  }
0xfa: {  	v51 =	vadd.s32 v9, v51  }
0xfb: {  	[tilespmem:s12+$0x3000] =	vst v51;
	s12 =	sshra.s32 s13, $0x2;
	s13 =	sadd.s32 $0x40, s13  }
0xfc: {  	_ =	sdelay $0x3  }
0xfd: {  	v51 =	vld.idx.msk [tilespmem:v34+s12+$0x0 ss:$0x1], $0xffff;
	_ =	sdelay $0x4  }
0xfe: {  	v51 =	vadd.s32 v9, v51  }
0xff: {  	[tilespmem:s12+$0x3000] =	vst v51  }
0x100: {  	_ =	swait.ge [sflag:s7], $0x1000  }
0x101: {  	[sflag:s7] =	ssyncset.done $0x0  }
0x102: {  	s12 =	simm.s32 $0x0;
	s13 =	rddreg [dreg:$0xb];
	[sflag:s7] =	ssyncadd.s32 $0xFFFFF000  }
0x103: {  	[hbm4b:s13+s12] =	stream.linear.scatter [tilespmem:s6], [sflag:$0x2], $0x1000, $0x38;
	[tilespmem:$0x6000] =	vst v63  }
0x104: {  	_ =	swait.ge [sflag:s10], $0x1000  }
0x105: {  	[sflag:s10] =	ssyncset.done $0x0  }
0x106: {  	s12 =	simm.s32 $0x0;
	s13 =	simm.s32 $0x40;
	[sflag:s10] =	ssyncadd.s32 $0xFFFFF000  }
0x107: {  	[tilespmem:s9], [sflag:$0x1] =	stream.indirect.gather [hbm4b:s3+s4], $0x1, s8, s4, $0xb8;
	[tilespmem:$0x6000] =	vst v63  }
.LBB2_22:
0x108: {  	p0 =	sne.s32 s13, $0x3FC0;
	v51 =	vld.idx.msk [tilespmem:v35+s12+$0x0 ss:$0x1], $0xffff;
	_ =	sdelay $0x2  }
.Ltmp10:
0x109: {  	(pc) =	sbr.rel @p0 .LBB2_22-.Ltmp10, $3  }
0x10a: {  	_ =	sdelay $0x1  }
0x10b: {  	v51 =	vadd.s32 v10, v51  }
0x10c: {  	[tilespmem:s12+$0x2000] =	vst v51;
	s12 =	sshra.s32 s13, $0x2;
	s13 =	sadd.s32 $0x40, s13  }
0x10d: {  	_ =	sdelay $0x3  }
0x10e: {  	v51 =	vld.idx.msk [tilespmem:v35+s12+$0x0 ss:$0x1], $0xffff;
	_ =	sdelay $0x4  }
0x10f: {  	v51 =	vadd.s32 v10, v51  }
0x110: {  	[tilespmem:s12+$0x2000] =	vst v51  }
0x111: {  	_ =	swait.ge [sflag:s7], $0x1000  }
0x112: {  	[sflag:s7] =	ssyncset.done $0x0  }
0x113: {  	s13 =	simm.s32 $0x0;
	[sflag:s7] =	ssyncadd.s32 $0xFFFFF000  }
0x114: {  	[hbm4b:s14+s13] =	stream.linear.scatter [tilespmem:s9], [sflag:$0x2], $0x1000, $0x38;
	[tilespmem:$0x6000] =	vst v63  }
0x115: {  	_ =	swait.ge [sflag:s10], $0x1000  }
0x116: {  	[sflag:s10] =	ssyncset.done $0x0  }
0x117: {  	s12 =	simm.s32 $0x0;
	s13 =	simm.s32 $0x40;
	[sflag:s10] =	ssyncadd.s32 $0xFFFFF000  }
0x118: {  	[tilespmem:s6], [sflag:$0x1] =	stream.indirect.gather [hbm4b:s3+s4], $0x1, s5, s4, $0xb8;
	[tilespmem:$0x6000] =	vst v63  }
.LBB2_24:
0x119: {  	p0 =	sne.s32 s13, $0x3FC0;
	v51 =	vld.idx.msk [tilespmem:v36+s12+$0x0 ss:$0x1], $0xffff;
	_ =	sdelay $0x2  }
.Ltmp11:
0x11a: {  	(pc) =	sbr.rel @p0 .LBB2_24-.Ltmp11, $3  }
0x11b: {  	_ =	sdelay $0x1  }
0x11c: {  	v51 =	vadd.s32 v11, v51  }
0x11d: {  	[tilespmem:s12+$0x3000] =	vst v51;
	s12 =	sshra.s32 s13, $0x2;
	s13 =	sadd.s32 $0x40, s13  }
0x11e: {  	_ =	sdelay $0x3  }
0x11f: {  	v51 =	vld.idx.msk [tilespmem:v36+s12+$0x0 ss:$0x1], $0xffff;
	_ =	sdelay $0x4  }
0x120: {  	v51 =	vadd.s32 v11, v51  }
0x121: {  	[tilespmem:s12+$0x3000] =	vst v51  }
0x122: {  	_ =	swait.ge [sflag:s7], $0x1000  }
0x123: {  	[sflag:s7] =	ssyncset.done $0x0  }
0x124: {  	s13 =	simm.s32 $0x0;
	[sflag:s7] =	ssyncadd.s32 $0xFFFFF000  }
0x125: {  	[hbm4b:s15+s13] =	stream.linear.scatter [tilespmem:s6], [sflag:$0x2], $0x1000, $0x38;
	[tilespmem:$0x6000] =	vst v63  }
0x126: {  	_ =	swait.ge [sflag:s10], $0x1000  }
0x127: {  	[sflag:s10] =	ssyncset.done $0x0  }
0x128: {  	s12 =	simm.s32 $0x0;
	s13 =	simm.s32 $0x40;
	[sflag:s10] =	ssyncadd.s32 $0xFFFFF000  }
0x129: {  	[tilespmem:s9], [sflag:$0x1] =	stream.indirect.gather [hbm4b:s3+s4], $0x1, s8, s4, $0xb8;
	[tilespmem:$0x6000] =	vst v63  }
.LBB2_26:
0x12a: {  	p0 =	sne.s32 s13, $0x3FC0;
	v51 =	vld.idx.msk [tilespmem:v37+s12+$0x0 ss:$0x1], $0xffff;
	_ =	sdelay $0x2  }
.Ltmp12:
0x12b: {  	(pc) =	sbr.rel @p0 .LBB2_26-.Ltmp12, $3  }
0x12c: {  	_ =	sdelay $0x1  }
0x12d: {  	v51 =	vadd.s32 v12, v51  }
0x12e: {  	[tilespmem:s12+$0x2000] =	vst v51;
	s12 =	sshra.s32 s13, $0x2;
	s13 =	sadd.s32 $0x40, s13  }
0x12f: {  	_ =	sdelay $0x3  }
0x130: {  	v51 =	vld.idx.msk [tilespmem:v37+s12+$0x0 ss:$0x1], $0xffff;
	_ =	sdelay $0x4  }
0x131: {  	v51 =	vadd.s32 v12, v51  }
0x132: {  	[tilespmem:s12+$0x2000] =	vst v51  }
0x133: {  	_ =	swait.ge [sflag:s7], $0x1000  }
0x134: {  	[sflag:s7] =	ssyncset.done $0x0  }
0x135: {  	s13 =	simm.s32 $0x0;
	[sflag:s7] =	ssyncadd.s32 $0xFFFFF000  }
0x136: {  	[hbm4b:s16+s13] =	stream.linear.scatter [tilespmem:s9], [sflag:$0x2], $0x1000, $0x38;
	[tilespmem:$0x6000] =	vst v63  }
0x137: {  	_ =	swait.ge [sflag:s10], $0x1000  }
0x138: {  	[sflag:s10] =	ssyncset.done $0x0  }
0x139: {  	s12 =	simm.s32 $0x0;
	s13 =	simm.s32 $0x40;
	[sflag:s10] =	ssyncadd.s32 $0xFFFFF000  }
0x13a: {  	[tilespmem:s6], [sflag:$0x1] =	stream.indirect.gather [hbm4b:s3+s4], $0x1, s5, s4, $0xb8;
	[tilespmem:$0x6000] =	vst v63  }
.LBB2_28:
0x13b: {  	p0 =	sne.s32 s13, $0x3FC0;
	v51 =	vld.idx.msk [tilespmem:v38+s12+$0x0 ss:$0x1], $0xffff;
	_ =	sdelay $0x2  }
.Ltmp13:
0x13c: {  	(pc) =	sbr.rel @p0 .LBB2_28-.Ltmp13, $3  }
0x13d: {  	_ =	sdelay $0x1  }
0x13e: {  	v51 =	vadd.s32 v13, v51  }
0x13f: {  	[tilespmem:s12+$0x3000] =	vst v51;
	s12 =	sshra.s32 s13, $0x2;
	s13 =	sadd.s32 $0x40, s13  }
0x140: {  	_ =	sdelay $0x3  }
0x141: {  	v51 =	vld.idx.msk [tilespmem:v38+s12+$0x0 ss:$0x1], $0xffff;
	_ =	sdelay $0x4  }
0x142: {  	v51 =	vadd.s32 v13, v51  }
0x143: {  	[tilespmem:s12+$0x3000] =	vst v51  }
0x144: {  	_ =	swait.ge [sflag:s7], $0x1000  }
0x145: {  	[sflag:s7] =	ssyncset.done $0x0  }
0x146: {  	s13 =	simm.s32 $0x0;
	[sflag:s7] =	ssyncadd.s32 $0xFFFFF000  }
0x147: {  	[hbm4b:s17+s13] =	stream.linear.scatter [tilespmem:s6], [sflag:$0x2], $0x1000, $0x38;
	[tilespmem:$0x6000] =	vst v63  }
0x148: {  	_ =	swait.ge [sflag:s10], $0x1000  }
0x149: {  	[sflag:s10] =	ssyncset.done $0x0  }
0x14a: {  	s12 =	simm.s32 $0x0;
	s13 =	simm.s32 $0x40;
	[sflag:s10] =	ssyncadd.s32 $0xFFFFF000  }
0x14b: {  	[tilespmem:s9], [sflag:$0x1] =	stream.indirect.gather [hbm4b:s3+s4], $0x1, s8, s4, $0xb8;
	[tilespmem:$0x6000] =	vst v63  }
.LBB2_30:
0x14c: {  	p0 =	sne.s32 s13, $0x3FC0;
	v51 =	vld.idx.msk [tilespmem:v39+s12+$0x0 ss:$0x1], $0xffff;
	_ =	sdelay $0x2  }
.Ltmp14:
0x14d: {  	(pc) =	sbr.rel @p0 .LBB2_30-.Ltmp14, $3  }
0x14e: {  	_ =	sdelay $0x1  }
0x14f: {  	v51 =	vadd.s32 v14, v51  }
0x150: {  	[tilespmem:s12+$0x2000] =	vst v51;
	s12 =	sshra.s32 s13, $0x2;
	s13 =	sadd.s32 $0x40, s13  }
0x151: {  	_ =	sdelay $0x3  }
0x152: {  	v51 =	vld.idx.msk [tilespmem:v39+s12+$0x0 ss:$0x1], $0xffff;
	_ =	sdelay $0x4  }
0x153: {  	v51 =	vadd.s32 v14, v51  }
0x154: {  	[tilespmem:s12+$0x2000] =	vst v51  }
0x155: {  	_ =	swait.ge [sflag:s7], $0x1000  }
0x156: {  	[sflag:s7] =	ssyncset.done $0x0  }
0x157: {  	s13 =	simm.s32 $0x0;
	[sflag:s7] =	ssyncadd.s32 $0xFFFFF000  }
0x158: {  	[hbm4b:s18+s13] =	stream.linear.scatter [tilespmem:s9], [sflag:$0x2], $0x1000, $0x38;
	[tilespmem:$0x6000] =	vst v63  }
0x159: {  	_ =	swait.ge [sflag:s10], $0x1000  }
0x15a: {  	[sflag:s10] =	ssyncset.done $0x0  }
0x15b: {  	s12 =	simm.s32 $0x0;
	s13 =	simm.s32 $0x40;
	[sflag:s10] =	ssyncadd.s32 $0xFFFFF000  }
0x15c: {  	[tilespmem:s6], [sflag:$0x1] =	stream.indirect.gather [hbm4b:s3+s4], $0x1, s5, s4, $0xb8;
	[tilespmem:$0x6000] =	vst v63  }
.LBB2_32:
0x15d: {  	p0 =	sne.s32 s13, $0x3FC0;
	v51 =	vld.idx.msk [tilespmem:v40+s12+$0x0 ss:$0x1], $0xffff;
	_ =	sdelay $0x2  }
.Ltmp15:
0x15e: {  	(pc) =	sbr.rel @p0 .LBB2_32-.Ltmp15, $3  }
0x15f: {  	_ =	sdelay $0x1  }
0x160: {  	v51 =	vadd.s32 v15, v51  }
0x161: {  	[tilespmem:s12+$0x3000] =	vst v51;
	s12 =	sshra.s32 s13, $0x2;
	s13 =	sadd.s32 $0x40, s13  }
0x162: {  	_ =	sdelay $0x3  }
0x163: {  	v51 =	vld.idx.msk [tilespmem:v40+s12+$0x0 ss:$0x1], $0xffff;
	_ =	sdelay $0x4  }
0x164: {  	v51 =	vadd.s32 v15, v51  }
0x165: {  	[tilespmem:s12+$0x3000] =	vst v51  }
0x166: {  	_ =	swait.ge [sflag:s7], $0x1000  }
0x167: {  	[sflag:s7] =	ssyncset.done $0x0  }
0x168: {  	s13 =	simm.s32 $0x0;
	[sflag:s7] =	ssyncadd.s32 $0xFFFFF000  }
0x169: {  	[hbm4b:s19+s13] =	stream.linear.scatter [tilespmem:s6], [sflag:$0x2], $0x1000, $0x38;
	[tilespmem:$0x6000] =	vst v63  }
0x16a: {  	_ =	swait.ge [sflag:s10], $0x1000  }
0x16b: {  	[sflag:s10] =	ssyncset.done $0x0  }
0x16c: {  	s12 =	simm.s32 $0x0;
	s13 =	simm.s32 $0x40;
	[sflag:s10] =	ssyncadd.s32 $0xFFFFF000  }
0x16d: {  	[tilespmem:s9], [sflag:$0x1] =	stream.indirect.gather [hbm4b:s3+s4], $0x1, s8, s4, $0xb8;
	[tilespmem:$0x6000] =	vst v63  }
.LBB2_34:
0x16e: {  	p0 =	sne.s32 s13, $0x3FC0;
	v51 =	vld.idx.msk [tilespmem:v41+s12+$0x0 ss:$0x1], $0xffff;
	_ =	sdelay $0x2  }
.Ltmp16:
0x16f: {  	(pc) =	sbr.rel @p0 .LBB2_34-.Ltmp16, $3  }
0x170: {  	_ =	sdelay $0x1  }
0x171: {  	v51 =	vadd.s32 v16, v51  }
0x172: {  	[tilespmem:s12+$0x2000] =	vst v51;
	s12 =	sshra.s32 s13, $0x2;
	s13 =	sadd.s32 $0x40, s13  }
0x173: {  	_ =	sdelay $0x3  }
0x174: {  	v51 =	vld.idx.msk [tilespmem:v41+s12+$0x0 ss:$0x1], $0xffff;
	_ =	sdelay $0x4  }
0x175: {  	v51 =	vadd.s32 v16, v51  }
0x176: {  	[tilespmem:s12+$0x2000] =	vst v51  }
0x177: {  	_ =	swait.ge [sflag:s7], $0x1000  }
0x178: {  	[sflag:s7] =	ssyncset.done $0x0  }
0x179: {  	s13 =	simm.s32 $0x0;
	[sflag:s7] =	ssyncadd.s32 $0xFFFFF000  }
0x17a: {  	[hbm4b:s20+s13] =	stream.linear.scatter [tilespmem:s9], [sflag:$0x2], $0x1000, $0x38;
	[tilespmem:$0x6000] =	vst v63  }
0x17b: {  	_ =	swait.ge [sflag:s10], $0x1000  }
0x17c: {  	[sflag:s10] =	ssyncset.done $0x0  }
0x17d: {  	s12 =	simm.s32 $0x0;
	s13 =	simm.s32 $0x40;
	[sflag:s10] =	ssyncadd.s32 $0xFFFFF000  }
0x17e: {  	[tilespmem:s6], [sflag:$0x1] =	stream.indirect.gather [hbm4b:s3+s4], $0x1, s5, s4, $0xb8;
	[tilespmem:$0x6000] =	vst v63  }
.LBB2_36:
0x17f: {  	p0 =	sne.s32 s13, $0x3FC0;
	v51 =	vld.idx.msk [tilespmem:v42+s12+$0x0 ss:$0x1], $0xffff;
	_ =	sdelay $0x2  }
.Ltmp17:
0x180: {  	(pc) =	sbr.rel @p0 .LBB2_36-.Ltmp17, $3  }
0x181: {  	_ =	sdelay $0x1  }
0x182: {  	v51 =	vadd.s32 v17, v51  }
0x183: {  	[tilespmem:s12+$0x3000] =	vst v51;
	s12 =	sshra.s32 s13, $0x2;
	s13 =	sadd.s32 $0x40, s13  }
0x184: {  	_ =	sdelay $0x3  }
0x185: {  	v51 =	vld.idx.msk [tilespmem:v42+s12+$0x0 ss:$0x1], $0xffff;
	_ =	sdelay $0x4  }
0x186: {  	v51 =	vadd.s32 v17, v51  }
0x187: {  	[tilespmem:s12+$0x3000] =	vst v51  }
0x188: {  	_ =	swait.ge [sflag:s7], $0x1000  }
0x189: {  	[sflag:s7] =	ssyncset.done $0x0  }
0x18a: {  	s13 =	simm.s32 $0x0;
	[sflag:s7] =	ssyncadd.s32 $0xFFFFF000  }
0x18b: {  	[hbm4b:s21+s13] =	stream.linear.scatter [tilespmem:s6], [sflag:$0x2], $0x1000, $0x38;
	[tilespmem:$0x6000] =	vst v63  }
0x18c: {  	_ =	swait.ge [sflag:s10], $0x1000  }
0x18d: {  	[sflag:s10] =	ssyncset.done $0x0  }
0x18e: {  	s12 =	simm.s32 $0x0;
	s13 =	simm.s32 $0x40;
	[sflag:s10] =	ssyncadd.s32 $0xFFFFF000  }
0x18f: {  	[tilespmem:s9], [sflag:$0x1] =	stream.indirect.gather [hbm4b:s3+s4], $0x1, s8, s4, $0xb8;
	[tilespmem:$0x6000] =	vst v63  }
.LBB2_38:
0x190: {  	p0 =	sne.s32 s13, $0x3FC0;
	v51 =	vld.idx.msk [tilespmem:v43+s12+$0x0 ss:$0x1], $0xffff;
	_ =	sdelay $0x2  }
.Ltmp18:
0x191: {  	(pc) =	sbr.rel @p0 .LBB2_38-.Ltmp18, $3  }
0x192: {  	_ =	sdelay $0x1  }
0x193: {  	v51 =	vadd.s32 v18, v51  }
0x194: {  	[tilespmem:s12+$0x2000] =	vst v51;
	s12 =	sshra.s32 s13, $0x2;
	s13 =	sadd.s32 $0x40, s13  }
0x195: {  	_ =	sdelay $0x3  }
0x196: {  	v51 =	vld.idx.msk [tilespmem:v43+s12+$0x0 ss:$0x1], $0xffff;
	_ =	sdelay $0x4  }
0x197: {  	v51 =	vadd.s32 v18, v51  }
0x198: {  	[tilespmem:s12+$0x2000] =	vst v51  }
0x199: {  	_ =	swait.ge [sflag:s7], $0x1000  }
0x19a: {  	[sflag:s7] =	ssyncset.done $0x0  }
0x19b: {  	s13 =	simm.s32 $0x0;
	[sflag:s7] =	ssyncadd.s32 $0xFFFFF000  }
0x19c: {  	[hbm4b:s22+s13] =	stream.linear.scatter [tilespmem:s9], [sflag:$0x2], $0x1000, $0x38;
	[tilespmem:$0x6000] =	vst v63  }
0x19d: {  	_ =	swait.ge [sflag:s10], $0x1000  }
0x19e: {  	[sflag:s10] =	ssyncset.done $0x0  }
0x19f: {  	s12 =	simm.s32 $0x0;
	s13 =	simm.s32 $0x40;
	[sflag:s10] =	ssyncadd.s32 $0xFFFFF000  }
0x1a0: {  	[tilespmem:s6], [sflag:$0x1] =	stream.indirect.gather [hbm4b:s3+s4], $0x1, s5, s4, $0xb8;
	[tilespmem:$0x6000] =	vst v63  }
.LBB2_40:
0x1a1: {  	p0 =	sne.s32 s13, $0x3FC0;
	v51 =	vld.idx.msk [tilespmem:v44+s12+$0x0 ss:$0x1], $0xffff;
	_ =	sdelay $0x2  }
.Ltmp19:
0x1a2: {  	(pc) =	sbr.rel @p0 .LBB2_40-.Ltmp19, $3  }
0x1a3: {  	_ =	sdelay $0x1  }
0x1a4: {  	v51 =	vadd.s32 v19, v51  }
0x1a5: {  	[tilespmem:s12+$0x3000] =	vst v51;
	s12 =	sshra.s32 s13, $0x2;
	s13 =	sadd.s32 $0x40, s13  }
0x1a6: {  	_ =	sdelay $0x3  }
0x1a7: {  	v51 =	vld.idx.msk [tilespmem:v44+s12+$0x0 ss:$0x1], $0xffff;
	_ =	sdelay $0x4  }
0x1a8: {  	v51 =	vadd.s32 v19, v51  }
0x1a9: {  	[tilespmem:s12+$0x3000] =	vst v51  }
0x1aa: {  	_ =	swait.ge [sflag:s7], $0x1000  }
0x1ab: {  	[sflag:s7] =	ssyncset.done $0x0  }
0x1ac: {  	s13 =	simm.s32 $0x0;
	[sflag:s7] =	ssyncadd.s32 $0xFFFFF000  }
0x1ad: {  	[hbm4b:s23+s13] =	stream.linear.scatter [tilespmem:s6], [sflag:$0x2], $0x1000, $0x38;
	[tilespmem:$0x6000] =	vst v63  }
0x1ae: {  	_ =	swait.ge [sflag:s10], $0x1000  }
0x1af: {  	[sflag:s10] =	ssyncset.done $0x0  }
0x1b0: {  	s12 =	simm.s32 $0x0;
	s13 =	simm.s32 $0x40;
	[sflag:s10] =	ssyncadd.s32 $0xFFFFF000  }
0x1b1: {  	[tilespmem:s9], [sflag:$0x1] =	stream.indirect.gather [hbm4b:s3+s4], $0x1, s8, s4, $0xb8;
	[tilespmem:$0x6000] =	vst v63  }
.LBB2_42:
0x1b2: {  	p0 =	sne.s32 s13, $0x3FC0;
	v51 =	vld.idx.msk [tilespmem:v45+s12+$0x0 ss:$0x1], $0xffff;
	_ =	sdelay $0x2  }
.Ltmp20:
0x1b3: {  	(pc) =	sbr.rel @p0 .LBB2_42-.Ltmp20, $3  }
0x1b4: {  	_ =	sdelay $0x1  }
0x1b5: {  	v51 =	vadd.s32 v20, v51  }
0x1b6: {  	[tilespmem:s12+$0x2000] =	vst v51;
	s12 =	sshra.s32 s13, $0x2;
	s13 =	sadd.s32 $0x40, s13  }
0x1b7: {  	_ =	sdelay $0x3  }
0x1b8: {  	v51 =	vld.idx.msk [tilespmem:v45+s12+$0x0 ss:$0x1], $0xffff;
	_ =	sdelay $0x4  }
0x1b9: {  	v51 =	vadd.s32 v20, v51  }
0x1ba: {  	[tilespmem:s12+$0x2000] =	vst v51  }
0x1bb: {  	_ =	swait.ge [sflag:s7], $0x1000  }
0x1bc: {  	[sflag:s7] =	ssyncset.done $0x0  }
0x1bd: {  	s13 =	simm.s32 $0x0;
	[sflag:s7] =	ssyncadd.s32 $0xFFFFF000  }
0x1be: {  	[hbm4b:s24+s13] =	stream.linear.scatter [tilespmem:s9], [sflag:$0x2], $0x1000, $0x38;
	[tilespmem:$0x6000] =	vst v63  }
0x1bf: {  	_ =	swait.ge [sflag:s10], $0x1000  }
0x1c0: {  	[sflag:s10] =	ssyncset.done $0x0  }
0x1c1: {  	s12 =	simm.s32 $0x0;
	s13 =	simm.s32 $0x40;
	[sflag:s10] =	ssyncadd.s32 $0xFFFFF000  }
0x1c2: {  	[tilespmem:s6], [sflag:$0x1] =	stream.indirect.gather [hbm4b:s3+s4], $0x1, s5, s4, $0xb8;
	[tilespmem:$0x6000] =	vst v63  }
.LBB2_44:
0x1c3: {  	p0 =	sne.s32 s13, $0x3FC0;
	v51 =	vld.idx.msk [tilespmem:v46+s12+$0x0 ss:$0x1], $0xffff;
	_ =	sdelay $0x2  }
.Ltmp21:
0x1c4: {  	(pc) =	sbr.rel @p0 .LBB2_44-.Ltmp21, $3  }
0x1c5: {  	_ =	sdelay $0x1  }
0x1c6: {  	v51 =	vadd.s32 v21, v51  }
0x1c7: {  	[tilespmem:s12+$0x3000] =	vst v51;
	s12 =	sshra.s32 s13, $0x2;
	s13 =	sadd.s32 $0x40, s13  }
0x1c8: {  	_ =	sdelay $0x3  }
0x1c9: {  	v51 =	vld.idx.msk [tilespmem:v46+s12+$0x0 ss:$0x1], $0xffff;
	_ =	sdelay $0x4  }
0x1ca: {  	v51 =	vadd.s32 v21, v51  }
0x1cb: {  	[tilespmem:s12+$0x3000] =	vst v51  }
0x1cc: {  	_ =	swait.ge [sflag:s7], $0x1000  }
0x1cd: {  	[sflag:s7] =	ssyncset.done $0x0  }
0x1ce: {  	s13 =	simm.s32 $0x0;
	[sflag:s7] =	ssyncadd.s32 $0xFFFFF000  }
0x1cf: {  	[hbm4b:s25+s13] =	stream.linear.scatter [tilespmem:s6], [sflag:$0x2], $0x1000, $0x38;
	[tilespmem:$0x6000] =	vst v63  }
0x1d0: {  	_ =	swait.ge [sflag:s10], $0x1000  }
0x1d1: {  	[sflag:s10] =	ssyncset.done $0x0  }
0x1d2: {  	s12 =	simm.s32 $0x0;
	s13 =	simm.s32 $0x40;
	[sflag:s10] =	ssyncadd.s32 $0xFFFFF000  }
0x1d3: {  	[tilespmem:s9], [sflag:$0x1] =	stream.indirect.gather [hbm4b:s3+s4], $0x1, s8, s4, $0xb8;
	[tilespmem:$0x6000] =	vst v63  }
.LBB2_46:
0x1d4: {  	p0 =	sne.s32 s13, $0x3FC0;
	v51 =	vld.idx.msk [tilespmem:v47+s12+$0x0 ss:$0x1], $0xffff;
	_ =	sdelay $0x2  }
.Ltmp22:
0x1d5: {  	(pc) =	sbr.rel @p0 .LBB2_46-.Ltmp22, $3  }
0x1d6: {  	_ =	sdelay $0x1  }
0x1d7: {  	v51 =	vadd.s32 v22, v51  }
0x1d8: {  	[tilespmem:s12+$0x2000] =	vst v51;
	s12 =	sshra.s32 s13, $0x2;
	s13 =	sadd.s32 $0x40, s13  }
0x1d9: {  	_ =	sdelay $0x3  }
0x1da: {  	v51 =	vld.idx.msk [tilespmem:v47+s12+$0x0 ss:$0x1], $0xffff;
	_ =	sdelay $0x4  }
0x1db: {  	v51 =	vadd.s32 v22, v51  }
0x1dc: {  	[tilespmem:s12+$0x2000] =	vst v51  }
0x1dd: {  	_ =	swait.ge [sflag:s7], $0x1000  }
0x1de: {  	[sflag:s7] =	ssyncset.done $0x0  }
0x1df: {  	s13 =	simm.s32 $0x0;
	[sflag:s7] =	ssyncadd.s32 $0xFFFFF000  }
0x1e0: {  	[hbm4b:s26+s13] =	stream.linear.scatter [tilespmem:s9], [sflag:$0x2], $0x1000, $0x38;
	[tilespmem:$0x6000] =	vst v63  }
0x1e1: {  	_ =	swait.ge [sflag:s10], $0x1000  }
0x1e2: {  	[sflag:s10] =	ssyncset.done $0x0  }
0x1e3: {  	s12 =	simm.s32 $0x0;
	s13 =	simm.s32 $0x40;
	[sflag:s10] =	ssyncadd.s32 $0xFFFFF000  }
0x1e4: {  	[tilespmem:s6], [sflag:$0x1] =	stream.indirect.gather [hbm4b:s3+s4], $0x1, s5, s4, $0xb8;
	[tilespmem:$0x6000] =	vst v63  }
.LBB2_48:
0x1e5: {  	p0 =	sne.s32 s13, $0x3FC0;
	v51 =	vld.idx.msk [tilespmem:v48+s12+$0x0 ss:$0x1], $0xffff;
	_ =	sdelay $0x2  }
.Ltmp23:
0x1e6: {  	(pc) =	sbr.rel @p0 .LBB2_48-.Ltmp23, $3  }
0x1e7: {  	_ =	sdelay $0x1  }
0x1e8: {  	v51 =	vadd.s32 v23, v51  }
0x1e9: {  	[tilespmem:s12+$0x3000] =	vst v51;
	s12 =	sshra.s32 s13, $0x2;
	s13 =	sadd.s32 $0x40, s13  }
0x1ea: {  	_ =	sdelay $0x3  }
0x1eb: {  	v51 =	vld.idx.msk [tilespmem:v48+s12+$0x0 ss:$0x1], $0xffff;
	_ =	sdelay $0x4  }
0x1ec: {  	v51 =	vadd.s32 v23, v51  }
0x1ed: {  	[tilespmem:s12+$0x3000] =	vst v51  }
0x1ee: {  	_ =	swait.ge [sflag:s7], $0x1000  }
0x1ef: {  	[sflag:s7] =	ssyncset.done $0x0  }
0x1f0: {  	s13 =	simm.s32 $0x0;
	[sflag:s7] =	ssyncadd.s32 $0xFFFFF000  }
0x1f1: {  	[hbm4b:s28+s13] =	stream.linear.scatter [tilespmem:s6], [sflag:$0x2], $0x1000, $0x38;
	[tilespmem:$0x6000] =	vst v63  }
0x1f2: {  	_ =	swait.ge [sflag:s10], $0x1000  }
0x1f3: {  	[sflag:s10] =	ssyncset.done $0x0  }
0x1f4: {  	s12 =	simm.s32 $0x0;
	s13 =	simm.s32 $0x40;
	[sflag:s10] =	ssyncadd.s32 $0xFFFFF000  }
0x1f5: {  	[tilespmem:s9], [sflag:$0x1] =	stream.indirect.gather [hbm4b:s3+s4], $0x1, s8, s4, $0xb8;
	[tilespmem:$0x6000] =	vst v63  }
.LBB2_50:
0x1f6: {  	p0 =	sne.s32 s13, $0x3FC0;
	v51 =	vld.idx.msk [tilespmem:v49+s12+$0x0 ss:$0x1], $0xffff;
	_ =	sdelay $0x2  }
.Ltmp24:
0x1f7: {  	(pc) =	sbr.rel @p0 .LBB2_50-.Ltmp24, $3  }
0x1f8: {  	_ =	sdelay $0x1  }
0x1f9: {  	v51 =	vadd.s32 v24, v51  }
0x1fa: {  	[tilespmem:s12+$0x2000] =	vst v51;
	s12 =	sshra.s32 s13, $0x2;
	s13 =	sadd.s32 $0x40, s13  }
0x1fb: {  	_ =	sdelay $0x3  }
0x1fc: {  	v51 =	vld.idx.msk [tilespmem:v49+s12+$0x0 ss:$0x1], $0xffff;
	_ =	sdelay $0x4  }
0x1fd: {  	v51 =	vadd.s32 v24, v51  }
0x1fe: {  	[tilespmem:s12+$0x2000] =	vst v51  }
0x1ff: {  	_ =	swait.ge [sflag:s7], $0x1000  }
0x200: {  	[sflag:s7] =	ssyncset.done $0x0  }
0x201: {  	s13 =	simm.s32 $0x0;
	[sflag:s7] =	ssyncadd.s32 $0xFFFFF000  }
0x202: {  	[hbm4b:s29+s13] =	stream.linear.scatter [tilespmem:s9], [sflag:$0x2], $0x1000, $0x38;
	[tilespmem:$0x6000] =	vst v63  }
0x203: {  	_ =	swait.ge [sflag:s10], $0x1000  }
0x204: {  	[sflag:s10] =	ssyncset.done $0x0  }
0x205: {  	s12 =	simm.s32 $0x0;
	s13 =	simm.s32 $0x40;
	[sflag:s10] =	ssyncadd.s32 $0xFFFFF000  }
0x206: {  	[tilespmem:s6], [sflag:$0x1] =	stream.indirect.gather [hbm4b:s3+s4], $0x1, s5, s4, $0xb8;
	[tilespmem:$0x6000] =	vst v63  }
.LBB2_52:
0x207: {  	p0 =	sne.s32 s13, $0x3FC0;
	v51 =	vld.idx.msk [tilespmem:v50+s12+$0x0 ss:$0x1], $0xffff;
	_ =	sdelay $0x2  }
.Ltmp25:
0x208: {  	(pc) =	sbr.rel @p0 .LBB2_52-.Ltmp25, $3  }
0x209: {  	_ =	sdelay $0x1  }
0x20a: {  	v51 =	vadd.s32 v25, v51  }
0x20b: {  	[tilespmem:s12+$0x3000] =	vst v51;
	s12 =	sshra.s32 s13, $0x2;
	s13 =	sadd.s32 $0x40, s13  }
0x20c: {  	_ =	sdelay $0x3  }
0x20d: {  	v51 =	vld.idx.msk [tilespmem:v50+s12+$0x0 ss:$0x1], $0xffff;
	_ =	sdelay $0x4  }
0x20e: {  	v51 =	vadd.s32 v25, v51  }
0x20f: {  	[tilespmem:s12+$0x3000] =	vst v51  }
0x210: {  	_ =	swait.ge [sflag:s7], $0x1000  }
0x211: {  	[sflag:s7] =	ssyncset.done $0x0  }
0x212: {  	[sflag:s7] =	ssyncadd.s32 $0xFFFFF000  }
0x213: {  	[hbm4b:s30+s2] =	stream.linear.scatter [tilespmem:s6], [sflag:$0x2], $0x1000, $0x38;
	[tilespmem:$0x6000] =	vst v63  }
0x214: {  	_ =	swait.ge [sflag:s10], $0x1000  }
0x215: {  	[sflag:s10] =	ssyncset.done $0x0  }
0x216: {  	[sflag:s10] =	ssyncadd.s32 $0xFFFFF000  }
0x217: {  	[tilespmem:s9], [sflag:$0x1] =	stream.indirect.gather [hbm4b:s3+s4], $0x1, s8, s4, $0xb8;
	[tilespmem:$0x6000] =	vst v63  }
0x218: {  	_ =	swait.ge [sflag:s7], $0x1000  }
0x219: {  	[sflag:s7] =	ssyncset.done $0x0  }
0x21a: {  	s11 =	sadd.s32 $0x1, s11;
	[sflag:s7] =	ssyncadd.s32 $0xFFFFF000  }
0x21b: {  	[hbm4b:s31+s2] =	stream.linear.scatter [tilespmem:s9], [sflag:$0x2], $0x1000, $0x38;
	[tilespmem:$0x6000] =	vst v63  }
0x21c: {  	p0 =	sne.s32 s11, s1;
	_ =	swait.ge [sflag:s10], $0x1000  }
.Ltmp26:
0x21d: {  	[sflag:s10] =	ssyncset.done $0x0;
	(pc) =	sbr.rel @p0 .LBB2_1-.Ltmp26, $4  }
0x21e: {  	[sflag:s10] =	ssyncadd.s32 $0xFFFFF000  }
0x21f: {  	_ =	swait.ge [sflag:s10], $0x1000  }
0x220: {  	[sflag:s10] =	ssyncset.done $0x0  }
0x221: {  	[sflag:s10] =	ssyncadd.s32 $0xFFFFF000  }
0x222: {  	_ =	sfence.sel $0x180000  }
0x223: {  	[bflag:$0x0] =	sbarrier.arrive $0xFFFF  }
0x224: {  	_ =	strace $0x90000047  }
0x225: {  	s0 =	stileid.u32;
	[bflag:$0x2] =	sbarrier.arrive $0xFFFF  }
0x226: {  	p0 =	sne.s32 s0, $0x0;
	s0 =	rddreg [dreg:$0x1]  }
0x227: {  	s0 =	sadd.s32 @!p0 $0x100000, s0  }
0x228: {  	[sflag:s0] =	ssyncadd.tile.s32 @!p0 $0x1;
	_ =	shalt  }
.Lfunc_end2:
_tile_overlayer_lowered:
.L_overlay_start_2:
0x229: {  	(tag) =	ssettag $0x2  }
0x22a: {  	s0 =	rddreg [dreg:$0x0];
	s2 =	stileid.u32  }
0x22b: {  	s1 =	rddreg [dreg:$0x1];
	p0 =	sne.s32 s2, $0x0  }
0x22c: {  	s3 =	rddreg [dreg:$0x2];
	[bflag:$0x3] =	sbarrier.arrive $0xFFFF;
	s2 =	simm.s32 @!p0 $0x1C03  }
0x22d: {  	[timem:s3], [sflag:s2] =	dma.local @!p0 [hbm:s0], s1  }
0x22e: {  	s0 =	simm.s32 @!p0 $0x3  }
0x22f: {  	_ =	swait.ge @!p0 [sflag:s0], s1  }
0x230: {  	s1 =	ssub.s32 @!p0 $0x0, s1;
	[sflag:s0] =	ssyncset.done @!p0 $0x0  }
0x231: {  	[sflag:s0] =	ssyncadd.s32 @!p0 s1  }
0x232: {  	[bflag:$0x3] =	sbarrier.arrive $0xFFFF  }
0x233: {  	_ =	shalt  }

</sc_bundles>
